<compile_context>
chip_gen: v7x
topology: tpu7x:2x2x1
jax: 0.10.2.dev20260603
libtpu: 0.0.44.dev20260713+nightly
codegen_flags: <defaults>
</compile_context>

<pallas_src>
import functools

import jax
import jax.numpy as jnp
from jax import lax
from jax.experimental import pallas as pl
from jax.experimental.pallas import tpu as pltpu
from jax.experimental.pallas import tpu_sc as plsc

R = 16384
C = 4096
G = 128
L = 16
NC = 2
NS = 16
NW = NC * NS

SROWS = 6144
ROWS_PER_W = SROWS // NW
KR = 8
CHUNKS = ROWS_PER_W // KR
SLOT = KR * C

TROWS = R - SROWS
BR = 512


def _sc_body(x_hbm, inds_hbm, out_hbm, inds_v, idxt0, idxt1, gbuf,
             fsem0, fsem1, gsem0, gsem1, osem0, osem1, spmem):
    idxts = (idxt0, idxt1)
    fsems = (fsem0, fsem1)
    gsems = (gsem0, gsem1)
    osems = (osem0, osem1)
    cid = lax.axis_index("c")
    sid = lax.axis_index("s")
    wid = sid * NC + cid
    row0 = wid * ROWS_PER_W

    pltpu.sync_copy(inds_hbm, inds_v)
    for b in range(2):
        roff = (sid * 2 + b) * SLOT
        for j in range(KR):
            for t in range(G // L):
                iv = inds_v[pl.ds(t * L, L)]
                idxts[b][pl.ds(j * G + t * L, L)] = roff + j * C + iv

    def fire_fill(c, b):
        roff = (sid * 2 + b) * SLOT
        base_row = row0 + c * KR
        for j in range(KR):
            pltpu.async_copy(
                x_hbm.at[base_row + j],
                spmem.at[pl.ds(roff + j * C, C)], fsems[b],
            )

    def drain_fill(b):
        roff = (sid * 2 + b) * SLOT
        for j in range(KR):
            pltpu.make_async_copy(
                x_hbm.at[0], spmem.at[pl.ds(roff + j * C, C)], fsems[b]
            ).wait()

    def run_gather(b):
        for j in range(KR):
            pltpu.async_copy(
                spmem.at[idxts[b].at[pl.ds(j * G, G)]],
                gbuf.at[b].at[j], gsems[b],
            )
        for j in range(KR):
            pltpu.make_async_copy(
                spmem.at[idxts[b].at[pl.ds(j * G, G)]],
                gbuf.at[b].at[j], gsems[b],
            ).wait()

    def fire_out(c, b):
        base_row = row0 + c * KR
        pltpu.async_copy(
            gbuf.at[b], out_hbm.at[pl.ds(base_row, KR)], osems[b]
        )

    def drain_out(b):
        pltpu.make_async_copy(
            gbuf.at[b], out_hbm.at[pl.ds(0, KR)], osems[b]
        ).wait()

    fire_fill(0, 0)
    fire_fill(1, 1)

    for b in range(2):
        drain_fill(b)
        run_gather(b)
        fire_fill(b + 2, b)
        fire_out(b, b)

    def group(gi, carry):
        for b in range(2):
            c = 2 * gi + b
            drain_fill(b)
            drain_out(b)
            run_gather(b)
            fire_fill(c + 2, b)
            fire_out(c, b)
        return carry

    lax.fori_loop(1, CHUNKS // 2 - 1, group, 0)

    for b in range(2):
        c = CHUNKS - 2 + b
        drain_fill(b)
        drain_out(b)
        run_gather(b)
        fire_out(c, b)
    for b in range(2):
        drain_out(b)


def _sc_gather(x, inds_flat):
    mesh = plsc.VectorSubcoreMesh(core_axis_name="c", subcore_axis_name="s")
    run = functools.partial(
        pl.kernel,
        mesh=mesh,
        compiler_params=pltpu.CompilerParams(
            needs_layout_passes=False, use_tc_tiling_on_sc=True
        ),
        cost_estimate=pl.CostEstimate(
            flops=0,
            bytes_accessed=SROWS * C * 4 + SROWS * G * 8,
            transcendentals=0,
        ),
        out_type=jax.ShapeDtypeStruct((SROWS, G), jnp.float32),
        scratch_types=[
            pltpu.VMEM((G,), jnp.int32),
            pltpu.VMEM((KR * G,), jnp.int32),
            pltpu.VMEM((KR * G,), jnp.int32),
            pltpu.VMEM((2, KR, G), jnp.float32),
            pltpu.SemaphoreType.DMA,
            pltpu.SemaphoreType.DMA,
            pltpu.SemaphoreType.DMA,
            pltpu.SemaphoreType.DMA,
            pltpu.SemaphoreType.DMA,
            pltpu.SemaphoreType.DMA,
            pltpu.VMEM_SHARED((NS * 2 * SLOT,), jnp.float32),
        ],
    )(_sc_body)
    return run(x, inds_flat)


def _mm_body(inds_ref, x_ref, o_ref, sel_ref):
    @pl.when(pl.program_id(0) == 0)
    def _():
        iota = lax.broadcasted_iota(jnp.int32, (C, G), 0)
        sel_ref[...] = (iota == inds_ref[0, :][None, :]).astype(jnp.float32)

    o_ref[...] = jnp.dot(
        x_ref[...], sel_ref[...], preferred_element_type=jnp.float32
    )


def _tc_gather(x_full, inds32):
    return pl.pallas_call(
        _mm_body,
        grid=(TROWS // BR,),
        in_specs=[
            pl.BlockSpec((1, G), lambda i: (0, 0)),
            pl.BlockSpec((BR, C), lambda i: (i + SROWS // BR, 0)),
        ],
        out_specs=pl.BlockSpec((BR, G), lambda i: (i, 0)),
        out_shape=jax.ShapeDtypeStruct((TROWS, G), jnp.float32),
        scratch_shapes=[pltpu.VMEM((C, G), jnp.float32)],
        cost_estimate=pl.CostEstimate(
            flops=2 * TROWS * C * G,
            bytes_accessed=TROWS * C * 4 + TROWS * G * 4,
            transcendentals=0,
        ),
    )(inds32, x_full)


@jax.jit
def kernel(x, inds):
    inds32 = inds.astype(jnp.int32)
    sc_out = _sc_gather(x, inds32.reshape(G))
    tc_out = _tc_gather(x, inds32)
    return jnp.concatenate([sc_out, tc_out], axis=0)

# --- scband reference (transcript-rebuilt; emitter-appended) ---
"""Pipeline reference for scband-sampler-13941463843003 (READ-ONLY COPY).

The authoritative reference and input builder live on the scoring server;
editing this copy changes nothing except your own understanding.
"""

import jax, jax.numpy as jnp
import numpy as np

def setup_inputs(seed: int = 0) -> dict:
    key = jax.random.key(seed)
    kx, = jax.random.split(key, 1)
    x = jax.random.normal(kx, (16384, 4096), dtype=jnp.float32)
    # inds is a constant buffer baked in at module construction: shape [1, 128],
    # values 7 + 32*i, all < 4096, broadcast over the batch dim by take_along_dim.
    inds = (jnp.arange(128, dtype=jnp.int64) * 32 + 7).reshape(1, 128)
    return {"x": x, "inds": inds}

def reference(x, inds):
    # torch.take_along_dim(x, inds, 1) == jnp.take_along_axis(x, inds, axis=1)
    # with broadcasting of the non-axis (batch) dimension.
    return jnp.take_along_axis(x, inds, axis=1)

if __name__ == "__main__":
    import jax
    _d = setup_inputs()
    print(jax.jit(kernel)(*tuple(_d.values())))

</pallas_src>

<mosaic_0001>
#map = affine_map<(d0, d1) -> (0, 0)>
#map1 = affine_map<(d0, d1) -> (0)>
module attributes {stable_mosaic.version = 14 : i64} {
  func.func @_sc_body(%arg0: i32, %arg1: i32, %arg2: memref<16384x4096xf32, #tpu.memory_space<hbm>>, %arg3: memref<128xi32, #tpu.memory_space<hbm>>, %arg4: memref<6144x128xf32, #tpu.memory_space<hbm>>, %arg5: memref<128xi32, #tpu.memory_space<vmem>>, %arg6: memref<1024xi32, #tpu.memory_space<vmem>>, %arg7: memref<1024xi32, #tpu.memory_space<vmem>>, %arg8: memref<2x8x128xf32, #tpu.memory_space<vmem>>, %arg9: memref<!tpu.dma_semaphore, #tpu.memory_space<semaphore_mem>>, %arg10: memref<!tpu.dma_semaphore, #tpu.memory_space<semaphore_mem>>, %arg11: memref<!tpu.dma_semaphore, #tpu.memory_space<semaphore_mem>>, %arg12: memref<!tpu.dma_semaphore, #tpu.memory_space<semaphore_mem>>, %arg13: memref<!tpu.dma_semaphore, #tpu.memory_space<semaphore_mem>>, %arg14: memref<!tpu.dma_semaphore, #tpu.memory_space<semaphore_mem>>, %arg15: memref<1048576xf32, #tpu.memory_space<vmem_shared>>) attributes {dimension_semantics = [#tpu.dimension_semantics<core_parallel>, #tpu.dimension_semantics<subcore_parallel>], iteration_bounds = array<i64: 2, 16>, scalar_prefetch = 0 : i64, scratch_operands = 11 : i64, tpu.core_type = #tpu.core_type<sc_vector_subcore>, window_params = [{transform_indices = #map}, {transform_indices = #map1}, {transform_indices = #map}]} {
    %mul3A = arith.constant 2 : i32
    %mul3A_0 = arith.muli %arg1, %mul3A : i32
    %add3A = arith.addi %mul3A_0, %arg0 : i32
    %mul3A_1 = arith.constant 192 : i32
    %mul3A_2 = arith.muli %add3A, %mul3A_1 : i32
    "tpu.region"() ({
      %run_scoped3A = tpu.sem_alloc : memref<!tpu.dma_semaphore, #tpu.memory_space<semaphore_mem>>
      tpu.enqueue_dma source(%arg3 : memref<128xi32, #tpu.memory_space<hbm>>) target(%arg5 : memref<128xi32, #tpu.memory_space<vmem>>) target_semaphore(%run_scoped3A : memref<!tpu.dma_semaphore, #tpu.memory_space<semaphore_mem>>)
      tpu.wait_dma2 semaphore(%run_scoped3A : memref<!tpu.dma_semaphore, #tpu.memory_space<semaphore_mem>>) src(%arg3 : memref<128xi32, #tpu.memory_space<hbm>>) dst(%arg5 : memref<128xi32, #tpu.memory_space<vmem>>)
      tpu.yield
    }) : () -> ()
    %mul3A_3 = arith.constant 2 : i32
    %mul3A_4 = arith.muli %arg1, %mul3A_3 : i32
    %add3A_5 = arith.constant 0 : i32
    %add3A_6 = arith.addi %mul3A_4, %add3A_5 : i32
    %mul3A_7 = arith.constant 32768 : i32
    %mul3A_8 = arith.muli %add3A_6, %mul3A_7 : i32
    %get3A = arith.constant 0 : index
    %get3A_9 = tpu.vector_load %arg5[%get3A] {strides = array<i32>} : memref<128xi32, #tpu.memory_space<vmem>>, vector<16xi32>,
    %add3A_10 = arith.constant 0 : i32
    %add3A_11 = arith.addi %mul3A_8, %add3A_10 : i32
    %add3A_12 = vector.broadcast %add3A_11 : i32 to vector<16xi32>
    %add3A_13 = arith.addi %add3A_12, %get3A_9 : vector<16xi32>
    %swap3A = arith.constant 0 : index
    %swap3A_14 = tpu.vector_load %arg6[%swap3A] {strides = array<i32>} : memref<1024xi32, #tpu.memory_space<vmem>>, vector<16xi32>,
    tpu.vector_store %arg6[%swap3A], %add3A_13 {strides = array<i32>} : memref<1024xi32, #tpu.memory_space<vmem>>, vector<16xi32>,
    %get3A_15 = arith.constant 16 : index
    %get3A_16 = tpu.vector_load %arg5[%get3A_15] {strides = array<i32>} : memref<128xi32, #tpu.memory_space<vmem>>, vector<16xi32>,
    %add3A_17 = arith.constant 0 : i32
    %add3A_18 = arith.addi %mul3A_8, %add3A_17 : i32
    %add3A_19 = vector.broadcast %add3A_18 : i32 to vector<16xi32>
    %add3A_20 = arith.addi %add3A_19, %get3A_16 : vector<16xi32>
    %swap3A_21 = arith.constant 16 : index
    %swap3A_22 = tpu.vector_load %arg6[%swap3A_21] {strides = array<i32>} : memref<1024xi32, #tpu.memory_space<vmem>>, vector<16xi32>,
    tpu.vector_store %arg6[%swap3A_21], %add3A_20 {strides = array<i32>} : memref<1024xi32, #tpu.memory_space<vmem>>, vector<16xi32>,
    %get3A_23 = arith.constant 32 : index
    %get3A_24 = tpu.vector_load %arg5[%get3A_23] {strides = array<i32>} : memref<128xi32, #tpu.memory_space<vmem>>, vector<16xi32>,
    %add3A_25 = arith.constant 0 : i32
    %add3A_26 = arith.addi %mul3A_8, %add3A_25 : i32
    %add3A_27 = vector.broadcast %add3A_26 : i32 to vector<16xi32>
    %add3A_28 = arith.addi %add3A_27, %get3A_24 : vector<16xi32>
    %swap3A_29 = arith.constant 32 : index
    %swap3A_30 = tpu.vector_load %arg6[%swap3A_29] {strides = array<i32>} : memref<1024xi32, #tpu.memory_space<vmem>>, vector<16xi32>,
    tpu.vector_store %arg6[%swap3A_29], %add3A_28 {strides = array<i32>} : memref<1024xi32, #tpu.memory_space<vmem>>, vector<16xi32>,
    %get3A_31 = arith.constant 48 : index
    %get3A_32 = tpu.vector_load %arg5[%get3A_31] {strides = array<i32>} : memref<128xi32, #tpu.memory_space<vmem>>, vector<16xi32>,
    %add3A_33 = arith.constant 0 : i32
    %add3A_34 = arith.addi %mul3A_8, %add3A_33 : i32
    %add3A_35 = vector.broadcast %add3A_34 : i32 to vector<16xi32>
    %add3A_36 = arith.addi %add3A_35, %get3A_32 : vector<16xi32>
    %swap3A_37 = arith.constant 48 : index
    %swap3A_38 = tpu.vector_load %arg6[%swap3A_37] {strides = array<i32>} : memref<1024xi32, #tpu.memory_space<vmem>>, vector<16xi32>,
    tpu.vector_store %arg6[%swap3A_37], %add3A_36 {strides = array<i32>} : memref<1024xi32, #tpu.memory_space<vmem>>, vector<16xi32>,
    %get3A_39 = arith.constant 64 : index
    %get3A_40 = tpu.vector_load %arg5[%get3A_39] {strides = array<i32>} : memref<128xi32, #tpu.memory_space<vmem>>, vector<16xi32>,
    %add3A_41 = arith.constant 0 : i32
    %add3A_42 = arith.addi %mul3A_8, %add3A_41 : i32
    %add3A_43 = vector.broadcast %add3A_42 : i32 to vector<16xi32>
    %add3A_44 = arith.addi %add3A_43, %get3A_40 : vector<16xi32>
    %swap3A_45 = arith.constant 64 : index
    %swap3A_46 = tpu.vector_load %arg6[%swap3A_45] {strides = array<i32>} : memref<1024xi32, #tpu.memory_space<vmem>>, vector<16xi32>,
    tpu.vector_store %arg6[%swap3A_45], %add3A_44 {strides = array<i32>} : memref<1024xi32, #tpu.memory_space<vmem>>, vector<16xi32>,
    %get3A_47 = arith.constant 80 : index
    %get3A_48 = tpu.vector_load %arg5[%get3A_47] {strides = array<i32>} : memref<128xi32, #tpu.memory_space<vmem>>, vector<16xi32>,
    %add3A_49 = arith.constant 0 : i32
    %add3A_50 = arith.addi %mul3A_8, %add3A_49 : i32
    %add3A_51 = vector.broadcast %add3A_50 : i32 to vector<16xi32>
    %add3A_52 = arith.addi %add3A_51, %get3A_48 : vector<16xi32>
    %swap3A_53 = arith.constant 80 : index
    %swap3A_54 = tpu.vector_load %arg6[%swap3A_53] {strides = array<i32>} : memref<1024xi32, #tpu.memory_space<vmem>>, vector<16xi32>,
    tpu.vector_store %arg6[%swap3A_53], %add3A_52 {strides = array<i32>} : memref<1024xi32, #tpu.memory_space<vmem>>, vector<16xi32>,
    %get3A_55 = arith.constant 96 : index
    %get3A_56 = tpu.vector_load %arg5[%get3A_55] {strides = array<i32>} : memref<128xi32, #tpu.memory_space<vmem>>, vector<16xi32>,
    %add3A_57 = arith.constant 0 : i32
    %add3A_58 = arith.addi %mul3A_8, %add3A_57 : i32
    %add3A_59 = vector.broadcast %add3A_58 : i32 to vector<16xi32>
    %add3A_60 = arith.addi %add3A_59, %get3A_56 : vector<16xi32>
    %swap3A_61 = arith.constant 96 : index
    %swap3A_62 = tpu.vector_load %arg6[%swap3A_61] {strides = array<i32>} : memref<1024xi32, #tpu.memory_space<vmem>>, vector<16xi32>,
    tpu.vector_store %arg6[%swap3A_61], %add3A_60 {strides = array<i32>} : memref<1024xi32, #tpu.memory_space<vmem>>, vector<16xi32>,
    %get3A_63 = arith.constant 112 : index
    %get3A_64 = tpu.vector_load %arg5[%get3A_63] {strides = array<i32>} : memref<128xi32, #tpu.memory_space<vmem>>, vector<16xi32>,
    %add3A_65 = arith.constant 0 : i32
    %add3A_66 = arith.addi %mul3A_8, %add3A_65 : i32
    %add3A_67 = vector.broadcast %add3A_66 : i32 to vector<16xi32>
    %add3A_68 = arith.addi %add3A_67, %get3A_64 : vector<16xi32>
    %swap3A_69 = arith.constant 112 : index
    %swap3A_70 = tpu.vector_load %arg6[%swap3A_69] {strides = array<i32>} : memref<1024xi32, #tpu.memory_space<vmem>>, vector<16xi32>,
    tpu.vector_store %arg6[%swap3A_69], %add3A_68 {strides = array<i32>} : memref<1024xi32, #tpu.memory_space<vmem>>, vector<16xi32>,
    %get3A_71 = arith.constant 0 : index
    %get3A_72 = tpu.vector_load %arg5[%get3A_71] {strides = array<i32>} : memref<128xi32, #tpu.memory_space<vmem>>, vector<16xi32>,
    %add3A_73 = arith.constant 4096 : i32
    %add3A_74 = arith.addi %mul3A_8, %add3A_73 : i32
    %add3A_75 = vector.broadcast %add3A_74 : i32 to vector<16xi32>
    %add3A_76 = arith.addi %add3A_75, %get3A_72 : vector<16xi32>
    %swap3A_77 = arith.constant 128 : index
    %swap3A_78 = tpu.vector_load %arg6[%swap3A_77] {strides = array<i32>} : memref<1024xi32, #tpu.memory_space<vmem>>, vector<16xi32>,
    tpu.vector_store %arg6[%swap3A_77], %add3A_76 {strides = array<i32>} : memref<1024xi32, #tpu.memory_space<vmem>>, vector<16xi32>,
    %get3A_79 = arith.constant 16 : index
    %get3A_80 = tpu.vector_load %arg5[%get3A_79] {strides = array<i32>} : memref<128xi32, #tpu.memory_space<vmem>>, vector<16xi32>,
    %add3A_81 = arith.constant 4096 : i32
    %add3A_82 = arith.addi %mul3A_8, %add3A_81 : i32
    %add3A_83 = vector.broadcast %add3A_82 : i32 to vector<16xi32>
    %add3A_84 = arith.addi %add3A_83, %get3A_80 : vector<16xi32>
    %swap3A_85 = arith.constant 144 : index
    %swap3A_86 = tpu.vector_load %arg6[%swap3A_85] {strides = array<i32>} : memref<1024xi32, #tpu.memory_space<vmem>>, vector<16xi32>,
    tpu.vector_store %arg6[%swap3A_85], %add3A_84 {strides = array<i32>} : memref<1024xi32, #tpu.memory_space<vmem>>, vector<16xi32>,
    %get3A_87 = arith.constant 32 : index
    %get3A_88 = tpu.vector_load %arg5[%get3A_87] {strides = array<i32>} : memref<128xi32, #tpu.memory_space<vmem>>, vector<16xi32>,
    %add3A_89 = arith.constant 4096 : i32
    %add3A_90 = arith.addi %mul3A_8, %add3A_89 : i32
    %add3A_91 = vector.broadcast %add3A_90 : i32 to vector<16xi32>
    %add3A_92 = arith.addi %add3A_91, %get3A_88 : vector<16xi32>
    %swap3A_93 = arith.constant 160 : index
    %swap3A_94 = tpu.vector_load %arg6[%swap3A_93] {strides = array<i32>} : memref<1024xi32, #tpu.memory_space<vmem>>, vector<16xi32>,
    tpu.vector_store %arg6[%swap3A_93], %add3A_92 {strides = array<i32>} : memref<1024xi32, #tpu.memory_space<vmem>>, vector<16xi32>,
    %get3A_95 = arith.constant 48 : index
    %get3A_96 = tpu.vector_load %arg5[%get3A_95] {strides = array<i32>} : memref<128xi32, #tpu.memory_space<vmem>>, vector<16xi32>,
    %add3A_97 = arith.constant 4096 : i32
    %add3A_98 = arith.addi %mul3A_8, %add3A_97 : i32
    %add3A_99 = vector.broadcast %add3A_98 : i32 to vector<16xi32>
    %add3A_100 = arith.addi %add3A_99, %get3A_96 : vector<16xi32>
    %swap3A_101 = arith.constant 176 : index
    %swap3A_102 = tpu.vector_load %arg6[%swap3A_101] {strides = array<i32>} : memref<1024xi32, #tpu.memory_space<vmem>>, vector<16xi32>,
    tpu.vector_store %arg6[%swap3A_101], %add3A_100 {strides = array<i32>} : memref<1024xi32, #tpu.memory_space<vmem>>, vector<16xi32>,
    %get3A_103 = arith.constant 64 : index
    %get3A_104 = tpu.vector_load %arg5[%get3A_103] {strides = array<i32>} : memref<128xi32, #tpu.memory_space<vmem>>, vector<16xi32>,
    %add3A_105 = arith.constant 4096 : i32
    %add3A_106 = arith.addi %mul3A_8, %add3A_105 : i32
    %add3A_107 = vector.broadcast %add3A_106 : i32 to vector<16xi32>
    %add3A_108 = arith.addi %add3A_107, %get3A_104 : vector<16xi32>
    %swap3A_109 = arith.constant 192 : index
    %swap3A_110 = tpu.vector_load %arg6[%swap3A_109] {strides = array<i32>} : memref<1024xi32, #tpu.memory_space<vmem>>, vector<16xi32>,
    tpu.vector_store %arg6[%swap3A_109], %add3A_108 {strides = array<i32>} : memref<1024xi32, #tpu.memory_space<vmem>>, vector<16xi32>,
    %get3A_111 = arith.constant 80 : index
    %get3A_112 = tpu.vector_load %arg5[%get3A_111] {strides = array<i32>} : memref<128xi32, #tpu.memory_space<vmem>>, vector<16xi32>,
    %add3A_113 = arith.constant 4096 : i32
    %add3A_114 = arith.addi %mul3A_8, %add3A_113 : i32
    %add3A_115 = vector.broadcast %add3A_114 : i32 to vector<16xi32>
    %add3A_116 = arith.addi %add3A_115, %get3A_112 : vector<16xi32>
    %swap3A_117 = arith.constant 208 : index
    %swap3A_118 = tpu.vector_load %arg6[%swap3A_117] {strides = array<i32>} : memref<1024xi32, #tpu.memory_space<vmem>>, vector<16xi32>,
    tpu.vector_store %arg6[%swap3A_117], %add3A_116 {strides = array<i32>} : memref<1024xi32, #tpu.memory_space<vmem>>, vector<16xi32>,
    %get3A_119 = arith.constant 96 : index
    %get3A_120 = tpu.vector_load %arg5[%get3A_119] {strides = array<i32>} : memref<128xi32, #tpu.memory_space<vmem>>, vector<16xi32>,
    %add3A_121 = arith.constant 4096 : i32
    %add3A_122 = arith.addi %mul3A_8, %add3A_121 : i32
    %add3A_123 = vector.broadcast %add3A_122 : i32 to vector<16xi32>
    %add3A_124 = arith.addi %add3A_123, %get3A_120 : vector<16xi32>
    %swap3A_125 = arith.constant 224 : index
    %swap3A_126 = tpu.vector_load %arg6[%swap3A_125] {strides = array<i32>} : memref<1024xi32, #tpu.memory_space<vmem>>, vector<16xi32>,
    tpu.vector_store %arg6[%swap3A_125], %add3A_124 {strides = array<i32>} : memref<1024xi32, #tpu.memory_space<vmem>>, vector<16xi32>,
    %get3A_127 = arith.constant 112 : index
    %get3A_128 = tpu.vector_load %arg5[%get3A_127] {strides = array<i32>} : memref<128xi32, #tpu.memory_space<vmem>>, vector<16xi32>,
    %add3A_129 = arith.constant 4096 : i32
    %add3A_130 = arith.addi %mul3A_8, %add3A_129 : i32
    %add3A_131 = vector.broadcast %add3A_130 : i32 to vector<16xi32>
    %add3A_132 = arith.addi %add3A_131, %get3A_128 : vector<16xi32>
    %swap3A_133 = arith.constant 240 : index
    %swap3A_134 = tpu.vector_load %arg6[%swap3A_133] {strides = array<i32>} : memref<1024xi32, #tpu.memory_space<vmem>>, vector<16xi32>,
    tpu.vector_store %arg6[%swap3A_133], %add3A_132 {strides = array<i32>} : memref<1024xi32, #tpu.memory_space<vmem>>, vector<16xi32>,
    %get3A_135 = arith.constant 0 : index
    %get3A_136 = tpu.vector_load %arg5[%get3A_135] {strides = array<i32>} : memref<128xi32, #tpu.memory_space<vmem>>, vector<16xi32>,
    %add3A_137 = arith.constant 8192 : i32
    %add3A_138 = arith.addi %mul3A_8, %add3A_137 : i32
    %add3A_139 = vector.broadcast %add3A_138 : i32 to vector<16xi32>
    %add3A_140 = arith.addi %add3A_139, %get3A_136 : vector<16xi32>
    %swap3A_141 = arith.constant 256 : index
    %swap3A_142 = tpu.vector_load %arg6[%swap3A_141] {strides = array<i32>} : memref<1024xi32, #tpu.memory_space<vmem>>, vector<16xi32>,
    tpu.vector_store %arg6[%swap3A_141], %add3A_140 {strides = array<i32>} : memref<1024xi32, #tpu.memory_space<vmem>>, vector<16xi32>,
    %get3A_143 = arith.constant 16 : index
    %get3A_144 = tpu.vector_load %arg5[%get3A_143] {strides = array<i32>} : memref<128xi32, #tpu.memory_space<vmem>>, vector<16xi32>,
    %add3A_145 = arith.constant 8192 : i32
    %add3A_146 = arith.addi %mul3A_8, %add3A_145 : i32
    %add3A_147 = vector.broadcast %add3A_146 : i32 to vector<16xi32>
    %add3A_148 = arith.addi %add3A_147, %get3A_144 : vector<16xi32>
    %swap3A_149 = arith.constant 272 : index
    %swap3A_150 = tpu.vector_load %arg6[%swap3A_149] {strides = array<i32>} : memref<1024xi32, #tpu.memory_space<vmem>>, vector<16xi32>,
    tpu.vector_store %arg6[%swap3A_149], %add3A_148 {strides = array<i32>} : memref<1024xi32, #tpu.memory_space<vmem>>, vector<16xi32>,
    %get3A_151 = arith.constant 32 : index
    %get3A_152 = tpu.vector_load %arg5[%get3A_151] {strides = array<i32>} : memref<128xi32, #tpu.memory_space<vmem>>, vector<16xi32>,
    %add3A_153 = arith.constant 8192 : i32
    %add3A_154 = arith.addi %mul3A_8, %add3A_153 : i32
    %add3A_155 = vector.broadcast %add3A_154 : i32 to vector<16xi32>
    %add3A_156 = arith.addi %add3A_155, %get3A_152 : vector<16xi32>
    %swap3A_157 = arith.constant 288 : index
    %swap3A_158 = tpu.vector_load %arg6[%swap3A_157] {strides = array<i32>} : memref<1024xi32, #tpu.memory_space<vmem>>, vector<16xi32>,
    tpu.vector_store %arg6[%swap3A_157], %add3A_156 {strides = array<i32>} : memref<1024xi32, #tpu.memory_space<vmem>>, vector<16xi32>,
    %get3A_159 = arith.constant 48 : index
    %get3A_160 = tpu.vector_load %arg5[%get3A_159] {strides = array<i32>} : memref<128xi32, #tpu.memory_space<vmem>>, vector<16xi32>,
    %add3A_161 = arith.constant 8192 : i32
    %add3A_162 = arith.addi %mul3A_8, %add3A_161 : i32
    %add3A_163 = vector.broadcast %add3A_162 : i32 to vector<16xi32>
    %add3A_164 = arith.addi %add3A_163, %get3A_160 : vector<16xi32>
    %swap3A_165 = arith.constant 304 : index
    %swap3A_166 = tpu.vector_load %arg6[%swap3A_165] {strides = array<i32>} : memref<1024xi32, #tpu.memory_space<vmem>>, vector<16xi32>,
    tpu.vector_store %arg6[%swap3A_165], %add3A_164 {strides = array<i32>} : memref<1024xi32, #tpu.memory_space<vmem>>, vector<16xi32>,
    %get3A_167 = arith.constant 64 : index
    %get3A_168 = tpu.vector_load %arg5[%get3A_167] {strides = array<i32>} : memref<128xi32, #tpu.memory_space<vmem>>, vector<16xi32>,
    %add3A_169 = arith.constant 8192 : i32
    %add3A_170 = arith.addi %mul3A_8, %add3A_169 : i32
    %add3A_171 = vector.broadcast %add3A_170 : i32 to vector<16xi32>
    %add3A_172 = arith.addi %add3A_171, %get3A_168 : vector<16xi32>
    %swap3A_173 = arith.constant 320 : index
    %swap3A_174 = tpu.vector_load %arg6[%swap3A_173] {strides = array<i32>} : memref<1024xi32, #tpu.memory_space<vmem>>, vector<16xi32>,
    tpu.vector_store %arg6[%swap3A_173], %add3A_172 {strides = array<i32>} : memref<1024xi32, #tpu.memory_space<vmem>>, vector<16xi32>,
    %get3A_175 = arith.constant 80 : index
    %get3A_176 = tpu.vector_load %arg5[%get3A_175] {strides = array<i32>} : memref<128xi32, #tpu.memory_space<vmem>>, vector<16xi32>,
    %add3A_177 = arith.constant 8192 : i32
    %add3A_178 = arith.addi %mul3A_8, %add3A_177 : i32
    %add3A_179 = vector.broadcast %add3A_178 : i32 to vector<16xi32>
    %add3A_180 = arith.addi %add3A_179, %get3A_176 : vector<16xi32>
    %swap3A_181 = arith.constant 336 : index
    %swap3A_182 = tpu.vector_load %arg6[%swap3A_181] {strides = array<i32>} : memref<1024xi32, #tpu.memory_space<vmem>>, vector<16xi32>,
    tpu.vector_store %arg6[%swap3A_181], %add3A_180 {strides = array<i32>} : memref<1024xi32, #tpu.memory_space<vmem>>, vector<16xi32>,
    %get3A_183 = arith.constant 96 : index
    %get3A_184 = tpu.vector_load %arg5[%get3A_183] {strides = array<i32>} : memref<128xi32, #tpu.memory_space<vmem>>, vector<16xi32>,
    %add3A_185 = arith.constant 8192 : i32
    %add3A_186 = arith.addi %mul3A_8, %add3A_185 : i32
    %add3A_187 = vector.broadcast %add3A_186 : i32 to vector<16xi32>
    %add3A_188 = arith.addi %add3A_187, %get3A_184 : vector<16xi32>
    %swap3A_189 = arith.constant 352 : index
    %swap3A_190 = tpu.vector_load %arg6[%swap3A_189] {strides = array<i32>} : memref<1024xi32, #tpu.memory_space<vmem>>, vector<16xi32>,
    tpu.vector_store %arg6[%swap3A_189], %add3A_188 {strides = array<i32>} : memref<1024xi32, #tpu.memory_space<vmem>>, vector<16xi32>,
    %get3A_191 = arith.constant 112 : index
    %get3A_192 = tpu.vector_load %arg5[%get3A_191] {strides = array<i32>} : memref<128xi32, #tpu.memory_space<vmem>>, vector<16xi32>,
    %add3A_193 = arith.constant 8192 : i32
    %add3A_194 = arith.addi %mul3A_8, %add3A_193 : i32
    %add3A_195 = vector.broadcast %add3A_194 : i32 to vector<16xi32>
    %add3A_196 = arith.addi %add3A_195, %get3A_192 : vector<16xi32>
    %swap3A_197 = arith.constant 368 : index
    %swap3A_198 = tpu.vector_load %arg6[%swap3A_197] {strides = array<i32>} : memref<1024xi32, #tpu.memory_space<vmem>>, vector<16xi32>,
    tpu.vector_store %arg6[%swap3A_197], %add3A_196 {strides = array<i32>} : memref<1024xi32, #tpu.memory_space<vmem>>, vector<16xi32>,
    %get3A_199 = arith.constant 0 : index
    %get3A_200 = tpu.vector_load %arg5[%get3A_199] {strides = array<i32>} : memref<128xi32, #tpu.memory_space<vmem>>, vector<16xi32>,
    %add3A_201 = arith.constant 12288 : i32
    %add3A_202 = arith.addi %mul3A_8, %add3A_201 : i32
    %add3A_203 = vector.broadcast %add3A_202 : i32 to vector<16xi32>
    %add3A_204 = arith.addi %add3A_203, %get3A_200 : vector<16xi32>
    %swap3A_205 = arith.constant 384 : index
    %swap3A_206 = tpu.vector_load %arg6[%swap3A_205] {strides = array<i32>} : memref<1024xi32, #tpu.memory_space<vmem>>, vector<16xi32>,
    tpu.vector_store %arg6[%swap3A_205], %add3A_204 {strides = array<i32>} : memref<1024xi32, #tpu.memory_space<vmem>>, vector<16xi32>,
    %get3A_207 = arith.constant 16 : index
    %get3A_208 = tpu.vector_load %arg5[%get3A_207] {strides = array<i32>} : memref<128xi32, #tpu.memory_space<vmem>>, vector<16xi32>,
    %add3A_209 = arith.constant 12288 : i32
    %add3A_210 = arith.addi %mul3A_8, %add3A_209 : i32
    %add3A_211 = vector.broadcast %add3A_210 : i32 to vector<16xi32>
    %add3A_212 = arith.addi %add3A_211, %get3A_208 : vector<16xi32>
    %swap3A_213 = arith.constant 400 : index
    %swap3A_214 = tpu.vector_load %arg6[%swap3A_213] {strides = array<i32>} : memref<1024xi32, #tpu.memory_space<vmem>>, vector<16xi32>,
    tpu.vector_store %arg6[%swap3A_213], %add3A_212 {strides = array<i32>} : memref<1024xi32, #tpu.memory_space<vmem>>, vector<16xi32>,
    %get3A_215 = arith.constant 32 : index
    %get3A_216 = tpu.vector_load %arg5[%get3A_215] {strides = array<i32>} : memref<128xi32, #tpu.memory_space<vmem>>, vector<16xi32>,
    %add3A_217 = arith.constant 12288 : i32
    %add3A_218 = arith.addi %mul3A_8, %add3A_217 : i32
    %add3A_219 = vector.broadcast %add3A_218 : i32 to vector<16xi32>
    %add3A_220 = arith.addi %add3A_219, %get3A_216 : vector<16xi32>
    %swap3A_221 = arith.constant 416 : index
    %swap3A_222 = tpu.vector_load %arg6[%swap3A_221] {strides = array<i32>} : memref<1024xi32, #tpu.memory_space<vmem>>, vector<16xi32>,
    tpu.vector_store %arg6[%swap3A_221], %add3A_220 {strides = array<i32>} : memref<1024xi32, #tpu.memory_space<vmem>>, vector<16xi32>,
    %get3A_223 = arith.constant 48 : index
    %get3A_224 = tpu.vector_load %arg5[%get3A_223] {strides = array<i32>} : memref<128xi32, #tpu.memory_space<vmem>>, vector<16xi32>,
    %add3A_225 = arith.constant 12288 : i32
    %add3A_226 = arith.addi %mul3A_8, %add3A_225 : i32
    %add3A_227 = vector.broadcast %add3A_226 : i32 to vector<16xi32>
    %add3A_228 = arith.addi %add3A_227, %get3A_224 : vector<16xi32>
    %swap3A_229 = arith.constant 432 : index
    %swap3A_230 = tpu.vector_load %arg6[%swap3A_229] {strides = array<i32>} : memref<1024xi32, #tpu.memory_space<vmem>>, vector<16xi32>,
    tpu.vector_store %arg6[%swap3A_229], %add3A_228 {strides = array<i32>} : memref<1024xi32, #tpu.memory_space<vmem>>, vector<16xi32>,
    %get3A_231 = arith.constant 64 : index
    %get3A_232 = tpu.vector_load %arg5[%get3A_231] {strides = array<i32>} : memref<128xi32, #tpu.memory_space<vmem>>, vector<16xi32>,
    %add3A_233 = arith.constant 12288 : i32
    %add3A_234 = arith.addi %mul3A_8, %add3A_233 : i32
    %add3A_235 = vector.broadcast %add3A_234 : i32 to vector<16xi32>
    %add3A_236 = arith.addi %add3A_235, %get3A_232 : vector<16xi32>
    %swap3A_237 = arith.constant 448 : index
    %swap3A_238 = tpu.vector_load %arg6[%swap3A_237] {strides = array<i32>} : memref<1024xi32, #tpu.memory_space<vmem>>, vector<16xi32>,
    tpu.vector_store %arg6[%swap3A_237], %add3A_236 {strides = array<i32>} : memref<1024xi32, #tpu.memory_space<vmem>>, vector<16xi32>,
    %get3A_239 = arith.constant 80 : index
    %get3A_240 = tpu.vector_load %arg5[%get3A_239] {strides = array<i32>} : memref<128xi32, #tpu.memory_space<vmem>>, vector<16xi32>,
    %add3A_241 = arith.constant 12288 : i32
    %add3A_242 = arith.addi %mul3A_8, %add3A_241 : i32
    %add3A_243 = vector.broadcast %add3A_242 : i32 to vector<16xi32>
    %add3A_244 = arith.addi %add3A_243, %get3A_240 : vector<16xi32>
    %swap3A_245 = arith.constant 464 : index
    %swap3A_246 = tpu.vector_load %arg6[%swap3A_245] {strides = array<i32>} : memref<1024xi32, #tpu.memory_space<vmem>>, vector<16xi32>,
    tpu.vector_store %arg6[%swap3A_245], %add3A_244 {strides = array<i32>} : memref<1024xi32, #tpu.memory_space<vmem>>, vector<16xi32>,
    %get3A_247 = arith.constant 96 : index
    %get3A_248 = tpu.vector_load %arg5[%get3A_247] {strides = array<i32>} : memref<128xi32, #tpu.memory_space<vmem>>, vector<16xi32>,
    %add3A_249 = arith.constant 12288 : i32
    %add3A_250 = arith.addi %mul3A_8, %add3A_249 : i32
    %add3A_251 = vector.broadcast %add3A_250 : i32 to vector<16xi32>
    %add3A_252 = arith.addi %add3A_251, %get3A_248 : vector<16xi32>
    %swap3A_253 = arith.constant 480 : index
    %swap3A_254 = tpu.vector_load %arg6[%swap3A_253] {strides = array<i32>} : memref<1024xi32, #tpu.memory_space<vmem>>, vector<16xi32>,
    tpu.vector_store %arg6[%swap3A_253], %add3A_252 {strides = array<i32>} : memref<1024xi32, #tpu.memory_space<vmem>>, vector<16xi32>,
    %get3A_255 = arith.constant 112 : index
    %get3A_256 = tpu.vector_load %arg5[%get3A_255] {strides = array<i32>} : memref<128xi32, #tpu.memory_space<vmem>>, vector<16xi32>,
    %add3A_257 = arith.constant 12288 : i32
    %add3A_258 = arith.addi %mul3A_8, %add3A_257 : i32
    %add3A_259 = vector.broadcast %add3A_258 : i32 to vector<16xi32>
    %add3A_260 = arith.addi %add3A_259, %get3A_256 : vector<16xi32>
    %swap3A_261 = arith.constant 496 : index
    %swap3A_262 = tpu.vector_load %arg6[%swap3A_261] {strides = array<i32>} : memref<1024xi32, #tpu.memory_space<vmem>>, vector<16xi32>,
    tpu.vector_store %arg6[%swap3A_261], %add3A_260 {strides = array<i32>} : memref<1024xi32, #tpu.memory_space<vmem>>, vector<16xi32>,
    %get3A_263 = arith.constant 0 : index
    %get3A_264 = tpu.vector_load %arg5[%get3A_263] {strides = array<i32>} : memref<128xi32, #tpu.memory_space<vmem>>, vector<16xi32>,
    %add3A_265 = arith.constant 16384 : i32
    %add3A_266 = arith.addi %mul3A_8, %add3A_265 : i32
    %add3A_267 = vector.broadcast %add3A_266 : i32 to vector<16xi32>
    %add3A_268 = arith.addi %add3A_267, %get3A_264 : vector<16xi32>
    %swap3A_269 = arith.constant 512 : index
    %swap3A_270 = tpu.vector_load %arg6[%swap3A_269] {strides = array<i32>} : memref<1024xi32, #tpu.memory_space<vmem>>, vector<16xi32>,
    tpu.vector_store %arg6[%swap3A_269], %add3A_268 {strides = array<i32>} : memref<1024xi32, #tpu.memory_space<vmem>>, vector<16xi32>,
    %get3A_271 = arith.constant 16 : index
    %get3A_272 = tpu.vector_load %arg5[%get3A_271] {strides = array<i32>} : memref<128xi32, #tpu.memory_space<vmem>>, vector<16xi32>,
    %add3A_273 = arith.constant 16384 : i32
    %add3A_274 = arith.addi %mul3A_8, %add3A_273 : i32
    %add3A_275 = vector.broadcast %add3A_274 : i32 to vector<16xi32>
    %add3A_276 = arith.addi %add3A_275, %get3A_272 : vector<16xi32>
    %swap3A_277 = arith.constant 528 : index
    %swap3A_278 = tpu.vector_load %arg6[%swap3A_277] {strides = array<i32>} : memref<1024xi32, #tpu.memory_space<vmem>>, vector<16xi32>,
    tpu.vector_store %arg6[%swap3A_277], %add3A_276 {strides = array<i32>} : memref<1024xi32, #tpu.memory_space<vmem>>, vector<16xi32>,
    %get3A_279 = arith.constant 32 : index
    %get3A_280 = tpu.vector_load %arg5[%get3A_279] {strides = array<i32>} : memref<128xi32, #tpu.memory_space<vmem>>, vector<16xi32>,
    %add3A_281 = arith.constant 16384 : i32
    %add3A_282 = arith.addi %mul3A_8, %add3A_281 : i32
    %add3A_283 = vector.broadcast %add3A_282 : i32 to vector<16xi32>
    %add3A_284 = arith.addi %add3A_283, %get3A_280 : vector<16xi32>
    %swap3A_285 = arith.constant 544 : index
    %swap3A_286 = tpu.vector_load %arg6[%swap3A_285] {strides = array<i32>} : memref<1024xi32, #tpu.memory_space<vmem>>, vector<16xi32>,
    tpu.vector_store %arg6[%swap3A_285], %add3A_284 {strides = array<i32>} : memref<1024xi32, #tpu.memory_space<vmem>>, vector<16xi32>,
    %get3A_287 = arith.constant 48 : index
    %get3A_288 = tpu.vector_load %arg5[%get3A_287] {strides = array<i32>} : memref<128xi32, #tpu.memory_space<vmem>>, vector<16xi32>,
    %add3A_289 = arith.constant 16384 : i32
    %add3A_290 = arith.addi %mul3A_8, %add3A_289 : i32
    %add3A_291 = vector.broadcast %add3A_290 : i32 to vector<16xi32>
    %add3A_292 = arith.addi %add3A_291, %get3A_288 : vector<16xi32>
    %swap3A_293 = arith.constant 560 : index
    %swap3A_294 = tpu.vector_load %arg6[%swap3A_293] {strides = array<i32>} : memref<1024xi32, #tpu.memory_space<vmem>>, vector<16xi32>,
    tpu.vector_store %arg6[%swap3A_293], %add3A_292 {strides = array<i32>} : memref<1024xi32, #tpu.memory_space<vmem>>, vector<16xi32>,
    %get3A_295 = arith.constant 64 : index
    %get3A_296 = tpu.vector_load %arg5[%get3A_295] {strides = array<i32>} : memref<128xi32, #tpu.memory_space<vmem>>, vector<16xi32>,
    %add3A_297 = arith.constant 16384 : i32
    %add3A_298 = arith.addi %mul3A_8, %add3A_297 : i32
    %add3A_299 = vector.broadcast %add3A_298 : i32 to vector<16xi32>
    %add3A_300 = arith.addi %add3A_299, %get3A_296 : vector<16xi32>
    %swap3A_301 = arith.constant 576 : index
    %swap3A_302 = tpu.vector_load %arg6[%swap3A_301] {strides = array<i32>} : memref<1024xi32, #tpu.memory_space<vmem>>, vector<16xi32>,
    tpu.vector_store %arg6[%swap3A_301], %add3A_300 {strides = array<i32>} : memref<1024xi32, #tpu.memory_space<vmem>>, vector<16xi32>,
    %get3A_303 = arith.constant 80 : index
    %get3A_304 = tpu.vector_load %arg5[%get3A_303] {strides = array<i32>} : memref<128xi32, #tpu.memory_space<vmem>>, vector<16xi32>,
    %add3A_305 = arith.constant 16384 : i32
    %add3A_306 = arith.addi %mul3A_8, %add3A_305 : i32
    %add3A_307 = vector.broadcast %add3A_306 : i32 to vector<16xi32>
    %add3A_308 = arith.addi %add3A_307, %get3A_304 : vector<16xi32>
    %swap3A_309 = arith.constant 592 : index
    %swap3A_310 = tpu.vector_load %arg6[%swap3A_309] {strides = array<i32>} : memref<1024xi32, #tpu.memory_space<vmem>>, vector<16xi32>,
    tpu.vector_store %arg6[%swap3A_309], %add3A_308 {strides = array<i32>} : memref<1024xi32, #tpu.memory_space<vmem>>, vector<16xi32>,
    %get3A_311 = arith.constant 96 : index
    %get3A_312 = tpu.vector_load %arg5[%get3A_311] {strides = array<i32>} : memref<128xi32, #tpu.memory_space<vmem>>, vector<16xi32>,
    %add3A_313 = arith.constant 16384 : i32
    %add3A_314 = arith.addi %mul3A_8, %add3A_313 : i32
    %add3A_315 = vector.broadcast %add3A_314 : i32 to vector<16xi32>
    %add3A_316 = arith.addi %add3A_315, %get3A_312 : vector<16xi32>
    %swap3A_317 = arith.constant 608 : index
    %swap3A_318 = tpu.vector_load %arg6[%swap3A_317] {strides = array<i32>} : memref<1024xi32, #tpu.memory_space<vmem>>, vector<16xi32>,
    tpu.vector_store %arg6[%swap3A_317], %add3A_316 {strides = array<i32>} : memref<1024xi32, #tpu.memory_space<vmem>>, vector<16xi32>,
    %get3A_319 = arith.constant 112 : index
    %get3A_320 = tpu.vector_load %arg5[%get3A_319] {strides = array<i32>} : memref<128xi32, #tpu.memory_space<vmem>>, vector<16xi32>,
    %add3A_321 = arith.constant 16384 : i32
    %add3A_322 = arith.addi %mul3A_8, %add3A_321 : i32
    %add3A_323 = vector.broadcast %add3A_322 : i32 to vector<16xi32>
    %add3A_324 = arith.addi %add3A_323, %get3A_320 : vector<16xi32>
    %swap3A_325 = arith.constant 624 : index
    %swap3A_326 = tpu.vector_load %arg6[%swap3A_325] {strides = array<i32>} : memref<1024xi32, #tpu.memory_space<vmem>>, vector<16xi32>,
    tpu.vector_store %arg6[%swap3A_325], %add3A_324 {strides = array<i32>} : memref<1024xi32, #tpu.memory_space<vmem>>, vector<16xi32>,
    %get3A_327 = arith.constant 0 : index
    %get3A_328 = tpu.vector_load %arg5[%get3A_327] {strides = array<i32>} : memref<128xi32, #tpu.memory_space<vmem>>, vector<16xi32>,
    %add3A_329 = arith.constant 20480 : i32
    %add3A_330 = arith.addi %mul3A_8, %add3A_329 : i32
    %add3A_331 = vector.broadcast %add3A_330 : i32 to vector<16xi32>
    %add3A_332 = arith.addi %add3A_331, %get3A_328 : vector<16xi32>
    %swap3A_333 = arith.constant 640 : index
    %swap3A_334 = tpu.vector_load %arg6[%swap3A_333] {strides = array<i32>} : memref<1024xi32, #tpu.memory_space<vmem>>, vector<16xi32>,
    tpu.vector_store %arg6[%swap3A_333], %add3A_332 {strides = array<i32>} : memref<1024xi32, #tpu.memory_space<vmem>>, vector<16xi32>,
    %get3A_335 = arith.constant 16 : index
    %get3A_336 = tpu.vector_load %arg5[%get3A_335] {strides = array<i32>} : memref<128xi32, #tpu.memory_space<vmem>>, vector<16xi32>,
    %add3A_337 = arith.constant 20480 : i32
    %add3A_338 = arith.addi %mul3A_8, %add3A_337 : i32
    %add3A_339 = vector.broadcast %add3A_338 : i32 to vector<16xi32>
    %add3A_340 = arith.addi %add3A_339, %get3A_336 : vector<16xi32>
    %swap3A_341 = arith.constant 656 : index
    %swap3A_342 = tpu.vector_load %arg6[%swap3A_341] {strides = array<i32>} : memref<1024xi32, #tpu.memory_space<vmem>>, vector<16xi32>,
    tpu.vector_store %arg6[%swap3A_341], %add3A_340 {strides = array<i32>} : memref<1024xi32, #tpu.memory_space<vmem>>, vector<16xi32>,
    %get3A_343 = arith.constant 32 : index
    %get3A_344 = tpu.vector_load %arg5[%get3A_343] {strides = array<i32>} : memref<128xi32, #tpu.memory_space<vmem>>, vector<16xi32>,
    %add3A_345 = arith.constant 20480 : i32
    %add3A_346 = arith.addi %mul3A_8, %add3A_345 : i32
    %add3A_347 = vector.broadcast %add3A_346 : i32 to vector<16xi32>
    %add3A_348 = arith.addi %add3A_347, %get3A_344 : vector<16xi32>
    %swap3A_349 = arith.constant 672 : index
    %swap3A_350 = tpu.vector_load %arg6[%swap3A_349] {strides = array<i32>} : memref<1024xi32, #tpu.memory_space<vmem>>, vector<16xi32>,
    tpu.vector_store %arg6[%swap3A_349], %add3A_348 {strides = array<i32>} : memref<1024xi32, #tpu.memory_space<vmem>>, vector<16xi32>,
    %get3A_351 = arith.constant 48 : index
    %get3A_352 = tpu.vector_load %arg5[%get3A_351] {strides = array<i32>} : memref<128xi32, #tpu.memory_space<vmem>>, vector<16xi32>,
    %add3A_353 = arith.constant 20480 : i32
    %add3A_354 = arith.addi %mul3A_8, %add3A_353 : i32
    %add3A_355 = vector.broadcast %add3A_354 : i32 to vector<16xi32>
    %add3A_356 = arith.addi %add3A_355, %get3A_352 : vector<16xi32>
    %swap3A_357 = arith.constant 688 : index
    %swap3A_358 = tpu.vector_load %arg6[%swap3A_357] {strides = array<i32>} : memref<1024xi32, #tpu.memory_space<vmem>>, vector<16xi32>,
    tpu.vector_store %arg6[%swap3A_357], %add3A_356 {strides = array<i32>} : memref<1024xi32, #tpu.memory_space<vmem>>, vector<16xi32>,
    %get3A_359 = arith.constant 64 : index
    %get3A_360 = tpu.vector_load %arg5[%get3A_359] {strides = array<i32>} : memref<128xi32, #tpu.memory_space<vmem>>, vector<16xi32>,
    %add3A_361 = arith.constant 20480 : i32
    %add3A_362 = arith.addi %mul3A_8, %add3A_361 : i32
    %add3A_363 = vector.broadcast %add3A_362 : i32 to vector<16xi32>
    %add3A_364 = arith.addi %add3A_363, %get3A_360 : vector<16xi32>
    %swap3A_365 = arith.constant 704 : index
    %swap3A_366 = tpu.vector_load %arg6[%swap3A_365] {strides = array<i32>} : memref<1024xi32, #tpu.memory_space<vmem>>, vector<16xi32>,
    tpu.vector_store %arg6[%swap3A_365], %add3A_364 {strides = array<i32>} : memref<1024xi32, #tpu.memory_space<vmem>>, vector<16xi32>,
    %get3A_367 = arith.constant 80 : index
    %get3A_368 = tpu.vector_load %arg5[%get3A_367] {strides = array<i32>} : memref<128xi32, #tpu.memory_space<vmem>>, vector<16xi32>,
    %add3A_369 = arith.constant 20480 : i32
    %add3A_370 = arith.addi %mul3A_8, %add3A_369 : i32
    %add3A_371 = vector.broadcast %add3A_370 : i32 to vector<16xi32>
    %add3A_372 = arith.addi %add3A_371, %get3A_368 : vector<16xi32>
    %swap3A_373 = arith.constant 720 : index
    %swap3A_374 = tpu.vector_load %arg6[%swap3A_373] {strides = array<i32>} : memref<1024xi32, #tpu.memory_space<vmem>>, vector<16xi32>,
    tpu.vector_store %arg6[%swap3A_373], %add3A_372 {strides = array<i32>} : memref<1024xi32, #tpu.memory_space<vmem>>, vector<16xi32>,
    %get3A_375 = arith.constant 96 : index
    %get3A_376 = tpu.vector_load %arg5[%get3A_375] {strides = array<i32>} : memref<128xi32, #tpu.memory_space<vmem>>, vector<16xi32>,
    %add3A_377 = arith.constant 20480 : i32
    %add3A_378 = arith.addi %mul3A_8, %add3A_377 : i32
    %add3A_379 = vector.broadcast %add3A_378 : i32 to vector<16xi32>
    %add3A_380 = arith.addi %add3A_379, %get3A_376 : vector<16xi32>
    %swap3A_381 = arith.constant 736 : index
    %swap3A_382 = tpu.vector_load %arg6[%swap3A_381] {strides = array<i32>} : memref<1024xi32, #tpu.memory_space<vmem>>, vector<16xi32>,
    tpu.vector_store %arg6[%swap3A_381], %add3A_380 {strides = array<i32>} : memref<1024xi32, #tpu.memory_space<vmem>>, vector<16xi32>,
    %get3A_383 = arith.constant 112 : index
    %get3A_384 = tpu.vector_load %arg5[%get3A_383] {strides = array<i32>} : memref<128xi32, #tpu.memory_space<vmem>>, vector<16xi32>,
    %add3A_385 = arith.constant 20480 : i32
    %add3A_386 = arith.addi %mul3A_8, %add3A_385 : i32
    %add3A_387 = vector.broadcast %add3A_386 : i32 to vector<16xi32>
    %add3A_388 = arith.addi %add3A_387, %get3A_384 : vector<16xi32>
    %swap3A_389 = arith.constant 752 : index
    %swap3A_390 = tpu.vector_load %arg6[%swap3A_389] {strides = array<i32>} : memref<1024xi32, #tpu.memory_space<vmem>>, vector<16xi32>,
    tpu.vector_store %arg6[%swap3A_389], %add3A_388 {strides = array<i32>} : memref<1024xi32, #tpu.memory_space<vmem>>, vector<16xi32>,
    %get3A_391 = arith.constant 0 : index
    %get3A_392 = tpu.vector_load %arg5[%get3A_391] {strides = array<i32>} : memref<128xi32, #tpu.memory_space<vmem>>, vector<16xi32>,
    %add3A_393 = arith.constant 24576 : i32
    %add3A_394 = arith.addi %mul3A_8, %add3A_393 : i32
    %add3A_395 = vector.broadcast %add3A_394 : i32 to vector<16xi32>
    %add3A_396 = arith.addi %add3A_395, %get3A_392 : vector<16xi32>
    %swap3A_397 = arith.constant 768 : index
    %swap3A_398 = tpu.vector_load %arg6[%swap3A_397] {strides = array<i32>} : memref<1024xi32, #tpu.memory_space<vmem>>, vector<16xi32>,
    tpu.vector_store %arg6[%swap3A_397], %add3A_396 {strides = array<i32>} : memref<1024xi32, #tpu.memory_space<vmem>>, vector<16xi32>,
    %get3A_399 = arith.constant 16 : index
    %get3A_400 = tpu.vector_load %arg5[%get3A_399] {strides = array<i32>} : memref<128xi32, #tpu.memory_space<vmem>>, vector<16xi32>,
    %add3A_401 = arith.constant 24576 : i32
    %add3A_402 = arith.addi %mul3A_8, %add3A_401 : i32
    %add3A_403 = vector.broadcast %add3A_402 : i32 to vector<16xi32>
    %add3A_404 = arith.addi %add3A_403, %get3A_400 : vector<16xi32>
    %swap3A_405 = arith.constant 784 : index
    %swap3A_406 = tpu.vector_load %arg6[%swap3A_405] {strides = array<i32>} : memref<1024xi32, #tpu.memory_space<vmem>>, vector<16xi32>,
    tpu.vector_store %arg6[%swap3A_405], %add3A_404 {strides = array<i32>} : memref<1024xi32, #tpu.memory_space<vmem>>, vector<16xi32>,
    %get3A_407 = arith.constant 32 : index
    %get3A_408 = tpu.vector_load %arg5[%get3A_407] {strides = array<i32>} : memref<128xi32, #tpu.memory_space<vmem>>, vector<16xi32>,
    %add3A_409 = arith.constant 24576 : i32
    %add3A_410 = arith.addi %mul3A_8, %add3A_409 : i32
    %add3A_411 = vector.broadcast %add3A_410 : i32 to vector<16xi32>
    %add3A_412 = arith.addi %add3A_411, %get3A_408 : vector<16xi32>
    %swap3A_413 = arith.constant 800 : index
    %swap3A_414 = tpu.vector_load %arg6[%swap3A_413] {strides = array<i32>} : memref<1024xi32, #tpu.memory_space<vmem>>, vector<16xi32>,
    tpu.vector_store %arg6[%swap3A_413], %add3A_412 {strides = array<i32>} : memref<1024xi32, #tpu.memory_space<vmem>>, vector<16xi32>,
    %get3A_415 = arith.constant 48 : index
    %get3A_416 = tpu.vector_load %arg5[%get3A_415] {strides = array<i32>} : memref<128xi32, #tpu.memory_space<vmem>>, vector<16xi32>,
    %add3A_417 = arith.constant 24576 : i32
    %add3A_418 = arith.addi %mul3A_8, %add3A_417 : i32
    %add3A_419 = vector.broadcast %add3A_418 : i32 to vector<16xi32>
    %add3A_420 = arith.addi %add3A_419, %get3A_416 : vector<16xi32>
    %swap3A_421 = arith.constant 816 : index
    %swap3A_422 = tpu.vector_load %arg6[%swap3A_421] {strides = array<i32>} : memref<1024xi32, #tpu.memory_space<vmem>>, vector<16xi32>,
    tpu.vector_store %arg6[%swap3A_421], %add3A_420 {strides = array<i32>} : memref<1024xi32, #tpu.memory_space<vmem>>, vector<16xi32>,
    %get3A_423 = arith.constant 64 : index
    %get3A_424 = tpu.vector_load %arg5[%get3A_423] {strides = array<i32>} : memref<128xi32, #tpu.memory_space<vmem>>, vector<16xi32>,
    %add3A_425 = arith.constant 24576 : i32
    %add3A_426 = arith.addi %mul3A_8, %add3A_425 : i32
    %add3A_427 = vector.broadcast %add3A_426 : i32 to vector<16xi32>
    %add3A_428 = arith.addi %add3A_427, %get3A_424 : vector<16xi32>
    %swap3A_429 = arith.constant 832 : index
    %swap3A_430 = tpu.vector_load %arg6[%swap3A_429] {strides = array<i32>} : memref<1024xi32, #tpu.memory_space<vmem>>, vector<16xi32>,
    tpu.vector_store %arg6[%swap3A_429], %add3A_428 {strides = array<i32>} : memref<1024xi32, #tpu.memory_space<vmem>>, vector<16xi32>,
    %get3A_431 = arith.constant 80 : index
    %get3A_432 = tpu.vector_load %arg5[%get3A_431] {strides = array<i32>} : memref<128xi32, #tpu.memory_space<vmem>>, vector<16xi32>,
    %add3A_433 = arith.constant 24576 : i32
    %add3A_434 = arith.addi %mul3A_8, %add3A_433 : i32
    %add3A_435 = vector.broadcast %add3A_434 : i32 to vector<16xi32>
    %add3A_436 = arith.addi %add3A_435, %get3A_432 : vector<16xi32>
    %swap3A_437 = arith.constant 848 : index
    %swap3A_438 = tpu.vector_load %arg6[%swap3A_437] {strides = array<i32>} : memref<1024xi32, #tpu.memory_space<vmem>>, vector<16xi32>,
    tpu.vector_store %arg6[%swap3A_437], %add3A_436 {strides = array<i32>} : memref<1024xi32, #tpu.memory_space<vmem>>, vector<16xi32>,
    %get3A_439 = arith.constant 96 : index
    %get3A_440 = tpu.vector_load %arg5[%get3A_439] {strides = array<i32>} : memref<128xi32, #tpu.memory_space<vmem>>, vector<16xi32>,
    %add3A_441 = arith.constant 24576 : i32
    %add3A_442 = arith.addi %mul3A_8, %add3A_441 : i32
    %add3A_443 = vector.broadcast %add3A_442 : i32 to vector<16xi32>
    %add3A_444 = arith.addi %add3A_443, %get3A_440 : vector<16xi32>
    %swap3A_445 = arith.constant 864 : index
    %swap3A_446 = tpu.vector_load %arg6[%swap3A_445] {strides = array<i32>} : memref<1024xi32, #tpu.memory_space<vmem>>, vector<16xi32>,
    tpu.vector_store %arg6[%swap3A_445], %add3A_444 {strides = array<i32>} : memref<1024xi32, #tpu.memory_space<vmem>>, vector<16xi32>,
    %get3A_447 = arith.constant 112 : index
    %get3A_448 = tpu.vector_load %arg5[%get3A_447] {strides = array<i32>} : memref<128xi32, #tpu.memory_space<vmem>>, vector<16xi32>,
    %add3A_449 = arith.constant 24576 : i32
    %add3A_450 = arith.addi %mul3A_8, %add3A_449 : i32
    %add3A_451 = vector.broadcast %add3A_450 : i32 to vector<16xi32>
    %add3A_452 = arith.addi %add3A_451, %get3A_448 : vector<16xi32>
    %swap3A_453 = arith.constant 880 : index
    %swap3A_454 = tpu.vector_load %arg6[%swap3A_453] {strides = array<i32>} : memref<1024xi32, #tpu.memory_space<vmem>>, vector<16xi32>,
    tpu.vector_store %arg6[%swap3A_453], %add3A_452 {strides = array<i32>} : memref<1024xi32, #tpu.memory_space<vmem>>, vector<16xi32>,
    %get3A_455 = arith.constant 0 : index
    %get3A_456 = tpu.vector_load %arg5[%get3A_455] {strides = array<i32>} : memref<128xi32, #tpu.memory_space<vmem>>, vector<16xi32>,
    %add3A_457 = arith.constant 28672 : i32
    %add3A_458 = arith.addi %mul3A_8, %add3A_457 : i32
    %add3A_459 = vector.broadcast %add3A_458 : i32 to vector<16xi32>
    %add3A_460 = arith.addi %add3A_459, %get3A_456 : vector<16xi32>
    %swap3A_461 = arith.constant 896 : index
    %swap3A_462 = tpu.vector_load %arg6[%swap3A_461] {strides = array<i32>} : memref<1024xi32, #tpu.memory_space<vmem>>, vector<16xi32>,
    tpu.vector_store %arg6[%swap3A_461], %add3A_460 {strides = array<i32>} : memref<1024xi32, #tpu.memory_space<vmem>>, vector<16xi32>,
    %get3A_463 = arith.constant 16 : index
    %get3A_464 = tpu.vector_load %arg5[%get3A_463] {strides = array<i32>} : memref<128xi32, #tpu.memory_space<vmem>>, vector<16xi32>,
    %add3A_465 = arith.constant 28672 : i32
    %add3A_466 = arith.addi %mul3A_8, %add3A_465 : i32
    %add3A_467 = vector.broadcast %add3A_466 : i32 to vector<16xi32>
    %add3A_468 = arith.addi %add3A_467, %get3A_464 : vector<16xi32>
    %swap3A_469 = arith.constant 912 : index
    %swap3A_470 = tpu.vector_load %arg6[%swap3A_469] {strides = array<i32>} : memref<1024xi32, #tpu.memory_space<vmem>>, vector<16xi32>,
    tpu.vector_store %arg6[%swap3A_469], %add3A_468 {strides = array<i32>} : memref<1024xi32, #tpu.memory_space<vmem>>, vector<16xi32>,
    %get3A_471 = arith.constant 32 : index
    %get3A_472 = tpu.vector_load %arg5[%get3A_471] {strides = array<i32>} : memref<128xi32, #tpu.memory_space<vmem>>, vector<16xi32>,
    %add3A_473 = arith.constant 28672 : i32
    %add3A_474 = arith.addi %mul3A_8, %add3A_473 : i32
    %add3A_475 = vector.broadcast %add3A_474 : i32 to vector<16xi32>
    %add3A_476 = arith.addi %add3A_475, %get3A_472 : vector<16xi32>
    %swap3A_477 = arith.constant 928 : index
    %swap3A_478 = tpu.vector_load %arg6[%swap3A_477] {strides = array<i32>} : memref<1024xi32, #tpu.memory_space<vmem>>, vector<16xi32>,
    tpu.vector_store %arg6[%swap3A_477], %add3A_476 {strides = array<i32>} : memref<1024xi32, #tpu.memory_space<vmem>>, vector<16xi32>,
    %get3A_479 = arith.constant 48 : index
    %get3A_480 = tpu.vector_load %arg5[%get3A_479] {strides = array<i32>} : memref<128xi32, #tpu.memory_space<vmem>>, vector<16xi32>,
    %add3A_481 = arith.constant 28672 : i32
    %add3A_482 = arith.addi %mul3A_8, %add3A_481 : i32
    %add3A_483 = vector.broadcast %add3A_482 : i32 to vector<16xi32>
    %add3A_484 = arith.addi %add3A_483, %get3A_480 : vector<16xi32>
    %swap3A_485 = arith.constant 944 : index
    %swap3A_486 = tpu.vector_load %arg6[%swap3A_485] {strides = array<i32>} : memref<1024xi32, #tpu.memory_space<vmem>>, vector<16xi32>,
    tpu.vector_store %arg6[%swap3A_485], %add3A_484 {strides = array<i32>} : memref<1024xi32, #tpu.memory_space<vmem>>, vector<16xi32>,
    %get3A_487 = arith.constant 64 : index
    %get3A_488 = tpu.vector_load %arg5[%get3A_487] {strides = array<i32>} : memref<128xi32, #tpu.memory_space<vmem>>, vector<16xi32>,
    %add3A_489 = arith.constant 28672 : i32
    %add3A_490 = arith.addi %mul3A_8, %add3A_489 : i32
    %add3A_491 = vector.broadcast %add3A_490 : i32 to vector<16xi32>
    %add3A_492 = arith.addi %add3A_491, %get3A_488 : vector<16xi32>
    %swap3A_493 = arith.constant 960 : index
    %swap3A_494 = tpu.vector_load %arg6[%swap3A_493] {strides = array<i32>} : memref<1024xi32, #tpu.memory_space<vmem>>, vector<16xi32>,
    tpu.vector_store %arg6[%swap3A_493], %add3A_492 {strides = array<i32>} : memref<1024xi32, #tpu.memory_space<vmem>>, vector<16xi32>,
    %get3A_495 = arith.constant 80 : index
    %get3A_496 = tpu.vector_load %arg5[%get3A_495] {strides = array<i32>} : memref<128xi32, #tpu.memory_space<vmem>>, vector<16xi32>,
    %add3A_497 = arith.constant 28672 : i32
    %add3A_498 = arith.addi %mul3A_8, %add3A_497 : i32
    %add3A_499 = vector.broadcast %add3A_498 : i32 to vector<16xi32>
    %add3A_500 = arith.addi %add3A_499, %get3A_496 : vector<16xi32>
    %swap3A_501 = arith.constant 976 : index
    %swap3A_502 = tpu.vector_load %arg6[%swap3A_501] {strides = array<i32>} : memref<1024xi32, #tpu.memory_space<vmem>>, vector<16xi32>,
    tpu.vector_store %arg6[%swap3A_501], %add3A_500 {strides = array<i32>} : memref<1024xi32, #tpu.memory_space<vmem>>, vector<16xi32>,
    %get3A_503 = arith.constant 96 : index
    %get3A_504 = tpu.vector_load %arg5[%get3A_503] {strides = array<i32>} : memref<128xi32, #tpu.memory_space<vmem>>, vector<16xi32>,
    %add3A_505 = arith.constant 28672 : i32
    %add3A_506 = arith.addi %mul3A_8, %add3A_505 : i32
    %add3A_507 = vector.broadcast %add3A_506 : i32 to vector<16xi32>
    %add3A_508 = arith.addi %add3A_507, %get3A_504 : vector<16xi32>
    %swap3A_509 = arith.constant 992 : index
    %swap3A_510 = tpu.vector_load %arg6[%swap3A_509] {strides = array<i32>} : memref<1024xi32, #tpu.memory_space<vmem>>, vector<16xi32>,
    tpu.vector_store %arg6[%swap3A_509], %add3A_508 {strides = array<i32>} : memref<1024xi32, #tpu.memory_space<vmem>>, vector<16xi32>,
    %get3A_511 = arith.constant 112 : index
    %get3A_512 = tpu.vector_load %arg5[%get3A_511] {strides = array<i32>} : memref<128xi32, #tpu.memory_space<vmem>>, vector<16xi32>,
    %add3A_513 = arith.constant 28672 : i32
    %add3A_514 = arith.addi %mul3A_8, %add3A_513 : i32
    %add3A_515 = vector.broadcast %add3A_514 : i32 to vector<16xi32>
    %add3A_516 = arith.addi %add3A_515, %get3A_512 : vector<16xi32>
    %swap3A_517 = arith.constant 1008 : index
    %swap3A_518 = tpu.vector_load %arg6[%swap3A_517] {strides = array<i32>} : memref<1024xi32, #tpu.memory_space<vmem>>, vector<16xi32>,
    tpu.vector_store %arg6[%swap3A_517], %add3A_516 {strides = array<i32>} : memref<1024xi32, #tpu.memory_space<vmem>>, vector<16xi32>,
    %mul3A_519 = arith.constant 2 : i32
    %mul3A_520 = arith.muli %arg1, %mul3A_519 : i32
    %add3A_521 = arith.constant 1 : i32
    %add3A_522 = arith.addi %mul3A_520, %add3A_521 : i32
    %mul3A_523 = arith.constant 32768 : i32
    %mul3A_524 = arith.muli %add3A_522, %mul3A_523 : i32
    %get3A_525 = arith.constant 0 : index
    %get3A_526 = tpu.vector_load %arg5[%get3A_525] {strides = array<i32>} : memref<128xi32, #tpu.memory_space<vmem>>, vector<16xi32>,
    %add3A_527 = arith.constant 0 : i32
    %add3A_528 = arith.addi %mul3A_524, %add3A_527 : i32
    %add3A_529 = vector.broadcast %add3A_528 : i32 to vector<16xi32>
    %add3A_530 = arith.addi %add3A_529, %get3A_526 : vector<16xi32>
    %swap3A_531 = arith.constant 0 : index
    %swap3A_532 = tpu.vector_load %arg7[%swap3A_531] {strides = array<i32>} : memref<1024xi32, #tpu.memory_space<vmem>>, vector<16xi32>,
    tpu.vector_store %arg7[%swap3A_531], %add3A_530 {strides = array<i32>} : memref<1024xi32, #tpu.memory_space<vmem>>, vector<16xi32>,
    %get3A_533 = arith.constant 16 : index
    %get3A_534 = tpu.vector_load %arg5[%get3A_533] {strides = array<i32>} : memref<128xi32, #tpu.memory_space<vmem>>, vector<16xi32>,
    %add3A_535 = arith.constant 0 : i32
    %add3A_536 = arith.addi %mul3A_524, %add3A_535 : i32
    %add3A_537 = vector.broadcast %add3A_536 : i32 to vector<16xi32>
    %add3A_538 = arith.addi %add3A_537, %get3A_534 : vector<16xi32>
    %swap3A_539 = arith.constant 16 : index
    %swap3A_540 = tpu.vector_load %arg7[%swap3A_539] {strides = array<i32>} : memref<1024xi32, #tpu.memory_space<vmem>>, vector<16xi32>,
    tpu.vector_store %arg7[%swap3A_539], %add3A_538 {strides = array<i32>} : memref<1024xi32, #tpu.memory_space<vmem>>, vector<16xi32>,
    %get3A_541 = arith.constant 32 : index
    %get3A_542 = tpu.vector_load %arg5[%get3A_541] {strides = array<i32>} : memref<128xi32, #tpu.memory_space<vmem>>, vector<16xi32>,
    %add3A_543 = arith.constant 0 : i32
    %add3A_544 = arith.addi %mul3A_524, %add3A_543 : i32
    %add3A_545 = vector.broadcast %add3A_544 : i32 to vector<16xi32>
    %add3A_546 = arith.addi %add3A_545, %get3A_542 : vector<16xi32>
    %swap3A_547 = arith.constant 32 : index
    %swap3A_548 = tpu.vector_load %arg7[%swap3A_547] {strides = array<i32>} : memref<1024xi32, #tpu.memory_space<vmem>>, vector<16xi32>,
    tpu.vector_store %arg7[%swap3A_547], %add3A_546 {strides = array<i32>} : memref<1024xi32, #tpu.memory_space<vmem>>, vector<16xi32>,
    %get3A_549 = arith.constant 48 : index
    %get3A_550 = tpu.vector_load %arg5[%get3A_549] {strides = array<i32>} : memref<128xi32, #tpu.memory_space<vmem>>, vector<16xi32>,
    %add3A_551 = arith.constant 0 : i32
    %add3A_552 = arith.addi %mul3A_524, %add3A_551 : i32
    %add3A_553 = vector.broadcast %add3A_552 : i32 to vector<16xi32>
    %add3A_554 = arith.addi %add3A_553, %get3A_550 : vector<16xi32>
    %swap3A_555 = arith.constant 48 : index
    %swap3A_556 = tpu.vector_load %arg7[%swap3A_555] {strides = array<i32>} : memref<1024xi32, #tpu.memory_space<vmem>>, vector<16xi32>,
    tpu.vector_store %arg7[%swap3A_555], %add3A_554 {strides = array<i32>} : memref<1024xi32, #tpu.memory_space<vmem>>, vector<16xi32>,
    %get3A_557 = arith.constant 64 : index
    %get3A_558 = tpu.vector_load %arg5[%get3A_557] {strides = array<i32>} : memref<128xi32, #tpu.memory_space<vmem>>, vector<16xi32>,
    %add3A_559 = arith.constant 0 : i32
    %add3A_560 = arith.addi %mul3A_524, %add3A_559 : i32
    %add3A_561 = vector.broadcast %add3A_560 : i32 to vector<16xi32>
    %add3A_562 = arith.addi %add3A_561, %get3A_558 : vector<16xi32>
    %swap3A_563 = arith.constant 64 : index
    %swap3A_564 = tpu.vector_load %arg7[%swap3A_563] {strides = array<i32>} : memref<1024xi32, #tpu.memory_space<vmem>>, vector<16xi32>,
    tpu.vector_store %arg7[%swap3A_563], %add3A_562 {strides = array<i32>} : memref<1024xi32, #tpu.memory_space<vmem>>, vector<16xi32>,
    %get3A_565 = arith.constant 80 : index
    %get3A_566 = tpu.vector_load %arg5[%get3A_565] {strides = array<i32>} : memref<128xi32, #tpu.memory_space<vmem>>, vector<16xi32>,
    %add3A_567 = arith.constant 0 : i32
    %add3A_568 = arith.addi %mul3A_524, %add3A_567 : i32
    %add3A_569 = vector.broadcast %add3A_568 : i32 to vector<16xi32>
    %add3A_570 = arith.addi %add3A_569, %get3A_566 : vector<16xi32>
    %swap3A_571 = arith.constant 80 : index
    %swap3A_572 = tpu.vector_load %arg7[%swap3A_571] {strides = array<i32>} : memref<1024xi32, #tpu.memory_space<vmem>>, vector<16xi32>,
    tpu.vector_store %arg7[%swap3A_571], %add3A_570 {strides = array<i32>} : memref<1024xi32, #tpu.memory_space<vmem>>, vector<16xi32>,
    %get3A_573 = arith.constant 96 : index
    %get3A_574 = tpu.vector_load %arg5[%get3A_573] {strides = array<i32>} : memref<128xi32, #tpu.memory_space<vmem>>, vector<16xi32>,
    %add3A_575 = arith.constant 0 : i32
    %add3A_576 = arith.addi %mul3A_524, %add3A_575 : i32
    %add3A_577 = vector.broadcast %add3A_576 : i32 to vector<16xi32>
    %add3A_578 = arith.addi %add3A_577, %get3A_574 : vector<16xi32>
    %swap3A_579 = arith.constant 96 : index
    %swap3A_580 = tpu.vector_load %arg7[%swap3A_579] {strides = array<i32>} : memref<1024xi32, #tpu.memory_space<vmem>>, vector<16xi32>,
    tpu.vector_store %arg7[%swap3A_579], %add3A_578 {strides = array<i32>} : memref<1024xi32, #tpu.memory_space<vmem>>, vector<16xi32>,
    %get3A_581 = arith.constant 112 : index
    %get3A_582 = tpu.vector_load %arg5[%get3A_581] {strides = array<i32>} : memref<128xi32, #tpu.memory_space<vmem>>, vector<16xi32>,
    %add3A_583 = arith.constant 0 : i32
    %add3A_584 = arith.addi %mul3A_524, %add3A_583 : i32
    %add3A_585 = vector.broadcast %add3A_584 : i32 to vector<16xi32>
    %add3A_586 = arith.addi %add3A_585, %get3A_582 : vector<16xi32>
    %swap3A_587 = arith.constant 112 : index
    %swap3A_588 = tpu.vector_load %arg7[%swap3A_587] {strides = array<i32>} : memref<1024xi32, #tpu.memory_space<vmem>>, vector<16xi32>,
    tpu.vector_store %arg7[%swap3A_587], %add3A_586 {strides = array<i32>} : memref<1024xi32, #tpu.memory_space<vmem>>, vector<16xi32>,
    %get3A_589 = arith.constant 0 : index
    %get3A_590 = tpu.vector_load %arg5[%get3A_589] {strides = array<i32>} : memref<128xi32, #tpu.memory_space<vmem>>, vector<16xi32>,
    %add3A_591 = arith.constant 4096 : i32
    %add3A_592 = arith.addi %mul3A_524, %add3A_591 : i32
    %add3A_593 = vector.broadcast %add3A_592 : i32 to vector<16xi32>
    %add3A_594 = arith.addi %add3A_593, %get3A_590 : vector<16xi32>
    %swap3A_595 = arith.constant 128 : index
    %swap3A_596 = tpu.vector_load %arg7[%swap3A_595] {strides = array<i32>} : memref<1024xi32, #tpu.memory_space<vmem>>, vector<16xi32>,
    tpu.vector_store %arg7[%swap3A_595], %add3A_594 {strides = array<i32>} : memref<1024xi32, #tpu.memory_space<vmem>>, vector<16xi32>,
    %get3A_597 = arith.constant 16 : index
    %get3A_598 = tpu.vector_load %arg5[%get3A_597] {strides = array<i32>} : memref<128xi32, #tpu.memory_space<vmem>>, vector<16xi32>,
    %add3A_599 = arith.constant 4096 : i32
    %add3A_600 = arith.addi %mul3A_524, %add3A_599 : i32
    %add3A_601 = vector.broadcast %add3A_600 : i32 to vector<16xi32>
    %add3A_602 = arith.addi %add3A_601, %get3A_598 : vector<16xi32>
    %swap3A_603 = arith.constant 144 : index
    %swap3A_604 = tpu.vector_load %arg7[%swap3A_603] {strides = array<i32>} : memref<1024xi32, #tpu.memory_space<vmem>>, vector<16xi32>,
    tpu.vector_store %arg7[%swap3A_603], %add3A_602 {strides = array<i32>} : memref<1024xi32, #tpu.memory_space<vmem>>, vector<16xi32>,
    %get3A_605 = arith.constant 32 : index
    %get3A_606 = tpu.vector_load %arg5[%get3A_605] {strides = array<i32>} : memref<128xi32, #tpu.memory_space<vmem>>, vector<16xi32>,
    %add3A_607 = arith.constant 4096 : i32
    %add3A_608 = arith.addi %mul3A_524, %add3A_607 : i32
    %add3A_609 = vector.broadcast %add3A_608 : i32 to vector<16xi32>
    %add3A_610 = arith.addi %add3A_609, %get3A_606 : vector<16xi32>
    %swap3A_611 = arith.constant 160 : index
    %swap3A_612 = tpu.vector_load %arg7[%swap3A_611] {strides = array<i32>} : memref<1024xi32, #tpu.memory_space<vmem>>, vector<16xi32>,
    tpu.vector_store %arg7[%swap3A_611], %add3A_610 {strides = array<i32>} : memref<1024xi32, #tpu.memory_space<vmem>>, vector<16xi32>,
    %get3A_613 = arith.constant 48 : index
    %get3A_614 = tpu.vector_load %arg5[%get3A_613] {strides = array<i32>} : memref<128xi32, #tpu.memory_space<vmem>>, vector<16xi32>,
    %add3A_615 = arith.constant 4096 : i32
    %add3A_616 = arith.addi %mul3A_524, %add3A_615 : i32
    %add3A_617 = vector.broadcast %add3A_616 : i32 to vector<16xi32>
    %add3A_618 = arith.addi %add3A_617, %get3A_614 : vector<16xi32>
    %swap3A_619 = arith.constant 176 : index
    %swap3A_620 = tpu.vector_load %arg7[%swap3A_619] {strides = array<i32>} : memref<1024xi32, #tpu.memory_space<vmem>>, vector<16xi32>,
    tpu.vector_store %arg7[%swap3A_619], %add3A_618 {strides = array<i32>} : memref<1024xi32, #tpu.memory_space<vmem>>, vector<16xi32>,
    %get3A_621 = arith.constant 64 : index
    %get3A_622 = tpu.vector_load %arg5[%get3A_621] {strides = array<i32>} : memref<128xi32, #tpu.memory_space<vmem>>, vector<16xi32>,
    %add3A_623 = arith.constant 4096 : i32
    %add3A_624 = arith.addi %mul3A_524, %add3A_623 : i32
    %add3A_625 = vector.broadcast %add3A_624 : i32 to vector<16xi32>
    %add3A_626 = arith.addi %add3A_625, %get3A_622 : vector<16xi32>
    %swap3A_627 = arith.constant 192 : index
    %swap3A_628 = tpu.vector_load %arg7[%swap3A_627] {strides = array<i32>} : memref<1024xi32, #tpu.memory_space<vmem>>, vector<16xi32>,
    tpu.vector_store %arg7[%swap3A_627], %add3A_626 {strides = array<i32>} : memref<1024xi32, #tpu.memory_space<vmem>>, vector<16xi32>,
    %get3A_629 = arith.constant 80 : index
    %get3A_630 = tpu.vector_load %arg5[%get3A_629] {strides = array<i32>} : memref<128xi32, #tpu.memory_space<vmem>>, vector<16xi32>,
    %add3A_631 = arith.constant 4096 : i32
    %add3A_632 = arith.addi %mul3A_524, %add3A_631 : i32
    %add3A_633 = vector.broadcast %add3A_632 : i32 to vector<16xi32>
    %add3A_634 = arith.addi %add3A_633, %get3A_630 : vector<16xi32>
    %swap3A_635 = arith.constant 208 : index
    %swap3A_636 = tpu.vector_load %arg7[%swap3A_635] {strides = array<i32>} : memref<1024xi32, #tpu.memory_space<vmem>>, vector<16xi32>,
    tpu.vector_store %arg7[%swap3A_635], %add3A_634 {strides = array<i32>} : memref<1024xi32, #tpu.memory_space<vmem>>, vector<16xi32>,
    %get3A_637 = arith.constant 96 : index
    %get3A_638 = tpu.vector_load %arg5[%get3A_637] {strides = array<i32>} : memref<128xi32, #tpu.memory_space<vmem>>, vector<16xi32>,
    %add3A_639 = arith.constant 4096 : i32
    %add3A_640 = arith.addi %mul3A_524, %add3A_639 : i32
    %add3A_641 = vector.broadcast %add3A_640 : i32 to vector<16xi32>
    %add3A_642 = arith.addi %add3A_641, %get3A_638 : vector<16xi32>
    %swap3A_643 = arith.constant 224 : index
    %swap3A_644 = tpu.vector_load %arg7[%swap3A_643] {strides = array<i32>} : memref<1024xi32, #tpu.memory_space<vmem>>, vector<16xi32>,
    tpu.vector_store %arg7[%swap3A_643], %add3A_642 {strides = array<i32>} : memref<1024xi32, #tpu.memory_space<vmem>>, vector<16xi32>,
    %get3A_645 = arith.constant 112 : index
    %get3A_646 = tpu.vector_load %arg5[%get3A_645] {strides = array<i32>} : memref<128xi32, #tpu.memory_space<vmem>>, vector<16xi32>,
    %add3A_647 = arith.constant 4096 : i32
    %add3A_648 = arith.addi %mul3A_524, %add3A_647 : i32
    %add3A_649 = vector.broadcast %add3A_648 : i32 to vector<16xi32>
    %add3A_650 = arith.addi %add3A_649, %get3A_646 : vector<16xi32>
    %swap3A_651 = arith.constant 240 : index
    %swap3A_652 = tpu.vector_load %arg7[%swap3A_651] {strides = array<i32>} : memref<1024xi32, #tpu.memory_space<vmem>>, vector<16xi32>,
    tpu.vector_store %arg7[%swap3A_651], %add3A_650 {strides = array<i32>} : memref<1024xi32, #tpu.memory_space<vmem>>, vector<16xi32>,
    %get3A_653 = arith.constant 0 : index
    %get3A_654 = tpu.vector_load %arg5[%get3A_653] {strides = array<i32>} : memref<128xi32, #tpu.memory_space<vmem>>, vector<16xi32>,
    %add3A_655 = arith.constant 8192 : i32
    %add3A_656 = arith.addi %mul3A_524, %add3A_655 : i32
    %add3A_657 = vector.broadcast %add3A_656 : i32 to vector<16xi32>
    %add3A_658 = arith.addi %add3A_657, %get3A_654 : vector<16xi32>
    %swap3A_659 = arith.constant 256 : index
    %swap3A_660 = tpu.vector_load %arg7[%swap3A_659] {strides = array<i32>} : memref<1024xi32, #tpu.memory_space<vmem>>, vector<16xi32>,
    tpu.vector_store %arg7[%swap3A_659], %add3A_658 {strides = array<i32>} : memref<1024xi32, #tpu.memory_space<vmem>>, vector<16xi32>,
    %get3A_661 = arith.constant 16 : index
    %get3A_662 = tpu.vector_load %arg5[%get3A_661] {strides = array<i32>} : memref<128xi32, #tpu.memory_space<vmem>>, vector<16xi32>,
    %add3A_663 = arith.constant 8192 : i32
    %add3A_664 = arith.addi %mul3A_524, %add3A_663 : i32
    %add3A_665 = vector.broadcast %add3A_664 : i32 to vector<16xi32>
    %add3A_666 = arith.addi %add3A_665, %get3A_662 : vector<16xi32>
    %swap3A_667 = arith.constant 272 : index
    %swap3A_668 = tpu.vector_load %arg7[%swap3A_667] {strides = array<i32>} : memref<1024xi32, #tpu.memory_space<vmem>>, vector<16xi32>,
    tpu.vector_store %arg7[%swap3A_667], %add3A_666 {strides = array<i32>} : memref<1024xi32, #tpu.memory_space<vmem>>, vector<16xi32>,
    %get3A_669 = arith.constant 32 : index
    %get3A_670 = tpu.vector_load %arg5[%get3A_669] {strides = array<i32>} : memref<128xi32, #tpu.memory_space<vmem>>, vector<16xi32>,
    %add3A_671 = arith.constant 8192 : i32
    %add3A_672 = arith.addi %mul3A_524, %add3A_671 : i32
    %add3A_673 = vector.broadcast %add3A_672 : i32 to vector<16xi32>
    %add3A_674 = arith.addi %add3A_673, %get3A_670 : vector<16xi32>
    %swap3A_675 = arith.constant 288 : index
    %swap3A_676 = tpu.vector_load %arg7[%swap3A_675] {strides = array<i32>} : memref<1024xi32, #tpu.memory_space<vmem>>, vector<16xi32>,
    tpu.vector_store %arg7[%swap3A_675], %add3A_674 {strides = array<i32>} : memref<1024xi32, #tpu.memory_space<vmem>>, vector<16xi32>,
    %get3A_677 = arith.constant 48 : index
    %get3A_678 = tpu.vector_load %arg5[%get3A_677] {strides = array<i32>} : memref<128xi32, #tpu.memory_space<vmem>>, vector<16xi32>,
    %add3A_679 = arith.constant 8192 : i32
    %add3A_680 = arith.addi %mul3A_524, %add3A_679 : i32
    %add3A_681 = vector.broadcast %add3A_680 : i32 to vector<16xi32>
    %add3A_682 = arith.addi %add3A_681, %get3A_678 : vector<16xi32>
    %swap3A_683 = arith.constant 304 : index
    %swap3A_684 = tpu.vector_load %arg7[%swap3A_683] {strides = array<i32>} : memref<1024xi32, #tpu.memory_space<vmem>>, vector<16xi32>,
    tpu.vector_store %arg7[%swap3A_683], %add3A_682 {strides = array<i32>} : memref<1024xi32, #tpu.memory_space<vmem>>, vector<16xi32>,
    %get3A_685 = arith.constant 64 : index
    %get3A_686 = tpu.vector_load %arg5[%get3A_685] {strides = array<i32>} : memref<128xi32, #tpu.memory_space<vmem>>, vector<16xi32>,
    %add3A_687 = arith.constant 8192 : i32
    %add3A_688 = arith.addi %mul3A_524, %add3A_687 : i32
    %add3A_689 = vector.broadcast %add3A_688 : i32 to vector<16xi32>
    %add3A_690 = arith.addi %add3A_689, %get3A_686 : vector<16xi32>
    %swap3A_691 = arith.constant 320 : index
    %swap3A_692 = tpu.vector_load %arg7[%swap3A_691] {strides = array<i32>} : memref<1024xi32, #tpu.memory_space<vmem>>, vector<16xi32>,
    tpu.vector_store %arg7[%swap3A_691], %add3A_690 {strides = array<i32>} : memref<1024xi32, #tpu.memory_space<vmem>>, vector<16xi32>,
    %get3A_693 = arith.constant 80 : index
    %get3A_694 = tpu.vector_load %arg5[%get3A_693] {strides = array<i32>} : memref<128xi32, #tpu.memory_space<vmem>>, vector<16xi32>,
    %add3A_695 = arith.constant 8192 : i32
    %add3A_696 = arith.addi %mul3A_524, %add3A_695 : i32
    %add3A_697 = vector.broadcast %add3A_696 : i32 to vector<16xi32>
    %add3A_698 = arith.addi %add3A_697, %get3A_694 : vector<16xi32>
    %swap3A_699 = arith.constant 336 : index
    %swap3A_700 = tpu.vector_load %arg7[%swap3A_699] {strides = array<i32>} : memref<1024xi32, #tpu.memory_space<vmem>>, vector<16xi32>,
    tpu.vector_store %arg7[%swap3A_699], %add3A_698 {strides = array<i32>} : memref<1024xi32, #tpu.memory_space<vmem>>, vector<16xi32>,
    %get3A_701 = arith.constant 96 : index
    %get3A_702 = tpu.vector_load %arg5[%get3A_701] {strides = array<i32>} : memref<128xi32, #tpu.memory_space<vmem>>, vector<16xi32>,
    %add3A_703 = arith.constant 8192 : i32
    %add3A_704 = arith.addi %mul3A_524, %add3A_703 : i32
    %add3A_705 = vector.broadcast %add3A_704 : i32 to vector<16xi32>
    %add3A_706 = arith.addi %add3A_705, %get3A_702 : vector<16xi32>
    %swap3A_707 = arith.constant 352 : index
    %swap3A_708 = tpu.vector_load %arg7[%swap3A_707] {strides = array<i32>} : memref<1024xi32, #tpu.memory_space<vmem>>, vector<16xi32>,
    tpu.vector_store %arg7[%swap3A_707], %add3A_706 {strides = array<i32>} : memref<1024xi32, #tpu.memory_space<vmem>>, vector<16xi32>,
    %get3A_709 = arith.constant 112 : index
    %get3A_710 = tpu.vector_load %arg5[%get3A_709] {strides = array<i32>} : memref<128xi32, #tpu.memory_space<vmem>>, vector<16xi32>,
    %add3A_711 = arith.constant 8192 : i32
    %add3A_712 = arith.addi %mul3A_524, %add3A_711 : i32
    %add3A_713 = vector.broadcast %add3A_712 : i32 to vector<16xi32>
    %add3A_714 = arith.addi %add3A_713, %get3A_710 : vector<16xi32>
    %swap3A_715 = arith.constant 368 : index
    %swap3A_716 = tpu.vector_load %arg7[%swap3A_715] {strides = array<i32>} : memref<1024xi32, #tpu.memory_space<vmem>>, vector<16xi32>,
    tpu.vector_store %arg7[%swap3A_715], %add3A_714 {strides = array<i32>} : memref<1024xi32, #tpu.memory_space<vmem>>, vector<16xi32>,
    %get3A_717 = arith.constant 0 : index
    %get3A_718 = tpu.vector_load %arg5[%get3A_717] {strides = array<i32>} : memref<128xi32, #tpu.memory_space<vmem>>, vector<16xi32>,
    %add3A_719 = arith.constant 12288 : i32
    %add3A_720 = arith.addi %mul3A_524, %add3A_719 : i32
    %add3A_721 = vector.broadcast %add3A_720 : i32 to vector<16xi32>
    %add3A_722 = arith.addi %add3A_721, %get3A_718 : vector<16xi32>
    %swap3A_723 = arith.constant 384 : index
    %swap3A_724 = tpu.vector_load %arg7[%swap3A_723] {strides = array<i32>} : memref<1024xi32, #tpu.memory_space<vmem>>, vector<16xi32>,
    tpu.vector_store %arg7[%swap3A_723], %add3A_722 {strides = array<i32>} : memref<1024xi32, #tpu.memory_space<vmem>>, vector<16xi32>,
    %get3A_725 = arith.constant 16 : index
    %get3A_726 = tpu.vector_load %arg5[%get3A_725] {strides = array<i32>} : memref<128xi32, #tpu.memory_space<vmem>>, vector<16xi32>,
    %add3A_727 = arith.constant 12288 : i32
    %add3A_728 = arith.addi %mul3A_524, %add3A_727 : i32
    %add3A_729 = vector.broadcast %add3A_728 : i32 to vector<16xi32>
    %add3A_730 = arith.addi %add3A_729, %get3A_726 : vector<16xi32>
    %swap3A_731 = arith.constant 400 : index
    %swap3A_732 = tpu.vector_load %arg7[%swap3A_731] {strides = array<i32>} : memref<1024xi32, #tpu.memory_space<vmem>>, vector<16xi32>,
    tpu.vector_store %arg7[%swap3A_731], %add3A_730 {strides = array<i32>} : memref<1024xi32, #tpu.memory_space<vmem>>, vector<16xi32>,
    %get3A_733 = arith.constant 32 : index
    %get3A_734 = tpu.vector_load %arg5[%get3A_733] {strides = array<i32>} : memref<128xi32, #tpu.memory_space<vmem>>, vector<16xi32>,
    %add3A_735 = arith.constant 12288 : i32
    %add3A_736 = arith.addi %mul3A_524, %add3A_735 : i32
    %add3A_737 = vector.broadcast %add3A_736 : i32 to vector<16xi32>
    %add3A_738 = arith.addi %add3A_737, %get3A_734 : vector<16xi32>
    %swap3A_739 = arith.constant 416 : index
    %swap3A_740 = tpu.vector_load %arg7[%swap3A_739] {strides = array<i32>} : memref<1024xi32, #tpu.memory_space<vmem>>, vector<16xi32>,
    tpu.vector_store %arg7[%swap3A_739], %add3A_738 {strides = array<i32>} : memref<1024xi32, #tpu.memory_space<vmem>>, vector<16xi32>,
    %get3A_741 = arith.constant 48 : index
    %get3A_742 = tpu.vector_load %arg5[%get3A_741] {strides = array<i32>} : memref<128xi32, #tpu.memory_space<vmem>>, vector<16xi32>,
    %add3A_743 = arith.constant 12288 : i32
    %add3A_744 = arith.addi %mul3A_524, %add3A_743 : i32
    %add3A_745 = vector.broadcast %add3A_744 : i32 to vector<16xi32>
    %add3A_746 = arith.addi %add3A_745, %get3A_742 : vector<16xi32>
    %swap3A_747 = arith.constant 432 : index
    %swap3A_748 = tpu.vector_load %arg7[%swap3A_747] {strides = array<i32>} : memref<1024xi32, #tpu.memory_space<vmem>>, vector<16xi32>,
    tpu.vector_store %arg7[%swap3A_747], %add3A_746 {strides = array<i32>} : memref<1024xi32, #tpu.memory_space<vmem>>, vector<16xi32>,
    %get3A_749 = arith.constant 64 : index
    %get3A_750 = tpu.vector_load %arg5[%get3A_749] {strides = array<i32>} : memref<128xi32, #tpu.memory_space<vmem>>, vector<16xi32>,
    %add3A_751 = arith.constant 12288 : i32
    %add3A_752 = arith.addi %mul3A_524, %add3A_751 : i32
    %add3A_753 = vector.broadcast %add3A_752 : i32 to vector<16xi32>
    %add3A_754 = arith.addi %add3A_753, %get3A_750 : vector<16xi32>
    %swap3A_755 = arith.constant 448 : index
    %swap3A_756 = tpu.vector_load %arg7[%swap3A_755] {strides = array<i32>} : memref<1024xi32, #tpu.memory_space<vmem>>, vector<16xi32>,
    tpu.vector_store %arg7[%swap3A_755], %add3A_754 {strides = array<i32>} : memref<1024xi32, #tpu.memory_space<vmem>>, vector<16xi32>,
    %get3A_757 = arith.constant 80 : index
    %get3A_758 = tpu.vector_load %arg5[%get3A_757] {strides = array<i32>} : memref<128xi32, #tpu.memory_space<vmem>>, vector<16xi32>,
    %add3A_759 = arith.constant 12288 : i32
    %add3A_760 = arith.addi %mul3A_524, %add3A_759 : i32
    %add3A_761 = vector.broadcast %add3A_760 : i32 to vector<16xi32>
    %add3A_762 = arith.addi %add3A_761, %get3A_758 : vector<16xi32>
    %swap3A_763 = arith.constant 464 : index
    %swap3A_764 = tpu.vector_load %arg7[%swap3A_763] {strides = array<i32>} : memref<1024xi32, #tpu.memory_space<vmem>>, vector<16xi32>,
    tpu.vector_store %arg7[%swap3A_763], %add3A_762 {strides = array<i32>} : memref<1024xi32, #tpu.memory_space<vmem>>, vector<16xi32>,
    %get3A_765 = arith.constant 96 : index
    %get3A_766 = tpu.vector_load %arg5[%get3A_765] {strides = array<i32>} : memref<128xi32, #tpu.memory_space<vmem>>, vector<16xi32>,
    %add3A_767 = arith.constant 12288 : i32
    %add3A_768 = arith.addi %mul3A_524, %add3A_767 : i32
    %add3A_769 = vector.broadcast %add3A_768 : i32 to vector<16xi32>
    %add3A_770 = arith.addi %add3A_769, %get3A_766 : vector<16xi32>
    %swap3A_771 = arith.constant 480 : index
    %swap3A_772 = tpu.vector_load %arg7[%swap3A_771] {strides = array<i32>} : memref<1024xi32, #tpu.memory_space<vmem>>, vector<16xi32>,
    tpu.vector_store %arg7[%swap3A_771], %add3A_770 {strides = array<i32>} : memref<1024xi32, #tpu.memory_space<vmem>>, vector<16xi32>,
    %get3A_773 = arith.constant 112 : index
    %get3A_774 = tpu.vector_load %arg5[%get3A_773] {strides = array<i32>} : memref<128xi32, #tpu.memory_space<vmem>>, vector<16xi32>,
    %add3A_775 = arith.constant 12288 : i32
    %add3A_776 = arith.addi %mul3A_524, %add3A_775 : i32
    %add3A_777 = vector.broadcast %add3A_776 : i32 to vector<16xi32>
    %add3A_778 = arith.addi %add3A_777, %get3A_774 : vector<16xi32>
    %swap3A_779 = arith.constant 496 : index
    %swap3A_780 = tpu.vector_load %arg7[%swap3A_779] {strides = array<i32>} : memref<1024xi32, #tpu.memory_space<vmem>>, vector<16xi32>,
    tpu.vector_store %arg7[%swap3A_779], %add3A_778 {strides = array<i32>} : memref<1024xi32, #tpu.memory_space<vmem>>, vector<16xi32>,
    %get3A_781 = arith.constant 0 : index
    %get3A_782 = tpu.vector_load %arg5[%get3A_781] {strides = array<i32>} : memref<128xi32, #tpu.memory_space<vmem>>, vector<16xi32>,
    %add3A_783 = arith.constant 16384 : i32
    %add3A_784 = arith.addi %mul3A_524, %add3A_783 : i32
    %add3A_785 = vector.broadcast %add3A_784 : i32 to vector<16xi32>
    %add3A_786 = arith.addi %add3A_785, %get3A_782 : vector<16xi32>
    %swap3A_787 = arith.constant 512 : index
    %swap3A_788 = tpu.vector_load %arg7[%swap3A_787] {strides = array<i32>} : memref<1024xi32, #tpu.memory_space<vmem>>, vector<16xi32>,
    tpu.vector_store %arg7[%swap3A_787], %add3A_786 {strides = array<i32>} : memref<1024xi32, #tpu.memory_space<vmem>>, vector<16xi32>,
    %get3A_789 = arith.constant 16 : index
    %get3A_790 = tpu.vector_load %arg5[%get3A_789] {strides = array<i32>} : memref<128xi32, #tpu.memory_space<vmem>>, vector<16xi32>,
    %add3A_791 = arith.constant 16384 : i32
    %add3A_792 = arith.addi %mul3A_524, %add3A_791 : i32
    %add3A_793 = vector.broadcast %add3A_792 : i32 to vector<16xi32>
    %add3A_794 = arith.addi %add3A_793, %get3A_790 : vector<16xi32>
    %swap3A_795 = arith.constant 528 : index
    %swap3A_796 = tpu.vector_load %arg7[%swap3A_795] {strides = array<i32>} : memref<1024xi32, #tpu.memory_space<vmem>>, vector<16xi32>,
    tpu.vector_store %arg7[%swap3A_795], %add3A_794 {strides = array<i32>} : memref<1024xi32, #tpu.memory_space<vmem>>, vector<16xi32>,
    %get3A_797 = arith.constant 32 : index
    %get3A_798 = tpu.vector_load %arg5[%get3A_797] {strides = array<i32>} : memref<128xi32, #tpu.memory_space<vmem>>, vector<16xi32>,
    %add3A_799 = arith.constant 16384 : i32
    %add3A_800 = arith.addi %mul3A_524, %add3A_799 : i32
    %add3A_801 = vector.broadcast %add3A_800 : i32 to vector<16xi32>
    %add3A_802 = arith.addi %add3A_801, %get3A_798 : vector<16xi32>
    %swap3A_803 = arith.constant 544 : index
    %swap3A_804 = tpu.vector_load %arg7[%swap3A_803] {strides = array<i32>} : memref<1024xi32, #tpu.memory_space<vmem>>, vector<16xi32>,
    tpu.vector_store %arg7[%swap3A_803], %add3A_802 {strides = array<i32>} : memref<1024xi32, #tpu.memory_space<vmem>>, vector<16xi32>,
    %get3A_805 = arith.constant 48 : index
    %get3A_806 = tpu.vector_load %arg5[%get3A_805] {strides = array<i32>} : memref<128xi32, #tpu.memory_space<vmem>>, vector<16xi32>,
    %add3A_807 = arith.constant 16384 : i32
    %add3A_808 = arith.addi %mul3A_524, %add3A_807 : i32
    %add3A_809 = vector.broadcast %add3A_808 : i32 to vector<16xi32>
    %add3A_810 = arith.addi %add3A_809, %get3A_806 : vector<16xi32>
    %swap3A_811 = arith.constant 560 : index
    %swap3A_812 = tpu.vector_load %arg7[%swap3A_811] {strides = array<i32>} : memref<1024xi32, #tpu.memory_space<vmem>>, vector<16xi32>,
    tpu.vector_store %arg7[%swap3A_811], %add3A_810 {strides = array<i32>} : memref<1024xi32, #tpu.memory_space<vmem>>, vector<16xi32>,
    %get3A_813 = arith.constant 64 : index
    %get3A_814 = tpu.vector_load %arg5[%get3A_813] {strides = array<i32>} : memref<128xi32, #tpu.memory_space<vmem>>, vector<16xi32>,
    %add3A_815 = arith.constant 16384 : i32
    %add3A_816 = arith.addi %mul3A_524, %add3A_815 : i32
    %add3A_817 = vector.broadcast %add3A_816 : i32 to vector<16xi32>
    %add3A_818 = arith.addi %add3A_817, %get3A_814 : vector<16xi32>
    %swap3A_819 = arith.constant 576 : index
    %swap3A_820 = tpu.vector_load %arg7[%swap3A_819] {strides = array<i32>} : memref<1024xi32, #tpu.memory_space<vmem>>, vector<16xi32>,
    tpu.vector_store %arg7[%swap3A_819], %add3A_818 {strides = array<i32>} : memref<1024xi32, #tpu.memory_space<vmem>>, vector<16xi32>,
    %get3A_821 = arith.constant 80 : index
    %get3A_822 = tpu.vector_load %arg5[%get3A_821] {strides = array<i32>} : memref<128xi32, #tpu.memory_space<vmem>>, vector<16xi32>,
    %add3A_823 = arith.constant 16384 : i32
    %add3A_824 = arith.addi %mul3A_524, %add3A_823 : i32
    %add3A_825 = vector.broadcast %add3A_824 : i32 to vector<16xi32>
    %add3A_826 = arith.addi %add3A_825, %get3A_822 : vector<16xi32>
    %swap3A_827 = arith.constant 592 : index
    %swap3A_828 = tpu.vector_load %arg7[%swap3A_827] {strides = array<i32>} : memref<1024xi32, #tpu.memory_space<vmem>>, vector<16xi32>,
    tpu.vector_store %arg7[%swap3A_827], %add3A_826 {strides = array<i32>} : memref<1024xi32, #tpu.memory_space<vmem>>, vector<16xi32>,
    %get3A_829 = arith.constant 96 : index
    %get3A_830 = tpu.vector_load %arg5[%get3A_829] {strides = array<i32>} : memref<128xi32, #tpu.memory_space<vmem>>, vector<16xi32>,
    %add3A_831 = arith.constant 16384 : i32
    %add3A_832 = arith.addi %mul3A_524, %add3A_831 : i32
    %add3A_833 = vector.broadcast %add3A_832 : i32 to vector<16xi32>
    %add3A_834 = arith.addi %add3A_833, %get3A_830 : vector<16xi32>
    %swap3A_835 = arith.constant 608 : index
    %swap3A_836 = tpu.vector_load %arg7[%swap3A_835] {strides = array<i32>} : memref<1024xi32, #tpu.memory_space<vmem>>, vector<16xi32>,
    tpu.vector_store %arg7[%swap3A_835], %add3A_834 {strides = array<i32>} : memref<1024xi32, #tpu.memory_space<vmem>>, vector<16xi32>,
    %get3A_837 = arith.constant 112 : index
    %get3A_838 = tpu.vector_load %arg5[%get3A_837] {strides = array<i32>} : memref<128xi32, #tpu.memory_space<vmem>>, vector<16xi32>,
    %add3A_839 = arith.constant 16384 : i32
    %add3A_840 = arith.addi %mul3A_524, %add3A_839 : i32
    %add3A_841 = vector.broadcast %add3A_840 : i32 to vector<16xi32>
    %add3A_842 = arith.addi %add3A_841, %get3A_838 : vector<16xi32>
    %swap3A_843 = arith.constant 624 : index
    %swap3A_844 = tpu.vector_load %arg7[%swap3A_843] {strides = array<i32>} : memref<1024xi32, #tpu.memory_space<vmem>>, vector<16xi32>,
    tpu.vector_store %arg7[%swap3A_843], %add3A_842 {strides = array<i32>} : memref<1024xi32, #tpu.memory_space<vmem>>, vector<16xi32>,
    %get3A_845 = arith.constant 0 : index
    %get3A_846 = tpu.vector_load %arg5[%get3A_845] {strides = array<i32>} : memref<128xi32, #tpu.memory_space<vmem>>, vector<16xi32>,
    %add3A_847 = arith.constant 20480 : i32
    %add3A_848 = arith.addi %mul3A_524, %add3A_847 : i32
    %add3A_849 = vector.broadcast %add3A_848 : i32 to vector<16xi32>
    %add3A_850 = arith.addi %add3A_849, %get3A_846 : vector<16xi32>
    %swap3A_851 = arith.constant 640 : index
    %swap3A_852 = tpu.vector_load %arg7[%swap3A_851] {strides = array<i32>} : memref<1024xi32, #tpu.memory_space<vmem>>, vector<16xi32>,
    tpu.vector_store %arg7[%swap3A_851], %add3A_850 {strides = array<i32>} : memref<1024xi32, #tpu.memory_space<vmem>>, vector<16xi32>,
    %get3A_853 = arith.constant 16 : index
    %get3A_854 = tpu.vector_load %arg5[%get3A_853] {strides = array<i32>} : memref<128xi32, #tpu.memory_space<vmem>>, vector<16xi32>,
    %add3A_855 = arith.constant 20480 : i32
    %add3A_856 = arith.addi %mul3A_524, %add3A_855 : i32
    %add3A_857 = vector.broadcast %add3A_856 : i32 to vector<16xi32>
    %add3A_858 = arith.addi %add3A_857, %get3A_854 : vector<16xi32>
    %swap3A_859 = arith.constant 656 : index
    %swap3A_860 = tpu.vector_load %arg7[%swap3A_859] {strides = array<i32>} : memref<1024xi32, #tpu.memory_space<vmem>>, vector<16xi32>,
    tpu.vector_store %arg7[%swap3A_859], %add3A_858 {strides = array<i32>} : memref<1024xi32, #tpu.memory_space<vmem>>, vector<16xi32>,
    %get3A_861 = arith.constant 32 : index
    %get3A_862 = tpu.vector_load %arg5[%get3A_861] {strides = array<i32>} : memref<128xi32, #tpu.memory_space<vmem>>, vector<16xi32>,
    %add3A_863 = arith.constant 20480 : i32
    %add3A_864 = arith.addi %mul3A_524, %add3A_863 : i32
    %add3A_865 = vector.broadcast %add3A_864 : i32 to vector<16xi32>
    %add3A_866 = arith.addi %add3A_865, %get3A_862 : vector<16xi32>
    %swap3A_867 = arith.constant 672 : index
    %swap3A_868 = tpu.vector_load %arg7[%swap3A_867] {strides = array<i32>} : memref<1024xi32, #tpu.memory_space<vmem>>, vector<16xi32>,
    tpu.vector_store %arg7[%swap3A_867], %add3A_866 {strides = array<i32>} : memref<1024xi32, #tpu.memory_space<vmem>>, vector<16xi32>,
    %get3A_869 = arith.constant 48 : index
    %get3A_870 = tpu.vector_load %arg5[%get3A_869] {strides = array<i32>} : memref<128xi32, #tpu.memory_space<vmem>>, vector<16xi32>,
    %add3A_871 = arith.constant 20480 : i32
    %add3A_872 = arith.addi %mul3A_524, %add3A_871 : i32
    %add3A_873 = vector.broadcast %add3A_872 : i32 to vector<16xi32>
    %add3A_874 = arith.addi %add3A_873, %get3A_870 : vector<16xi32>
    %swap3A_875 = arith.constant 688 : index
    %swap3A_876 = tpu.vector_load %arg7[%swap3A_875] {strides = array<i32>} : memref<1024xi32, #tpu.memory_space<vmem>>, vector<16xi32>,
    tpu.vector_store %arg7[%swap3A_875], %add3A_874 {strides = array<i32>} : memref<1024xi32, #tpu.memory_space<vmem>>, vector<16xi32>,
    %get3A_877 = arith.constant 64 : index
    %get3A_878 = tpu.vector_load %arg5[%get3A_877] {strides = array<i32>} : memref<128xi32, #tpu.memory_space<vmem>>, vector<16xi32>,
    %add3A_879 = arith.constant 20480 : i32
    %add3A_880 = arith.addi %mul3A_524, %add3A_879 : i32
    %add3A_881 = vector.broadcast %add3A_880 : i32 to vector<16xi32>
    %add3A_882 = arith.addi %add3A_881, %get3A_878 : vector<16xi32>
    %swap3A_883 = arith.constant 704 : index
    %swap3A_884 = tpu.vector_load %arg7[%swap3A_883] {strides = array<i32>} : memref<1024xi32, #tpu.memory_space<vmem>>, vector<16xi32>,
    tpu.vector_store %arg7[%swap3A_883], %add3A_882 {strides = array<i32>} : memref<1024xi32, #tpu.memory_space<vmem>>, vector<16xi32>,
    %get3A_885 = arith.constant 80 : index
    %get3A_886 = tpu.vector_load %arg5[%get3A_885] {strides = array<i32>} : memref<128xi32, #tpu.memory_space<vmem>>, vector<16xi32>,
    %add3A_887 = arith.constant 20480 : i32
    %add3A_888 = arith.addi %mul3A_524, %add3A_887 : i32
    %add3A_889 = vector.broadcast %add3A_888 : i32 to vector<16xi32>
    %add3A_890 = arith.addi %add3A_889, %get3A_886 : vector<16xi32>
    %swap3A_891 = arith.constant 720 : index
    %swap3A_892 = tpu.vector_load %arg7[%swap3A_891] {strides = array<i32>} : memref<1024xi32, #tpu.memory_space<vmem>>, vector<16xi32>,
    tpu.vector_store %arg7[%swap3A_891], %add3A_890 {strides = array<i32>} : memref<1024xi32, #tpu.memory_space<vmem>>, vector<16xi32>,
    %get3A_893 = arith.constant 96 : index
    %get3A_894 = tpu.vector_load %arg5[%get3A_893] {strides = array<i32>} : memref<128xi32, #tpu.memory_space<vmem>>, vector<16xi32>,
    %add3A_895 = arith.constant 20480 : i32
    %add3A_896 = arith.addi %mul3A_524, %add3A_895 : i32
    %add3A_897 = vector.broadcast %add3A_896 : i32 to vector<16xi32>
    %add3A_898 = arith.addi %add3A_897, %get3A_894 : vector<16xi32>
    %swap3A_899 = arith.constant 736 : index
    %swap3A_900 = tpu.vector_load %arg7[%swap3A_899] {strides = array<i32>} : memref<1024xi32, #tpu.memory_space<vmem>>, vector<16xi32>,
    tpu.vector_store %arg7[%swap3A_899], %add3A_898 {strides = array<i32>} : memref<1024xi32, #tpu.memory_space<vmem>>, vector<16xi32>,
    %get3A_901 = arith.constant 112 : index
    %get3A_902 = tpu.vector_load %arg5[%get3A_901] {strides = array<i32>} : memref<128xi32, #tpu.memory_space<vmem>>, vector<16xi32>,
    %add3A_903 = arith.constant 20480 : i32
    %add3A_904 = arith.addi %mul3A_524, %add3A_903 : i32
    %add3A_905 = vector.broadcast %add3A_904 : i32 to vector<16xi32>
    %add3A_906 = arith.addi %add3A_905, %get3A_902 : vector<16xi32>
    %swap3A_907 = arith.constant 752 : index
    %swap3A_908 = tpu.vector_load %arg7[%swap3A_907] {strides = array<i32>} : memref<1024xi32, #tpu.memory_space<vmem>>, vector<16xi32>,
    tpu.vector_store %arg7[%swap3A_907], %add3A_906 {strides = array<i32>} : memref<1024xi32, #tpu.memory_space<vmem>>, vector<16xi32>,
    %get3A_909 = arith.constant 0 : index
    %get3A_910 = tpu.vector_load %arg5[%get3A_909] {strides = array<i32>} : memref<128xi32, #tpu.memory_space<vmem>>, vector<16xi32>,
    %add3A_911 = arith.constant 24576 : i32
    %add3A_912 = arith.addi %mul3A_524, %add3A_911 : i32
    %add3A_913 = vector.broadcast %add3A_912 : i32 to vector<16xi32>
    %add3A_914 = arith.addi %add3A_913, %get3A_910 : vector<16xi32>
    %swap3A_915 = arith.constant 768 : index
    %swap3A_916 = tpu.vector_load %arg7[%swap3A_915] {strides = array<i32>} : memref<1024xi32, #tpu.memory_space<vmem>>, vector<16xi32>,
    tpu.vector_store %arg7[%swap3A_915], %add3A_914 {strides = array<i32>} : memref<1024xi32, #tpu.memory_space<vmem>>, vector<16xi32>,
    %get3A_917 = arith.constant 16 : index
    %get3A_918 = tpu.vector_load %arg5[%get3A_917] {strides = array<i32>} : memref<128xi32, #tpu.memory_space<vmem>>, vector<16xi32>,
    %add3A_919 = arith.constant 24576 : i32
    %add3A_920 = arith.addi %mul3A_524, %add3A_919 : i32
    %add3A_921 = vector.broadcast %add3A_920 : i32 to vector<16xi32>
    %add3A_922 = arith.addi %add3A_921, %get3A_918 : vector<16xi32>
    %swap3A_923 = arith.constant 784 : index
    %swap3A_924 = tpu.vector_load %arg7[%swap3A_923] {strides = array<i32>} : memref<1024xi32, #tpu.memory_space<vmem>>, vector<16xi32>,
    tpu.vector_store %arg7[%swap3A_923], %add3A_922 {strides = array<i32>} : memref<1024xi32, #tpu.memory_space<vmem>>, vector<16xi32>,
    %get3A_925 = arith.constant 32 : index
    %get3A_926 = tpu.vector_load %arg5[%get3A_925] {strides = array<i32>} : memref<128xi32, #tpu.memory_space<vmem>>, vector<16xi32>,
    %add3A_927 = arith.constant 24576 : i32
    %add3A_928 = arith.addi %mul3A_524, %add3A_927 : i32
    %add3A_929 = vector.broadcast %add3A_928 : i32 to vector<16xi32>
    %add3A_930 = arith.addi %add3A_929, %get3A_926 : vector<16xi32>
    %swap3A_931 = arith.constant 800 : index
    %swap3A_932 = tpu.vector_load %arg7[%swap3A_931] {strides = array<i32>} : memref<1024xi32, #tpu.memory_space<vmem>>, vector<16xi32>,
    tpu.vector_store %arg7[%swap3A_931], %add3A_930 {strides = array<i32>} : memref<1024xi32, #tpu.memory_space<vmem>>, vector<16xi32>,
    %get3A_933 = arith.constant 48 : index
    %get3A_934 = tpu.vector_load %arg5[%get3A_933] {strides = array<i32>} : memref<128xi32, #tpu.memory_space<vmem>>, vector<16xi32>,
    %add3A_935 = arith.constant 24576 : i32
    %add3A_936 = arith.addi %mul3A_524, %add3A_935 : i32
    %add3A_937 = vector.broadcast %add3A_936 : i32 to vector<16xi32>
    %add3A_938 = arith.addi %add3A_937, %get3A_934 : vector<16xi32>
    %swap3A_939 = arith.constant 816 : index
    %swap3A_940 = tpu.vector_load %arg7[%swap3A_939] {strides = array<i32>} : memref<1024xi32, #tpu.memory_space<vmem>>, vector<16xi32>,
    tpu.vector_store %arg7[%swap3A_939], %add3A_938 {strides = array<i32>} : memref<1024xi32, #tpu.memory_space<vmem>>, vector<16xi32>,
    %get3A_941 = arith.constant 64 : index
    %get3A_942 = tpu.vector_load %arg5[%get3A_941] {strides = array<i32>} : memref<128xi32, #tpu.memory_space<vmem>>, vector<16xi32>,
    %add3A_943 = arith.constant 24576 : i32
    %add3A_944 = arith.addi %mul3A_524, %add3A_943 : i32
    %add3A_945 = vector.broadcast %add3A_944 : i32 to vector<16xi32>
    %add3A_946 = arith.addi %add3A_945, %get3A_942 : vector<16xi32>
    %swap3A_947 = arith.constant 832 : index
    %swap3A_948 = tpu.vector_load %arg7[%swap3A_947] {strides = array<i32>} : memref<1024xi32, #tpu.memory_space<vmem>>, vector<16xi32>,
    tpu.vector_store %arg7[%swap3A_947], %add3A_946 {strides = array<i32>} : memref<1024xi32, #tpu.memory_space<vmem>>, vector<16xi32>,
    %get3A_949 = arith.constant 80 : index
    %get3A_950 = tpu.vector_load %arg5[%get3A_949] {strides = array<i32>} : memref<128xi32, #tpu.memory_space<vmem>>, vector<16xi32>,
    %add3A_951 = arith.constant 24576 : i32
    %add3A_952 = arith.addi %mul3A_524, %add3A_951 : i32
    %add3A_953 = vector.broadcast %add3A_952 : i32 to vector<16xi32>
    %add3A_954 = arith.addi %add3A_953, %get3A_950 : vector<16xi32>
    %swap3A_955 = arith.constant 848 : index
    %swap3A_956 = tpu.vector_load %arg7[%swap3A_955] {strides = array<i32>} : memref<1024xi32, #tpu.memory_space<vmem>>, vector<16xi32>,
    tpu.vector_store %arg7[%swap3A_955], %add3A_954 {strides = array<i32>} : memref<1024xi32, #tpu.memory_space<vmem>>, vector<16xi32>,
    %get3A_957 = arith.constant 96 : index
    %get3A_958 = tpu.vector_load %arg5[%get3A_957] {strides = array<i32>} : memref<128xi32, #tpu.memory_space<vmem>>, vector<16xi32>,
    %add3A_959 = arith.constant 24576 : i32
    %add3A_960 = arith.addi %mul3A_524, %add3A_959 : i32
    %add3A_961 = vector.broadcast %add3A_960 : i32 to vector<16xi32>
    %add3A_962 = arith.addi %add3A_961, %get3A_958 : vector<16xi32>
    %swap3A_963 = arith.constant 864 : index
    %swap3A_964 = tpu.vector_load %arg7[%swap3A_963] {strides = array<i32>} : memref<1024xi32, #tpu.memory_space<vmem>>, vector<16xi32>,
    tpu.vector_store %arg7[%swap3A_963], %add3A_962 {strides = array<i32>} : memref<1024xi32, #tpu.memory_space<vmem>>, vector<16xi32>,
    %get3A_965 = arith.constant 112 : index
    %get3A_966 = tpu.vector_load %arg5[%get3A_965] {strides = array<i32>} : memref<128xi32, #tpu.memory_space<vmem>>, vector<16xi32>,
    %add3A_967 = arith.constant 24576 : i32
    %add3A_968 = arith.addi %mul3A_524, %add3A_967 : i32
    %add3A_969 = vector.broadcast %add3A_968 : i32 to vector<16xi32>
    %add3A_970 = arith.addi %add3A_969, %get3A_966 : vector<16xi32>
    %swap3A_971 = arith.constant 880 : index
    %swap3A_972 = tpu.vector_load %arg7[%swap3A_971] {strides = array<i32>} : memref<1024xi32, #tpu.memory_space<vmem>>, vector<16xi32>,
    tpu.vector_store %arg7[%swap3A_971], %add3A_970 {strides = array<i32>} : memref<1024xi32, #tpu.memory_space<vmem>>, vector<16xi32>,
    %get3A_973 = arith.constant 0 : index
    %get3A_974 = tpu.vector_load %arg5[%get3A_973] {strides = array<i32>} : memref<128xi32, #tpu.memory_space<vmem>>, vector<16xi32>,
    %add3A_975 = arith.constant 28672 : i32
    %add3A_976 = arith.addi %mul3A_524, %add3A_975 : i32
    %add3A_977 = vector.broadcast %add3A_976 : i32 to vector<16xi32>
    %add3A_978 = arith.addi %add3A_977, %get3A_974 : vector<16xi32>
    %swap3A_979 = arith.constant 896 : index
    %swap3A_980 = tpu.vector_load %arg7[%swap3A_979] {strides = array<i32>} : memref<1024xi32, #tpu.memory_space<vmem>>, vector<16xi32>,
    tpu.vector_store %arg7[%swap3A_979], %add3A_978 {strides = array<i32>} : memref<1024xi32, #tpu.memory_space<vmem>>, vector<16xi32>,
    %get3A_981 = arith.constant 16 : index
    %get3A_982 = tpu.vector_load %arg5[%get3A_981] {strides = array<i32>} : memref<128xi32, #tpu.memory_space<vmem>>, vector<16xi32>,
    %add3A_983 = arith.constant 28672 : i32
    %add3A_984 = arith.addi %mul3A_524, %add3A_983 : i32
    %add3A_985 = vector.broadcast %add3A_984 : i32 to vector<16xi32>
    %add3A_986 = arith.addi %add3A_985, %get3A_982 : vector<16xi32>
    %swap3A_987 = arith.constant 912 : index
    %swap3A_988 = tpu.vector_load %arg7[%swap3A_987] {strides = array<i32>} : memref<1024xi32, #tpu.memory_space<vmem>>, vector<16xi32>,
    tpu.vector_store %arg7[%swap3A_987], %add3A_986 {strides = array<i32>} : memref<1024xi32, #tpu.memory_space<vmem>>, vector<16xi32>,
    %get3A_989 = arith.constant 32 : index
    %get3A_990 = tpu.vector_load %arg5[%get3A_989] {strides = array<i32>} : memref<128xi32, #tpu.memory_space<vmem>>, vector<16xi32>,
    %add3A_991 = arith.constant 28672 : i32
    %add3A_992 = arith.addi %mul3A_524, %add3A_991 : i32
    %add3A_993 = vector.broadcast %add3A_992 : i32 to vector<16xi32>
    %add3A_994 = arith.addi %add3A_993, %get3A_990 : vector<16xi32>
    %swap3A_995 = arith.constant 928 : index
    %swap3A_996 = tpu.vector_load %arg7[%swap3A_995] {strides = array<i32>} : memref<1024xi32, #tpu.memory_space<vmem>>, vector<16xi32>,
    tpu.vector_store %arg7[%swap3A_995], %add3A_994 {strides = array<i32>} : memref<1024xi32, #tpu.memory_space<vmem>>, vector<16xi32>,
    %get3A_997 = arith.constant 48 : index
    %get3A_998 = tpu.vector_load %arg5[%get3A_997] {strides = array<i32>} : memref<128xi32, #tpu.memory_space<vmem>>, vector<16xi32>,
    %add3A_999 = arith.constant 28672 : i32
    %add3A_1000 = arith.addi %mul3A_524, %add3A_999 : i32
    %add3A_1001 = vector.broadcast %add3A_1000 : i32 to vector<16xi32>
    %add3A_1002 = arith.addi %add3A_1001, %get3A_998 : vector<16xi32>
    %swap3A_1003 = arith.constant 944 : index
    %swap3A_1004 = tpu.vector_load %arg7[%swap3A_1003] {strides = array<i32>} : memref<1024xi32, #tpu.memory_space<vmem>>, vector<16xi32>,
    tpu.vector_store %arg7[%swap3A_1003], %add3A_1002 {strides = array<i32>} : memref<1024xi32, #tpu.memory_space<vmem>>, vector<16xi32>,
    %get3A_1005 = arith.constant 64 : index
    %get3A_1006 = tpu.vector_load %arg5[%get3A_1005] {strides = array<i32>} : memref<128xi32, #tpu.memory_space<vmem>>, vector<16xi32>,
    %add3A_1007 = arith.constant 28672 : i32
    %add3A_1008 = arith.addi %mul3A_524, %add3A_1007 : i32
    %add3A_1009 = vector.broadcast %add3A_1008 : i32 to vector<16xi32>
    %add3A_1010 = arith.addi %add3A_1009, %get3A_1006 : vector<16xi32>
    %swap3A_1011 = arith.constant 960 : index
    %swap3A_1012 = tpu.vector_load %arg7[%swap3A_1011] {strides = array<i32>} : memref<1024xi32, #tpu.memory_space<vmem>>, vector<16xi32>,
    tpu.vector_store %arg7[%swap3A_1011], %add3A_1010 {strides = array<i32>} : memref<1024xi32, #tpu.memory_space<vmem>>, vector<16xi32>,
    %get3A_1013 = arith.constant 80 : index
    %get3A_1014 = tpu.vector_load %arg5[%get3A_1013] {strides = array<i32>} : memref<128xi32, #tpu.memory_space<vmem>>, vector<16xi32>,
    %add3A_1015 = arith.constant 28672 : i32
    %add3A_1016 = arith.addi %mul3A_524, %add3A_1015 : i32
    %add3A_1017 = vector.broadcast %add3A_1016 : i32 to vector<16xi32>
    %add3A_1018 = arith.addi %add3A_1017, %get3A_1014 : vector<16xi32>
    %swap3A_1019 = arith.constant 976 : index
    %swap3A_1020 = tpu.vector_load %arg7[%swap3A_1019] {strides = array<i32>} : memref<1024xi32, #tpu.memory_space<vmem>>, vector<16xi32>,
    tpu.vector_store %arg7[%swap3A_1019], %add3A_1018 {strides = array<i32>} : memref<1024xi32, #tpu.memory_space<vmem>>, vector<16xi32>,
    %get3A_1021 = arith.constant 96 : index
    %get3A_1022 = tpu.vector_load %arg5[%get3A_1021] {strides = array<i32>} : memref<128xi32, #tpu.memory_space<vmem>>, vector<16xi32>,
    %add3A_1023 = arith.constant 28672 : i32
    %add3A_1024 = arith.addi %mul3A_524, %add3A_1023 : i32
    %add3A_1025 = vector.broadcast %add3A_1024 : i32 to vector<16xi32>
    %add3A_1026 = arith.addi %add3A_1025, %get3A_1022 : vector<16xi32>
    %swap3A_1027 = arith.constant 992 : index
    %swap3A_1028 = tpu.vector_load %arg7[%swap3A_1027] {strides = array<i32>} : memref<1024xi32, #tpu.memory_space<vmem>>, vector<16xi32>,
    tpu.vector_store %arg7[%swap3A_1027], %add3A_1026 {strides = array<i32>} : memref<1024xi32, #tpu.memory_space<vmem>>, vector<16xi32>,
    %get3A_1029 = arith.constant 112 : index
    %get3A_1030 = tpu.vector_load %arg5[%get3A_1029] {strides = array<i32>} : memref<128xi32, #tpu.memory_space<vmem>>, vector<16xi32>,
    %add3A_1031 = arith.constant 28672 : i32
    %add3A_1032 = arith.addi %mul3A_524, %add3A_1031 : i32
    %add3A_1033 = vector.broadcast %add3A_1032 : i32 to vector<16xi32>
    %add3A_1034 = arith.addi %add3A_1033, %get3A_1030 : vector<16xi32>
    %swap3A_1035 = arith.constant 1008 : index
    %swap3A_1036 = tpu.vector_load %arg7[%swap3A_1035] {strides = array<i32>} : memref<1024xi32, #tpu.memory_space<vmem>>, vector<16xi32>,
    tpu.vector_store %arg7[%swap3A_1035], %add3A_1034 {strides = array<i32>} : memref<1024xi32, #tpu.memory_space<vmem>>, vector<16xi32>,
    %mul3A_1037 = arith.constant 2 : i32
    %mul3A_1038 = arith.muli %arg1, %mul3A_1037 : i32
    %add3A_1039 = arith.constant 0 : i32
    %add3A_1040 = arith.addi %mul3A_1038, %add3A_1039 : i32
    %mul3A_1041 = arith.constant 32768 : i32
    %mul3A_1042 = arith.muli %add3A_1040, %mul3A_1041 : i32
    %add3A_1043 = arith.constant 0 : i32
    %add3A_1044 = arith.addi %mul3A_2, %add3A_1043 : i32
    %add3A_1045 = arith.constant 0 : i32
    %add3A_1046 = arith.addi %add3A_1044, %add3A_1045 : i32
    %add3A_1047 = arith.constant 0 : i32
    %add3A_1048 = arith.addi %mul3A_1042, %add3A_1047 : i32
    %dma_start3A = tpu.memref_slice %arg15[%add3A_1048] : memref<1048576xf32, #tpu.memory_space<vmem_shared>> -> memref<4096xf32, #tpu.memory_space<vmem_shared>>
    %dma_start3A_1049 = arith.constant 0 : i32
    %dma_start3A_1050 = tpu.memref_slice %arg2[%add3A_1046, %dma_start3A_1049] : memref<16384x4096xf32, #tpu.memory_space<hbm>> -> memref<1x4096xf32, #tpu.memory_space<hbm>>
    %dma_start3A_1051 = tpu.memref_squeeze %dma_start3A_1050 : memref<1x4096xf32, #tpu.memory_space<hbm>> -> memref<4096xf32, #tpu.memory_space<hbm>>
    tpu.enqueue_dma source(%dma_start3A_1051 : memref<4096xf32, #tpu.memory_space<hbm>>) target(%dma_start3A : memref<4096xf32, #tpu.memory_space<vmem_shared>>) target_semaphore(%arg9 : memref<!tpu.dma_semaphore, #tpu.memory_space<semaphore_mem>>)
    %add3A_1052 = arith.constant 1 : i32
    %add3A_1053 = arith.addi %add3A_1044, %add3A_1052 : i32
    %add3A_1054 = arith.constant 4096 : i32
    %add3A_1055 = arith.addi %mul3A_1042, %add3A_1054 : i32
    %dma_start3A_1056 = tpu.memref_slice %arg15[%add3A_1055] : memref<1048576xf32, #tpu.memory_space<vmem_shared>> -> memref<4096xf32, #tpu.memory_space<vmem_shared>>
    %dma_start3A_1057 = arith.constant 0 : i32
    %dma_start3A_1058 = tpu.memref_slice %arg2[%add3A_1053, %dma_start3A_1057] : memref<16384x4096xf32, #tpu.memory_space<hbm>> -> memref<1x4096xf32, #tpu.memory_space<hbm>>
    %dma_start3A_1059 = tpu.memref_squeeze %dma_start3A_1058 : memref<1x4096xf32, #tpu.memory_space<hbm>> -> memref<4096xf32, #tpu.memory_space<hbm>>
    tpu.enqueue_dma source(%dma_start3A_1059 : memref<4096xf32, #tpu.memory_space<hbm>>) target(%dma_start3A_1056 : memref<4096xf32, #tpu.memory_space<vmem_shared>>) target_semaphore(%arg9 : memref<!tpu.dma_semaphore, #tpu.memory_space<semaphore_mem>>)
    %add3A_1060 = arith.constant 2 : i32
    %add3A_1061 = arith.addi %add3A_1044, %add3A_1060 : i32
    %add3A_1062 = arith.constant 8192 : i32
    %add3A_1063 = arith.addi %mul3A_1042, %add3A_1062 : i32
    %dma_start3A_1064 = tpu.memref_slice %arg15[%add3A_1063] : memref<1048576xf32, #tpu.memory_space<vmem_shared>> -> memref<4096xf32, #tpu.memory_space<vmem_shared>>
    %dma_start3A_1065 = arith.constant 0 : i32
    %dma_start3A_1066 = tpu.memref_slice %arg2[%add3A_1061, %dma_start3A_1065] : memref<16384x4096xf32, #tpu.memory_space<hbm>> -> memref<1x4096xf32, #tpu.memory_space<hbm>>
    %dma_start3A_1067 = tpu.memref_squeeze %dma_start3A_1066 : memref<1x4096xf32, #tpu.memory_space<hbm>> -> memref<4096xf32, #tpu.memory_space<hbm>>
    tpu.enqueue_dma source(%dma_start3A_1067 : memref<4096xf32, #tpu.memory_space<hbm>>) target(%dma_start3A_1064 : memref<4096xf32, #tpu.memory_space<vmem_shared>>) target_semaphore(%arg9 : memref<!tpu.dma_semaphore, #tpu.memory_space<semaphore_mem>>)
    %add3A_1068 = arith.constant 3 : i32
    %add3A_1069 = arith.addi %add3A_1044, %add3A_1068 : i32
    %add3A_1070 = arith.constant 12288 : i32
    %add3A_1071 = arith.addi %mul3A_1042, %add3A_1070 : i32
    %dma_start3A_1072 = tpu.memref_slice %arg15[%add3A_1071] : memref<1048576xf32, #tpu.memory_space<vmem_shared>> -> memref<4096xf32, #tpu.memory_space<vmem_shared>>
    %dma_start3A_1073 = arith.constant 0 : i32
    %dma_start3A_1074 = tpu.memref_slice %arg2[%add3A_1069, %dma_start3A_1073] : memref<16384x4096xf32, #tpu.memory_space<hbm>> -> memref<1x4096xf32, #tpu.memory_space<hbm>>
    %dma_start3A_1075 = tpu.memref_squeeze %dma_start3A_1074 : memref<1x4096xf32, #tpu.memory_space<hbm>> -> memref<4096xf32, #tpu.memory_space<hbm>>
    tpu.enqueue_dma source(%dma_start3A_1075 : memref<4096xf32, #tpu.memory_space<hbm>>) target(%dma_start3A_1072 : memref<4096xf32, #tpu.memory_space<vmem_shared>>) target_semaphore(%arg9 : memref<!tpu.dma_semaphore, #tpu.memory_space<semaphore_mem>>)
    %add3A_1076 = arith.constant 4 : i32
    %add3A_1077 = arith.addi %add3A_1044, %add3A_1076 : i32
    %add3A_1078 = arith.constant 16384 : i32
    %add3A_1079 = arith.addi %mul3A_1042, %add3A_1078 : i32
    %dma_start3A_1080 = tpu.memref_slice %arg15[%add3A_1079] : memref<1048576xf32, #tpu.memory_space<vmem_shared>> -> memref<4096xf32, #tpu.memory_space<vmem_shared>>
    %dma_start3A_1081 = arith.constant 0 : i32
    %dma_start3A_1082 = tpu.memref_slice %arg2[%add3A_1077, %dma_start3A_1081] : memref<16384x4096xf32, #tpu.memory_space<hbm>> -> memref<1x4096xf32, #tpu.memory_space<hbm>>
    %dma_start3A_1083 = tpu.memref_squeeze %dma_start3A_1082 : memref<1x4096xf32, #tpu.memory_space<hbm>> -> memref<4096xf32, #tpu.memory_space<hbm>>
    tpu.enqueue_dma source(%dma_start3A_1083 : memref<4096xf32, #tpu.memory_space<hbm>>) target(%dma_start3A_1080 : memref<4096xf32, #tpu.memory_space<vmem_shared>>) target_semaphore(%arg9 : memref<!tpu.dma_semaphore, #tpu.memory_space<semaphore_mem>>)
    %add3A_1084 = arith.constant 5 : i32
    %add3A_1085 = arith.addi %add3A_1044, %add3A_1084 : i32
    %add3A_1086 = arith.constant 20480 : i32
    %add3A_1087 = arith.addi %mul3A_1042, %add3A_1086 : i32
    %dma_start3A_1088 = tpu.memref_slice %arg15[%add3A_1087] : memref<1048576xf32, #tpu.memory_space<vmem_shared>> -> memref<4096xf32, #tpu.memory_space<vmem_shared>>
    %dma_start3A_1089 = arith.constant 0 : i32
    %dma_start3A_1090 = tpu.memref_slice %arg2[%add3A_1085, %dma_start3A_1089] : memref<16384x4096xf32, #tpu.memory_space<hbm>> -> memref<1x4096xf32, #tpu.memory_space<hbm>>
    %dma_start3A_1091 = tpu.memref_squeeze %dma_start3A_1090 : memref<1x4096xf32, #tpu.memory_space<hbm>> -> memref<4096xf32, #tpu.memory_space<hbm>>
    tpu.enqueue_dma source(%dma_start3A_1091 : memref<4096xf32, #tpu.memory_space<hbm>>) target(%dma_start3A_1088 : memref<4096xf32, #tpu.memory_space<vmem_shared>>) target_semaphore(%arg9 : memref<!tpu.dma_semaphore, #tpu.memory_space<semaphore_mem>>)
    %add3A_1092 = arith.constant 6 : i32
    %add3A_1093 = arith.addi %add3A_1044, %add3A_1092 : i32
    %add3A_1094 = arith.constant 24576 : i32
    %add3A_1095 = arith.addi %mul3A_1042, %add3A_1094 : i32
    %dma_start3A_1096 = tpu.memref_slice %arg15[%add3A_1095] : memref<1048576xf32, #tpu.memory_space<vmem_shared>> -> memref<4096xf32, #tpu.memory_space<vmem_shared>>
    %dma_start3A_1097 = arith.constant 0 : i32
    %dma_start3A_1098 = tpu.memref_slice %arg2[%add3A_1093, %dma_start3A_1097] : memref<16384x4096xf32, #tpu.memory_space<hbm>> -> memref<1x4096xf32, #tpu.memory_space<hbm>>
    %dma_start3A_1099 = tpu.memref_squeeze %dma_start3A_1098 : memref<1x4096xf32, #tpu.memory_space<hbm>> -> memref<4096xf32, #tpu.memory_space<hbm>>
    tpu.enqueue_dma source(%dma_start3A_1099 : memref<4096xf32, #tpu.memory_space<hbm>>) target(%dma_start3A_1096 : memref<4096xf32, #tpu.memory_space<vmem_shared>>) target_semaphore(%arg9 : memref<!tpu.dma_semaphore, #tpu.memory_space<semaphore_mem>>)
    %add3A_1100 = arith.constant 7 : i32
    %add3A_1101 = arith.addi %add3A_1044, %add3A_1100 : i32
    %add3A_1102 = arith.constant 28672 : i32
    %add3A_1103 = arith.addi %mul3A_1042, %add3A_1102 : i32
    %dma_start3A_1104 = tpu.memref_slice %arg15[%add3A_1103] : memref<1048576xf32, #tpu.memory_space<vmem_shared>> -> memref<4096xf32, #tpu.memory_space<vmem_shared>>
    %dma_start3A_1105 = arith.constant 0 : i32
    %dma_start3A_1106 = tpu.memref_slice %arg2[%add3A_1101, %dma_start3A_1105] : memref<16384x4096xf32, #tpu.memory_space<hbm>> -> memref<1x4096xf32, #tpu.memory_space<hbm>>
    %dma_start3A_1107 = tpu.memref_squeeze %dma_start3A_1106 : memref<1x4096xf32, #tpu.memory_space<hbm>> -> memref<4096xf32, #tpu.memory_space<hbm>>
    tpu.enqueue_dma source(%dma_start3A_1107 : memref<4096xf32, #tpu.memory_space<hbm>>) target(%dma_start3A_1104 : memref<4096xf32, #tpu.memory_space<vmem_shared>>) target_semaphore(%arg9 : memref<!tpu.dma_semaphore, #tpu.memory_space<semaphore_mem>>)
    %mul3A_1108 = arith.constant 2 : i32
    %mul3A_1109 = arith.muli %arg1, %mul3A_1108 : i32
    %add3A_1110 = arith.constant 1 : i32
    %add3A_1111 = arith.addi %mul3A_1109, %add3A_1110 : i32
    %mul3A_1112 = arith.constant 32768 : i32
    %mul3A_1113 = arith.muli %add3A_1111, %mul3A_1112 : i32
    %add3A_1114 = arith.constant 8 : i32
    %add3A_1115 = arith.addi %mul3A_2, %add3A_1114 : i32
    %add3A_1116 = arith.constant 0 : i32
    %add3A_1117 = arith.addi %add3A_1115, %add3A_1116 : i32
    %add3A_1118 = arith.constant 0 : i32
    %add3A_1119 = arith.addi %mul3A_1113, %add3A_1118 : i32
    %dma_start3A_1120 = tpu.memref_slice %arg15[%add3A_1119] : memref<1048576xf32, #tpu.memory_space<vmem_shared>> -> memref<4096xf32, #tpu.memory_space<vmem_shared>>
    %dma_start3A_1121 = arith.constant 0 : i32
    %dma_start3A_1122 = tpu.memref_slice %arg2[%add3A_1117, %dma_start3A_1121] : memref<16384x4096xf32, #tpu.memory_space<hbm>> -> memref<1x4096xf32, #tpu.memory_space<hbm>>
    %dma_start3A_1123 = tpu.memref_squeeze %dma_start3A_1122 : memref<1x4096xf32, #tpu.memory_space<hbm>> -> memref<4096xf32, #tpu.memory_space<hbm>>
    tpu.enqueue_dma source(%dma_start3A_1123 : memref<4096xf32, #tpu.memory_space<hbm>>) target(%dma_start3A_1120 : memref<4096xf32, #tpu.memory_space<vmem_shared>>) target_semaphore(%arg10 : memref<!tpu.dma_semaphore, #tpu.memory_space<semaphore_mem>>)
    %add3A_1124 = arith.constant 1 : i32
    %add3A_1125 = arith.addi %add3A_1115, %add3A_1124 : i32
    %add3A_1126 = arith.constant 4096 : i32
    %add3A_1127 = arith.addi %mul3A_1113, %add3A_1126 : i32
    %dma_start3A_1128 = tpu.memref_slice %arg15[%add3A_1127] : memref<1048576xf32, #tpu.memory_space<vmem_shared>> -> memref<4096xf32, #tpu.memory_space<vmem_shared>>
    %dma_start3A_1129 = arith.constant 0 : i32
    %dma_start3A_1130 = tpu.memref_slice %arg2[%add3A_1125, %dma_start3A_1129] : memref<16384x4096xf32, #tpu.memory_space<hbm>> -> memref<1x4096xf32, #tpu.memory_space<hbm>>
    %dma_start3A_1131 = tpu.memref_squeeze %dma_start3A_1130 : memref<1x4096xf32, #tpu.memory_space<hbm>> -> memref<4096xf32, #tpu.memory_space<hbm>>
    tpu.enqueue_dma source(%dma_start3A_1131 : memref<4096xf32, #tpu.memory_space<hbm>>) target(%dma_start3A_1128 : memref<4096xf32, #tpu.memory_space<vmem_shared>>) target_semaphore(%arg10 : memref<!tpu.dma_semaphore, #tpu.memory_space<semaphore_mem>>)
    %add3A_1132 = arith.constant 2 : i32
    %add3A_1133 = arith.addi %add3A_1115, %add3A_1132 : i32
    %add3A_1134 = arith.constant 8192 : i32
    %add3A_1135 = arith.addi %mul3A_1113, %add3A_1134 : i32
    %dma_start3A_1136 = tpu.memref_slice %arg15[%add3A_1135] : memref<1048576xf32, #tpu.memory_space<vmem_shared>> -> memref<4096xf32, #tpu.memory_space<vmem_shared>>
    %dma_start3A_1137 = arith.constant 0 : i32
    %dma_start3A_1138 = tpu.memref_slice %arg2[%add3A_1133, %dma_start3A_1137] : memref<16384x4096xf32, #tpu.memory_space<hbm>> -> memref<1x4096xf32, #tpu.memory_space<hbm>>
    %dma_start3A_1139 = tpu.memref_squeeze %dma_start3A_1138 : memref<1x4096xf32, #tpu.memory_space<hbm>> -> memref<4096xf32, #tpu.memory_space<hbm>>
    tpu.enqueue_dma source(%dma_start3A_1139 : memref<4096xf32, #tpu.memory_space<hbm>>) target(%dma_start3A_1136 : memref<4096xf32, #tpu.memory_space<vmem_shared>>) target_semaphore(%arg10 : memref<!tpu.dma_semaphore, #tpu.memory_space<semaphore_mem>>)
    %add3A_1140 = arith.constant 3 : i32
    %add3A_1141 = arith.addi %add3A_1115, %add3A_1140 : i32
    %add3A_1142 = arith.constant 12288 : i32
    %add3A_1143 = arith.addi %mul3A_1113, %add3A_1142 : i32
    %dma_start3A_1144 = tpu.memref_slice %arg15[%add3A_1143] : memref<1048576xf32, #tpu.memory_space<vmem_shared>> -> memref<4096xf32, #tpu.memory_space<vmem_shared>>
    %dma_start3A_1145 = arith.constant 0 : i32
    %dma_start3A_1146 = tpu.memref_slice %arg2[%add3A_1141, %dma_start3A_1145] : memref<16384x4096xf32, #tpu.memory_space<hbm>> -> memref<1x4096xf32, #tpu.memory_space<hbm>>
    %dma_start3A_1147 = tpu.memref_squeeze %dma_start3A_1146 : memref<1x4096xf32, #tpu.memory_space<hbm>> -> memref<4096xf32, #tpu.memory_space<hbm>>
    tpu.enqueue_dma source(%dma_start3A_1147 : memref<4096xf32, #tpu.memory_space<hbm>>) target(%dma_start3A_1144 : memref<4096xf32, #tpu.memory_space<vmem_shared>>) target_semaphore(%arg10 : memref<!tpu.dma_semaphore, #tpu.memory_space<semaphore_mem>>)
    %add3A_1148 = arith.constant 4 : i32
    %add3A_1149 = arith.addi %add3A_1115, %add3A_1148 : i32
    %add3A_1150 = arith.constant 16384 : i32
    %add3A_1151 = arith.addi %mul3A_1113, %add3A_1150 : i32
    %dma_start3A_1152 = tpu.memref_slice %arg15[%add3A_1151] : memref<1048576xf32, #tpu.memory_space<vmem_shared>> -> memref<4096xf32, #tpu.memory_space<vmem_shared>>
    %dma_start3A_1153 = arith.constant 0 : i32
    %dma_start3A_1154 = tpu.memref_slice %arg2[%add3A_1149, %dma_start3A_1153] : memref<16384x4096xf32, #tpu.memory_space<hbm>> -> memref<1x4096xf32, #tpu.memory_space<hbm>>
    %dma_start3A_1155 = tpu.memref_squeeze %dma_start3A_1154 : memref<1x4096xf32, #tpu.memory_space<hbm>> -> memref<4096xf32, #tpu.memory_space<hbm>>
    tpu.enqueue_dma source(%dma_start3A_1155 : memref<4096xf32, #tpu.memory_space<hbm>>) target(%dma_start3A_1152 : memref<4096xf32, #tpu.memory_space<vmem_shared>>) target_semaphore(%arg10 : memref<!tpu.dma_semaphore, #tpu.memory_space<semaphore_mem>>)
    %add3A_1156 = arith.constant 5 : i32
    %add3A_1157 = arith.addi %add3A_1115, %add3A_1156 : i32
    %add3A_1158 = arith.constant 20480 : i32
    %add3A_1159 = arith.addi %mul3A_1113, %add3A_1158 : i32
    %dma_start3A_1160 = tpu.memref_slice %arg15[%add3A_1159] : memref<1048576xf32, #tpu.memory_space<vmem_shared>> -> memref<4096xf32, #tpu.memory_space<vmem_shared>>
    %dma_start3A_1161 = arith.constant 0 : i32
    %dma_start3A_1162 = tpu.memref_slice %arg2[%add3A_1157, %dma_start3A_1161] : memref<16384x4096xf32, #tpu.memory_space<hbm>> -> memref<1x4096xf32, #tpu.memory_space<hbm>>
    %dma_start3A_1163 = tpu.memref_squeeze %dma_start3A_1162 : memref<1x4096xf32, #tpu.memory_space<hbm>> -> memref<4096xf32, #tpu.memory_space<hbm>>
    tpu.enqueue_dma source(%dma_start3A_1163 : memref<4096xf32, #tpu.memory_space<hbm>>) target(%dma_start3A_1160 : memref<4096xf32, #tpu.memory_space<vmem_shared>>) target_semaphore(%arg10 : memref<!tpu.dma_semaphore, #tpu.memory_space<semaphore_mem>>)
    %add3A_1164 = arith.constant 6 : i32
    %add3A_1165 = arith.addi %add3A_1115, %add3A_1164 : i32
    %add3A_1166 = arith.constant 24576 : i32
    %add3A_1167 = arith.addi %mul3A_1113, %add3A_1166 : i32
    %dma_start3A_1168 = tpu.memref_slice %arg15[%add3A_1167] : memref<1048576xf32, #tpu.memory_space<vmem_shared>> -> memref<4096xf32, #tpu.memory_space<vmem_shared>>
    %dma_start3A_1169 = arith.constant 0 : i32
    %dma_start3A_1170 = tpu.memref_slice %arg2[%add3A_1165, %dma_start3A_1169] : memref<16384x4096xf32, #tpu.memory_space<hbm>> -> memref<1x4096xf32, #tpu.memory_space<hbm>>
    %dma_start3A_1171 = tpu.memref_squeeze %dma_start3A_1170 : memref<1x4096xf32, #tpu.memory_space<hbm>> -> memref<4096xf32, #tpu.memory_space<hbm>>
    tpu.enqueue_dma source(%dma_start3A_1171 : memref<4096xf32, #tpu.memory_space<hbm>>) target(%dma_start3A_1168 : memref<4096xf32, #tpu.memory_space<vmem_shared>>) target_semaphore(%arg10 : memref<!tpu.dma_semaphore, #tpu.memory_space<semaphore_mem>>)
    %add3A_1172 = arith.constant 7 : i32
    %add3A_1173 = arith.addi %add3A_1115, %add3A_1172 : i32
    %add3A_1174 = arith.constant 28672 : i32
    %add3A_1175 = arith.addi %mul3A_1113, %add3A_1174 : i32
    %dma_start3A_1176 = tpu.memref_slice %arg15[%add3A_1175] : memref<1048576xf32, #tpu.memory_space<vmem_shared>> -> memref<4096xf32, #tpu.memory_space<vmem_shared>>
    %dma_start3A_1177 = arith.constant 0 : i32
    %dma_start3A_1178 = tpu.memref_slice %arg2[%add3A_1173, %dma_start3A_1177] : memref<16384x4096xf32, #tpu.memory_space<hbm>> -> memref<1x4096xf32, #tpu.memory_space<hbm>>
    %dma_start3A_1179 = tpu.memref_squeeze %dma_start3A_1178 : memref<1x4096xf32, #tpu.memory_space<hbm>> -> memref<4096xf32, #tpu.memory_space<hbm>>
    tpu.enqueue_dma source(%dma_start3A_1179 : memref<4096xf32, #tpu.memory_space<hbm>>) target(%dma_start3A_1176 : memref<4096xf32, #tpu.memory_space<vmem_shared>>) target_semaphore(%arg10 : memref<!tpu.dma_semaphore, #tpu.memory_space<semaphore_mem>>)
    %mul3A_1180 = arith.constant 2 : i32
    %mul3A_1181 = arith.muli %arg1, %mul3A_1180 : i32
    %add3A_1182 = arith.constant 0 : i32
    %add3A_1183 = arith.addi %mul3A_1181, %add3A_1182 : i32
    %mul3A_1184 = arith.constant 32768 : i32
    %mul3A_1185 = arith.muli %add3A_1183, %mul3A_1184 : i32
    %add3A_1186 = arith.constant 0 : i32
    %add3A_1187 = arith.addi %mul3A_1185, %add3A_1186 : i32
    %dma_wait3A = arith.constant 0 : i32
    %dma_wait3A_1188 = tpu.memref_slice %arg15[%add3A_1187] : memref<1048576xf32, #tpu.memory_space<vmem_shared>> -> memref<4096xf32, #tpu.memory_space<vmem_shared>>
    %dma_wait3A_1189 = arith.constant 0 : i32
    %dma_wait3A_1190 = tpu.memref_slice %arg2[%dma_wait3A, %dma_wait3A_1189] : memref<16384x4096xf32, #tpu.memory_space<hbm>> -> memref<1x4096xf32, #tpu.memory_space<hbm>>
    %dma_wait3A_1191 = tpu.memref_squeeze %dma_wait3A_1190 : memref<1x4096xf32, #tpu.memory_space<hbm>> -> memref<4096xf32, #tpu.memory_space<hbm>>
    tpu.wait_dma2 semaphore(%arg9 : memref<!tpu.dma_semaphore, #tpu.memory_space<semaphore_mem>>) src(%dma_wait3A_1191 : memref<4096xf32, #tpu.memory_space<hbm>>) dst(%dma_wait3A_1188 : memref<4096xf32, #tpu.memory_space<vmem_shared>>)
    %add3A_1192 = arith.constant 4096 : i32
    %add3A_1193 = arith.addi %mul3A_1185, %add3A_1192 : i32
    %dma_wait3A_1194 = arith.constant 0 : i32
    %dma_wait3A_1195 = tpu.memref_slice %arg15[%add3A_1193] : memref<1048576xf32, #tpu.memory_space<vmem_shared>> -> memref<4096xf32, #tpu.memory_space<vmem_shared>>
    %dma_wait3A_1196 = arith.constant 0 : i32
    %dma_wait3A_1197 = tpu.memref_slice %arg2[%dma_wait3A_1194, %dma_wait3A_1196] : memref<16384x4096xf32, #tpu.memory_space<hbm>> -> memref<1x4096xf32, #tpu.memory_space<hbm>>
    %dma_wait3A_1198 = tpu.memref_squeeze %dma_wait3A_1197 : memref<1x4096xf32, #tpu.memory_space<hbm>> -> memref<4096xf32, #tpu.memory_space<hbm>>
    tpu.wait_dma2 semaphore(%arg9 : memref<!tpu.dma_semaphore, #tpu.memory_space<semaphore_mem>>) src(%dma_wait3A_1198 : memref<4096xf32, #tpu.memory_space<hbm>>) dst(%dma_wait3A_1195 : memref<4096xf32, #tpu.memory_space<vmem_shared>>)
    %add3A_1199 = arith.constant 8192 : i32
    %add3A_1200 = arith.addi %mul3A_1185, %add3A_1199 : i32
    %dma_wait3A_1201 = arith.constant 0 : i32
    %dma_wait3A_1202 = tpu.memref_slice %arg15[%add3A_1200] : memref<1048576xf32, #tpu.memory_space<vmem_shared>> -> memref<4096xf32, #tpu.memory_space<vmem_shared>>
    %dma_wait3A_1203 = arith.constant 0 : i32
    %dma_wait3A_1204 = tpu.memref_slice %arg2[%dma_wait3A_1201, %dma_wait3A_1203] : memref<16384x4096xf32, #tpu.memory_space<hbm>> -> memref<1x4096xf32, #tpu.memory_space<hbm>>
    %dma_wait3A_1205 = tpu.memref_squeeze %dma_wait3A_1204 : memref<1x4096xf32, #tpu.memory_space<hbm>> -> memref<4096xf32, #tpu.memory_space<hbm>>
    tpu.wait_dma2 semaphore(%arg9 : memref<!tpu.dma_semaphore, #tpu.memory_space<semaphore_mem>>) src(%dma_wait3A_1205 : memref<4096xf32, #tpu.memory_space<hbm>>) dst(%dma_wait3A_1202 : memref<4096xf32, #tpu.memory_space<vmem_shared>>)
    %add3A_1206 = arith.constant 12288 : i32
    %add3A_1207 = arith.addi %mul3A_1185, %add3A_1206 : i32
    %dma_wait3A_1208 = arith.constant 0 : i32
    %dma_wait3A_1209 = tpu.memref_slice %arg15[%add3A_1207] : memref<1048576xf32, #tpu.memory_space<vmem_shared>> -> memref<4096xf32, #tpu.memory_space<vmem_shared>>
    %dma_wait3A_1210 = arith.constant 0 : i32
    %dma_wait3A_1211 = tpu.memref_slice %arg2[%dma_wait3A_1208, %dma_wait3A_1210] : memref<16384x4096xf32, #tpu.memory_space<hbm>> -> memref<1x4096xf32, #tpu.memory_space<hbm>>
    %dma_wait3A_1212 = tpu.memref_squeeze %dma_wait3A_1211 : memref<1x4096xf32, #tpu.memory_space<hbm>> -> memref<4096xf32, #tpu.memory_space<hbm>>
    tpu.wait_dma2 semaphore(%arg9 : memref<!tpu.dma_semaphore, #tpu.memory_space<semaphore_mem>>) src(%dma_wait3A_1212 : memref<4096xf32, #tpu.memory_space<hbm>>) dst(%dma_wait3A_1209 : memref<4096xf32, #tpu.memory_space<vmem_shared>>)
    %add3A_1213 = arith.constant 16384 : i32
    %add3A_1214 = arith.addi %mul3A_1185, %add3A_1213 : i32
    %dma_wait3A_1215 = arith.constant 0 : i32
    %dma_wait3A_1216 = tpu.memref_slice %arg15[%add3A_1214] : memref<1048576xf32, #tpu.memory_space<vmem_shared>> -> memref<4096xf32, #tpu.memory_space<vmem_shared>>
    %dma_wait3A_1217 = arith.constant 0 : i32
    %dma_wait3A_1218 = tpu.memref_slice %arg2[%dma_wait3A_1215, %dma_wait3A_1217] : memref<16384x4096xf32, #tpu.memory_space<hbm>> -> memref<1x4096xf32, #tpu.memory_space<hbm>>
    %dma_wait3A_1219 = tpu.memref_squeeze %dma_wait3A_1218 : memref<1x4096xf32, #tpu.memory_space<hbm>> -> memref<4096xf32, #tpu.memory_space<hbm>>
    tpu.wait_dma2 semaphore(%arg9 : memref<!tpu.dma_semaphore, #tpu.memory_space<semaphore_mem>>) src(%dma_wait3A_1219 : memref<4096xf32, #tpu.memory_space<hbm>>) dst(%dma_wait3A_1216 : memref<4096xf32, #tpu.memory_space<vmem_shared>>)
    %add3A_1220 = arith.constant 20480 : i32
    %add3A_1221 = arith.addi %mul3A_1185, %add3A_1220 : i32
    %dma_wait3A_1222 = arith.constant 0 : i32
    %dma_wait3A_1223 = tpu.memref_slice %arg15[%add3A_1221] : memref<1048576xf32, #tpu.memory_space<vmem_shared>> -> memref<4096xf32, #tpu.memory_space<vmem_shared>>
    %dma_wait3A_1224 = arith.constant 0 : i32
    %dma_wait3A_1225 = tpu.memref_slice %arg2[%dma_wait3A_1222, %dma_wait3A_1224] : memref<16384x4096xf32, #tpu.memory_space<hbm>> -> memref<1x4096xf32, #tpu.memory_space<hbm>>
    %dma_wait3A_1226 = tpu.memref_squeeze %dma_wait3A_1225 : memref<1x4096xf32, #tpu.memory_space<hbm>> -> memref<4096xf32, #tpu.memory_space<hbm>>
    tpu.wait_dma2 semaphore(%arg9 : memref<!tpu.dma_semaphore, #tpu.memory_space<semaphore_mem>>) src(%dma_wait3A_1226 : memref<4096xf32, #tpu.memory_space<hbm>>) dst(%dma_wait3A_1223 : memref<4096xf32, #tpu.memory_space<vmem_shared>>)
    %add3A_1227 = arith.constant 24576 : i32
    %add3A_1228 = arith.addi %mul3A_1185, %add3A_1227 : i32
    %dma_wait3A_1229 = arith.constant 0 : i32
    %dma_wait3A_1230 = tpu.memref_slice %arg15[%add3A_1228] : memref<1048576xf32, #tpu.memory_space<vmem_shared>> -> memref<4096xf32, #tpu.memory_space<vmem_shared>>
    %dma_wait3A_1231 = arith.constant 0 : i32
    %dma_wait3A_1232 = tpu.memref_slice %arg2[%dma_wait3A_1229, %dma_wait3A_1231] : memref<16384x4096xf32, #tpu.memory_space<hbm>> -> memref<1x4096xf32, #tpu.memory_space<hbm>>
    %dma_wait3A_1233 = tpu.memref_squeeze %dma_wait3A_1232 : memref<1x4096xf32, #tpu.memory_space<hbm>> -> memref<4096xf32, #tpu.memory_space<hbm>>
    tpu.wait_dma2 semaphore(%arg9 : memref<!tpu.dma_semaphore, #tpu.memory_space<semaphore_mem>>) src(%dma_wait3A_1233 : memref<4096xf32, #tpu.memory_space<hbm>>) dst(%dma_wait3A_1230 : memref<4096xf32, #tpu.memory_space<vmem_shared>>)
    %add3A_1234 = arith.constant 28672 : i32
    %add3A_1235 = arith.addi %mul3A_1185, %add3A_1234 : i32
    %dma_wait3A_1236 = arith.constant 0 : i32
    %dma_wait3A_1237 = tpu.memref_slice %arg15[%add3A_1235] : memref<1048576xf32, #tpu.memory_space<vmem_shared>> -> memref<4096xf32, #tpu.memory_space<vmem_shared>>
    %dma_wait3A_1238 = arith.constant 0 : i32
    %dma_wait3A_1239 = tpu.memref_slice %arg2[%dma_wait3A_1236, %dma_wait3A_1238] : memref<16384x4096xf32, #tpu.memory_space<hbm>> -> memref<1x4096xf32, #tpu.memory_space<hbm>>
    %dma_wait3A_1240 = tpu.memref_squeeze %dma_wait3A_1239 : memref<1x4096xf32, #tpu.memory_space<hbm>> -> memref<4096xf32, #tpu.memory_space<hbm>>
    tpu.wait_dma2 semaphore(%arg9 : memref<!tpu.dma_semaphore, #tpu.memory_space<semaphore_mem>>) src(%dma_wait3A_1240 : memref<4096xf32, #tpu.memory_space<hbm>>) dst(%dma_wait3A_1237 : memref<4096xf32, #tpu.memory_space<vmem_shared>>)
    %dma_start3A_1241 = arith.constant 0 : i32
    %dma_start3A_1242 = arith.constant 0 : i32
    %dma_start3A_1243 = arith.constant 0 : i32
    %dma_start3A_1244 = arith.constant 0 : i32
    %dma_start3A_1245 = tpu.memref_slice %arg8[%dma_start3A_1241, %dma_start3A_1243, %dma_start3A_1244] : memref<2x8x128xf32, #tpu.memory_space<vmem>> -> memref<1x8x128xf32, #tpu.memory_space<vmem>>
    %dma_start3A_1246 = tpu.memref_squeeze %dma_start3A_1245 : memref<1x8x128xf32, #tpu.memory_space<vmem>> -> memref<8x128xf32, #tpu.memory_space<vmem>>
    %dma_start3A_1247 = arith.constant 0 : i32
    %dma_start3A_1248 = tpu.memref_slice %dma_start3A_1246[%dma_start3A_1242, %dma_start3A_1247] : memref<8x128xf32, #tpu.memory_space<vmem>> -> memref<1x128xf32, #tpu.memory_space<vmem>>
    %dma_start3A_1249 = tpu.memref_squeeze %dma_start3A_1248 : memref<1x128xf32, #tpu.memory_space<vmem>> -> memref<128xf32, #tpu.memory_space<vmem>>
    %dma_start3A_1250 = arith.constant 0 : i32
    %dma_start3A_1251 = tpu.memref_slice %arg6[%dma_start3A_1250] : memref<1024xi32, #tpu.memory_space<vmem>> -> memref<128xi32, #tpu.memory_space<vmem>>
    %dma_start3A_1252 = arith.constant 0 : i32
    %dma_start3A_1253 = tpu.memref_slice %arg15[%dma_start3A_1252] : memref<1048576xf32, #tpu.memory_space<vmem_shared>> -> memref<1048576xf32, #tpu.memory_space<vmem_shared>>
    tpu.enqueue_indirect_dma source(%dma_start3A_1253 : memref<1048576xf32, #tpu.memory_space<vmem_shared>>) target(%dma_start3A_1249 : memref<128xf32, #tpu.memory_space<vmem>>) offsets(%dma_start3A_1251 : memref<128xi32, #tpu.memory_space<vmem>>) semaphore(%arg11 : memref<!tpu.dma_semaphore, #tpu.memory_space<semaphore_mem>>)
    %dma_start3A_1254 = arith.constant 0 : i32
    %dma_start3A_1255 = arith.constant 1 : i32
    %dma_start3A_1256 = arith.constant 0 : i32
    %dma_start3A_1257 = arith.constant 0 : i32
    %dma_start3A_1258 = tpu.memref_slice %arg8[%dma_start3A_1254, %dma_start3A_1256, %dma_start3A_1257] : memref<2x8x128xf32, #tpu.memory_space<vmem>> -> memref<1x8x128xf32, #tpu.memory_space<vmem>>
    %dma_start3A_1259 = tpu.memref_squeeze %dma_start3A_1258 : memref<1x8x128xf32, #tpu.memory_space<vmem>> -> memref<8x128xf32, #tpu.memory_space<vmem>>
    %dma_start3A_1260 = arith.constant 0 : i32
    %dma_start3A_1261 = tpu.memref_slice %dma_start3A_1259[%dma_start3A_1255, %dma_start3A_1260] : memref<8x128xf32, #tpu.memory_space<vmem>> -> memref<1x128xf32, #tpu.memory_space<vmem>>
    %dma_start3A_1262 = tpu.memref_squeeze %dma_start3A_1261 : memref<1x128xf32, #tpu.memory_space<vmem>> -> memref<128xf32, #tpu.memory_space<vmem>>
    %dma_start3A_1263 = arith.constant 128 : i32
    %dma_start3A_1264 = tpu.memref_slice %arg6[%dma_start3A_1263] : memref<1024xi32, #tpu.memory_space<vmem>> -> memref<128xi32, #tpu.memory_space<vmem>>
    %dma_start3A_1265 = arith.constant 0 : i32
    %dma_start3A_1266 = tpu.memref_slice %arg15[%dma_start3A_1265] : memref<1048576xf32, #tpu.memory_space<vmem_shared>> -> memref<1048576xf32, #tpu.memory_space<vmem_shared>>
    tpu.enqueue_indirect_dma source(%dma_start3A_1266 : memref<1048576xf32, #tpu.memory_space<vmem_shared>>) target(%dma_start3A_1262 : memref<128xf32, #tpu.memory_space<vmem>>) offsets(%dma_start3A_1264 : memref<128xi32, #tpu.memory_space<vmem>>) semaphore(%arg11 : memref<!tpu.dma_semaphore, #tpu.memory_space<semaphore_mem>>)
    %dma_start3A_1267 = arith.constant 0 : i32
    %dma_start3A_1268 = arith.constant 2 : i32
    %dma_start3A_1269 = arith.constant 0 : i32
    %dma_start3A_1270 = arith.constant 0 : i32
    %dma_start3A_1271 = tpu.memref_slice %arg8[%dma_start3A_1267, %dma_start3A_1269, %dma_start3A_1270] : memref<2x8x128xf32, #tpu.memory_space<vmem>> -> memref<1x8x128xf32, #tpu.memory_space<vmem>>
    %dma_start3A_1272 = tpu.memref_squeeze %dma_start3A_1271 : memref<1x8x128xf32, #tpu.memory_space<vmem>> -> memref<8x128xf32, #tpu.memory_space<vmem>>
    %dma_start3A_1273 = arith.constant 0 : i32
    %dma_start3A_1274 = tpu.memref_slice %dma_start3A_1272[%dma_start3A_1268, %dma_start3A_1273] : memref<8x128xf32, #tpu.memory_space<vmem>> -> memref<1x128xf32, #tpu.memory_space<vmem>>
    %dma_start3A_1275 = tpu.memref_squeeze %dma_start3A_1274 : memref<1x128xf32, #tpu.memory_space<vmem>> -> memref<128xf32, #tpu.memory_space<vmem>>
    %dma_start3A_1276 = arith.constant 256 : i32
    %dma_start3A_1277 = tpu.memref_slice %arg6[%dma_start3A_1276] : memref<1024xi32, #tpu.memory_space<vmem>> -> memref<128xi32, #tpu.memory_space<vmem>>
    %dma_start3A_1278 = arith.constant 0 : i32
    %dma_start3A_1279 = tpu.memref_slice %arg15[%dma_start3A_1278] : memref<1048576xf32, #tpu.memory_space<vmem_shared>> -> memref<1048576xf32, #tpu.memory_space<vmem_shared>>
    tpu.enqueue_indirect_dma source(%dma_start3A_1279 : memref<1048576xf32, #tpu.memory_space<vmem_shared>>) target(%dma_start3A_1275 : memref<128xf32, #tpu.memory_space<vmem>>) offsets(%dma_start3A_1277 : memref<128xi32, #tpu.memory_space<vmem>>) semaphore(%arg11 : memref<!tpu.dma_semaphore, #tpu.memory_space<semaphore_mem>>)
    %dma_start3A_1280 = arith.constant 0 : i32
    %dma_start3A_1281 = arith.constant 3 : i32
    %dma_start3A_1282 = arith.constant 0 : i32
    %dma_start3A_1283 = arith.constant 0 : i32
    %dma_start3A_1284 = tpu.memref_slice %arg8[%dma_start3A_1280, %dma_start3A_1282, %dma_start3A_1283] : memref<2x8x128xf32, #tpu.memory_space<vmem>> -> memref<1x8x128xf32, #tpu.memory_space<vmem>>
    %dma_start3A_1285 = tpu.memref_squeeze %dma_start3A_1284 : memref<1x8x128xf32, #tpu.memory_space<vmem>> -> memref<8x128xf32, #tpu.memory_space<vmem>>
    %dma_start3A_1286 = arith.constant 0 : i32
    %dma_start3A_1287 = tpu.memref_slice %dma_start3A_1285[%dma_start3A_1281, %dma_start3A_1286] : memref<8x128xf32, #tpu.memory_space<vmem>> -> memref<1x128xf32, #tpu.memory_space<vmem>>
    %dma_start3A_1288 = tpu.memref_squeeze %dma_start3A_1287 : memref<1x128xf32, #tpu.memory_space<vmem>> -> memref<128xf32, #tpu.memory_space<vmem>>
    %dma_start3A_1289 = arith.constant 384 : i32
    %dma_start3A_1290 = tpu.memref_slice %arg6[%dma_start3A_1289] : memref<1024xi32, #tpu.memory_space<vmem>> -> memref<128xi32, #tpu.memory_space<vmem>>
    %dma_start3A_1291 = arith.constant 0 : i32
    %dma_start3A_1292 = tpu.memref_slice %arg15[%dma_start3A_1291] : memref<1048576xf32, #tpu.memory_space<vmem_shared>> -> memref<1048576xf32, #tpu.memory_space<vmem_shared>>
    tpu.enqueue_indirect_dma source(%dma_start3A_1292 : memref<1048576xf32, #tpu.memory_space<vmem_shared>>) target(%dma_start3A_1288 : memref<128xf32, #tpu.memory_space<vmem>>) offsets(%dma_start3A_1290 : memref<128xi32, #tpu.memory_space<vmem>>) semaphore(%arg11 : memref<!tpu.dma_semaphore, #tpu.memory_space<semaphore_mem>>)
    %dma_start3A_1293 = arith.constant 0 : i32
    %dma_start3A_1294 = arith.constant 4 : i32
    %dma_start3A_1295 = arith.constant 0 : i32
    %dma_start3A_1296 = arith.constant 0 : i32
    %dma_start3A_1297 = tpu.memref_slice %arg8[%dma_start3A_1293, %dma_start3A_1295, %dma_start3A_1296] : memref<2x8x128xf32, #tpu.memory_space<vmem>> -> memref<1x8x128xf32, #tpu.memory_space<vmem>>
    %dma_start3A_1298 = tpu.memref_squeeze %dma_start3A_1297 : memref<1x8x128xf32, #tpu.memory_space<vmem>> -> memref<8x128xf32, #tpu.memory_space<vmem>>
    %dma_start3A_1299 = arith.constant 0 : i32
    %dma_start3A_1300 = tpu.memref_slice %dma_start3A_1298[%dma_start3A_1294, %dma_start3A_1299] : memref<8x128xf32, #tpu.memory_space<vmem>> -> memref<1x128xf32, #tpu.memory_space<vmem>>
    %dma_start3A_1301 = tpu.memref_squeeze %dma_start3A_1300 : memref<1x128xf32, #tpu.memory_space<vmem>> -> memref<128xf32, #tpu.memory_space<vmem>>
    %dma_start3A_1302 = arith.constant 512 : i32
    %dma_start3A_1303 = tpu.memref_slice %arg6[%dma_start3A_1302] : memref<1024xi32, #tpu.memory_space<vmem>> -> memref<128xi32, #tpu.memory_space<vmem>>
    %dma_start3A_1304 = arith.constant 0 : i32
    %dma_start3A_1305 = tpu.memref_slice %arg15[%dma_start3A_1304] : memref<1048576xf32, #tpu.memory_space<vmem_shared>> -> memref<1048576xf32, #tpu.memory_space<vmem_shared>>
    tpu.enqueue_indirect_dma source(%dma_start3A_1305 : memref<1048576xf32, #tpu.memory_space<vmem_shared>>) target(%dma_start3A_1301 : memref<128xf32, #tpu.memory_space<vmem>>) offsets(%dma_start3A_1303 : memref<128xi32, #tpu.memory_space<vmem>>) semaphore(%arg11 : memref<!tpu.dma_semaphore, #tpu.memory_space<semaphore_mem>>)
    %dma_start3A_1306 = arith.constant 0 : i32
    %dma_start3A_1307 = arith.constant 5 : i32
    %dma_start3A_1308 = arith.constant 0 : i32
    %dma_start3A_1309 = arith.constant 0 : i32
    %dma_start3A_1310 = tpu.memref_slice %arg8[%dma_start3A_1306, %dma_start3A_1308, %dma_start3A_1309] : memref<2x8x128xf32, #tpu.memory_space<vmem>> -> memref<1x8x128xf32, #tpu.memory_space<vmem>>
    %dma_start3A_1311 = tpu.memref_squeeze %dma_start3A_1310 : memref<1x8x128xf32, #tpu.memory_space<vmem>> -> memref<8x128xf32, #tpu.memory_space<vmem>>
    %dma_start3A_1312 = arith.constant 0 : i32
    %dma_start3A_1313 = tpu.memref_slice %dma_start3A_1311[%dma_start3A_1307, %dma_start3A_1312] : memref<8x128xf32, #tpu.memory_space<vmem>> -> memref<1x128xf32, #tpu.memory_space<vmem>>
    %dma_start3A_1314 = tpu.memref_squeeze %dma_start3A_1313 : memref<1x128xf32, #tpu.memory_space<vmem>> -> memref<128xf32, #tpu.memory_space<vmem>>
    %dma_start3A_1315 = arith.constant 640 : i32
    %dma_start3A_1316 = tpu.memref_slice %arg6[%dma_start3A_1315] : memref<1024xi32, #tpu.memory_space<vmem>> -> memref<128xi32, #tpu.memory_space<vmem>>
    %dma_start3A_1317 = arith.constant 0 : i32
    %dma_start3A_1318 = tpu.memref_slice %arg15[%dma_start3A_1317] : memref<1048576xf32, #tpu.memory_space<vmem_shared>> -> memref<1048576xf32, #tpu.memory_space<vmem_shared>>
    tpu.enqueue_indirect_dma source(%dma_start3A_1318 : memref<1048576xf32, #tpu.memory_space<vmem_shared>>) target(%dma_start3A_1314 : memref<128xf32, #tpu.memory_space<vmem>>) offsets(%dma_start3A_1316 : memref<128xi32, #tpu.memory_space<vmem>>) semaphore(%arg11 : memref<!tpu.dma_semaphore, #tpu.memory_space<semaphore_mem>>)
    %dma_start3A_1319 = arith.constant 0 : i32
    %dma_start3A_1320 = arith.constant 6 : i32
    %dma_start3A_1321 = arith.constant 0 : i32
    %dma_start3A_1322 = arith.constant 0 : i32
    %dma_start3A_1323 = tpu.memref_slice %arg8[%dma_start3A_1319, %dma_start3A_1321, %dma_start3A_1322] : memref<2x8x128xf32, #tpu.memory_space<vmem>> -> memref<1x8x128xf32, #tpu.memory_space<vmem>>
    %dma_start3A_1324 = tpu.memref_squeeze %dma_start3A_1323 : memref<1x8x128xf32, #tpu.memory_space<vmem>> -> memref<8x128xf32, #tpu.memory_space<vmem>>
    %dma_start3A_1325 = arith.constant 0 : i32
    %dma_start3A_1326 = tpu.memref_slice %dma_start3A_1324[%dma_start3A_1320, %dma_start3A_1325] : memref<8x128xf32, #tpu.memory_space<vmem>> -> memref<1x128xf32, #tpu.memory_space<vmem>>
    %dma_start3A_1327 = tpu.memref_squeeze %dma_start3A_1326 : memref<1x128xf32, #tpu.memory_space<vmem>> -> memref<128xf32, #tpu.memory_space<vmem>>
    %dma_start3A_1328 = arith.constant 768 : i32
    %dma_start3A_1329 = tpu.memref_slice %arg6[%dma_start3A_1328] : memref<1024xi32, #tpu.memory_space<vmem>> -> memref<128xi32, #tpu.memory_space<vmem>>
    %dma_start3A_1330 = arith.constant 0 : i32
    %dma_start3A_1331 = tpu.memref_slice %arg15[%dma_start3A_1330] : memref<1048576xf32, #tpu.memory_space<vmem_shared>> -> memref<1048576xf32, #tpu.memory_space<vmem_shared>>
    tpu.enqueue_indirect_dma source(%dma_start3A_1331 : memref<1048576xf32, #tpu.memory_space<vmem_shared>>) target(%dma_start3A_1327 : memref<128xf32, #tpu.memory_space<vmem>>) offsets(%dma_start3A_1329 : memref<128xi32, #tpu.memory_space<vmem>>) semaphore(%arg11 : memref<!tpu.dma_semaphore, #tpu.memory_space<semaphore_mem>>)
    %dma_start3A_1332 = arith.constant 0 : i32
    %dma_start3A_1333 = arith.constant 7 : i32
    %dma_start3A_1334 = arith.constant 0 : i32
    %dma_start3A_1335 = arith.constant 0 : i32
    %dma_start3A_1336 = tpu.memref_slice %arg8[%dma_start3A_1332, %dma_start3A_1334, %dma_start3A_1335] : memref<2x8x128xf32, #tpu.memory_space<vmem>> -> memref<1x8x128xf32, #tpu.memory_space<vmem>>
    %dma_start3A_1337 = tpu.memref_squeeze %dma_start3A_1336 : memref<1x8x128xf32, #tpu.memory_space<vmem>> -> memref<8x128xf32, #tpu.memory_space<vmem>>
    %dma_start3A_1338 = arith.constant 0 : i32
    %dma_start3A_1339 = tpu.memref_slice %dma_start3A_1337[%dma_start3A_1333, %dma_start3A_1338] : memref<8x128xf32, #tpu.memory_space<vmem>> -> memref<1x128xf32, #tpu.memory_space<vmem>>
    %dma_start3A_1340 = tpu.memref_squeeze %dma_start3A_1339 : memref<1x128xf32, #tpu.memory_space<vmem>> -> memref<128xf32, #tpu.memory_space<vmem>>
    %dma_start3A_1341 = arith.constant 896 : i32
    %dma_start3A_1342 = tpu.memref_slice %arg6[%dma_start3A_1341] : memref<1024xi32, #tpu.memory_space<vmem>> -> memref<128xi32, #tpu.memory_space<vmem>>
    %dma_start3A_1343 = arith.constant 0 : i32
    %dma_start3A_1344 = tpu.memref_slice %arg15[%dma_start3A_1343] : memref<1048576xf32, #tpu.memory_space<vmem_shared>> -> memref<1048576xf32, #tpu.memory_space<vmem_shared>>
    tpu.enqueue_indirect_dma source(%dma_start3A_1344 : memref<1048576xf32, #tpu.memory_space<vmem_shared>>) target(%dma_start3A_1340 : memref<128xf32, #tpu.memory_space<vmem>>) offsets(%dma_start3A_1342 : memref<128xi32, #tpu.memory_space<vmem>>) semaphore(%arg11 : memref<!tpu.dma_semaphore, #tpu.memory_space<semaphore_mem>>)
    %dma_wait3A_1345 = arith.constant 0 : i32
    %dma_wait3A_1346 = arith.constant 0 : i32
    %dma_wait3A_1347 = arith.constant 0 : i32
    %dma_wait3A_1348 = arith.constant 0 : i32
    %dma_wait3A_1349 = tpu.memref_slice %arg8[%dma_wait3A_1345, %dma_wait3A_1347, %dma_wait3A_1348] : memref<2x8x128xf32, #tpu.memory_space<vmem>> -> memref<1x8x128xf32, #tpu.memory_space<vmem>>
    %dma_wait3A_1350 = tpu.memref_squeeze %dma_wait3A_1349 : memref<1x8x128xf32, #tpu.memory_space<vmem>> -> memref<8x128xf32, #tpu.memory_space<vmem>>
    %dma_wait3A_1351 = arith.constant 0 : i32
    %dma_wait3A_1352 = tpu.memref_slice %dma_wait3A_1350[%dma_wait3A_1346, %dma_wait3A_1351] : memref<8x128xf32, #tpu.memory_space<vmem>> -> memref<1x128xf32, #tpu.memory_space<vmem>>
    %dma_wait3A_1353 = tpu.memref_squeeze %dma_wait3A_1352 : memref<1x128xf32, #tpu.memory_space<vmem>> -> memref<128xf32, #tpu.memory_space<vmem>>
    %dma_wait3A_1354 = arith.constant 0 : i32
    %dma_wait3A_1355 = tpu.memref_slice %arg6[%dma_wait3A_1354] : memref<1024xi32, #tpu.memory_space<vmem>> -> memref<128xi32, #tpu.memory_space<vmem>>
    %dma_wait3A_1356 = arith.constant 0 : i32
    %dma_wait3A_1357 = tpu.memref_slice %arg15[%dma_wait3A_1356] : memref<1048576xf32, #tpu.memory_space<vmem_shared>> -> memref<1048576xf32, #tpu.memory_space<vmem_shared>>
    tpu.wait_indirect_dma semaphore(%arg11 : memref<!tpu.dma_semaphore, #tpu.memory_space<semaphore_mem>>) src(%dma_wait3A_1357 : memref<1048576xf32, #tpu.memory_space<vmem_shared>>) dst(%dma_wait3A_1353 : memref<128xf32, #tpu.memory_space<vmem>>)
    %dma_wait3A_1358 = arith.constant 0 : i32
    %dma_wait3A_1359 = arith.constant 1 : i32
    %dma_wait3A_1360 = arith.constant 0 : i32
    %dma_wait3A_1361 = arith.constant 0 : i32
    %dma_wait3A_1362 = tpu.memref_slice %arg8[%dma_wait3A_1358, %dma_wait3A_1360, %dma_wait3A_1361] : memref<2x8x128xf32, #tpu.memory_space<vmem>> -> memref<1x8x128xf32, #tpu.memory_space<vmem>>
    %dma_wait3A_1363 = tpu.memref_squeeze %dma_wait3A_1362 : memref<1x8x128xf32, #tpu.memory_space<vmem>> -> memref<8x128xf32, #tpu.memory_space<vmem>>
    %dma_wait3A_1364 = arith.constant 0 : i32
    %dma_wait3A_1365 = tpu.memref_slice %dma_wait3A_1363[%dma_wait3A_1359, %dma_wait3A_1364] : memref<8x128xf32, #tpu.memory_space<vmem>> -> memref<1x128xf32, #tpu.memory_space<vmem>>
    %dma_wait3A_1366 = tpu.memref_squeeze %dma_wait3A_1365 : memref<1x128xf32, #tpu.memory_space<vmem>> -> memref<128xf32, #tpu.memory_space<vmem>>
    %dma_wait3A_1367 = arith.constant 128 : i32
    %dma_wait3A_1368 = tpu.memref_slice %arg6[%dma_wait3A_1367] : memref<1024xi32, #tpu.memory_space<vmem>> -> memref<128xi32, #tpu.memory_space<vmem>>
    %dma_wait3A_1369 = arith.constant 0 : i32
    %dma_wait3A_1370 = tpu.memref_slice %arg15[%dma_wait3A_1369] : memref<1048576xf32, #tpu.memory_space<vmem_shared>> -> memref<1048576xf32, #tpu.memory_space<vmem_shared>>
    tpu.wait_indirect_dma semaphore(%arg11 : memref<!tpu.dma_semaphore, #tpu.memory_space<semaphore_mem>>) src(%dma_wait3A_1370 : memref<1048576xf32, #tpu.memory_space<vmem_shared>>) dst(%dma_wait3A_1366 : memref<128xf32, #tpu.memory_space<vmem>>)
    %dma_wait3A_1371 = arith.constant 0 : i32
    %dma_wait3A_1372 = arith.constant 2 : i32
    %dma_wait3A_1373 = arith.constant 0 : i32
    %dma_wait3A_1374 = arith.constant 0 : i32
    %dma_wait3A_1375 = tpu.memref_slice %arg8[%dma_wait3A_1371, %dma_wait3A_1373, %dma_wait3A_1374] : memref<2x8x128xf32, #tpu.memory_space<vmem>> -> memref<1x8x128xf32, #tpu.memory_space<vmem>>
    %dma_wait3A_1376 = tpu.memref_squeeze %dma_wait3A_1375 : memref<1x8x128xf32, #tpu.memory_space<vmem>> -> memref<8x128xf32, #tpu.memory_space<vmem>>
    %dma_wait3A_1377 = arith.constant 0 : i32
    %dma_wait3A_1378 = tpu.memref_slice %dma_wait3A_1376[%dma_wait3A_1372, %dma_wait3A_1377] : memref<8x128xf32, #tpu.memory_space<vmem>> -> memref<1x128xf32, #tpu.memory_space<vmem>>
    %dma_wait3A_1379 = tpu.memref_squeeze %dma_wait3A_1378 : memref<1x128xf32, #tpu.memory_space<vmem>> -> memref<128xf32, #tpu.memory_space<vmem>>
    %dma_wait3A_1380 = arith.constant 256 : i32
    %dma_wait3A_1381 = tpu.memref_slice %arg6[%dma_wait3A_1380] : memref<1024xi32, #tpu.memory_space<vmem>> -> memref<128xi32, #tpu.memory_space<vmem>>
    %dma_wait3A_1382 = arith.constant 0 : i32
    %dma_wait3A_1383 = tpu.memref_slice %arg15[%dma_wait3A_1382] : memref<1048576xf32, #tpu.memory_space<vmem_shared>> -> memref<1048576xf32, #tpu.memory_space<vmem_shared>>
    tpu.wait_indirect_dma semaphore(%arg11 : memref<!tpu.dma_semaphore, #tpu.memory_space<semaphore_mem>>) src(%dma_wait3A_1383 : memref<1048576xf32, #tpu.memory_space<vmem_shared>>) dst(%dma_wait3A_1379 : memref<128xf32, #tpu.memory_space<vmem>>)
    %dma_wait3A_1384 = arith.constant 0 : i32
    %dma_wait3A_1385 = arith.constant 3 : i32
    %dma_wait3A_1386 = arith.constant 0 : i32
    %dma_wait3A_1387 = arith.constant 0 : i32
    %dma_wait3A_1388 = tpu.memref_slice %arg8[%dma_wait3A_1384, %dma_wait3A_1386, %dma_wait3A_1387] : memref<2x8x128xf32, #tpu.memory_space<vmem>> -> memref<1x8x128xf32, #tpu.memory_space<vmem>>
    %dma_wait3A_1389 = tpu.memref_squeeze %dma_wait3A_1388 : memref<1x8x128xf32, #tpu.memory_space<vmem>> -> memref<8x128xf32, #tpu.memory_space<vmem>>
    %dma_wait3A_1390 = arith.constant 0 : i32
    %dma_wait3A_1391 = tpu.memref_slice %dma_wait3A_1389[%dma_wait3A_1385, %dma_wait3A_1390] : memref<8x128xf32, #tpu.memory_space<vmem>> -> memref<1x128xf32, #tpu.memory_space<vmem>>
    %dma_wait3A_1392 = tpu.memref_squeeze %dma_wait3A_1391 : memref<1x128xf32, #tpu.memory_space<vmem>> -> memref<128xf32, #tpu.memory_space<vmem>>
    %dma_wait3A_1393 = arith.constant 384 : i32
    %dma_wait3A_1394 = tpu.memref_slice %arg6[%dma_wait3A_1393] : memref<1024xi32, #tpu.memory_space<vmem>> -> memref<128xi32, #tpu.memory_space<vmem>>
    %dma_wait3A_1395 = arith.constant 0 : i32
    %dma_wait3A_1396 = tpu.memref_slice %arg15[%dma_wait3A_1395] : memref<1048576xf32, #tpu.memory_space<vmem_shared>> -> memref<1048576xf32, #tpu.memory_space<vmem_shared>>
    tpu.wait_indirect_dma semaphore(%arg11 : memref<!tpu.dma_semaphore, #tpu.memory_space<semaphore_mem>>) src(%dma_wait3A_1396 : memref<1048576xf32, #tpu.memory_space<vmem_shared>>) dst(%dma_wait3A_1392 : memref<128xf32, #tpu.memory_space<vmem>>)
    %dma_wait3A_1397 = arith.constant 0 : i32
    %dma_wait3A_1398 = arith.constant 4 : i32
    %dma_wait3A_1399 = arith.constant 0 : i32
    %dma_wait3A_1400 = arith.constant 0 : i32
    %dma_wait3A_1401 = tpu.memref_slice %arg8[%dma_wait3A_1397, %dma_wait3A_1399, %dma_wait3A_1400] : memref<2x8x128xf32, #tpu.memory_space<vmem>> -> memref<1x8x128xf32, #tpu.memory_space<vmem>>
    %dma_wait3A_1402 = tpu.memref_squeeze %dma_wait3A_1401 : memref<1x8x128xf32, #tpu.memory_space<vmem>> -> memref<8x128xf32, #tpu.memory_space<vmem>>
    %dma_wait3A_1403 = arith.constant 0 : i32
    %dma_wait3A_1404 = tpu.memref_slice %dma_wait3A_1402[%dma_wait3A_1398, %dma_wait3A_1403] : memref<8x128xf32, #tpu.memory_space<vmem>> -> memref<1x128xf32, #tpu.memory_space<vmem>>
    %dma_wait3A_1405 = tpu.memref_squeeze %dma_wait3A_1404 : memref<1x128xf32, #tpu.memory_space<vmem>> -> memref<128xf32, #tpu.memory_space<vmem>>
    %dma_wait3A_1406 = arith.constant 512 : i32
    %dma_wait3A_1407 = tpu.memref_slice %arg6[%dma_wait3A_1406] : memref<1024xi32, #tpu.memory_space<vmem>> -> memref<128xi32, #tpu.memory_space<vmem>>
    %dma_wait3A_1408 = arith.constant 0 : i32
    %dma_wait3A_1409 = tpu.memref_slice %arg15[%dma_wait3A_1408] : memref<1048576xf32, #tpu.memory_space<vmem_shared>> -> memref<1048576xf32, #tpu.memory_space<vmem_shared>>
    tpu.wait_indirect_dma semaphore(%arg11 : memref<!tpu.dma_semaphore, #tpu.memory_space<semaphore_mem>>) src(%dma_wait3A_1409 : memref<1048576xf32, #tpu.memory_space<vmem_shared>>) dst(%dma_wait3A_1405 : memref<128xf32, #tpu.memory_space<vmem>>)
    %dma_wait3A_1410 = arith.constant 0 : i32
    %dma_wait3A_1411 = arith.constant 5 : i32
    %dma_wait3A_1412 = arith.constant 0 : i32
    %dma_wait3A_1413 = arith.constant 0 : i32
    %dma_wait3A_1414 = tpu.memref_slice %arg8[%dma_wait3A_1410, %dma_wait3A_1412, %dma_wait3A_1413] : memref<2x8x128xf32, #tpu.memory_space<vmem>> -> memref<1x8x128xf32, #tpu.memory_space<vmem>>
    %dma_wait3A_1415 = tpu.memref_squeeze %dma_wait3A_1414 : memref<1x8x128xf32, #tpu.memory_space<vmem>> -> memref<8x128xf32, #tpu.memory_space<vmem>>
    %dma_wait3A_1416 = arith.constant 0 : i32
    %dma_wait3A_1417 = tpu.memref_slice %dma_wait3A_1415[%dma_wait3A_1411, %dma_wait3A_1416] : memref<8x128xf32, #tpu.memory_space<vmem>> -> memref<1x128xf32, #tpu.memory_space<vmem>>
    %dma_wait3A_1418 = tpu.memref_squeeze %dma_wait3A_1417 : memref<1x128xf32, #tpu.memory_space<vmem>> -> memref<128xf32, #tpu.memory_space<vmem>>
    %dma_wait3A_1419 = arith.constant 640 : i32
    %dma_wait3A_1420 = tpu.memref_slice %arg6[%dma_wait3A_1419] : memref<1024xi32, #tpu.memory_space<vmem>> -> memref<128xi32, #tpu.memory_space<vmem>>
    %dma_wait3A_1421 = arith.constant 0 : i32
    %dma_wait3A_1422 = tpu.memref_slice %arg15[%dma_wait3A_1421] : memref<1048576xf32, #tpu.memory_space<vmem_shared>> -> memref<1048576xf32, #tpu.memory_space<vmem_shared>>
    tpu.wait_indirect_dma semaphore(%arg11 : memref<!tpu.dma_semaphore, #tpu.memory_space<semaphore_mem>>) src(%dma_wait3A_1422 : memref<1048576xf32, #tpu.memory_space<vmem_shared>>) dst(%dma_wait3A_1418 : memref<128xf32, #tpu.memory_space<vmem>>)
    %dma_wait3A_1423 = arith.constant 0 : i32
    %dma_wait3A_1424 = arith.constant 6 : i32
    %dma_wait3A_1425 = arith.constant 0 : i32
    %dma_wait3A_1426 = arith.constant 0 : i32
    %dma_wait3A_1427 = tpu.memref_slice %arg8[%dma_wait3A_1423, %dma_wait3A_1425, %dma_wait3A_1426] : memref<2x8x128xf32, #tpu.memory_space<vmem>> -> memref<1x8x128xf32, #tpu.memory_space<vmem>>
    %dma_wait3A_1428 = tpu.memref_squeeze %dma_wait3A_1427 : memref<1x8x128xf32, #tpu.memory_space<vmem>> -> memref<8x128xf32, #tpu.memory_space<vmem>>
    %dma_wait3A_1429 = arith.constant 0 : i32
    %dma_wait3A_1430 = tpu.memref_slice %dma_wait3A_1428[%dma_wait3A_1424, %dma_wait3A_1429] : memref<8x128xf32, #tpu.memory_space<vmem>> -> memref<1x128xf32, #tpu.memory_space<vmem>>
    %dma_wait3A_1431 = tpu.memref_squeeze %dma_wait3A_1430 : memref<1x128xf32, #tpu.memory_space<vmem>> -> memref<128xf32, #tpu.memory_space<vmem>>
    %dma_wait3A_1432 = arith.constant 768 : i32
    %dma_wait3A_1433 = tpu.memref_slice %arg6[%dma_wait3A_1432] : memref<1024xi32, #tpu.memory_space<vmem>> -> memref<128xi32, #tpu.memory_space<vmem>>
    %dma_wait3A_1434 = arith.constant 0 : i32
    %dma_wait3A_1435 = tpu.memref_slice %arg15[%dma_wait3A_1434] : memref<1048576xf32, #tpu.memory_space<vmem_shared>> -> memref<1048576xf32, #tpu.memory_space<vmem_shared>>
    tpu.wait_indirect_dma semaphore(%arg11 : memref<!tpu.dma_semaphore, #tpu.memory_space<semaphore_mem>>) src(%dma_wait3A_1435 : memref<1048576xf32, #tpu.memory_space<vmem_shared>>) dst(%dma_wait3A_1431 : memref<128xf32, #tpu.memory_space<vmem>>)
    %dma_wait3A_1436 = arith.constant 0 : i32
    %dma_wait3A_1437 = arith.constant 7 : i32
    %dma_wait3A_1438 = arith.constant 0 : i32
    %dma_wait3A_1439 = arith.constant 0 : i32
    %dma_wait3A_1440 = tpu.memref_slice %arg8[%dma_wait3A_1436, %dma_wait3A_1438, %dma_wait3A_1439] : memref<2x8x128xf32, #tpu.memory_space<vmem>> -> memref<1x8x128xf32, #tpu.memory_space<vmem>>
    %dma_wait3A_1441 = tpu.memref_squeeze %dma_wait3A_1440 : memref<1x8x128xf32, #tpu.memory_space<vmem>> -> memref<8x128xf32, #tpu.memory_space<vmem>>
    %dma_wait3A_1442 = arith.constant 0 : i32
    %dma_wait3A_1443 = tpu.memref_slice %dma_wait3A_1441[%dma_wait3A_1437, %dma_wait3A_1442] : memref<8x128xf32, #tpu.memory_space<vmem>> -> memref<1x128xf32, #tpu.memory_space<vmem>>
    %dma_wait3A_1444 = tpu.memref_squeeze %dma_wait3A_1443 : memref<1x128xf32, #tpu.memory_space<vmem>> -> memref<128xf32, #tpu.memory_space<vmem>>
    %dma_wait3A_1445 = arith.constant 896 : i32
    %dma_wait3A_1446 = tpu.memref_slice %arg6[%dma_wait3A_1445] : memref<1024xi32, #tpu.memory_space<vmem>> -> memref<128xi32, #tpu.memory_space<vmem>>
    %dma_wait3A_1447 = arith.constant 0 : i32
    %dma_wait3A_1448 = tpu.memref_slice %arg15[%dma_wait3A_1447] : memref<1048576xf32, #tpu.memory_space<vmem_shared>> -> memref<1048576xf32, #tpu.memory_space<vmem_shared>>
    tpu.wait_indirect_dma semaphore(%arg11 : memref<!tpu.dma_semaphore, #tpu.memory_space<semaphore_mem>>) src(%dma_wait3A_1448 : memref<1048576xf32, #tpu.memory_space<vmem_shared>>) dst(%dma_wait3A_1444 : memref<128xf32, #tpu.memory_space<vmem>>)
    %mul3A_1449 = arith.constant 2 : i32
    %mul3A_1450 = arith.muli %arg1, %mul3A_1449 : i32
    %add3A_1451 = arith.constant 0 : i32
    %add3A_1452 = arith.addi %mul3A_1450, %add3A_1451 : i32
    %mul3A_1453 = arith.constant 32768 : i32
    %mul3A_1454 = arith.muli %add3A_1452, %mul3A_1453 : i32
    %add3A_1455 = arith.constant 16 : i32
    %add3A_1456 = arith.addi %mul3A_2, %add3A_1455 : i32
    %add3A_1457 = arith.constant 0 : i32
    %add3A_1458 = arith.addi %add3A_1456, %add3A_1457 : i32
    %add3A_1459 = arith.constant 0 : i32
    %add3A_1460 = arith.addi %mul3A_1454, %add3A_1459 : i32
    %dma_start3A_1461 = tpu.memref_slice %arg15[%add3A_1460] : memref<1048576xf32, #tpu.memory_space<vmem_shared>> -> memref<4096xf32, #tpu.memory_space<vmem_shared>>
    %dma_start3A_1462 = arith.constant 0 : i32
    %dma_start3A_1463 = tpu.memref_slice %arg2[%add3A_1458, %dma_start3A_1462] : memref<16384x4096xf32, #tpu.memory_space<hbm>> -> memref<1x4096xf32, #tpu.memory_space<hbm>>
    %dma_start3A_1464 = tpu.memref_squeeze %dma_start3A_1463 : memref<1x4096xf32, #tpu.memory_space<hbm>> -> memref<4096xf32, #tpu.memory_space<hbm>>
    tpu.enqueue_dma source(%dma_start3A_1464 : memref<4096xf32, #tpu.memory_space<hbm>>) target(%dma_start3A_1461 : memref<4096xf32, #tpu.memory_space<vmem_shared>>) target_semaphore(%arg9 : memref<!tpu.dma_semaphore, #tpu.memory_space<semaphore_mem>>)
    %add3A_1465 = arith.constant 1 : i32
    %add3A_1466 = arith.addi %add3A_1456, %add3A_1465 : i32
    %add3A_1467 = arith.constant 4096 : i32
    %add3A_1468 = arith.addi %mul3A_1454, %add3A_1467 : i32
    %dma_start3A_1469 = tpu.memref_slice %arg15[%add3A_1468] : memref<1048576xf32, #tpu.memory_space<vmem_shared>> -> memref<4096xf32, #tpu.memory_space<vmem_shared>>
    %dma_start3A_1470 = arith.constant 0 : i32
    %dma_start3A_1471 = tpu.memref_slice %arg2[%add3A_1466, %dma_start3A_1470] : memref<16384x4096xf32, #tpu.memory_space<hbm>> -> memref<1x4096xf32, #tpu.memory_space<hbm>>
    %dma_start3A_1472 = tpu.memref_squeeze %dma_start3A_1471 : memref<1x4096xf32, #tpu.memory_space<hbm>> -> memref<4096xf32, #tpu.memory_space<hbm>>
    tpu.enqueue_dma source(%dma_start3A_1472 : memref<4096xf32, #tpu.memory_space<hbm>>) target(%dma_start3A_1469 : memref<4096xf32, #tpu.memory_space<vmem_shared>>) target_semaphore(%arg9 : memref<!tpu.dma_semaphore, #tpu.memory_space<semaphore_mem>>)
    %add3A_1473 = arith.constant 2 : i32
    %add3A_1474 = arith.addi %add3A_1456, %add3A_1473 : i32
    %add3A_1475 = arith.constant 8192 : i32
    %add3A_1476 = arith.addi %mul3A_1454, %add3A_1475 : i32
    %dma_start3A_1477 = tpu.memref_slice %arg15[%add3A_1476] : memref<1048576xf32, #tpu.memory_space<vmem_shared>> -> memref<4096xf32, #tpu.memory_space<vmem_shared>>
    %dma_start3A_1478 = arith.constant 0 : i32
    %dma_start3A_1479 = tpu.memref_slice %arg2[%add3A_1474, %dma_start3A_1478] : memref<16384x4096xf32, #tpu.memory_space<hbm>> -> memref<1x4096xf32, #tpu.memory_space<hbm>>
    %dma_start3A_1480 = tpu.memref_squeeze %dma_start3A_1479 : memref<1x4096xf32, #tpu.memory_space<hbm>> -> memref<4096xf32, #tpu.memory_space<hbm>>
    tpu.enqueue_dma source(%dma_start3A_1480 : memref<4096xf32, #tpu.memory_space<hbm>>) target(%dma_start3A_1477 : memref<4096xf32, #tpu.memory_space<vmem_shared>>) target_semaphore(%arg9 : memref<!tpu.dma_semaphore, #tpu.memory_space<semaphore_mem>>)
    %add3A_1481 = arith.constant 3 : i32
    %add3A_1482 = arith.addi %add3A_1456, %add3A_1481 : i32
    %add3A_1483 = arith.constant 12288 : i32
    %add3A_1484 = arith.addi %mul3A_1454, %add3A_1483 : i32
    %dma_start3A_1485 = tpu.memref_slice %arg15[%add3A_1484] : memref<1048576xf32, #tpu.memory_space<vmem_shared>> -> memref<4096xf32, #tpu.memory_space<vmem_shared>>
    %dma_start3A_1486 = arith.constant 0 : i32
    %dma_start3A_1487 = tpu.memref_slice %arg2[%add3A_1482, %dma_start3A_1486] : memref<16384x4096xf32, #tpu.memory_space<hbm>> -> memref<1x4096xf32, #tpu.memory_space<hbm>>
    %dma_start3A_1488 = tpu.memref_squeeze %dma_start3A_1487 : memref<1x4096xf32, #tpu.memory_space<hbm>> -> memref<4096xf32, #tpu.memory_space<hbm>>
    tpu.enqueue_dma source(%dma_start3A_1488 : memref<4096xf32, #tpu.memory_space<hbm>>) target(%dma_start3A_1485 : memref<4096xf32, #tpu.memory_space<vmem_shared>>) target_semaphore(%arg9 : memref<!tpu.dma_semaphore, #tpu.memory_space<semaphore_mem>>)
    %add3A_1489 = arith.constant 4 : i32
    %add3A_1490 = arith.addi %add3A_1456, %add3A_1489 : i32
    %add3A_1491 = arith.constant 16384 : i32
    %add3A_1492 = arith.addi %mul3A_1454, %add3A_1491 : i32
    %dma_start3A_1493 = tpu.memref_slice %arg15[%add3A_1492] : memref<1048576xf32, #tpu.memory_space<vmem_shared>> -> memref<4096xf32, #tpu.memory_space<vmem_shared>>
    %dma_start3A_1494 = arith.constant 0 : i32
    %dma_start3A_1495 = tpu.memref_slice %arg2[%add3A_1490, %dma_start3A_1494] : memref<16384x4096xf32, #tpu.memory_space<hbm>> -> memref<1x4096xf32, #tpu.memory_space<hbm>>
    %dma_start3A_1496 = tpu.memref_squeeze %dma_start3A_1495 : memref<1x4096xf32, #tpu.memory_space<hbm>> -> memref<4096xf32, #tpu.memory_space<hbm>>
    tpu.enqueue_dma source(%dma_start3A_1496 : memref<4096xf32, #tpu.memory_space<hbm>>) target(%dma_start3A_1493 : memref<4096xf32, #tpu.memory_space<vmem_shared>>) target_semaphore(%arg9 : memref<!tpu.dma_semaphore, #tpu.memory_space<semaphore_mem>>)
    %add3A_1497 = arith.constant 5 : i32
    %add3A_1498 = arith.addi %add3A_1456, %add3A_1497 : i32
    %add3A_1499 = arith.constant 20480 : i32
    %add3A_1500 = arith.addi %mul3A_1454, %add3A_1499 : i32
    %dma_start3A_1501 = tpu.memref_slice %arg15[%add3A_1500] : memref<1048576xf32, #tpu.memory_space<vmem_shared>> -> memref<4096xf32, #tpu.memory_space<vmem_shared>>
    %dma_start3A_1502 = arith.constant 0 : i32
    %dma_start3A_1503 = tpu.memref_slice %arg2[%add3A_1498, %dma_start3A_1502] : memref<16384x4096xf32, #tpu.memory_space<hbm>> -> memref<1x4096xf32, #tpu.memory_space<hbm>>
    %dma_start3A_1504 = tpu.memref_squeeze %dma_start3A_1503 : memref<1x4096xf32, #tpu.memory_space<hbm>> -> memref<4096xf32, #tpu.memory_space<hbm>>
    tpu.enqueue_dma source(%dma_start3A_1504 : memref<4096xf32, #tpu.memory_space<hbm>>) target(%dma_start3A_1501 : memref<4096xf32, #tpu.memory_space<vmem_shared>>) target_semaphore(%arg9 : memref<!tpu.dma_semaphore, #tpu.memory_space<semaphore_mem>>)
    %add3A_1505 = arith.constant 6 : i32
    %add3A_1506 = arith.addi %add3A_1456, %add3A_1505 : i32
    %add3A_1507 = arith.constant 24576 : i32
    %add3A_1508 = arith.addi %mul3A_1454, %add3A_1507 : i32
    %dma_start3A_1509 = tpu.memref_slice %arg15[%add3A_1508] : memref<1048576xf32, #tpu.memory_space<vmem_shared>> -> memref<4096xf32, #tpu.memory_space<vmem_shared>>
    %dma_start3A_1510 = arith.constant 0 : i32
    %dma_start3A_1511 = tpu.memref_slice %arg2[%add3A_1506, %dma_start3A_1510] : memref<16384x4096xf32, #tpu.memory_space<hbm>> -> memref<1x4096xf32, #tpu.memory_space<hbm>>
    %dma_start3A_1512 = tpu.memref_squeeze %dma_start3A_1511 : memref<1x4096xf32, #tpu.memory_space<hbm>> -> memref<4096xf32, #tpu.memory_space<hbm>>
    tpu.enqueue_dma source(%dma_start3A_1512 : memref<4096xf32, #tpu.memory_space<hbm>>) target(%dma_start3A_1509 : memref<4096xf32, #tpu.memory_space<vmem_shared>>) target_semaphore(%arg9 : memref<!tpu.dma_semaphore, #tpu.memory_space<semaphore_mem>>)
    %add3A_1513 = arith.constant 7 : i32
    %add3A_1514 = arith.addi %add3A_1456, %add3A_1513 : i32
    %add3A_1515 = arith.constant 28672 : i32
    %add3A_1516 = arith.addi %mul3A_1454, %add3A_1515 : i32
    %dma_start3A_1517 = tpu.memref_slice %arg15[%add3A_1516] : memref<1048576xf32, #tpu.memory_space<vmem_shared>> -> memref<4096xf32, #tpu.memory_space<vmem_shared>>
    %dma_start3A_1518 = arith.constant 0 : i32
    %dma_start3A_1519 = tpu.memref_slice %arg2[%add3A_1514, %dma_start3A_1518] : memref<16384x4096xf32, #tpu.memory_space<hbm>> -> memref<1x4096xf32, #tpu.memory_space<hbm>>
    %dma_start3A_1520 = tpu.memref_squeeze %dma_start3A_1519 : memref<1x4096xf32, #tpu.memory_space<hbm>> -> memref<4096xf32, #tpu.memory_space<hbm>>
    tpu.enqueue_dma source(%dma_start3A_1520 : memref<4096xf32, #tpu.memory_space<hbm>>) target(%dma_start3A_1517 : memref<4096xf32, #tpu.memory_space<vmem_shared>>) target_semaphore(%arg9 : memref<!tpu.dma_semaphore, #tpu.memory_space<semaphore_mem>>)
    %add3A_1521 = arith.constant 0 : i32
    %add3A_1522 = arith.addi %mul3A_2, %add3A_1521 : i32
    %dma_start3A_1523 = arith.constant 0 : i32
    %dma_start3A_1524 = arith.constant 0 : i32
    %dma_start3A_1525 = arith.constant 0 : i32
    %dma_start3A_1526 = tpu.memref_slice %arg8[%dma_start3A_1523, %dma_start3A_1524, %dma_start3A_1525] : memref<2x8x128xf32, #tpu.memory_space<vmem>> -> memref<1x8x128xf32, #tpu.memory_space<vmem>>
    %dma_start3A_1527 = tpu.memref_squeeze %dma_start3A_1526 : memref<1x8x128xf32, #tpu.memory_space<vmem>> -> memref<8x128xf32, #tpu.memory_space<vmem>>
    %dma_start3A_1528 = arith.constant 0 : i32
    %dma_start3A_1529 = tpu.memref_slice %arg4[%add3A_1522, %dma_start3A_1528] : memref<6144x128xf32, #tpu.memory_space<hbm>> -> memref<8x128xf32, #tpu.memory_space<hbm>>
    %dma_start3A_1530 = arith.constant 0 : i32
    %dma_start3A_1531 = tpu.memref_slice %arg4[%add3A_1522, %dma_start3A_1530] : memref<6144x128xf32, #tpu.memory_space<hbm>> -> memref<8x128xf32, #tpu.memory_space<hbm>>
    %dma_start3A_1532 = arith.constant 0 : i32
    %dma_start3A_1533 = arith.constant 0 : i32
    %dma_start3A_1534 = tpu.memref_slice %arg8[%dma_start3A_1523, %dma_start3A_1532, %dma_start3A_1533] : memref<2x8x128xf32, #tpu.memory_space<vmem>> -> memref<1x8x128xf32, #tpu.memory_space<vmem>>
    %dma_start3A_1535 = tpu.memref_squeeze %dma_start3A_1534 : memref<1x8x128xf32, #tpu.memory_space<vmem>> -> memref<8x128xf32, #tpu.memory_space<vmem>>
    tpu.enqueue_dma source(%dma_start3A_1535 : memref<8x128xf32, #tpu.memory_space<vmem>>) target(%dma_start3A_1531 : memref<8x128xf32, #tpu.memory_space<hbm>>) target_semaphore(%arg13 : memref<!tpu.dma_semaphore, #tpu.memory_space<semaphore_mem>>)
    %mul3A_1536 = arith.constant 2 : i32
    %mul3A_1537 = arith.muli %arg1, %mul3A_1536 : i32
    %add3A_1538 = arith.constant 1 : i32
    %add3A_1539 = arith.addi %mul3A_1537, %add3A_1538 : i32
    %mul3A_1540 = arith.constant 32768 : i32
    %mul3A_1541 = arith.muli %add3A_1539, %mul3A_1540 : i32
    %add3A_1542 = arith.constant 0 : i32
    %add3A_1543 = arith.addi %mul3A_1541, %add3A_1542 : i32
    %dma_wait3A_1544 = arith.constant 0 : i32
    %dma_wait3A_1545 = tpu.memref_slice %arg15[%add3A_1543] : memref<1048576xf32, #tpu.memory_space<vmem_shared>> -> memref<4096xf32, #tpu.memory_space<vmem_shared>>
    %dma_wait3A_1546 = arith.constant 0 : i32
    %dma_wait3A_1547 = tpu.memref_slice %arg2[%dma_wait3A_1544, %dma_wait3A_1546] : memref<16384x4096xf32, #tpu.memory_space<hbm>> -> memref<1x4096xf32, #tpu.memory_space<hbm>>
    %dma_wait3A_1548 = tpu.memref_squeeze %dma_wait3A_1547 : memref<1x4096xf32, #tpu.memory_space<hbm>> -> memref<4096xf32, #tpu.memory_space<hbm>>
    tpu.wait_dma2 semaphore(%arg10 : memref<!tpu.dma_semaphore, #tpu.memory_space<semaphore_mem>>) src(%dma_wait3A_1548 : memref<4096xf32, #tpu.memory_space<hbm>>) dst(%dma_wait3A_1545 : memref<4096xf32, #tpu.memory_space<vmem_shared>>)
    %add3A_1549 = arith.constant 4096 : i32
    %add3A_1550 = arith.addi %mul3A_1541, %add3A_1549 : i32
    %dma_wait3A_1551 = arith.constant 0 : i32
    %dma_wait3A_1552 = tpu.memref_slice %arg15[%add3A_1550] : memref<1048576xf32, #tpu.memory_space<vmem_shared>> -> memref<4096xf32, #tpu.memory_space<vmem_shared>>
    %dma_wait3A_1553 = arith.constant 0 : i32
    %dma_wait3A_1554 = tpu.memref_slice %arg2[%dma_wait3A_1551, %dma_wait3A_1553] : memref<16384x4096xf32, #tpu.memory_space<hbm>> -> memref<1x4096xf32, #tpu.memory_space<hbm>>
    %dma_wait3A_1555 = tpu.memref_squeeze %dma_wait3A_1554 : memref<1x4096xf32, #tpu.memory_space<hbm>> -> memref<4096xf32, #tpu.memory_space<hbm>>
    tpu.wait_dma2 semaphore(%arg10 : memref<!tpu.dma_semaphore, #tpu.memory_space<semaphore_mem>>) src(%dma_wait3A_1555 : memref<4096xf32, #tpu.memory_space<hbm>>) dst(%dma_wait3A_1552 : memref<4096xf32, #tpu.memory_space<vmem_shared>>)
    %add3A_1556 = arith.constant 8192 : i32
    %add3A_1557 = arith.addi %mul3A_1541, %add3A_1556 : i32
    %dma_wait3A_1558 = arith.constant 0 : i32
    %dma_wait3A_1559 = tpu.memref_slice %arg15[%add3A_1557] : memref<1048576xf32, #tpu.memory_space<vmem_shared>> -> memref<4096xf32, #tpu.memory_space<vmem_shared>>
    %dma_wait3A_1560 = arith.constant 0 : i32
    %dma_wait3A_1561 = tpu.memref_slice %arg2[%dma_wait3A_1558, %dma_wait3A_1560] : memref<16384x4096xf32, #tpu.memory_space<hbm>> -> memref<1x4096xf32, #tpu.memory_space<hbm>>
    %dma_wait3A_1562 = tpu.memref_squeeze %dma_wait3A_1561 : memref<1x4096xf32, #tpu.memory_space<hbm>> -> memref<4096xf32, #tpu.memory_space<hbm>>
    tpu.wait_dma2 semaphore(%arg10 : memref<!tpu.dma_semaphore, #tpu.memory_space<semaphore_mem>>) src(%dma_wait3A_1562 : memref<4096xf32, #tpu.memory_space<hbm>>) dst(%dma_wait3A_1559 : memref<4096xf32, #tpu.memory_space<vmem_shared>>)
    %add3A_1563 = arith.constant 12288 : i32
    %add3A_1564 = arith.addi %mul3A_1541, %add3A_1563 : i32
    %dma_wait3A_1565 = arith.constant 0 : i32
    %dma_wait3A_1566 = tpu.memref_slice %arg15[%add3A_1564] : memref<1048576xf32, #tpu.memory_space<vmem_shared>> -> memref<4096xf32, #tpu.memory_space<vmem_shared>>
    %dma_wait3A_1567 = arith.constant 0 : i32
    %dma_wait3A_1568 = tpu.memref_slice %arg2[%dma_wait3A_1565, %dma_wait3A_1567] : memref<16384x4096xf32, #tpu.memory_space<hbm>> -> memref<1x4096xf32, #tpu.memory_space<hbm>>
    %dma_wait3A_1569 = tpu.memref_squeeze %dma_wait3A_1568 : memref<1x4096xf32, #tpu.memory_space<hbm>> -> memref<4096xf32, #tpu.memory_space<hbm>>
    tpu.wait_dma2 semaphore(%arg10 : memref<!tpu.dma_semaphore, #tpu.memory_space<semaphore_mem>>) src(%dma_wait3A_1569 : memref<4096xf32, #tpu.memory_space<hbm>>) dst(%dma_wait3A_1566 : memref<4096xf32, #tpu.memory_space<vmem_shared>>)
    %add3A_1570 = arith.constant 16384 : i32
    %add3A_1571 = arith.addi %mul3A_1541, %add3A_1570 : i32
    %dma_wait3A_1572 = arith.constant 0 : i32
    %dma_wait3A_1573 = tpu.memref_slice %arg15[%add3A_1571] : memref<1048576xf32, #tpu.memory_space<vmem_shared>> -> memref<4096xf32, #tpu.memory_space<vmem_shared>>
    %dma_wait3A_1574 = arith.constant 0 : i32
    %dma_wait3A_1575 = tpu.memref_slice %arg2[%dma_wait3A_1572, %dma_wait3A_1574] : memref<16384x4096xf32, #tpu.memory_space<hbm>> -> memref<1x4096xf32, #tpu.memory_space<hbm>>
    %dma_wait3A_1576 = tpu.memref_squeeze %dma_wait3A_1575 : memref<1x4096xf32, #tpu.memory_space<hbm>> -> memref<4096xf32, #tpu.memory_space<hbm>>
    tpu.wait_dma2 semaphore(%arg10 : memref<!tpu.dma_semaphore, #tpu.memory_space<semaphore_mem>>) src(%dma_wait3A_1576 : memref<4096xf32, #tpu.memory_space<hbm>>) dst(%dma_wait3A_1573 : memref<4096xf32, #tpu.memory_space<vmem_shared>>)
    %add3A_1577 = arith.constant 20480 : i32
    %add3A_1578 = arith.addi %mul3A_1541, %add3A_1577 : i32
    %dma_wait3A_1579 = arith.constant 0 : i32
    %dma_wait3A_1580 = tpu.memref_slice %arg15[%add3A_1578] : memref<1048576xf32, #tpu.memory_space<vmem_shared>> -> memref<4096xf32, #tpu.memory_space<vmem_shared>>
    %dma_wait3A_1581 = arith.constant 0 : i32
    %dma_wait3A_1582 = tpu.memref_slice %arg2[%dma_wait3A_1579, %dma_wait3A_1581] : memref<16384x4096xf32, #tpu.memory_space<hbm>> -> memref<1x4096xf32, #tpu.memory_space<hbm>>
    %dma_wait3A_1583 = tpu.memref_squeeze %dma_wait3A_1582 : memref<1x4096xf32, #tpu.memory_space<hbm>> -> memref<4096xf32, #tpu.memory_space<hbm>>
    tpu.wait_dma2 semaphore(%arg10 : memref<!tpu.dma_semaphore, #tpu.memory_space<semaphore_mem>>) src(%dma_wait3A_1583 : memref<4096xf32, #tpu.memory_space<hbm>>) dst(%dma_wait3A_1580 : memref<4096xf32, #tpu.memory_space<vmem_shared>>)
    %add3A_1584 = arith.constant 24576 : i32
    %add3A_1585 = arith.addi %mul3A_1541, %add3A_1584 : i32
    %dma_wait3A_1586 = arith.constant 0 : i32
    %dma_wait3A_1587 = tpu.memref_slice %arg15[%add3A_1585] : memref<1048576xf32, #tpu.memory_space<vmem_shared>> -> memref<4096xf32, #tpu.memory_space<vmem_shared>>
    %dma_wait3A_1588 = arith.constant 0 : i32
    %dma_wait3A_1589 = tpu.memref_slice %arg2[%dma_wait3A_1586, %dma_wait3A_1588] : memref<16384x4096xf32, #tpu.memory_space<hbm>> -> memref<1x4096xf32, #tpu.memory_space<hbm>>
    %dma_wait3A_1590 = tpu.memref_squeeze %dma_wait3A_1589 : memref<1x4096xf32, #tpu.memory_space<hbm>> -> memref<4096xf32, #tpu.memory_space<hbm>>
    tpu.wait_dma2 semaphore(%arg10 : memref<!tpu.dma_semaphore, #tpu.memory_space<semaphore_mem>>) src(%dma_wait3A_1590 : memref<4096xf32, #tpu.memory_space<hbm>>) dst(%dma_wait3A_1587 : memref<4096xf32, #tpu.memory_space<vmem_shared>>)
    %add3A_1591 = arith.constant 28672 : i32
    %add3A_1592 = arith.addi %mul3A_1541, %add3A_1591 : i32
    %dma_wait3A_1593 = arith.constant 0 : i32
    %dma_wait3A_1594 = tpu.memref_slice %arg15[%add3A_1592] : memref<1048576xf32, #tpu.memory_space<vmem_shared>> -> memref<4096xf32, #tpu.memory_space<vmem_shared>>
    %dma_wait3A_1595 = arith.constant 0 : i32
    %dma_wait3A_1596 = tpu.memref_slice %arg2[%dma_wait3A_1593, %dma_wait3A_1595] : memref<16384x4096xf32, #tpu.memory_space<hbm>> -> memref<1x4096xf32, #tpu.memory_space<hbm>>
    %dma_wait3A_1597 = tpu.memref_squeeze %dma_wait3A_1596 : memref<1x4096xf32, #tpu.memory_space<hbm>> -> memref<4096xf32, #tpu.memory_space<hbm>>
    tpu.wait_dma2 semaphore(%arg10 : memref<!tpu.dma_semaphore, #tpu.memory_space<semaphore_mem>>) src(%dma_wait3A_1597 : memref<4096xf32, #tpu.memory_space<hbm>>) dst(%dma_wait3A_1594 : memref<4096xf32, #tpu.memory_space<vmem_shared>>)
    %dma_start3A_1598 = arith.constant 1 : i32
    %dma_start3A_1599 = arith.constant 0 : i32
    %dma_start3A_1600 = arith.constant 0 : i32
    %dma_start3A_1601 = arith.constant 0 : i32
    %dma_start3A_1602 = tpu.memref_slice %arg8[%dma_start3A_1598, %dma_start3A_1600, %dma_start3A_1601] : memref<2x8x128xf32, #tpu.memory_space<vmem>> -> memref<1x8x128xf32, #tpu.memory_space<vmem>>
    %dma_start3A_1603 = tpu.memref_squeeze %dma_start3A_1602 : memref<1x8x128xf32, #tpu.memory_space<vmem>> -> memref<8x128xf32, #tpu.memory_space<vmem>>
    %dma_start3A_1604 = arith.constant 0 : i32
    %dma_start3A_1605 = tpu.memref_slice %dma_start3A_1603[%dma_start3A_1599, %dma_start3A_1604] : memref<8x128xf32, #tpu.memory_space<vmem>> -> memref<1x128xf32, #tpu.memory_space<vmem>>
    %dma_start3A_1606 = tpu.memref_squeeze %dma_start3A_1605 : memref<1x128xf32, #tpu.memory_space<vmem>> -> memref<128xf32, #tpu.memory_space<vmem>>
    %dma_start3A_1607 = arith.constant 0 : i32
    %dma_start3A_1608 = tpu.memref_slice %arg7[%dma_start3A_1607] : memref<1024xi32, #tpu.memory_space<vmem>> -> memref<128xi32, #tpu.memory_space<vmem>>
    %dma_start3A_1609 = arith.constant 0 : i32
    %dma_start3A_1610 = tpu.memref_slice %arg15[%dma_start3A_1609] : memref<1048576xf32, #tpu.memory_space<vmem_shared>> -> memref<1048576xf32, #tpu.memory_space<vmem_shared>>
    tpu.enqueue_indirect_dma source(%dma_start3A_1610 : memref<1048576xf32, #tpu.memory_space<vmem_shared>>) target(%dma_start3A_1606 : memref<128xf32, #tpu.memory_space<vmem>>) offsets(%dma_start3A_1608 : memref<128xi32, #tpu.memory_space<vmem>>) semaphore(%arg12 : memref<!tpu.dma_semaphore, #tpu.memory_space<semaphore_mem>>)
    %dma_start3A_1611 = arith.constant 1 : i32
    %dma_start3A_1612 = arith.constant 1 : i32
    %dma_start3A_1613 = arith.constant 0 : i32
    %dma_start3A_1614 = arith.constant 0 : i32
    %dma_start3A_1615 = tpu.memref_slice %arg8[%dma_start3A_1611, %dma_start3A_1613, %dma_start3A_1614] : memref<2x8x128xf32, #tpu.memory_space<vmem>> -> memref<1x8x128xf32, #tpu.memory_space<vmem>>
    %dma_start3A_1616 = tpu.memref_squeeze %dma_start3A_1615 : memref<1x8x128xf32, #tpu.memory_space<vmem>> -> memref<8x128xf32, #tpu.memory_space<vmem>>
    %dma_start3A_1617 = arith.constant 0 : i32
    %dma_start3A_1618 = tpu.memref_slice %dma_start3A_1616[%dma_start3A_1612, %dma_start3A_1617] : memref<8x128xf32, #tpu.memory_space<vmem>> -> memref<1x128xf32, #tpu.memory_space<vmem>>
    %dma_start3A_1619 = tpu.memref_squeeze %dma_start3A_1618 : memref<1x128xf32, #tpu.memory_space<vmem>> -> memref<128xf32, #tpu.memory_space<vmem>>
    %dma_start3A_1620 = arith.constant 128 : i32
    %dma_start3A_1621 = tpu.memref_slice %arg7[%dma_start3A_1620] : memref<1024xi32, #tpu.memory_space<vmem>> -> memref<128xi32, #tpu.memory_space<vmem>>
    %dma_start3A_1622 = arith.constant 0 : i32
    %dma_start3A_1623 = tpu.memref_slice %arg15[%dma_start3A_1622] : memref<1048576xf32, #tpu.memory_space<vmem_shared>> -> memref<1048576xf32, #tpu.memory_space<vmem_shared>>
    tpu.enqueue_indirect_dma source(%dma_start3A_1623 : memref<1048576xf32, #tpu.memory_space<vmem_shared>>) target(%dma_start3A_1619 : memref<128xf32, #tpu.memory_space<vmem>>) offsets(%dma_start3A_1621 : memref<128xi32, #tpu.memory_space<vmem>>) semaphore(%arg12 : memref<!tpu.dma_semaphore, #tpu.memory_space<semaphore_mem>>)
    %dma_start3A_1624 = arith.constant 1 : i32
    %dma_start3A_1625 = arith.constant 2 : i32
    %dma_start3A_1626 = arith.constant 0 : i32
    %dma_start3A_1627 = arith.constant 0 : i32
    %dma_start3A_1628 = tpu.memref_slice %arg8[%dma_start3A_1624, %dma_start3A_1626, %dma_start3A_1627] : memref<2x8x128xf32, #tpu.memory_space<vmem>> -> memref<1x8x128xf32, #tpu.memory_space<vmem>>
    %dma_start3A_1629 = tpu.memref_squeeze %dma_start3A_1628 : memref<1x8x128xf32, #tpu.memory_space<vmem>> -> memref<8x128xf32, #tpu.memory_space<vmem>>
    %dma_start3A_1630 = arith.constant 0 : i32
    %dma_start3A_1631 = tpu.memref_slice %dma_start3A_1629[%dma_start3A_1625, %dma_start3A_1630] : memref<8x128xf32, #tpu.memory_space<vmem>> -> memref<1x128xf32, #tpu.memory_space<vmem>>
    %dma_start3A_1632 = tpu.memref_squeeze %dma_start3A_1631 : memref<1x128xf32, #tpu.memory_space<vmem>> -> memref<128xf32, #tpu.memory_space<vmem>>
    %dma_start3A_1633 = arith.constant 256 : i32
    %dma_start3A_1634 = tpu.memref_slice %arg7[%dma_start3A_1633] : memref<1024xi32, #tpu.memory_space<vmem>> -> memref<128xi32, #tpu.memory_space<vmem>>
    %dma_start3A_1635 = arith.constant 0 : i32
    %dma_start3A_1636 = tpu.memref_slice %arg15[%dma_start3A_1635] : memref<1048576xf32, #tpu.memory_space<vmem_shared>> -> memref<1048576xf32, #tpu.memory_space<vmem_shared>>
    tpu.enqueue_indirect_dma source(%dma_start3A_1636 : memref<1048576xf32, #tpu.memory_space<vmem_shared>>) target(%dma_start3A_1632 : memref<128xf32, #tpu.memory_space<vmem>>) offsets(%dma_start3A_1634 : memref<128xi32, #tpu.memory_space<vmem>>) semaphore(%arg12 : memref<!tpu.dma_semaphore, #tpu.memory_space<semaphore_mem>>)
    %dma_start3A_1637 = arith.constant 1 : i32
    %dma_start3A_1638 = arith.constant 3 : i32
    %dma_start3A_1639 = arith.constant 0 : i32
    %dma_start3A_1640 = arith.constant 0 : i32
    %dma_start3A_1641 = tpu.memref_slice %arg8[%dma_start3A_1637, %dma_start3A_1639, %dma_start3A_1640] : memref<2x8x128xf32, #tpu.memory_space<vmem>> -> memref<1x8x128xf32, #tpu.memory_space<vmem>>
    %dma_start3A_1642 = tpu.memref_squeeze %dma_start3A_1641 : memref<1x8x128xf32, #tpu.memory_space<vmem>> -> memref<8x128xf32, #tpu.memory_space<vmem>>
    %dma_start3A_1643 = arith.constant 0 : i32
    %dma_start3A_1644 = tpu.memref_slice %dma_start3A_1642[%dma_start3A_1638, %dma_start3A_1643] : memref<8x128xf32, #tpu.memory_space<vmem>> -> memref<1x128xf32, #tpu.memory_space<vmem>>
    %dma_start3A_1645 = tpu.memref_squeeze %dma_start3A_1644 : memref<1x128xf32, #tpu.memory_space<vmem>> -> memref<128xf32, #tpu.memory_space<vmem>>
    %dma_start3A_1646 = arith.constant 384 : i32
    %dma_start3A_1647 = tpu.memref_slice %arg7[%dma_start3A_1646] : memref<1024xi32, #tpu.memory_space<vmem>> -> memref<128xi32, #tpu.memory_space<vmem>>
    %dma_start3A_1648 = arith.constant 0 : i32
    %dma_start3A_1649 = tpu.memref_slice %arg15[%dma_start3A_1648] : memref<1048576xf32, #tpu.memory_space<vmem_shared>> -> memref<1048576xf32, #tpu.memory_space<vmem_shared>>
    tpu.enqueue_indirect_dma source(%dma_start3A_1649 : memref<1048576xf32, #tpu.memory_space<vmem_shared>>) target(%dma_start3A_1645 : memref<128xf32, #tpu.memory_space<vmem>>) offsets(%dma_start3A_1647 : memref<128xi32, #tpu.memory_space<vmem>>) semaphore(%arg12 : memref<!tpu.dma_semaphore, #tpu.memory_space<semaphore_mem>>)
    %dma_start3A_1650 = arith.constant 1 : i32
    %dma_start3A_1651 = arith.constant 4 : i32
    %dma_start3A_1652 = arith.constant 0 : i32
    %dma_start3A_1653 = arith.constant 0 : i32
    %dma_start3A_1654 = tpu.memref_slice %arg8[%dma_start3A_1650, %dma_start3A_1652, %dma_start3A_1653] : memref<2x8x128xf32, #tpu.memory_space<vmem>> -> memref<1x8x128xf32, #tpu.memory_space<vmem>>
    %dma_start3A_1655 = tpu.memref_squeeze %dma_start3A_1654 : memref<1x8x128xf32, #tpu.memory_space<vmem>> -> memref<8x128xf32, #tpu.memory_space<vmem>>
    %dma_start3A_1656 = arith.constant 0 : i32
    %dma_start3A_1657 = tpu.memref_slice %dma_start3A_1655[%dma_start3A_1651, %dma_start3A_1656] : memref<8x128xf32, #tpu.memory_space<vmem>> -> memref<1x128xf32, #tpu.memory_space<vmem>>
    %dma_start3A_1658 = tpu.memref_squeeze %dma_start3A_1657 : memref<1x128xf32, #tpu.memory_space<vmem>> -> memref<128xf32, #tpu.memory_space<vmem>>
    %dma_start3A_1659 = arith.constant 512 : i32
    %dma_start3A_1660 = tpu.memref_slice %arg7[%dma_start3A_1659] : memref<1024xi32, #tpu.memory_space<vmem>> -> memref<128xi32, #tpu.memory_space<vmem>>
    %dma_start3A_1661 = arith.constant 0 : i32
    %dma_start3A_1662 = tpu.memref_slice %arg15[%dma_start3A_1661] : memref<1048576xf32, #tpu.memory_space<vmem_shared>> -> memref<1048576xf32, #tpu.memory_space<vmem_shared>>
    tpu.enqueue_indirect_dma source(%dma_start3A_1662 : memref<1048576xf32, #tpu.memory_space<vmem_shared>>) target(%dma_start3A_1658 : memref<128xf32, #tpu.memory_space<vmem>>) offsets(%dma_start3A_1660 : memref<128xi32, #tpu.memory_space<vmem>>) semaphore(%arg12 : memref<!tpu.dma_semaphore, #tpu.memory_space<semaphore_mem>>)
    %dma_start3A_1663 = arith.constant 1 : i32
    %dma_start3A_1664 = arith.constant 5 : i32
    %dma_start3A_1665 = arith.constant 0 : i32
    %dma_start3A_1666 = arith.constant 0 : i32
    %dma_start3A_1667 = tpu.memref_slice %arg8[%dma_start3A_1663, %dma_start3A_1665, %dma_start3A_1666] : memref<2x8x128xf32, #tpu.memory_space<vmem>> -> memref<1x8x128xf32, #tpu.memory_space<vmem>>
    %dma_start3A_1668 = tpu.memref_squeeze %dma_start3A_1667 : memref<1x8x128xf32, #tpu.memory_space<vmem>> -> memref<8x128xf32, #tpu.memory_space<vmem>>
    %dma_start3A_1669 = arith.constant 0 : i32
    %dma_start3A_1670 = tpu.memref_slice %dma_start3A_1668[%dma_start3A_1664, %dma_start3A_1669] : memref<8x128xf32, #tpu.memory_space<vmem>> -> memref<1x128xf32, #tpu.memory_space<vmem>>
    %dma_start3A_1671 = tpu.memref_squeeze %dma_start3A_1670 : memref<1x128xf32, #tpu.memory_space<vmem>> -> memref<128xf32, #tpu.memory_space<vmem>>
    %dma_start3A_1672 = arith.constant 640 : i32
    %dma_start3A_1673 = tpu.memref_slice %arg7[%dma_start3A_1672] : memref<1024xi32, #tpu.memory_space<vmem>> -> memref<128xi32, #tpu.memory_space<vmem>>
    %dma_start3A_1674 = arith.constant 0 : i32
    %dma_start3A_1675 = tpu.memref_slice %arg15[%dma_start3A_1674] : memref<1048576xf32, #tpu.memory_space<vmem_shared>> -> memref<1048576xf32, #tpu.memory_space<vmem_shared>>
    tpu.enqueue_indirect_dma source(%dma_start3A_1675 : memref<1048576xf32, #tpu.memory_space<vmem_shared>>) target(%dma_start3A_1671 : memref<128xf32, #tpu.memory_space<vmem>>) offsets(%dma_start3A_1673 : memref<128xi32, #tpu.memory_space<vmem>>) semaphore(%arg12 : memref<!tpu.dma_semaphore, #tpu.memory_space<semaphore_mem>>)
    %dma_start3A_1676 = arith.constant 1 : i32
    %dma_start3A_1677 = arith.constant 6 : i32
    %dma_start3A_1678 = arith.constant 0 : i32
    %dma_start3A_1679 = arith.constant 0 : i32
    %dma_start3A_1680 = tpu.memref_slice %arg8[%dma_start3A_1676, %dma_start3A_1678, %dma_start3A_1679] : memref<2x8x128xf32, #tpu.memory_space<vmem>> -> memref<1x8x128xf32, #tpu.memory_space<vmem>>
    %dma_start3A_1681 = tpu.memref_squeeze %dma_start3A_1680 : memref<1x8x128xf32, #tpu.memory_space<vmem>> -> memref<8x128xf32, #tpu.memory_space<vmem>>
    %dma_start3A_1682 = arith.constant 0 : i32
    %dma_start3A_1683 = tpu.memref_slice %dma_start3A_1681[%dma_start3A_1677, %dma_start3A_1682] : memref<8x128xf32, #tpu.memory_space<vmem>> -> memref<1x128xf32, #tpu.memory_space<vmem>>
    %dma_start3A_1684 = tpu.memref_squeeze %dma_start3A_1683 : memref<1x128xf32, #tpu.memory_space<vmem>> -> memref<128xf32, #tpu.memory_space<vmem>>
    %dma_start3A_1685 = arith.constant 768 : i32
    %dma_start3A_1686 = tpu.memref_slice %arg7[%dma_start3A_1685] : memref<1024xi32, #tpu.memory_space<vmem>> -> memref<128xi32, #tpu.memory_space<vmem>>
    %dma_start3A_1687 = arith.constant 0 : i32
    %dma_start3A_1688 = tpu.memref_slice %arg15[%dma_start3A_1687] : memref<1048576xf32, #tpu.memory_space<vmem_shared>> -> memref<1048576xf32, #tpu.memory_space<vmem_shared>>
    tpu.enqueue_indirect_dma source(%dma_start3A_1688 : memref<1048576xf32, #tpu.memory_space<vmem_shared>>) target(%dma_start3A_1684 : memref<128xf32, #tpu.memory_space<vmem>>) offsets(%dma_start3A_1686 : memref<128xi32, #tpu.memory_space<vmem>>) semaphore(%arg12 : memref<!tpu.dma_semaphore, #tpu.memory_space<semaphore_mem>>)
    %dma_start3A_1689 = arith.constant 1 : i32
    %dma_start3A_1690 = arith.constant 7 : i32
    %dma_start3A_1691 = arith.constant 0 : i32
    %dma_start3A_1692 = arith.constant 0 : i32
    %dma_start3A_1693 = tpu.memref_slice %arg8[%dma_start3A_1689, %dma_start3A_1691, %dma_start3A_1692] : memref<2x8x128xf32, #tpu.memory_space<vmem>> -> memref<1x8x128xf32, #tpu.memory_space<vmem>>
    %dma_start3A_1694 = tpu.memref_squeeze %dma_start3A_1693 : memref<1x8x128xf32, #tpu.memory_space<vmem>> -> memref<8x128xf32, #tpu.memory_space<vmem>>
    %dma_start3A_1695 = arith.constant 0 : i32
    %dma_start3A_1696 = tpu.memref_slice %dma_start3A_1694[%dma_start3A_1690, %dma_start3A_1695] : memref<8x128xf32, #tpu.memory_space<vmem>> -> memref<1x128xf32, #tpu.memory_space<vmem>>
    %dma_start3A_1697 = tpu.memref_squeeze %dma_start3A_1696 : memref<1x128xf32, #tpu.memory_space<vmem>> -> memref<128xf32, #tpu.memory_space<vmem>>
    %dma_start3A_1698 = arith.constant 896 : i32
    %dma_start3A_1699 = tpu.memref_slice %arg7[%dma_start3A_1698] : memref<1024xi32, #tpu.memory_space<vmem>> -> memref<128xi32, #tpu.memory_space<vmem>>
    %dma_start3A_1700 = arith.constant 0 : i32
    %dma_start3A_1701 = tpu.memref_slice %arg15[%dma_start3A_1700] : memref<1048576xf32, #tpu.memory_space<vmem_shared>> -> memref<1048576xf32, #tpu.memory_space<vmem_shared>>
    tpu.enqueue_indirect_dma source(%dma_start3A_1701 : memref<1048576xf32, #tpu.memory_space<vmem_shared>>) target(%dma_start3A_1697 : memref<128xf32, #tpu.memory_space<vmem>>) offsets(%dma_start3A_1699 : memref<128xi32, #tpu.memory_space<vmem>>) semaphore(%arg12 : memref<!tpu.dma_semaphore, #tpu.memory_space<semaphore_mem>>)
    %dma_wait3A_1702 = arith.constant 1 : i32
    %dma_wait3A_1703 = arith.constant 0 : i32
    %dma_wait3A_1704 = arith.constant 0 : i32
    %dma_wait3A_1705 = arith.constant 0 : i32
    %dma_wait3A_1706 = tpu.memref_slice %arg8[%dma_wait3A_1702, %dma_wait3A_1704, %dma_wait3A_1705] : memref<2x8x128xf32, #tpu.memory_space<vmem>> -> memref<1x8x128xf32, #tpu.memory_space<vmem>>
    %dma_wait3A_1707 = tpu.memref_squeeze %dma_wait3A_1706 : memref<1x8x128xf32, #tpu.memory_space<vmem>> -> memref<8x128xf32, #tpu.memory_space<vmem>>
    %dma_wait3A_1708 = arith.constant 0 : i32
    %dma_wait3A_1709 = tpu.memref_slice %dma_wait3A_1707[%dma_wait3A_1703, %dma_wait3A_1708] : memref<8x128xf32, #tpu.memory_space<vmem>> -> memref<1x128xf32, #tpu.memory_space<vmem>>
    %dma_wait3A_1710 = tpu.memref_squeeze %dma_wait3A_1709 : memref<1x128xf32, #tpu.memory_space<vmem>> -> memref<128xf32, #tpu.memory_space<vmem>>
    %dma_wait3A_1711 = arith.constant 0 : i32
    %dma_wait3A_1712 = tpu.memref_slice %arg7[%dma_wait3A_1711] : memref<1024xi32, #tpu.memory_space<vmem>> -> memref<128xi32, #tpu.memory_space<vmem>>
    %dma_wait3A_1713 = arith.constant 0 : i32
    %dma_wait3A_1714 = tpu.memref_slice %arg15[%dma_wait3A_1713] : memref<1048576xf32, #tpu.memory_space<vmem_shared>> -> memref<1048576xf32, #tpu.memory_space<vmem_shared>>
    tpu.wait_indirect_dma semaphore(%arg12 : memref<!tpu.dma_semaphore, #tpu.memory_space<semaphore_mem>>) src(%dma_wait3A_1714 : memref<1048576xf32, #tpu.memory_space<vmem_shared>>) dst(%dma_wait3A_1710 : memref<128xf32, #tpu.memory_space<vmem>>)
    %dma_wait3A_1715 = arith.constant 1 : i32
    %dma_wait3A_1716 = arith.constant 1 : i32
    %dma_wait3A_1717 = arith.constant 0 : i32
    %dma_wait3A_1718 = arith.constant 0 : i32
    %dma_wait3A_1719 = tpu.memref_slice %arg8[%dma_wait3A_1715, %dma_wait3A_1717, %dma_wait3A_1718] : memref<2x8x128xf32, #tpu.memory_space<vmem>> -> memref<1x8x128xf32, #tpu.memory_space<vmem>>
    %dma_wait3A_1720 = tpu.memref_squeeze %dma_wait3A_1719 : memref<1x8x128xf32, #tpu.memory_space<vmem>> -> memref<8x128xf32, #tpu.memory_space<vmem>>
    %dma_wait3A_1721 = arith.constant 0 : i32
    %dma_wait3A_1722 = tpu.memref_slice %dma_wait3A_1720[%dma_wait3A_1716, %dma_wait3A_1721] : memref<8x128xf32, #tpu.memory_space<vmem>> -> memref<1x128xf32, #tpu.memory_space<vmem>>
    %dma_wait3A_1723 = tpu.memref_squeeze %dma_wait3A_1722 : memref<1x128xf32, #tpu.memory_space<vmem>> -> memref<128xf32, #tpu.memory_space<vmem>>
    %dma_wait3A_1724 = arith.constant 128 : i32
    %dma_wait3A_1725 = tpu.memref_slice %arg7[%dma_wait3A_1724] : memref<1024xi32, #tpu.memory_space<vmem>> -> memref<128xi32, #tpu.memory_space<vmem>>
    %dma_wait3A_1726 = arith.constant 0 : i32
    %dma_wait3A_1727 = tpu.memref_slice %arg15[%dma_wait3A_1726] : memref<1048576xf32, #tpu.memory_space<vmem_shared>> -> memref<1048576xf32, #tpu.memory_space<vmem_shared>>
    tpu.wait_indirect_dma semaphore(%arg12 : memref<!tpu.dma_semaphore, #tpu.memory_space<semaphore_mem>>) src(%dma_wait3A_1727 : memref<1048576xf32, #tpu.memory_space<vmem_shared>>) dst(%dma_wait3A_1723 : memref<128xf32, #tpu.memory_space<vmem>>)
    %dma_wait3A_1728 = arith.constant 1 : i32
    %dma_wait3A_1729 = arith.constant 2 : i32
    %dma_wait3A_1730 = arith.constant 0 : i32
    %dma_wait3A_1731 = arith.constant 0 : i32
    %dma_wait3A_1732 = tpu.memref_slice %arg8[%dma_wait3A_1728, %dma_wait3A_1730, %dma_wait3A_1731] : memref<2x8x128xf32, #tpu.memory_space<vmem>> -> memref<1x8x128xf32, #tpu.memory_space<vmem>>
    %dma_wait3A_1733 = tpu.memref_squeeze %dma_wait3A_1732 : memref<1x8x128xf32, #tpu.memory_space<vmem>> -> memref<8x128xf32, #tpu.memory_space<vmem>>
    %dma_wait3A_1734 = arith.constant 0 : i32
    %dma_wait3A_1735 = tpu.memref_slice %dma_wait3A_1733[%dma_wait3A_1729, %dma_wait3A_1734] : memref<8x128xf32, #tpu.memory_space<vmem>> -> memref<1x128xf32, #tpu.memory_space<vmem>>
    %dma_wait3A_1736 = tpu.memref_squeeze %dma_wait3A_1735 : memref<1x128xf32, #tpu.memory_space<vmem>> -> memref<128xf32, #tpu.memory_space<vmem>>
    %dma_wait3A_1737 = arith.constant 256 : i32
    %dma_wait3A_1738 = tpu.memref_slice %arg7[%dma_wait3A_1737] : memref<1024xi32, #tpu.memory_space<vmem>> -> memref<128xi32, #tpu.memory_space<vmem>>
    %dma_wait3A_1739 = arith.constant 0 : i32
    %dma_wait3A_1740 = tpu.memref_slice %arg15[%dma_wait3A_1739] : memref<1048576xf32, #tpu.memory_space<vmem_shared>> -> memref<1048576xf32, #tpu.memory_space<vmem_shared>>
    tpu.wait_indirect_dma semaphore(%arg12 : memref<!tpu.dma_semaphore, #tpu.memory_space<semaphore_mem>>) src(%dma_wait3A_1740 : memref<1048576xf32, #tpu.memory_space<vmem_shared>>) dst(%dma_wait3A_1736 : memref<128xf32, #tpu.memory_space<vmem>>)
    %dma_wait3A_1741 = arith.constant 1 : i32
    %dma_wait3A_1742 = arith.constant 3 : i32
    %dma_wait3A_1743 = arith.constant 0 : i32
    %dma_wait3A_1744 = arith.constant 0 : i32
    %dma_wait3A_1745 = tpu.memref_slice %arg8[%dma_wait3A_1741, %dma_wait3A_1743, %dma_wait3A_1744] : memref<2x8x128xf32, #tpu.memory_space<vmem>> -> memref<1x8x128xf32, #tpu.memory_space<vmem>>
    %dma_wait3A_1746 = tpu.memref_squeeze %dma_wait3A_1745 : memref<1x8x128xf32, #tpu.memory_space<vmem>> -> memref<8x128xf32, #tpu.memory_space<vmem>>
    %dma_wait3A_1747 = arith.constant 0 : i32
    %dma_wait3A_1748 = tpu.memref_slice %dma_wait3A_1746[%dma_wait3A_1742, %dma_wait3A_1747] : memref<8x128xf32, #tpu.memory_space<vmem>> -> memref<1x128xf32, #tpu.memory_space<vmem>>
    %dma_wait3A_1749 = tpu.memref_squeeze %dma_wait3A_1748 : memref<1x128xf32, #tpu.memory_space<vmem>> -> memref<128xf32, #tpu.memory_space<vmem>>
    %dma_wait3A_1750 = arith.constant 384 : i32
    %dma_wait3A_1751 = tpu.memref_slice %arg7[%dma_wait3A_1750] : memref<1024xi32, #tpu.memory_space<vmem>> -> memref<128xi32, #tpu.memory_space<vmem>>
    %dma_wait3A_1752 = arith.constant 0 : i32
    %dma_wait3A_1753 = tpu.memref_slice %arg15[%dma_wait3A_1752] : memref<1048576xf32, #tpu.memory_space<vmem_shared>> -> memref<1048576xf32, #tpu.memory_space<vmem_shared>>
    tpu.wait_indirect_dma semaphore(%arg12 : memref<!tpu.dma_semaphore, #tpu.memory_space<semaphore_mem>>) src(%dma_wait3A_1753 : memref<1048576xf32, #tpu.memory_space<vmem_shared>>) dst(%dma_wait3A_1749 : memref<128xf32, #tpu.memory_space<vmem>>)
    %dma_wait3A_1754 = arith.constant 1 : i32
    %dma_wait3A_1755 = arith.constant 4 : i32
    %dma_wait3A_1756 = arith.constant 0 : i32
    %dma_wait3A_1757 = arith.constant 0 : i32
    %dma_wait3A_1758 = tpu.memref_slice %arg8[%dma_wait3A_1754, %dma_wait3A_1756, %dma_wait3A_1757] : memref<2x8x128xf32, #tpu.memory_space<vmem>> -> memref<1x8x128xf32, #tpu.memory_space<vmem>>
    %dma_wait3A_1759 = tpu.memref_squeeze %dma_wait3A_1758 : memref<1x8x128xf32, #tpu.memory_space<vmem>> -> memref<8x128xf32, #tpu.memory_space<vmem>>
    %dma_wait3A_1760 = arith.constant 0 : i32
    %dma_wait3A_1761 = tpu.memref_slice %dma_wait3A_1759[%dma_wait3A_1755, %dma_wait3A_1760] : memref<8x128xf32, #tpu.memory_space<vmem>> -> memref<1x128xf32, #tpu.memory_space<vmem>>
    %dma_wait3A_1762 = tpu.memref_squeeze %dma_wait3A_1761 : memref<1x128xf32, #tpu.memory_space<vmem>> -> memref<128xf32, #tpu.memory_space<vmem>>
    %dma_wait3A_1763 = arith.constant 512 : i32
    %dma_wait3A_1764 = tpu.memref_slice %arg7[%dma_wait3A_1763] : memref<1024xi32, #tpu.memory_space<vmem>> -> memref<128xi32, #tpu.memory_space<vmem>>
    %dma_wait3A_1765 = arith.constant 0 : i32
    %dma_wait3A_1766 = tpu.memref_slice %arg15[%dma_wait3A_1765] : memref<1048576xf32, #tpu.memory_space<vmem_shared>> -> memref<1048576xf32, #tpu.memory_space<vmem_shared>>
    tpu.wait_indirect_dma semaphore(%arg12 : memref<!tpu.dma_semaphore, #tpu.memory_space<semaphore_mem>>) src(%dma_wait3A_1766 : memref<1048576xf32, #tpu.memory_space<vmem_shared>>) dst(%dma_wait3A_1762 : memref<128xf32, #tpu.memory_space<vmem>>)
    %dma_wait3A_1767 = arith.constant 1 : i32
    %dma_wait3A_1768 = arith.constant 5 : i32
    %dma_wait3A_1769 = arith.constant 0 : i32
    %dma_wait3A_1770 = arith.constant 0 : i32
    %dma_wait3A_1771 = tpu.memref_slice %arg8[%dma_wait3A_1767, %dma_wait3A_1769, %dma_wait3A_1770] : memref<2x8x128xf32, #tpu.memory_space<vmem>> -> memref<1x8x128xf32, #tpu.memory_space<vmem>>
    %dma_wait3A_1772 = tpu.memref_squeeze %dma_wait3A_1771 : memref<1x8x128xf32, #tpu.memory_space<vmem>> -> memref<8x128xf32, #tpu.memory_space<vmem>>
    %dma_wait3A_1773 = arith.constant 0 : i32
    %dma_wait3A_1774 = tpu.memref_slice %dma_wait3A_1772[%dma_wait3A_1768, %dma_wait3A_1773] : memref<8x128xf32, #tpu.memory_space<vmem>> -> memref<1x128xf32, #tpu.memory_space<vmem>>
    %dma_wait3A_1775 = tpu.memref_squeeze %dma_wait3A_1774 : memref<1x128xf32, #tpu.memory_space<vmem>> -> memref<128xf32, #tpu.memory_space<vmem>>
    %dma_wait3A_1776 = arith.constant 640 : i32
    %dma_wait3A_1777 = tpu.memref_slice %arg7[%dma_wait3A_1776] : memref<1024xi32, #tpu.memory_space<vmem>> -> memref<128xi32, #tpu.memory_space<vmem>>
    %dma_wait3A_1778 = arith.constant 0 : i32
    %dma_wait3A_1779 = tpu.memref_slice %arg15[%dma_wait3A_1778] : memref<1048576xf32, #tpu.memory_space<vmem_shared>> -> memref<1048576xf32, #tpu.memory_space<vmem_shared>>
    tpu.wait_indirect_dma semaphore(%arg12 : memref<!tpu.dma_semaphore, #tpu.memory_space<semaphore_mem>>) src(%dma_wait3A_1779 : memref<1048576xf32, #tpu.memory_space<vmem_shared>>) dst(%dma_wait3A_1775 : memref<128xf32, #tpu.memory_space<vmem>>)
    %dma_wait3A_1780 = arith.constant 1 : i32
    %dma_wait3A_1781 = arith.constant 6 : i32
    %dma_wait3A_1782 = arith.constant 0 : i32
    %dma_wait3A_1783 = arith.constant 0 : i32
    %dma_wait3A_1784 = tpu.memref_slice %arg8[%dma_wait3A_1780, %dma_wait3A_1782, %dma_wait3A_1783] : memref<2x8x128xf32, #tpu.memory_space<vmem>> -> memref<1x8x128xf32, #tpu.memory_space<vmem>>
    %dma_wait3A_1785 = tpu.memref_squeeze %dma_wait3A_1784 : memref<1x8x128xf32, #tpu.memory_space<vmem>> -> memref<8x128xf32, #tpu.memory_space<vmem>>
    %dma_wait3A_1786 = arith.constant 0 : i32
    %dma_wait3A_1787 = tpu.memref_slice %dma_wait3A_1785[%dma_wait3A_1781, %dma_wait3A_1786] : memref<8x128xf32, #tpu.memory_space<vmem>> -> memref<1x128xf32, #tpu.memory_space<vmem>>
    %dma_wait3A_1788 = tpu.memref_squeeze %dma_wait3A_1787 : memref<1x128xf32, #tpu.memory_space<vmem>> -> memref<128xf32, #tpu.memory_space<vmem>>
    %dma_wait3A_1789 = arith.constant 768 : i32
    %dma_wait3A_1790 = tpu.memref_slice %arg7[%dma_wait3A_1789] : memref<1024xi32, #tpu.memory_space<vmem>> -> memref<128xi32, #tpu.memory_space<vmem>>
    %dma_wait3A_1791 = arith.constant 0 : i32
    %dma_wait3A_1792 = tpu.memref_slice %arg15[%dma_wait3A_1791] : memref<1048576xf32, #tpu.memory_space<vmem_shared>> -> memref<1048576xf32, #tpu.memory_space<vmem_shared>>
    tpu.wait_indirect_dma semaphore(%arg12 : memref<!tpu.dma_semaphore, #tpu.memory_space<semaphore_mem>>) src(%dma_wait3A_1792 : memref<1048576xf32, #tpu.memory_space<vmem_shared>>) dst(%dma_wait3A_1788 : memref<128xf32, #tpu.memory_space<vmem>>)
    %dma_wait3A_1793 = arith.constant 1 : i32
    %dma_wait3A_1794 = arith.constant 7 : i32
    %dma_wait3A_1795 = arith.constant 0 : i32
    %dma_wait3A_1796 = arith.constant 0 : i32
    %dma_wait3A_1797 = tpu.memref_slice %arg8[%dma_wait3A_1793, %dma_wait3A_1795, %dma_wait3A_1796] : memref<2x8x128xf32, #tpu.memory_space<vmem>> -> memref<1x8x128xf32, #tpu.memory_space<vmem>>
    %dma_wait3A_1798 = tpu.memref_squeeze %dma_wait3A_1797 : memref<1x8x128xf32, #tpu.memory_space<vmem>> -> memref<8x128xf32, #tpu.memory_space<vmem>>
    %dma_wait3A_1799 = arith.constant 0 : i32
    %dma_wait3A_1800 = tpu.memref_slice %dma_wait3A_1798[%dma_wait3A_1794, %dma_wait3A_1799] : memref<8x128xf32, #tpu.memory_space<vmem>> -> memref<1x128xf32, #tpu.memory_space<vmem>>
    %dma_wait3A_1801 = tpu.memref_squeeze %dma_wait3A_1800 : memref<1x128xf32, #tpu.memory_space<vmem>> -> memref<128xf32, #tpu.memory_space<vmem>>
    %dma_wait3A_1802 = arith.constant 896 : i32
    %dma_wait3A_1803 = tpu.memref_slice %arg7[%dma_wait3A_1802] : memref<1024xi32, #tpu.memory_space<vmem>> -> memref<128xi32, #tpu.memory_space<vmem>>
    %dma_wait3A_1804 = arith.constant 0 : i32
    %dma_wait3A_1805 = tpu.memref_slice %arg15[%dma_wait3A_1804] : memref<1048576xf32, #tpu.memory_space<vmem_shared>> -> memref<1048576xf32, #tpu.memory_space<vmem_shared>>
    tpu.wait_indirect_dma semaphore(%arg12 : memref<!tpu.dma_semaphore, #tpu.memory_space<semaphore_mem>>) src(%dma_wait3A_1805 : memref<1048576xf32, #tpu.memory_space<vmem_shared>>) dst(%dma_wait3A_1801 : memref<128xf32, #tpu.memory_space<vmem>>)
    %mul3A_1806 = arith.constant 2 : i32
    %mul3A_1807 = arith.muli %arg1, %mul3A_1806 : i32
    %add3A_1808 = arith.constant 1 : i32
    %add3A_1809 = arith.addi %mul3A_1807, %add3A_1808 : i32
    %mul3A_1810 = arith.constant 32768 : i32
    %mul3A_1811 = arith.muli %add3A_1809, %mul3A_1810 : i32
    %add3A_1812 = arith.constant 24 : i32
    %add3A_1813 = arith.addi %mul3A_2, %add3A_1812 : i32
    %add3A_1814 = arith.constant 0 : i32
    %add3A_1815 = arith.addi %add3A_1813, %add3A_1814 : i32
    %add3A_1816 = arith.constant 0 : i32
    %add3A_1817 = arith.addi %mul3A_1811, %add3A_1816 : i32
    %dma_start3A_1818 = tpu.memref_slice %arg15[%add3A_1817] : memref<1048576xf32, #tpu.memory_space<vmem_shared>> -> memref<4096xf32, #tpu.memory_space<vmem_shared>>
    %dma_start3A_1819 = arith.constant 0 : i32
    %dma_start3A_1820 = tpu.memref_slice %arg2[%add3A_1815, %dma_start3A_1819] : memref<16384x4096xf32, #tpu.memory_space<hbm>> -> memref<1x4096xf32, #tpu.memory_space<hbm>>
    %dma_start3A_1821 = tpu.memref_squeeze %dma_start3A_1820 : memref<1x4096xf32, #tpu.memory_space<hbm>> -> memref<4096xf32, #tpu.memory_space<hbm>>
    tpu.enqueue_dma source(%dma_start3A_1821 : memref<4096xf32, #tpu.memory_space<hbm>>) target(%dma_start3A_1818 : memref<4096xf32, #tpu.memory_space<vmem_shared>>) target_semaphore(%arg10 : memref<!tpu.dma_semaphore, #tpu.memory_space<semaphore_mem>>)
    %add3A_1822 = arith.constant 1 : i32
    %add3A_1823 = arith.addi %add3A_1813, %add3A_1822 : i32
    %add3A_1824 = arith.constant 4096 : i32
    %add3A_1825 = arith.addi %mul3A_1811, %add3A_1824 : i32
    %dma_start3A_1826 = tpu.memref_slice %arg15[%add3A_1825] : memref<1048576xf32, #tpu.memory_space<vmem_shared>> -> memref<4096xf32, #tpu.memory_space<vmem_shared>>
    %dma_start3A_1827 = arith.constant 0 : i32
    %dma_start3A_1828 = tpu.memref_slice %arg2[%add3A_1823, %dma_start3A_1827] : memref<16384x4096xf32, #tpu.memory_space<hbm>> -> memref<1x4096xf32, #tpu.memory_space<hbm>>
    %dma_start3A_1829 = tpu.memref_squeeze %dma_start3A_1828 : memref<1x4096xf32, #tpu.memory_space<hbm>> -> memref<4096xf32, #tpu.memory_space<hbm>>
    tpu.enqueue_dma source(%dma_start3A_1829 : memref<4096xf32, #tpu.memory_space<hbm>>) target(%dma_start3A_1826 : memref<4096xf32, #tpu.memory_space<vmem_shared>>) target_semaphore(%arg10 : memref<!tpu.dma_semaphore, #tpu.memory_space<semaphore_mem>>)
    %add3A_1830 = arith.constant 2 : i32
    %add3A_1831 = arith.addi %add3A_1813, %add3A_1830 : i32
    %add3A_1832 = arith.constant 8192 : i32
    %add3A_1833 = arith.addi %mul3A_1811, %add3A_1832 : i32
    %dma_start3A_1834 = tpu.memref_slice %arg15[%add3A_1833] : memref<1048576xf32, #tpu.memory_space<vmem_shared>> -> memref<4096xf32, #tpu.memory_space<vmem_shared>>
    %dma_start3A_1835 = arith.constant 0 : i32
    %dma_start3A_1836 = tpu.memref_slice %arg2[%add3A_1831, %dma_start3A_1835] : memref<16384x4096xf32, #tpu.memory_space<hbm>> -> memref<1x4096xf32, #tpu.memory_space<hbm>>
    %dma_start3A_1837 = tpu.memref_squeeze %dma_start3A_1836 : memref<1x4096xf32, #tpu.memory_space<hbm>> -> memref<4096xf32, #tpu.memory_space<hbm>>
    tpu.enqueue_dma source(%dma_start3A_1837 : memref<4096xf32, #tpu.memory_space<hbm>>) target(%dma_start3A_1834 : memref<4096xf32, #tpu.memory_space<vmem_shared>>) target_semaphore(%arg10 : memref<!tpu.dma_semaphore, #tpu.memory_space<semaphore_mem>>)
    %add3A_1838 = arith.constant 3 : i32
    %add3A_1839 = arith.addi %add3A_1813, %add3A_1838 : i32
    %add3A_1840 = arith.constant 12288 : i32
    %add3A_1841 = arith.addi %mul3A_1811, %add3A_1840 : i32
    %dma_start3A_1842 = tpu.memref_slice %arg15[%add3A_1841] : memref<1048576xf32, #tpu.memory_space<vmem_shared>> -> memref<4096xf32, #tpu.memory_space<vmem_shared>>
    %dma_start3A_1843 = arith.constant 0 : i32
    %dma_start3A_1844 = tpu.memref_slice %arg2[%add3A_1839, %dma_start3A_1843] : memref<16384x4096xf32, #tpu.memory_space<hbm>> -> memref<1x4096xf32, #tpu.memory_space<hbm>>
    %dma_start3A_1845 = tpu.memref_squeeze %dma_start3A_1844 : memref<1x4096xf32, #tpu.memory_space<hbm>> -> memref<4096xf32, #tpu.memory_space<hbm>>
    tpu.enqueue_dma source(%dma_start3A_1845 : memref<4096xf32, #tpu.memory_space<hbm>>) target(%dma_start3A_1842 : memref<4096xf32, #tpu.memory_space<vmem_shared>>) target_semaphore(%arg10 : memref<!tpu.dma_semaphore, #tpu.memory_space<semaphore_mem>>)
    %add3A_1846 = arith.constant 4 : i32
    %add3A_1847 = arith.addi %add3A_1813, %add3A_1846 : i32
    %add3A_1848 = arith.constant 16384 : i32
    %add3A_1849 = arith.addi %mul3A_1811, %add3A_1848 : i32
    %dma_start3A_1850 = tpu.memref_slice %arg15[%add3A_1849] : memref<1048576xf32, #tpu.memory_space<vmem_shared>> -> memref<4096xf32, #tpu.memory_space<vmem_shared>>
    %dma_start3A_1851 = arith.constant 0 : i32
    %dma_start3A_1852 = tpu.memref_slice %arg2[%add3A_1847, %dma_start3A_1851] : memref<16384x4096xf32, #tpu.memory_space<hbm>> -> memref<1x4096xf32, #tpu.memory_space<hbm>>
    %dma_start3A_1853 = tpu.memref_squeeze %dma_start3A_1852 : memref<1x4096xf32, #tpu.memory_space<hbm>> -> memref<4096xf32, #tpu.memory_space<hbm>>
    tpu.enqueue_dma source(%dma_start3A_1853 : memref<4096xf32, #tpu.memory_space<hbm>>) target(%dma_start3A_1850 : memref<4096xf32, #tpu.memory_space<vmem_shared>>) target_semaphore(%arg10 : memref<!tpu.dma_semaphore, #tpu.memory_space<semaphore_mem>>)
    %add3A_1854 = arith.constant 5 : i32
    %add3A_1855 = arith.addi %add3A_1813, %add3A_1854 : i32
    %add3A_1856 = arith.constant 20480 : i32
    %add3A_1857 = arith.addi %mul3A_1811, %add3A_1856 : i32
    %dma_start3A_1858 = tpu.memref_slice %arg15[%add3A_1857] : memref<1048576xf32, #tpu.memory_space<vmem_shared>> -> memref<4096xf32, #tpu.memory_space<vmem_shared>>
    %dma_start3A_1859 = arith.constant 0 : i32
    %dma_start3A_1860 = tpu.memref_slice %arg2[%add3A_1855, %dma_start3A_1859] : memref<16384x4096xf32, #tpu.memory_space<hbm>> -> memref<1x4096xf32, #tpu.memory_space<hbm>>
    %dma_start3A_1861 = tpu.memref_squeeze %dma_start3A_1860 : memref<1x4096xf32, #tpu.memory_space<hbm>> -> memref<4096xf32, #tpu.memory_space<hbm>>
    tpu.enqueue_dma source(%dma_start3A_1861 : memref<4096xf32, #tpu.memory_space<hbm>>) target(%dma_start3A_1858 : memref<4096xf32, #tpu.memory_space<vmem_shared>>) target_semaphore(%arg10 : memref<!tpu.dma_semaphore, #tpu.memory_space<semaphore_mem>>)
    %add3A_1862 = arith.constant 6 : i32
    %add3A_1863 = arith.addi %add3A_1813, %add3A_1862 : i32
    %add3A_1864 = arith.constant 24576 : i32
    %add3A_1865 = arith.addi %mul3A_1811, %add3A_1864 : i32
    %dma_start3A_1866 = tpu.memref_slice %arg15[%add3A_1865] : memref<1048576xf32, #tpu.memory_space<vmem_shared>> -> memref<4096xf32, #tpu.memory_space<vmem_shared>>
    %dma_start3A_1867 = arith.constant 0 : i32
    %dma_start3A_1868 = tpu.memref_slice %arg2[%add3A_1863, %dma_start3A_1867] : memref<16384x4096xf32, #tpu.memory_space<hbm>> -> memref<1x4096xf32, #tpu.memory_space<hbm>>
    %dma_start3A_1869 = tpu.memref_squeeze %dma_start3A_1868 : memref<1x4096xf32, #tpu.memory_space<hbm>> -> memref<4096xf32, #tpu.memory_space<hbm>>
    tpu.enqueue_dma source(%dma_start3A_1869 : memref<4096xf32, #tpu.memory_space<hbm>>) target(%dma_start3A_1866 : memref<4096xf32, #tpu.memory_space<vmem_shared>>) target_semaphore(%arg10 : memref<!tpu.dma_semaphore, #tpu.memory_space<semaphore_mem>>)
    %add3A_1870 = arith.constant 7 : i32
    %add3A_1871 = arith.addi %add3A_1813, %add3A_1870 : i32
    %add3A_1872 = arith.constant 28672 : i32
    %add3A_1873 = arith.addi %mul3A_1811, %add3A_1872 : i32
    %dma_start3A_1874 = tpu.memref_slice %arg15[%add3A_1873] : memref<1048576xf32, #tpu.memory_space<vmem_shared>> -> memref<4096xf32, #tpu.memory_space<vmem_shared>>
    %dma_start3A_1875 = arith.constant 0 : i32
    %dma_start3A_1876 = tpu.memref_slice %arg2[%add3A_1871, %dma_start3A_1875] : memref<16384x4096xf32, #tpu.memory_space<hbm>> -> memref<1x4096xf32, #tpu.memory_space<hbm>>
    %dma_start3A_1877 = tpu.memref_squeeze %dma_start3A_1876 : memref<1x4096xf32, #tpu.memory_space<hbm>> -> memref<4096xf32, #tpu.memory_space<hbm>>
    tpu.enqueue_dma source(%dma_start3A_1877 : memref<4096xf32, #tpu.memory_space<hbm>>) target(%dma_start3A_1874 : memref<4096xf32, #tpu.memory_space<vmem_shared>>) target_semaphore(%arg10 : memref<!tpu.dma_semaphore, #tpu.memory_space<semaphore_mem>>)
    %add3A_1878 = arith.constant 8 : i32
    %add3A_1879 = arith.addi %mul3A_2, %add3A_1878 : i32
    %dma_start3A_1880 = arith.constant 1 : i32
    %dma_start3A_1881 = arith.constant 0 : i32
    %dma_start3A_1882 = arith.constant 0 : i32
    %dma_start3A_1883 = tpu.memref_slice %arg8[%dma_start3A_1880, %dma_start3A_1881, %dma_start3A_1882] : memref<2x8x128xf32, #tpu.memory_space<vmem>> -> memref<1x8x128xf32, #tpu.memory_space<vmem>>
    %dma_start3A_1884 = tpu.memref_squeeze %dma_start3A_1883 : memref<1x8x128xf32, #tpu.memory_space<vmem>> -> memref<8x128xf32, #tpu.memory_space<vmem>>
    %dma_start3A_1885 = arith.constant 0 : i32
    %dma_start3A_1886 = tpu.memref_slice %arg4[%add3A_1879, %dma_start3A_1885] : memref<6144x128xf32, #tpu.memory_space<hbm>> -> memref<8x128xf32, #tpu.memory_space<hbm>>
    %dma_start3A_1887 = arith.constant 0 : i32
    %dma_start3A_1888 = tpu.memref_slice %arg4[%add3A_1879, %dma_start3A_1887] : memref<6144x128xf32, #tpu.memory_space<hbm>> -> memref<8x128xf32, #tpu.memory_space<hbm>>
    %dma_start3A_1889 = arith.constant 0 : i32
    %dma_start3A_1890 = arith.constant 0 : i32
    %dma_start3A_1891 = tpu.memref_slice %arg8[%dma_start3A_1880, %dma_start3A_1889, %dma_start3A_1890] : memref<2x8x128xf32, #tpu.memory_space<vmem>> -> memref<1x8x128xf32, #tpu.memory_space<vmem>>
    %dma_start3A_1892 = tpu.memref_squeeze %dma_start3A_1891 : memref<1x8x128xf32, #tpu.memory_space<vmem>> -> memref<8x128xf32, #tpu.memory_space<vmem>>
    tpu.enqueue_dma source(%dma_start3A_1892 : memref<8x128xf32, #tpu.memory_space<vmem>>) target(%dma_start3A_1888 : memref<8x128xf32, #tpu.memory_space<hbm>>) target_semaphore(%arg14 : memref<!tpu.dma_semaphore, #tpu.memory_space<semaphore_mem>>)
    %scan3A = arith.constant 0 : i32
    %scan3A_1893 = arith.constant 1 : i32
    %scan3A_1894 = arith.constant 10 : i32
    %scan3A_1895 = arith.addi %scan3A_1893, %scan3A_1894 : i32
    %scan3A_1896 = arith.constant 1 : i32
    scf.for %scan3A_2528 = %scan3A_1893 to %scan3A_1895 step %scan3A_1896  : i32 {
      %mul3A_2529 = arith.constant 2 : i32
      %mul3A_2530 = arith.muli %mul3A_2529, %scan3A_2528 : i32
      %add3A_2531 = arith.constant 0 : i32
      %add3A_2532 = arith.addi %mul3A_2530, %add3A_2531 : i32
      %mul3A_2533 = arith.constant 2 : i32
      %mul3A_2534 = arith.muli %arg1, %mul3A_2533 : i32
      %add3A_2535 = arith.constant 0 : i32
      %add3A_2536 = arith.addi %mul3A_2534, %add3A_2535 : i32
      %mul3A_2537 = arith.constant 32768 : i32
      %mul3A_2538 = arith.muli %add3A_2536, %mul3A_2537 : i32
      %add3A_2539 = arith.constant 0 : i32
      %add3A_2540 = arith.addi %mul3A_2538, %add3A_2539 : i32
      %dma_wait3A_2541 = arith.constant 0 : i32
      %dma_wait3A_2542 = tpu.memref_slice %arg15[%add3A_2540] : memref<1048576xf32, #tpu.memory_space<vmem_shared>> -> memref<4096xf32, #tpu.memory_space<vmem_shared>>
      %dma_wait3A_2543 = arith.constant 0 : i32
      %dma_wait3A_2544 = tpu.memref_slice %arg2[%dma_wait3A_2541, %dma_wait3A_2543] : memref<16384x4096xf32, #tpu.memory_space<hbm>> -> memref<1x4096xf32, #tpu.memory_space<hbm>>
      %dma_wait3A_2545 = tpu.memref_squeeze %dma_wait3A_2544 : memref<1x4096xf32, #tpu.memory_space<hbm>> -> memref<4096xf32, #tpu.memory_space<hbm>>
      tpu.wait_dma2 semaphore(%arg9 : memref<!tpu.dma_semaphore, #tpu.memory_space<semaphore_mem>>) src(%dma_wait3A_2545 : memref<4096xf32, #tpu.memory_space<hbm>>) dst(%dma_wait3A_2542 : memref<4096xf32, #tpu.memory_space<vmem_shared>>)
      %add3A_2546 = arith.constant 4096 : i32
      %add3A_2547 = arith.addi %mul3A_2538, %add3A_2546 : i32
      %dma_wait3A_2548 = arith.constant 0 : i32
      %dma_wait3A_2549 = tpu.memref_slice %arg15[%add3A_2547] : memref<1048576xf32, #tpu.memory_space<vmem_shared>> -> memref<4096xf32, #tpu.memory_space<vmem_shared>>
      %dma_wait3A_2550 = arith.constant 0 : i32
      %dma_wait3A_2551 = tpu.memref_slice %arg2[%dma_wait3A_2548, %dma_wait3A_2550] : memref<16384x4096xf32, #tpu.memory_space<hbm>> -> memref<1x4096xf32, #tpu.memory_space<hbm>>
      %dma_wait3A_2552 = tpu.memref_squeeze %dma_wait3A_2551 : memref<1x4096xf32, #tpu.memory_space<hbm>> -> memref<4096xf32, #tpu.memory_space<hbm>>
      tpu.wait_dma2 semaphore(%arg9 : memref<!tpu.dma_semaphore, #tpu.memory_space<semaphore_mem>>) src(%dma_wait3A_2552 : memref<4096xf32, #tpu.memory_space<hbm>>) dst(%dma_wait3A_2549 : memref<4096xf32, #tpu.memory_space<vmem_shared>>)
      %add3A_2553 = arith.constant 8192 : i32
      %add3A_2554 = arith.addi %mul3A_2538, %add3A_2553 : i32
      %dma_wait3A_2555 = arith.constant 0 : i32
      %dma_wait3A_2556 = tpu.memref_slice %arg15[%add3A_2554] : memref<1048576xf32, #tpu.memory_space<vmem_shared>> -> memref<4096xf32, #tpu.memory_space<vmem_shared>>
      %dma_wait3A_2557 = arith.constant 0 : i32
      %dma_wait3A_2558 = tpu.memref_slice %arg2[%dma_wait3A_2555, %dma_wait3A_2557] : memref<16384x4096xf32, #tpu.memory_space<hbm>> -> memref<1x4096xf32, #tpu.memory_space<hbm>>
      %dma_wait3A_2559 = tpu.memref_squeeze %dma_wait3A_2558 : memref<1x4096xf32, #tpu.memory_space<hbm>> -> memref<4096xf32, #tpu.memory_space<hbm>>
      tpu.wait_dma2 semaphore(%arg9 : memref<!tpu.dma_semaphore, #tpu.memory_space<semaphore_mem>>) src(%dma_wait3A_2559 : memref<4096xf32, #tpu.memory_space<hbm>>) dst(%dma_wait3A_2556 : memref<4096xf32, #tpu.memory_space<vmem_shared>>)
      %add3A_2560 = arith.constant 12288 : i32
      %add3A_2561 = arith.addi %mul3A_2538, %add3A_2560 : i32
      %dma_wait3A_2562 = arith.constant 0 : i32
      %dma_wait3A_2563 = tpu.memref_slice %arg15[%add3A_2561] : memref<1048576xf32, #tpu.memory_space<vmem_shared>> -> memref<4096xf32, #tpu.memory_space<vmem_shared>>
      %dma_wait3A_2564 = arith.constant 0 : i32
      %dma_wait3A_2565 = tpu.memref_slice %arg2[%dma_wait3A_2562, %dma_wait3A_2564] : memref<16384x4096xf32, #tpu.memory_space<hbm>> -> memref<1x4096xf32, #tpu.memory_space<hbm>>
      %dma_wait3A_2566 = tpu.memref_squeeze %dma_wait3A_2565 : memref<1x4096xf32, #tpu.memory_space<hbm>> -> memref<4096xf32, #tpu.memory_space<hbm>>
      tpu.wait_dma2 semaphore(%arg9 : memref<!tpu.dma_semaphore, #tpu.memory_space<semaphore_mem>>) src(%dma_wait3A_2566 : memref<4096xf32, #tpu.memory_space<hbm>>) dst(%dma_wait3A_2563 : memref<4096xf32, #tpu.memory_space<vmem_shared>>)
      %add3A_2567 = arith.constant 16384 : i32
      %add3A_2568 = arith.addi %mul3A_2538, %add3A_2567 : i32
      %dma_wait3A_2569 = arith.constant 0 : i32
      %dma_wait3A_2570 = tpu.memref_slice %arg15[%add3A_2568] : memref<1048576xf32, #tpu.memory_space<vmem_shared>> -> memref<4096xf32, #tpu.memory_space<vmem_shared>>
      %dma_wait3A_2571 = arith.constant 0 : i32
      %dma_wait3A_2572 = tpu.memref_slice %arg2[%dma_wait3A_2569, %dma_wait3A_2571] : memref<16384x4096xf32, #tpu.memory_space<hbm>> -> memref<1x4096xf32, #tpu.memory_space<hbm>>
      %dma_wait3A_2573 = tpu.memref_squeeze %dma_wait3A_2572 : memref<1x4096xf32, #tpu.memory_space<hbm>> -> memref<4096xf32, #tpu.memory_space<hbm>>
      tpu.wait_dma2 semaphore(%arg9 : memref<!tpu.dma_semaphore, #tpu.memory_space<semaphore_mem>>) src(%dma_wait3A_2573 : memref<4096xf32, #tpu.memory_space<hbm>>) dst(%dma_wait3A_2570 : memref<4096xf32, #tpu.memory_space<vmem_shared>>)
      %add3A_2574 = arith.constant 20480 : i32
      %add3A_2575 = arith.addi %mul3A_2538, %add3A_2574 : i32
      %dma_wait3A_2576 = arith.constant 0 : i32
      %dma_wait3A_2577 = tpu.memref_slice %arg15[%add3A_2575] : memref<1048576xf32, #tpu.memory_space<vmem_shared>> -> memref<4096xf32, #tpu.memory_space<vmem_shared>>
      %dma_wait3A_2578 = arith.constant 0 : i32
      %dma_wait3A_2579 = tpu.memref_slice %arg2[%dma_wait3A_2576, %dma_wait3A_2578] : memref<16384x4096xf32, #tpu.memory_space<hbm>> -> memref<1x4096xf32, #tpu.memory_space<hbm>>
      %dma_wait3A_2580 = tpu.memref_squeeze %dma_wait3A_2579 : memref<1x4096xf32, #tpu.memory_space<hbm>> -> memref<4096xf32, #tpu.memory_space<hbm>>
      tpu.wait_dma2 semaphore(%arg9 : memref<!tpu.dma_semaphore, #tpu.memory_space<semaphore_mem>>) src(%dma_wait3A_2580 : memref<4096xf32, #tpu.memory_space<hbm>>) dst(%dma_wait3A_2577 : memref<4096xf32, #tpu.memory_space<vmem_shared>>)
      %add3A_2581 = arith.constant 24576 : i32
      %add3A_2582 = arith.addi %mul3A_2538, %add3A_2581 : i32
      %dma_wait3A_2583 = arith.constant 0 : i32
      %dma_wait3A_2584 = tpu.memref_slice %arg15[%add3A_2582] : memref<1048576xf32, #tpu.memory_space<vmem_shared>> -> memref<4096xf32, #tpu.memory_space<vmem_shared>>
      %dma_wait3A_2585 = arith.constant 0 : i32
      %dma_wait3A_2586 = tpu.memref_slice %arg2[%dma_wait3A_2583, %dma_wait3A_2585] : memref<16384x4096xf32, #tpu.memory_space<hbm>> -> memref<1x4096xf32, #tpu.memory_space<hbm>>
      %dma_wait3A_2587 = tpu.memref_squeeze %dma_wait3A_2586 : memref<1x4096xf32, #tpu.memory_space<hbm>> -> memref<4096xf32, #tpu.memory_space<hbm>>
      tpu.wait_dma2 semaphore(%arg9 : memref<!tpu.dma_semaphore, #tpu.memory_space<semaphore_mem>>) src(%dma_wait3A_2587 : memref<4096xf32, #tpu.memory_space<hbm>>) dst(%dma_wait3A_2584 : memref<4096xf32, #tpu.memory_space<vmem_shared>>)
      %add3A_2588 = arith.constant 28672 : i32
      %add3A_2589 = arith.addi %mul3A_2538, %add3A_2588 : i32
      %dma_wait3A_2590 = arith.constant 0 : i32
      %dma_wait3A_2591 = tpu.memref_slice %arg15[%add3A_2589] : memref<1048576xf32, #tpu.memory_space<vmem_shared>> -> memref<4096xf32, #tpu.memory_space<vmem_shared>>
      %dma_wait3A_2592 = arith.constant 0 : i32
      %dma_wait3A_2593 = tpu.memref_slice %arg2[%dma_wait3A_2590, %dma_wait3A_2592] : memref<16384x4096xf32, #tpu.memory_space<hbm>> -> memref<1x4096xf32, #tpu.memory_space<hbm>>
      %dma_wait3A_2594 = tpu.memref_squeeze %dma_wait3A_2593 : memref<1x4096xf32, #tpu.memory_space<hbm>> -> memref<4096xf32, #tpu.memory_space<hbm>>
      tpu.wait_dma2 semaphore(%arg9 : memref<!tpu.dma_semaphore, #tpu.memory_space<semaphore_mem>>) src(%dma_wait3A_2594 : memref<4096xf32, #tpu.memory_space<hbm>>) dst(%dma_wait3A_2591 : memref<4096xf32, #tpu.memory_space<vmem_shared>>)
      %dma_wait3A_2595 = arith.constant 0 : i32
      %dma_wait3A_2596 = arith.constant 0 : i32
      %dma_wait3A_2597 = arith.constant 0 : i32
      %dma_wait3A_2598 = tpu.memref_slice %arg8[%dma_wait3A_2595, %dma_wait3A_2596, %dma_wait3A_2597] : memref<2x8x128xf32, #tpu.memory_space<vmem>> -> memref<1x8x128xf32, #tpu.memory_space<vmem>>
      %dma_wait3A_2599 = tpu.memref_squeeze %dma_wait3A_2598 : memref<1x8x128xf32, #tpu.memory_space<vmem>> -> memref<8x128xf32, #tpu.memory_space<vmem>>
      %dma_wait3A_2600 = arith.constant 0 : i32
      %dma_wait3A_2601 = arith.constant 0 : i32
      %dma_wait3A_2602 = tpu.memref_slice %arg4[%dma_wait3A_2600, %dma_wait3A_2601] : memref<6144x128xf32, #tpu.memory_space<hbm>> -> memref<8x128xf32, #tpu.memory_space<hbm>>
      %dma_wait3A_2603 = arith.constant 0 : i32
      %dma_wait3A_2604 = arith.constant 0 : i32
      %dma_wait3A_2605 = tpu.memref_slice %arg4[%dma_wait3A_2603, %dma_wait3A_2604] : memref<6144x128xf32, #tpu.memory_space<hbm>> -> memref<8x128xf32, #tpu.memory_space<hbm>>
      %dma_wait3A_2606 = arith.constant 0 : i32
      %dma_wait3A_2607 = arith.constant 0 : i32
      %dma_wait3A_2608 = tpu.memref_slice %arg8[%dma_wait3A_2595, %dma_wait3A_2606, %dma_wait3A_2607] : memref<2x8x128xf32, #tpu.memory_space<vmem>> -> memref<1x8x128xf32, #tpu.memory_space<vmem>>
      %dma_wait3A_2609 = tpu.memref_squeeze %dma_wait3A_2608 : memref<1x8x128xf32, #tpu.memory_space<vmem>> -> memref<8x128xf32, #tpu.memory_space<vmem>>
      tpu.wait_dma2 semaphore(%arg13 : memref<!tpu.dma_semaphore, #tpu.memory_space<semaphore_mem>>) src(%dma_wait3A_2609 : memref<8x128xf32, #tpu.memory_space<vmem>>) dst(%dma_wait3A_2605 : memref<8x128xf32, #tpu.memory_space<hbm>>)
      %dma_start3A_2610 = arith.constant 0 : i32
      %dma_start3A_2611 = arith.constant 0 : i32
      %dma_start3A_2612 = arith.constant 0 : i32
      %dma_start3A_2613 = arith.constant 0 : i32
      %dma_start3A_2614 = tpu.memref_slice %arg8[%dma_start3A_2610, %dma_start3A_2612, %dma_start3A_2613] : memref<2x8x128xf32, #tpu.memory_space<vmem>> -> memref<1x8x128xf32, #tpu.memory_space<vmem>>
      %dma_start3A_2615 = tpu.memref_squeeze %dma_start3A_2614 : memref<1x8x128xf32, #tpu.memory_space<vmem>> -> memref<8x128xf32, #tpu.memory_space<vmem>>
      %dma_start3A_2616 = arith.constant 0 : i32
      %dma_start3A_2617 = tpu.memref_slice %dma_start3A_2615[%dma_start3A_2611, %dma_start3A_2616] : memref<8x128xf32, #tpu.memory_space<vmem>> -> memref<1x128xf32, #tpu.memory_space<vmem>>
      %dma_start3A_2618 = tpu.memref_squeeze %dma_start3A_2617 : memref<1x128xf32, #tpu.memory_space<vmem>> -> memref<128xf32, #tpu.memory_space<vmem>>
      %dma_start3A_2619 = arith.constant 0 : i32
      %dma_start3A_2620 = tpu.memref_slice %arg6[%dma_start3A_2619] : memref<1024xi32, #tpu.memory_space<vmem>> -> memref<128xi32, #tpu.memory_space<vmem>>
      %dma_start3A_2621 = arith.constant 0 : i32
      %dma_start3A_2622 = tpu.memref_slice %arg15[%dma_start3A_2621] : memref<1048576xf32, #tpu.memory_space<vmem_shared>> -> memref<1048576xf32, #tpu.memory_space<vmem_shared>>
      tpu.enqueue_indirect_dma source(%dma_start3A_2622 : memref<1048576xf32, #tpu.memory_space<vmem_shared>>) target(%dma_start3A_2618 : memref<128xf32, #tpu.memory_space<vmem>>) offsets(%dma_start3A_2620 : memref<128xi32, #tpu.memory_space<vmem>>) semaphore(%arg11 : memref<!tpu.dma_semaphore, #tpu.memory_space<semaphore_mem>>)
      %dma_start3A_2623 = arith.constant 0 : i32
      %dma_start3A_2624 = arith.constant 1 : i32
      %dma_start3A_2625 = arith.constant 0 : i32
      %dma_start3A_2626 = arith.constant 0 : i32
      %dma_start3A_2627 = tpu.memref_slice %arg8[%dma_start3A_2623, %dma_start3A_2625, %dma_start3A_2626] : memref<2x8x128xf32, #tpu.memory_space<vmem>> -> memref<1x8x128xf32, #tpu.memory_space<vmem>>
      %dma_start3A_2628 = tpu.memref_squeeze %dma_start3A_2627 : memref<1x8x128xf32, #tpu.memory_space<vmem>> -> memref<8x128xf32, #tpu.memory_space<vmem>>
      %dma_start3A_2629 = arith.constant 0 : i32
      %dma_start3A_2630 = tpu.memref_slice %dma_start3A_2628[%dma_start3A_2624, %dma_start3A_2629] : memref<8x128xf32, #tpu.memory_space<vmem>> -> memref<1x128xf32, #tpu.memory_space<vmem>>
      %dma_start3A_2631 = tpu.memref_squeeze %dma_start3A_2630 : memref<1x128xf32, #tpu.memory_space<vmem>> -> memref<128xf32, #tpu.memory_space<vmem>>
      %dma_start3A_2632 = arith.constant 128 : i32
      %dma_start3A_2633 = tpu.memref_slice %arg6[%dma_start3A_2632] : memref<1024xi32, #tpu.memory_space<vmem>> -> memref<128xi32, #tpu.memory_space<vmem>>
      %dma_start3A_2634 = arith.constant 0 : i32
      %dma_start3A_2635 = tpu.memref_slice %arg15[%dma_start3A_2634] : memref<1048576xf32, #tpu.memory_space<vmem_shared>> -> memref<1048576xf32, #tpu.memory_space<vmem_shared>>
      tpu.enqueue_indirect_dma source(%dma_start3A_2635 : memref<1048576xf32, #tpu.memory_space<vmem_shared>>) target(%dma_start3A_2631 : memref<128xf32, #tpu.memory_space<vmem>>) offsets(%dma_start3A_2633 : memref<128xi32, #tpu.memory_space<vmem>>) semaphore(%arg11 : memref<!tpu.dma_semaphore, #tpu.memory_space<semaphore_mem>>)
      %dma_start3A_2636 = arith.constant 0 : i32
      %dma_start3A_2637 = arith.constant 2 : i32
      %dma_start3A_2638 = arith.constant 0 : i32
      %dma_start3A_2639 = arith.constant 0 : i32
      %dma_start3A_2640 = tpu.memref_slice %arg8[%dma_start3A_2636, %dma_start3A_2638, %dma_start3A_2639] : memref<2x8x128xf32, #tpu.memory_space<vmem>> -> memref<1x8x128xf32, #tpu.memory_space<vmem>>
      %dma_start3A_2641 = tpu.memref_squeeze %dma_start3A_2640 : memref<1x8x128xf32, #tpu.memory_space<vmem>> -> memref<8x128xf32, #tpu.memory_space<vmem>>
      %dma_start3A_2642 = arith.constant 0 : i32
      %dma_start3A_2643 = tpu.memref_slice %dma_start3A_2641[%dma_start3A_2637, %dma_start3A_2642] : memref<8x128xf32, #tpu.memory_space<vmem>> -> memref<1x128xf32, #tpu.memory_space<vmem>>
      %dma_start3A_2644 = tpu.memref_squeeze %dma_start3A_2643 : memref<1x128xf32, #tpu.memory_space<vmem>> -> memref<128xf32, #tpu.memory_space<vmem>>
      %dma_start3A_2645 = arith.constant 256 : i32
      %dma_start3A_2646 = tpu.memref_slice %arg6[%dma_start3A_2645] : memref<1024xi32, #tpu.memory_space<vmem>> -> memref<128xi32, #tpu.memory_space<vmem>>
      %dma_start3A_2647 = arith.constant 0 : i32
      %dma_start3A_2648 = tpu.memref_slice %arg15[%dma_start3A_2647] : memref<1048576xf32, #tpu.memory_space<vmem_shared>> -> memref<1048576xf32, #tpu.memory_space<vmem_shared>>
      tpu.enqueue_indirect_dma source(%dma_start3A_2648 : memref<1048576xf32, #tpu.memory_space<vmem_shared>>) target(%dma_start3A_2644 : memref<128xf32, #tpu.memory_space<vmem>>) offsets(%dma_start3A_2646 : memref<128xi32, #tpu.memory_space<vmem>>) semaphore(%arg11 : memref<!tpu.dma_semaphore, #tpu.memory_space<semaphore_mem>>)
      %dma_start3A_2649 = arith.constant 0 : i32
      %dma_start3A_2650 = arith.constant 3 : i32
      %dma_start3A_2651 = arith.constant 0 : i32
      %dma_start3A_2652 = arith.constant 0 : i32
      %dma_start3A_2653 = tpu.memref_slice %arg8[%dma_start3A_2649, %dma_start3A_2651, %dma_start3A_2652] : memref<2x8x128xf32, #tpu.memory_space<vmem>> -> memref<1x8x128xf32, #tpu.memory_space<vmem>>
      %dma_start3A_2654 = tpu.memref_squeeze %dma_start3A_2653 : memref<1x8x128xf32, #tpu.memory_space<vmem>> -> memref<8x128xf32, #tpu.memory_space<vmem>>
      %dma_start3A_2655 = arith.constant 0 : i32
      %dma_start3A_2656 = tpu.memref_slice %dma_start3A_2654[%dma_start3A_2650, %dma_start3A_2655] : memref<8x128xf32, #tpu.memory_space<vmem>> -> memref<1x128xf32, #tpu.memory_space<vmem>>
      %dma_start3A_2657 = tpu.memref_squeeze %dma_start3A_2656 : memref<1x128xf32, #tpu.memory_space<vmem>> -> memref<128xf32, #tpu.memory_space<vmem>>
      %dma_start3A_2658 = arith.constant 384 : i32
      %dma_start3A_2659 = tpu.memref_slice %arg6[%dma_start3A_2658] : memref<1024xi32, #tpu.memory_space<vmem>> -> memref<128xi32, #tpu.memory_space<vmem>>
      %dma_start3A_2660 = arith.constant 0 : i32
      %dma_start3A_2661 = tpu.memref_slice %arg15[%dma_start3A_2660] : memref<1048576xf32, #tpu.memory_space<vmem_shared>> -> memref<1048576xf32, #tpu.memory_space<vmem_shared>>
      tpu.enqueue_indirect_dma source(%dma_start3A_2661 : memref<1048576xf32, #tpu.memory_space<vmem_shared>>) target(%dma_start3A_2657 : memref<128xf32, #tpu.memory_space<vmem>>) offsets(%dma_start3A_2659 : memref<128xi32, #tpu.memory_space<vmem>>) semaphore(%arg11 : memref<!tpu.dma_semaphore, #tpu.memory_space<semaphore_mem>>)
      %dma_start3A_2662 = arith.constant 0 : i32
      %dma_start3A_2663 = arith.constant 4 : i32
      %dma_start3A_2664 = arith.constant 0 : i32
      %dma_start3A_2665 = arith.constant 0 : i32
      %dma_start3A_2666 = tpu.memref_slice %arg8[%dma_start3A_2662, %dma_start3A_2664, %dma_start3A_2665] : memref<2x8x128xf32, #tpu.memory_space<vmem>> -> memref<1x8x128xf32, #tpu.memory_space<vmem>>
      %dma_start3A_2667 = tpu.memref_squeeze %dma_start3A_2666 : memref<1x8x128xf32, #tpu.memory_space<vmem>> -> memref<8x128xf32, #tpu.memory_space<vmem>>
      %dma_start3A_2668 = arith.constant 0 : i32
      %dma_start3A_2669 = tpu.memref_slice %dma_start3A_2667[%dma_start3A_2663, %dma_start3A_2668] : memref<8x128xf32, #tpu.memory_space<vmem>> -> memref<1x128xf32, #tpu.memory_space<vmem>>
      %dma_start3A_2670 = tpu.memref_squeeze %dma_start3A_2669 : memref<1x128xf32, #tpu.memory_space<vmem>> -> memref<128xf32, #tpu.memory_space<vmem>>
      %dma_start3A_2671 = arith.constant 512 : i32
      %dma_start3A_2672 = tpu.memref_slice %arg6[%dma_start3A_2671] : memref<1024xi32, #tpu.memory_space<vmem>> -> memref<128xi32, #tpu.memory_space<vmem>>
      %dma_start3A_2673 = arith.constant 0 : i32
      %dma_start3A_2674 = tpu.memref_slice %arg15[%dma_start3A_2673] : memref<1048576xf32, #tpu.memory_space<vmem_shared>> -> memref<1048576xf32, #tpu.memory_space<vmem_shared>>
      tpu.enqueue_indirect_dma source(%dma_start3A_2674 : memref<1048576xf32, #tpu.memory_space<vmem_shared>>) target(%dma_start3A_2670 : memref<128xf32, #tpu.memory_space<vmem>>) offsets(%dma_start3A_2672 : memref<128xi32, #tpu.memory_space<vmem>>) semaphore(%arg11 : memref<!tpu.dma_semaphore, #tpu.memory_space<semaphore_mem>>)
      %dma_start3A_2675 = arith.constant 0 : i32
      %dma_start3A_2676 = arith.constant 5 : i32
      %dma_start3A_2677 = arith.constant 0 : i32
      %dma_start3A_2678 = arith.constant 0 : i32
      %dma_start3A_2679 = tpu.memref_slice %arg8[%dma_start3A_2675, %dma_start3A_2677, %dma_start3A_2678] : memref<2x8x128xf32, #tpu.memory_space<vmem>> -> memref<1x8x128xf32, #tpu.memory_space<vmem>>
      %dma_start3A_2680 = tpu.memref_squeeze %dma_start3A_2679 : memref<1x8x128xf32, #tpu.memory_space<vmem>> -> memref<8x128xf32, #tpu.memory_space<vmem>>
      %dma_start3A_2681 = arith.constant 0 : i32
      %dma_start3A_2682 = tpu.memref_slice %dma_start3A_2680[%dma_start3A_2676, %dma_start3A_2681] : memref<8x128xf32, #tpu.memory_space<vmem>> -> memref<1x128xf32, #tpu.memory_space<vmem>>
      %dma_start3A_2683 = tpu.memref_squeeze %dma_start3A_2682 : memref<1x128xf32, #tpu.memory_space<vmem>> -> memref<128xf32, #tpu.memory_space<vmem>>
      %dma_start3A_2684 = arith.constant 640 : i32
      %dma_start3A_2685 = tpu.memref_slice %arg6[%dma_start3A_2684] : memref<1024xi32, #tpu.memory_space<vmem>> -> memref<128xi32, #tpu.memory_space<vmem>>
      %dma_start3A_2686 = arith.constant 0 : i32
      %dma_start3A_2687 = tpu.memref_slice %arg15[%dma_start3A_2686] : memref<1048576xf32, #tpu.memory_space<vmem_shared>> -> memref<1048576xf32, #tpu.memory_space<vmem_shared>>
      tpu.enqueue_indirect_dma source(%dma_start3A_2687 : memref<1048576xf32, #tpu.memory_space<vmem_shared>>) target(%dma_start3A_2683 : memref<128xf32, #tpu.memory_space<vmem>>) offsets(%dma_start3A_2685 : memref<128xi32, #tpu.memory_space<vmem>>) semaphore(%arg11 : memref<!tpu.dma_semaphore, #tpu.memory_space<semaphore_mem>>)
      %dma_start3A_2688 = arith.constant 0 : i32
      %dma_start3A_2689 = arith.constant 6 : i32
      %dma_start3A_2690 = arith.constant 0 : i32
      %dma_start3A_2691 = arith.constant 0 : i32
      %dma_start3A_2692 = tpu.memref_slice %arg8[%dma_start3A_2688, %dma_start3A_2690, %dma_start3A_2691] : memref<2x8x128xf32, #tpu.memory_space<vmem>> -> memref<1x8x128xf32, #tpu.memory_space<vmem>>
      %dma_start3A_2693 = tpu.memref_squeeze %dma_start3A_2692 : memref<1x8x128xf32, #tpu.memory_space<vmem>> -> memref<8x128xf32, #tpu.memory_space<vmem>>
      %dma_start3A_2694 = arith.constant 0 : i32
      %dma_start3A_2695 = tpu.memref_slice %dma_start3A_2693[%dma_start3A_2689, %dma_start3A_2694] : memref<8x128xf32, #tpu.memory_space<vmem>> -> memref<1x128xf32, #tpu.memory_space<vmem>>
      %dma_start3A_2696 = tpu.memref_squeeze %dma_start3A_2695 : memref<1x128xf32, #tpu.memory_space<vmem>> -> memref<128xf32, #tpu.memory_space<vmem>>
      %dma_start3A_2697 = arith.constant 768 : i32
      %dma_start3A_2698 = tpu.memref_slice %arg6[%dma_start3A_2697] : memref<1024xi32, #tpu.memory_space<vmem>> -> memref<128xi32, #tpu.memory_space<vmem>>
      %dma_start3A_2699 = arith.constant 0 : i32
      %dma_start3A_2700 = tpu.memref_slice %arg15[%dma_start3A_2699] : memref<1048576xf32, #tpu.memory_space<vmem_shared>> -> memref<1048576xf32, #tpu.memory_space<vmem_shared>>
      tpu.enqueue_indirect_dma source(%dma_start3A_2700 : memref<1048576xf32, #tpu.memory_space<vmem_shared>>) target(%dma_start3A_2696 : memref<128xf32, #tpu.memory_space<vmem>>) offsets(%dma_start3A_2698 : memref<128xi32, #tpu.memory_space<vmem>>) semaphore(%arg11 : memref<!tpu.dma_semaphore, #tpu.memory_space<semaphore_mem>>)
      %dma_start3A_2701 = arith.constant 0 : i32
      %dma_start3A_2702 = arith.constant 7 : i32
      %dma_start3A_2703 = arith.constant 0 : i32
      %dma_start3A_2704 = arith.constant 0 : i32
      %dma_start3A_2705 = tpu.memref_slice %arg8[%dma_start3A_2701, %dma_start3A_2703, %dma_start3A_2704] : memref<2x8x128xf32, #tpu.memory_space<vmem>> -> memref<1x8x128xf32, #tpu.memory_space<vmem>>
      %dma_start3A_2706 = tpu.memref_squeeze %dma_start3A_2705 : memref<1x8x128xf32, #tpu.memory_space<vmem>> -> memref<8x128xf32, #tpu.memory_space<vmem>>
      %dma_start3A_2707 = arith.constant 0 : i32
      %dma_start3A_2708 = tpu.memref_slice %dma_start3A_2706[%dma_start3A_2702, %dma_start3A_2707] : memref<8x128xf32, #tpu.memory_space<vmem>> -> memref<1x128xf32, #tpu.memory_space<vmem>>
      %dma_start3A_2709 = tpu.memref_squeeze %dma_start3A_2708 : memref<1x128xf32, #tpu.memory_space<vmem>> -> memref<128xf32, #tpu.memory_space<vmem>>
      %dma_start3A_2710 = arith.constant 896 : i32
      %dma_start3A_2711 = tpu.memref_slice %arg6[%dma_start3A_2710] : memref<1024xi32, #tpu.memory_space<vmem>> -> memref<128xi32, #tpu.memory_space<vmem>>
      %dma_start3A_2712 = arith.constant 0 : i32
      %dma_start3A_2713 = tpu.memref_slice %arg15[%dma_start3A_2712] : memref<1048576xf32, #tpu.memory_space<vmem_shared>> -> memref<1048576xf32, #tpu.memory_space<vmem_shared>>
      tpu.enqueue_indirect_dma source(%dma_start3A_2713 : memref<1048576xf32, #tpu.memory_space<vmem_shared>>) target(%dma_start3A_2709 : memref<128xf32, #tpu.memory_space<vmem>>) offsets(%dma_start3A_2711 : memref<128xi32, #tpu.memory_space<vmem>>) semaphore(%arg11 : memref<!tpu.dma_semaphore, #tpu.memory_space<semaphore_mem>>)
      %dma_wait3A_2714 = arith.constant 0 : i32
      %dma_wait3A_2715 = arith.constant 0 : i32
      %dma_wait3A_2716 = arith.constant 0 : i32
      %dma_wait3A_2717 = arith.constant 0 : i32
      %dma_wait3A_2718 = tpu.memref_slice %arg8[%dma_wait3A_2714, %dma_wait3A_2716, %dma_wait3A_2717] : memref<2x8x128xf32, #tpu.memory_space<vmem>> -> memref<1x8x128xf32, #tpu.memory_space<vmem>>
      %dma_wait3A_2719 = tpu.memref_squeeze %dma_wait3A_2718 : memref<1x8x128xf32, #tpu.memory_space<vmem>> -> memref<8x128xf32, #tpu.memory_space<vmem>>
      %dma_wait3A_2720 = arith.constant 0 : i32
      %dma_wait3A_2721 = tpu.memref_slice %dma_wait3A_2719[%dma_wait3A_2715, %dma_wait3A_2720] : memref<8x128xf32, #tpu.memory_space<vmem>> -> memref<1x128xf32, #tpu.memory_space<vmem>>
      %dma_wait3A_2722 = tpu.memref_squeeze %dma_wait3A_2721 : memref<1x128xf32, #tpu.memory_space<vmem>> -> memref<128xf32, #tpu.memory_space<vmem>>
      %dma_wait3A_2723 = arith.constant 0 : i32
      %dma_wait3A_2724 = tpu.memref_slice %arg6[%dma_wait3A_2723] : memref<1024xi32, #tpu.memory_space<vmem>> -> memref<128xi32, #tpu.memory_space<vmem>>
      %dma_wait3A_2725 = arith.constant 0 : i32
      %dma_wait3A_2726 = tpu.memref_slice %arg15[%dma_wait3A_2725] : memref<1048576xf32, #tpu.memory_space<vmem_shared>> -> memref<1048576xf32, #tpu.memory_space<vmem_shared>>
      tpu.wait_indirect_dma semaphore(%arg11 : memref<!tpu.dma_semaphore, #tpu.memory_space<semaphore_mem>>) src(%dma_wait3A_2726 : memref<1048576xf32, #tpu.memory_space<vmem_shared>>) dst(%dma_wait3A_2722 : memref<128xf32, #tpu.memory_space<vmem>>)
      %dma_wait3A_2727 = arith.constant 0 : i32
      %dma_wait3A_2728 = arith.constant 1 : i32
      %dma_wait3A_2729 = arith.constant 0 : i32
      %dma_wait3A_2730 = arith.constant 0 : i32
      %dma_wait3A_2731 = tpu.memref_slice %arg8[%dma_wait3A_2727, %dma_wait3A_2729, %dma_wait3A_2730] : memref<2x8x128xf32, #tpu.memory_space<vmem>> -> memref<1x8x128xf32, #tpu.memory_space<vmem>>
      %dma_wait3A_2732 = tpu.memref_squeeze %dma_wait3A_2731 : memref<1x8x128xf32, #tpu.memory_space<vmem>> -> memref<8x128xf32, #tpu.memory_space<vmem>>
      %dma_wait3A_2733 = arith.constant 0 : i32
      %dma_wait3A_2734 = tpu.memref_slice %dma_wait3A_2732[%dma_wait3A_2728, %dma_wait3A_2733] : memref<8x128xf32, #tpu.memory_space<vmem>> -> memref<1x128xf32, #tpu.memory_space<vmem>>
      %dma_wait3A_2735 = tpu.memref_squeeze %dma_wait3A_2734 : memref<1x128xf32, #tpu.memory_space<vmem>> -> memref<128xf32, #tpu.memory_space<vmem>>
      %dma_wait3A_2736 = arith.constant 128 : i32
      %dma_wait3A_2737 = tpu.memref_slice %arg6[%dma_wait3A_2736] : memref<1024xi32, #tpu.memory_space<vmem>> -> memref<128xi32, #tpu.memory_space<vmem>>
      %dma_wait3A_2738 = arith.constant 0 : i32
      %dma_wait3A_2739 = tpu.memref_slice %arg15[%dma_wait3A_2738] : memref<1048576xf32, #tpu.memory_space<vmem_shared>> -> memref<1048576xf32, #tpu.memory_space<vmem_shared>>
      tpu.wait_indirect_dma semaphore(%arg11 : memref<!tpu.dma_semaphore, #tpu.memory_space<semaphore_mem>>) src(%dma_wait3A_2739 : memref<1048576xf32, #tpu.memory_space<vmem_shared>>) dst(%dma_wait3A_2735 : memref<128xf32, #tpu.memory_space<vmem>>)
      %dma_wait3A_2740 = arith.constant 0 : i32
      %dma_wait3A_2741 = arith.constant 2 : i32
      %dma_wait3A_2742 = arith.constant 0 : i32
      %dma_wait3A_2743 = arith.constant 0 : i32
      %dma_wait3A_2744 = tpu.memref_slice %arg8[%dma_wait3A_2740, %dma_wait3A_2742, %dma_wait3A_2743] : memref<2x8x128xf32, #tpu.memory_space<vmem>> -> memref<1x8x128xf32, #tpu.memory_space<vmem>>
      %dma_wait3A_2745 = tpu.memref_squeeze %dma_wait3A_2744 : memref<1x8x128xf32, #tpu.memory_space<vmem>> -> memref<8x128xf32, #tpu.memory_space<vmem>>
      %dma_wait3A_2746 = arith.constant 0 : i32
      %dma_wait3A_2747 = tpu.memref_slice %dma_wait3A_2745[%dma_wait3A_2741, %dma_wait3A_2746] : memref<8x128xf32, #tpu.memory_space<vmem>> -> memref<1x128xf32, #tpu.memory_space<vmem>>
      %dma_wait3A_2748 = tpu.memref_squeeze %dma_wait3A_2747 : memref<1x128xf32, #tpu.memory_space<vmem>> -> memref<128xf32, #tpu.memory_space<vmem>>
      %dma_wait3A_2749 = arith.constant 256 : i32
      %dma_wait3A_2750 = tpu.memref_slice %arg6[%dma_wait3A_2749] : memref<1024xi32, #tpu.memory_space<vmem>> -> memref<128xi32, #tpu.memory_space<vmem>>
      %dma_wait3A_2751 = arith.constant 0 : i32
      %dma_wait3A_2752 = tpu.memref_slice %arg15[%dma_wait3A_2751] : memref<1048576xf32, #tpu.memory_space<vmem_shared>> -> memref<1048576xf32, #tpu.memory_space<vmem_shared>>
      tpu.wait_indirect_dma semaphore(%arg11 : memref<!tpu.dma_semaphore, #tpu.memory_space<semaphore_mem>>) src(%dma_wait3A_2752 : memref<1048576xf32, #tpu.memory_space<vmem_shared>>) dst(%dma_wait3A_2748 : memref<128xf32, #tpu.memory_space<vmem>>)
      %dma_wait3A_2753 = arith.constant 0 : i32
      %dma_wait3A_2754 = arith.constant 3 : i32
      %dma_wait3A_2755 = arith.constant 0 : i32
      %dma_wait3A_2756 = arith.constant 0 : i32
      %dma_wait3A_2757 = tpu.memref_slice %arg8[%dma_wait3A_2753, %dma_wait3A_2755, %dma_wait3A_2756] : memref<2x8x128xf32, #tpu.memory_space<vmem>> -> memref<1x8x128xf32, #tpu.memory_space<vmem>>
      %dma_wait3A_2758 = tpu.memref_squeeze %dma_wait3A_2757 : memref<1x8x128xf32, #tpu.memory_space<vmem>> -> memref<8x128xf32, #tpu.memory_space<vmem>>
      %dma_wait3A_2759 = arith.constant 0 : i32
      %dma_wait3A_2760 = tpu.memref_slice %dma_wait3A_2758[%dma_wait3A_2754, %dma_wait3A_2759] : memref<8x128xf32, #tpu.memory_space<vmem>> -> memref<1x128xf32, #tpu.memory_space<vmem>>
      %dma_wait3A_2761 = tpu.memref_squeeze %dma_wait3A_2760 : memref<1x128xf32, #tpu.memory_space<vmem>> -> memref<128xf32, #tpu.memory_space<vmem>>
      %dma_wait3A_2762 = arith.constant 384 : i32
      %dma_wait3A_2763 = tpu.memref_slice %arg6[%dma_wait3A_2762] : memref<1024xi32, #tpu.memory_space<vmem>> -> memref<128xi32, #tpu.memory_space<vmem>>
      %dma_wait3A_2764 = arith.constant 0 : i32
      %dma_wait3A_2765 = tpu.memref_slice %arg15[%dma_wait3A_2764] : memref<1048576xf32, #tpu.memory_space<vmem_shared>> -> memref<1048576xf32, #tpu.memory_space<vmem_shared>>
      tpu.wait_indirect_dma semaphore(%arg11 : memref<!tpu.dma_semaphore, #tpu.memory_space<semaphore_mem>>) src(%dma_wait3A_2765 : memref<1048576xf32, #tpu.memory_space<vmem_shared>>) dst(%dma_wait3A_2761 : memref<128xf32, #tpu.memory_space<vmem>>)
      %dma_wait3A_2766 = arith.constant 0 : i32
      %dma_wait3A_2767 = arith.constant 4 : i32
      %dma_wait3A_2768 = arith.constant 0 : i32
      %dma_wait3A_2769 = arith.constant 0 : i32
      %dma_wait3A_2770 = tpu.memref_slice %arg8[%dma_wait3A_2766, %dma_wait3A_2768, %dma_wait3A_2769] : memref<2x8x128xf32, #tpu.memory_space<vmem>> -> memref<1x8x128xf32, #tpu.memory_space<vmem>>
      %dma_wait3A_2771 = tpu.memref_squeeze %dma_wait3A_2770 : memref<1x8x128xf32, #tpu.memory_space<vmem>> -> memref<8x128xf32, #tpu.memory_space<vmem>>
      %dma_wait3A_2772 = arith.constant 0 : i32
      %dma_wait3A_2773 = tpu.memref_slice %dma_wait3A_2771[%dma_wait3A_2767, %dma_wait3A_2772] : memref<8x128xf32, #tpu.memory_space<vmem>> -> memref<1x128xf32, #tpu.memory_space<vmem>>
      %dma_wait3A_2774 = tpu.memref_squeeze %dma_wait3A_2773 : memref<1x128xf32, #tpu.memory_space<vmem>> -> memref<128xf32, #tpu.memory_space<vmem>>
      %dma_wait3A_2775 = arith.constant 512 : i32
      %dma_wait3A_2776 = tpu.memref_slice %arg6[%dma_wait3A_2775] : memref<1024xi32, #tpu.memory_space<vmem>> -> memref<128xi32, #tpu.memory_space<vmem>>
      %dma_wait3A_2777 = arith.constant 0 : i32
      %dma_wait3A_2778 = tpu.memref_slice %arg15[%dma_wait3A_2777] : memref<1048576xf32, #tpu.memory_space<vmem_shared>> -> memref<1048576xf32, #tpu.memory_space<vmem_shared>>
      tpu.wait_indirect_dma semaphore(%arg11 : memref<!tpu.dma_semaphore, #tpu.memory_space<semaphore_mem>>) src(%dma_wait3A_2778 : memref<1048576xf32, #tpu.memory_space<vmem_shared>>) dst(%dma_wait3A_2774 : memref<128xf32, #tpu.memory_space<vmem>>)
      %dma_wait3A_2779 = arith.constant 0 : i32
      %dma_wait3A_2780 = arith.constant 5 : i32
      %dma_wait3A_2781 = arith.constant 0 : i32
      %dma_wait3A_2782 = arith.constant 0 : i32
      %dma_wait3A_2783 = tpu.memref_slice %arg8[%dma_wait3A_2779, %dma_wait3A_2781, %dma_wait3A_2782] : memref<2x8x128xf32, #tpu.memory_space<vmem>> -> memref<1x8x128xf32, #tpu.memory_space<vmem>>
      %dma_wait3A_2784 = tpu.memref_squeeze %dma_wait3A_2783 : memref<1x8x128xf32, #tpu.memory_space<vmem>> -> memref<8x128xf32, #tpu.memory_space<vmem>>
      %dma_wait3A_2785 = arith.constant 0 : i32
      %dma_wait3A_2786 = tpu.memref_slice %dma_wait3A_2784[%dma_wait3A_2780, %dma_wait3A_2785] : memref<8x128xf32, #tpu.memory_space<vmem>> -> memref<1x128xf32, #tpu.memory_space<vmem>>
      %dma_wait3A_2787 = tpu.memref_squeeze %dma_wait3A_2786 : memref<1x128xf32, #tpu.memory_space<vmem>> -> memref<128xf32, #tpu.memory_space<vmem>>
      %dma_wait3A_2788 = arith.constant 640 : i32
      %dma_wait3A_2789 = tpu.memref_slice %arg6[%dma_wait3A_2788] : memref<1024xi32, #tpu.memory_space<vmem>> -> memref<128xi32, #tpu.memory_space<vmem>>
      %dma_wait3A_2790 = arith.constant 0 : i32
      %dma_wait3A_2791 = tpu.memref_slice %arg15[%dma_wait3A_2790] : memref<1048576xf32, #tpu.memory_space<vmem_shared>> -> memref<1048576xf32, #tpu.memory_space<vmem_shared>>
      tpu.wait_indirect_dma semaphore(%arg11 : memref<!tpu.dma_semaphore, #tpu.memory_space<semaphore_mem>>) src(%dma_wait3A_2791 : memref<1048576xf32, #tpu.memory_space<vmem_shared>>) dst(%dma_wait3A_2787 : memref<128xf32, #tpu.memory_space<vmem>>)
      %dma_wait3A_2792 = arith.constant 0 : i32
      %dma_wait3A_2793 = arith.constant 6 : i32
      %dma_wait3A_2794 = arith.constant 0 : i32
      %dma_wait3A_2795 = arith.constant 0 : i32
      %dma_wait3A_2796 = tpu.memref_slice %arg8[%dma_wait3A_2792, %dma_wait3A_2794, %dma_wait3A_2795] : memref<2x8x128xf32, #tpu.memory_space<vmem>> -> memref<1x8x128xf32, #tpu.memory_space<vmem>>
      %dma_wait3A_2797 = tpu.memref_squeeze %dma_wait3A_2796 : memref<1x8x128xf32, #tpu.memory_space<vmem>> -> memref<8x128xf32, #tpu.memory_space<vmem>>
      %dma_wait3A_2798 = arith.constant 0 : i32
      %dma_wait3A_2799 = tpu.memref_slice %dma_wait3A_2797[%dma_wait3A_2793, %dma_wait3A_2798] : memref<8x128xf32, #tpu.memory_space<vmem>> -> memref<1x128xf32, #tpu.memory_space<vmem>>
      %dma_wait3A_2800 = tpu.memref_squeeze %dma_wait3A_2799 : memref<1x128xf32, #tpu.memory_space<vmem>> -> memref<128xf32, #tpu.memory_space<vmem>>
      %dma_wait3A_2801 = arith.constant 768 : i32
      %dma_wait3A_2802 = tpu.memref_slice %arg6[%dma_wait3A_2801] : memref<1024xi32, #tpu.memory_space<vmem>> -> memref<128xi32, #tpu.memory_space<vmem>>
      %dma_wait3A_2803 = arith.constant 0 : i32
      %dma_wait3A_2804 = tpu.memref_slice %arg15[%dma_wait3A_2803] : memref<1048576xf32, #tpu.memory_space<vmem_shared>> -> memref<1048576xf32, #tpu.memory_space<vmem_shared>>
      tpu.wait_indirect_dma semaphore(%arg11 : memref<!tpu.dma_semaphore, #tpu.memory_space<semaphore_mem>>) src(%dma_wait3A_2804 : memref<1048576xf32, #tpu.memory_space<vmem_shared>>) dst(%dma_wait3A_2800 : memref<128xf32, #tpu.memory_space<vmem>>)
      %dma_wait3A_2805 = arith.constant 0 : i32
      %dma_wait3A_2806 = arith.constant 7 : i32
      %dma_wait3A_2807 = arith.constant 0 : i32
      %dma_wait3A_2808 = arith.constant 0 : i32
      %dma_wait3A_2809 = tpu.memref_slice %arg8[%dma_wait3A_2805, %dma_wait3A_2807, %dma_wait3A_2808] : memref<2x8x128xf32, #tpu.memory_space<vmem>> -> memref<1x8x128xf32, #tpu.memory_space<vmem>>
      %dma_wait3A_2810 = tpu.memref_squeeze %dma_wait3A_2809 : memref<1x8x128xf32, #tpu.memory_space<vmem>> -> memref<8x128xf32, #tpu.memory_space<vmem>>
      %dma_wait3A_2811 = arith.constant 0 : i32
      %dma_wait3A_2812 = tpu.memref_slice %dma_wait3A_2810[%dma_wait3A_2806, %dma_wait3A_2811] : memref<8x128xf32, #tpu.memory_space<vmem>> -> memref<1x128xf32, #tpu.memory_space<vmem>>
      %dma_wait3A_2813 = tpu.memref_squeeze %dma_wait3A_2812 : memref<1x128xf32, #tpu.memory_space<vmem>> -> memref<128xf32, #tpu.memory_space<vmem>>
      %dma_wait3A_2814 = arith.constant 896 : i32
      %dma_wait3A_2815 = tpu.memref_slice %arg6[%dma_wait3A_2814] : memref<1024xi32, #tpu.memory_space<vmem>> -> memref<128xi32, #tpu.memory_space<vmem>>
      %dma_wait3A_2816 = arith.constant 0 : i32
      %dma_wait3A_2817 = tpu.memref_slice %arg15[%dma_wait3A_2816] : memref<1048576xf32, #tpu.memory_space<vmem_shared>> -> memref<1048576xf32, #tpu.memory_space<vmem_shared>>
      tpu.wait_indirect_dma semaphore(%arg11 : memref<!tpu.dma_semaphore, #tpu.memory_space<semaphore_mem>>) src(%dma_wait3A_2817 : memref<1048576xf32, #tpu.memory_space<vmem_shared>>) dst(%dma_wait3A_2813 : memref<128xf32, #tpu.memory_space<vmem>>)
      %add3A_2818 = arith.constant 2 : i32
      %add3A_2819 = arith.addi %add3A_2532, %add3A_2818 : i32
      %mul3A_2820 = arith.constant 2 : i32
      %mul3A_2821 = arith.muli %arg1, %mul3A_2820 : i32
      %add3A_2822 = arith.constant 0 : i32
      %add3A_2823 = arith.addi %mul3A_2821, %add3A_2822 : i32
      %mul3A_2824 = arith.constant 32768 : i32
      %mul3A_2825 = arith.muli %add3A_2823, %mul3A_2824 : i32
      %mul3A_2826 = arith.constant 8 : i32
      %mul3A_2827 = arith.muli %add3A_2819, %mul3A_2826 : i32
      %add3A_2828 = arith.addi %mul3A_2, %mul3A_2827 : i32
      %add3A_2829 = arith.constant 0 : i32
      %add3A_2830 = arith.addi %add3A_2828, %add3A_2829 : i32
      %add3A_2831 = arith.constant 0 : i32
      %add3A_2832 = arith.addi %mul3A_2825, %add3A_2831 : i32
      %dma_start3A_2833 = tpu.memref_slice %arg15[%add3A_2832] : memref<1048576xf32, #tpu.memory_space<vmem_shared>> -> memref<4096xf32, #tpu.memory_space<vmem_shared>>
      %dma_start3A_2834 = arith.constant 0 : i32
      %dma_start3A_2835 = tpu.memref_slice %arg2[%add3A_2830, %dma_start3A_2834] : memref<16384x4096xf32, #tpu.memory_space<hbm>> -> memref<1x4096xf32, #tpu.memory_space<hbm>>
      %dma_start3A_2836 = tpu.memref_squeeze %dma_start3A_2835 : memref<1x4096xf32, #tpu.memory_space<hbm>> -> memref<4096xf32, #tpu.memory_space<hbm>>
      tpu.enqueue_dma source(%dma_start3A_2836 : memref<4096xf32, #tpu.memory_space<hbm>>) target(%dma_start3A_2833 : memref<4096xf32, #tpu.memory_space<vmem_shared>>) target_semaphore(%arg9 : memref<!tpu.dma_semaphore, #tpu.memory_space<semaphore_mem>>)
      %add3A_2837 = arith.constant 1 : i32
      %add3A_2838 = arith.addi %add3A_2828, %add3A_2837 : i32
      %add3A_2839 = arith.constant 4096 : i32
      %add3A_2840 = arith.addi %mul3A_2825, %add3A_2839 : i32
      %dma_start3A_2841 = tpu.memref_slice %arg15[%add3A_2840] : memref<1048576xf32, #tpu.memory_space<vmem_shared>> -> memref<4096xf32, #tpu.memory_space<vmem_shared>>
      %dma_start3A_2842 = arith.constant 0 : i32
      %dma_start3A_2843 = tpu.memref_slice %arg2[%add3A_2838, %dma_start3A_2842] : memref<16384x4096xf32, #tpu.memory_space<hbm>> -> memref<1x4096xf32, #tpu.memory_space<hbm>>
      %dma_start3A_2844 = tpu.memref_squeeze %dma_start3A_2843 : memref<1x4096xf32, #tpu.memory_space<hbm>> -> memref<4096xf32, #tpu.memory_space<hbm>>
      tpu.enqueue_dma source(%dma_start3A_2844 : memref<4096xf32, #tpu.memory_space<hbm>>) target(%dma_start3A_2841 : memref<4096xf32, #tpu.memory_space<vmem_shared>>) target_semaphore(%arg9 : memref<!tpu.dma_semaphore, #tpu.memory_space<semaphore_mem>>)
      %add3A_2845 = arith.constant 2 : i32
      %add3A_2846 = arith.addi %add3A_2828, %add3A_2845 : i32
      %add3A_2847 = arith.constant 8192 : i32
      %add3A_2848 = arith.addi %mul3A_2825, %add3A_2847 : i32
      %dma_start3A_2849 = tpu.memref_slice %arg15[%add3A_2848] : memref<1048576xf32, #tpu.memory_space<vmem_shared>> -> memref<4096xf32, #tpu.memory_space<vmem_shared>>
      %dma_start3A_2850 = arith.constant 0 : i32
      %dma_start3A_2851 = tpu.memref_slice %arg2[%add3A_2846, %dma_start3A_2850] : memref<16384x4096xf32, #tpu.memory_space<hbm>> -> memref<1x4096xf32, #tpu.memory_space<hbm>>
      %dma_start3A_2852 = tpu.memref_squeeze %dma_start3A_2851 : memref<1x4096xf32, #tpu.memory_space<hbm>> -> memref<4096xf32, #tpu.memory_space<hbm>>
      tpu.enqueue_dma source(%dma_start3A_2852 : memref<4096xf32, #tpu.memory_space<hbm>>) target(%dma_start3A_2849 : memref<4096xf32, #tpu.memory_space<vmem_shared>>) target_semaphore(%arg9 : memref<!tpu.dma_semaphore, #tpu.memory_space<semaphore_mem>>)
      %add3A_2853 = arith.constant 3 : i32
      %add3A_2854 = arith.addi %add3A_2828, %add3A_2853 : i32
      %add3A_2855 = arith.constant 12288 : i32
      %add3A_2856 = arith.addi %mul3A_2825, %add3A_2855 : i32
      %dma_start3A_2857 = tpu.memref_slice %arg15[%add3A_2856] : memref<1048576xf32, #tpu.memory_space<vmem_shared>> -> memref<4096xf32, #tpu.memory_space<vmem_shared>>
      %dma_start3A_2858 = arith.constant 0 : i32
      %dma_start3A_2859 = tpu.memref_slice %arg2[%add3A_2854, %dma_start3A_2858] : memref<16384x4096xf32, #tpu.memory_space<hbm>> -> memref<1x4096xf32, #tpu.memory_space<hbm>>
      %dma_start3A_2860 = tpu.memref_squeeze %dma_start3A_2859 : memref<1x4096xf32, #tpu.memory_space<hbm>> -> memref<4096xf32, #tpu.memory_space<hbm>>
      tpu.enqueue_dma source(%dma_start3A_2860 : memref<4096xf32, #tpu.memory_space<hbm>>) target(%dma_start3A_2857 : memref<4096xf32, #tpu.memory_space<vmem_shared>>) target_semaphore(%arg9 : memref<!tpu.dma_semaphore, #tpu.memory_space<semaphore_mem>>)
      %add3A_2861 = arith.constant 4 : i32
      %add3A_2862 = arith.addi %add3A_2828, %add3A_2861 : i32
      %add3A_2863 = arith.constant 16384 : i32
      %add3A_2864 = arith.addi %mul3A_2825, %add3A_2863 : i32
      %dma_start3A_2865 = tpu.memref_slice %arg15[%add3A_2864] : memref<1048576xf32, #tpu.memory_space<vmem_shared>> -> memref<4096xf32, #tpu.memory_space<vmem_shared>>
      %dma_start3A_2866 = arith.constant 0 : i32
      %dma_start3A_2867 = tpu.memref_slice %arg2[%add3A_2862, %dma_start3A_2866] : memref<16384x4096xf32, #tpu.memory_space<hbm>> -> memref<1x4096xf32, #tpu.memory_space<hbm>>
      %dma_start3A_2868 = tpu.memref_squeeze %dma_start3A_2867 : memref<1x4096xf32, #tpu.memory_space<hbm>> -> memref<4096xf32, #tpu.memory_space<hbm>>
      tpu.enqueue_dma source(%dma_start3A_2868 : memref<4096xf32, #tpu.memory_space<hbm>>) target(%dma_start3A_2865 : memref<4096xf32, #tpu.memory_space<vmem_shared>>) target_semaphore(%arg9 : memref<!tpu.dma_semaphore, #tpu.memory_space<semaphore_mem>>)
      %add3A_2869 = arith.constant 5 : i32
      %add3A_2870 = arith.addi %add3A_2828, %add3A_2869 : i32
      %add3A_2871 = arith.constant 20480 : i32
      %add3A_2872 = arith.addi %mul3A_2825, %add3A_2871 : i32
      %dma_start3A_2873 = tpu.memref_slice %arg15[%add3A_2872] : memref<1048576xf32, #tpu.memory_space<vmem_shared>> -> memref<4096xf32, #tpu.memory_space<vmem_shared>>
      %dma_start3A_2874 = arith.constant 0 : i32
      %dma_start3A_2875 = tpu.memref_slice %arg2[%add3A_2870, %dma_start3A_2874] : memref<16384x4096xf32, #tpu.memory_space<hbm>> -> memref<1x4096xf32, #tpu.memory_space<hbm>>
      %dma_start3A_2876 = tpu.memref_squeeze %dma_start3A_2875 : memref<1x4096xf32, #tpu.memory_space<hbm>> -> memref<4096xf32, #tpu.memory_space<hbm>>
      tpu.enqueue_dma source(%dma_start3A_2876 : memref<4096xf32, #tpu.memory_space<hbm>>) target(%dma_start3A_2873 : memref<4096xf32, #tpu.memory_space<vmem_shared>>) target_semaphore(%arg9 : memref<!tpu.dma_semaphore, #tpu.memory_space<semaphore_mem>>)
      %add3A_2877 = arith.constant 6 : i32
      %add3A_2878 = arith.addi %add3A_2828, %add3A_2877 : i32
      %add3A_2879 = arith.constant 24576 : i32
      %add3A_2880 = arith.addi %mul3A_2825, %add3A_2879 : i32
      %dma_start3A_2881 = tpu.memref_slice %arg15[%add3A_2880] : memref<1048576xf32, #tpu.memory_space<vmem_shared>> -> memref<4096xf32, #tpu.memory_space<vmem_shared>>
      %dma_start3A_2882 = arith.constant 0 : i32
      %dma_start3A_2883 = tpu.memref_slice %arg2[%add3A_2878, %dma_start3A_2882] : memref<16384x4096xf32, #tpu.memory_space<hbm>> -> memref<1x4096xf32, #tpu.memory_space<hbm>>
      %dma_start3A_2884 = tpu.memref_squeeze %dma_start3A_2883 : memref<1x4096xf32, #tpu.memory_space<hbm>> -> memref<4096xf32, #tpu.memory_space<hbm>>
      tpu.enqueue_dma source(%dma_start3A_2884 : memref<4096xf32, #tpu.memory_space<hbm>>) target(%dma_start3A_2881 : memref<4096xf32, #tpu.memory_space<vmem_shared>>) target_semaphore(%arg9 : memref<!tpu.dma_semaphore, #tpu.memory_space<semaphore_mem>>)
      %add3A_2885 = arith.constant 7 : i32
      %add3A_2886 = arith.addi %add3A_2828, %add3A_2885 : i32
      %add3A_2887 = arith.constant 28672 : i32
      %add3A_2888 = arith.addi %mul3A_2825, %add3A_2887 : i32
      %dma_start3A_2889 = tpu.memref_slice %arg15[%add3A_2888] : memref<1048576xf32, #tpu.memory_space<vmem_shared>> -> memref<4096xf32, #tpu.memory_space<vmem_shared>>
      %dma_start3A_2890 = arith.constant 0 : i32
      %dma_start3A_2891 = tpu.memref_slice %arg2[%add3A_2886, %dma_start3A_2890] : memref<16384x4096xf32, #tpu.memory_space<hbm>> -> memref<1x4096xf32, #tpu.memory_space<hbm>>
      %dma_start3A_2892 = tpu.memref_squeeze %dma_start3A_2891 : memref<1x4096xf32, #tpu.memory_space<hbm>> -> memref<4096xf32, #tpu.memory_space<hbm>>
      tpu.enqueue_dma source(%dma_start3A_2892 : memref<4096xf32, #tpu.memory_space<hbm>>) target(%dma_start3A_2889 : memref<4096xf32, #tpu.memory_space<vmem_shared>>) target_semaphore(%arg9 : memref<!tpu.dma_semaphore, #tpu.memory_space<semaphore_mem>>)
      %mul3A_2893 = arith.constant 8 : i32
      %mul3A_2894 = arith.muli %add3A_2532, %mul3A_2893 : i32
      %add3A_2895 = arith.addi %mul3A_2, %mul3A_2894 : i32
      %dma_start3A_2896 = arith.constant 0 : i32
      %dma_start3A_2897 = arith.constant 0 : i32
      %dma_start3A_2898 = arith.constant 0 : i32
      %dma_start3A_2899 = tpu.memref_slice %arg8[%dma_start3A_2896, %dma_start3A_2897, %dma_start3A_2898] : memref<2x8x128xf32, #tpu.memory_space<vmem>> -> memref<1x8x128xf32, #tpu.memory_space<vmem>>
      %dma_start3A_2900 = tpu.memref_squeeze %dma_start3A_2899 : memref<1x8x128xf32, #tpu.memory_space<vmem>> -> memref<8x128xf32, #tpu.memory_space<vmem>>
      %dma_start3A_2901 = arith.constant 0 : i32
      %dma_start3A_2902 = tpu.memref_slice %arg4[%add3A_2895, %dma_start3A_2901] : memref<6144x128xf32, #tpu.memory_space<hbm>> -> memref<8x128xf32, #tpu.memory_space<hbm>>
      %dma_start3A_2903 = arith.constant 0 : i32
      %dma_start3A_2904 = tpu.memref_slice %arg4[%add3A_2895, %dma_start3A_2903] : memref<6144x128xf32, #tpu.memory_space<hbm>> -> memref<8x128xf32, #tpu.memory_space<hbm>>
      %dma_start3A_2905 = arith.constant 0 : i32
      %dma_start3A_2906 = arith.constant 0 : i32
      %dma_start3A_2907 = tpu.memref_slice %arg8[%dma_start3A_2896, %dma_start3A_2905, %dma_start3A_2906] : memref<2x8x128xf32, #tpu.memory_space<vmem>> -> memref<1x8x128xf32, #tpu.memory_space<vmem>>
      %dma_start3A_2908 = tpu.memref_squeeze %dma_start3A_2907 : memref<1x8x128xf32, #tpu.memory_space<vmem>> -> memref<8x128xf32, #tpu.memory_space<vmem>>
      tpu.enqueue_dma source(%dma_start3A_2908 : memref<8x128xf32, #tpu.memory_space<vmem>>) target(%dma_start3A_2904 : memref<8x128xf32, #tpu.memory_space<hbm>>) target_semaphore(%arg13 : memref<!tpu.dma_semaphore, #tpu.memory_space<semaphore_mem>>)
      %mul3A_2909 = arith.constant 2 : i32
      %mul3A_2910 = arith.muli %mul3A_2909, %scan3A_2528 : i32
      %add3A_2911 = arith.constant 1 : i32
      %add3A_2912 = arith.addi %mul3A_2910, %add3A_2911 : i32
      %mul3A_2913 = arith.constant 2 : i32
      %mul3A_2914 = arith.muli %arg1, %mul3A_2913 : i32
      %add3A_2915 = arith.constant 1 : i32
      %add3A_2916 = arith.addi %mul3A_2914, %add3A_2915 : i32
      %mul3A_2917 = arith.constant 32768 : i32
      %mul3A_2918 = arith.muli %add3A_2916, %mul3A_2917 : i32
      %add3A_2919 = arith.constant 0 : i32
      %add3A_2920 = arith.addi %mul3A_2918, %add3A_2919 : i32
      %dma_wait3A_2921 = arith.constant 0 : i32
      %dma_wait3A_2922 = tpu.memref_slice %arg15[%add3A_2920] : memref<1048576xf32, #tpu.memory_space<vmem_shared>> -> memref<4096xf32, #tpu.memory_space<vmem_shared>>
      %dma_wait3A_2923 = arith.constant 0 : i32
      %dma_wait3A_2924 = tpu.memref_slice %arg2[%dma_wait3A_2921, %dma_wait3A_2923] : memref<16384x4096xf32, #tpu.memory_space<hbm>> -> memref<1x4096xf32, #tpu.memory_space<hbm>>
      %dma_wait3A_2925 = tpu.memref_squeeze %dma_wait3A_2924 : memref<1x4096xf32, #tpu.memory_space<hbm>> -> memref<4096xf32, #tpu.memory_space<hbm>>
      tpu.wait_dma2 semaphore(%arg10 : memref<!tpu.dma_semaphore, #tpu.memory_space<semaphore_mem>>) src(%dma_wait3A_2925 : memref<4096xf32, #tpu.memory_space<hbm>>) dst(%dma_wait3A_2922 : memref<4096xf32, #tpu.memory_space<vmem_shared>>)
      %add3A_2926 = arith.constant 4096 : i32
      %add3A_2927 = arith.addi %mul3A_2918, %add3A_2926 : i32
      %dma_wait3A_2928 = arith.constant 0 : i32
      %dma_wait3A_2929 = tpu.memref_slice %arg15[%add3A_2927] : memref<1048576xf32, #tpu.memory_space<vmem_shared>> -> memref<4096xf32, #tpu.memory_space<vmem_shared>>
      %dma_wait3A_2930 = arith.constant 0 : i32
      %dma_wait3A_2931 = tpu.memref_slice %arg2[%dma_wait3A_2928, %dma_wait3A_2930] : memref<16384x4096xf32, #tpu.memory_space<hbm>> -> memref<1x4096xf32, #tpu.memory_space<hbm>>
      %dma_wait3A_2932 = tpu.memref_squeeze %dma_wait3A_2931 : memref<1x4096xf32, #tpu.memory_space<hbm>> -> memref<4096xf32, #tpu.memory_space<hbm>>
      tpu.wait_dma2 semaphore(%arg10 : memref<!tpu.dma_semaphore, #tpu.memory_space<semaphore_mem>>) src(%dma_wait3A_2932 : memref<4096xf32, #tpu.memory_space<hbm>>) dst(%dma_wait3A_2929 : memref<4096xf32, #tpu.memory_space<vmem_shared>>)
      %add3A_2933 = arith.constant 8192 : i32
      %add3A_2934 = arith.addi %mul3A_2918, %add3A_2933 : i32
      %dma_wait3A_2935 = arith.constant 0 : i32
      %dma_wait3A_2936 = tpu.memref_slice %arg15[%add3A_2934] : memref<1048576xf32, #tpu.memory_space<vmem_shared>> -> memref<4096xf32, #tpu.memory_space<vmem_shared>>
      %dma_wait3A_2937 = arith.constant 0 : i32
      %dma_wait3A_2938 = tpu.memref_slice %arg2[%dma_wait3A_2935, %dma_wait3A_2937] : memref<16384x4096xf32, #tpu.memory_space<hbm>> -> memref<1x4096xf32, #tpu.memory_space<hbm>>
      %dma_wait3A_2939 = tpu.memref_squeeze %dma_wait3A_2938 : memref<1x4096xf32, #tpu.memory_space<hbm>> -> memref<4096xf32, #tpu.memory_space<hbm>>
      tpu.wait_dma2 semaphore(%arg10 : memref<!tpu.dma_semaphore, #tpu.memory_space<semaphore_mem>>) src(%dma_wait3A_2939 : memref<4096xf32, #tpu.memory_space<hbm>>) dst(%dma_wait3A_2936 : memref<4096xf32, #tpu.memory_space<vmem_shared>>)
      %add3A_2940 = arith.constant 12288 : i32
      %add3A_2941 = arith.addi %mul3A_2918, %add3A_2940 : i32
      %dma_wait3A_2942 = arith.constant 0 : i32
      %dma_wait3A_2943 = tpu.memref_slice %arg15[%add3A_2941] : memref<1048576xf32, #tpu.memory_space<vmem_shared>> -> memref<4096xf32, #tpu.memory_space<vmem_shared>>
      %dma_wait3A_2944 = arith.constant 0 : i32
      %dma_wait3A_2945 = tpu.memref_slice %arg2[%dma_wait3A_2942, %dma_wait3A_2944] : memref<16384x4096xf32, #tpu.memory_space<hbm>> -> memref<1x4096xf32, #tpu.memory_space<hbm>>
      %dma_wait3A_2946 = tpu.memref_squeeze %dma_wait3A_2945 : memref<1x4096xf32, #tpu.memory_space<hbm>> -> memref<4096xf32, #tpu.memory_space<hbm>>
      tpu.wait_dma2 semaphore(%arg10 : memref<!tpu.dma_semaphore, #tpu.memory_space<semaphore_mem>>) src(%dma_wait3A_2946 : memref<4096xf32, #tpu.memory_space<hbm>>) dst(%dma_wait3A_2943 : memref<4096xf32, #tpu.memory_space<vmem_shared>>)
      %add3A_2947 = arith.constant 16384 : i32
      %add3A_2948 = arith.addi %mul3A_2918, %add3A_2947 : i32
      %dma_wait3A_2949 = arith.constant 0 : i32
      %dma_wait3A_2950 = tpu.memref_slice %arg15[%add3A_2948] : memref<1048576xf32, #tpu.memory_space<vmem_shared>> -> memref<4096xf32, #tpu.memory_space<vmem_shared>>
      %dma_wait3A_2951 = arith.constant 0 : i32
      %dma_wait3A_2952 = tpu.memref_slice %arg2[%dma_wait3A_2949, %dma_wait3A_2951] : memref<16384x4096xf32, #tpu.memory_space<hbm>> -> memref<1x4096xf32, #tpu.memory_space<hbm>>
      %dma_wait3A_2953 = tpu.memref_squeeze %dma_wait3A_2952 : memref<1x4096xf32, #tpu.memory_space<hbm>> -> memref<4096xf32, #tpu.memory_space<hbm>>
      tpu.wait_dma2 semaphore(%arg10 : memref<!tpu.dma_semaphore, #tpu.memory_space<semaphore_mem>>) src(%dma_wait3A_2953 : memref<4096xf32, #tpu.memory_space<hbm>>) dst(%dma_wait3A_2950 : memref<4096xf32, #tpu.memory_space<vmem_shared>>)
      %add3A_2954 = arith.constant 20480 : i32
      %add3A_2955 = arith.addi %mul3A_2918, %add3A_2954 : i32
      %dma_wait3A_2956 = arith.constant 0 : i32
      %dma_wait3A_2957 = tpu.memref_slice %arg15[%add3A_2955] : memref<1048576xf32, #tpu.memory_space<vmem_shared>> -> memref<4096xf32, #tpu.memory_space<vmem_shared>>
      %dma_wait3A_2958 = arith.constant 0 : i32
      %dma_wait3A_2959 = tpu.memref_slice %arg2[%dma_wait3A_2956, %dma_wait3A_2958] : memref<16384x4096xf32, #tpu.memory_space<hbm>> -> memref<1x4096xf32, #tpu.memory_space<hbm>>
      %dma_wait3A_2960 = tpu.memref_squeeze %dma_wait3A_2959 : memref<1x4096xf32, #tpu.memory_space<hbm>> -> memref<4096xf32, #tpu.memory_space<hbm>>
      tpu.wait_dma2 semaphore(%arg10 : memref<!tpu.dma_semaphore, #tpu.memory_space<semaphore_mem>>) src(%dma_wait3A_2960 : memref<4096xf32, #tpu.memory_space<hbm>>) dst(%dma_wait3A_2957 : memref<4096xf32, #tpu.memory_space<vmem_shared>>)
      %add3A_2961 = arith.constant 24576 : i32
      %add3A_2962 = arith.addi %mul3A_2918, %add3A_2961 : i32
      %dma_wait3A_2963 = arith.constant 0 : i32
      %dma_wait3A_2964 = tpu.memref_slice %arg15[%add3A_2962] : memref<1048576xf32, #tpu.memory_space<vmem_shared>> -> memref<4096xf32, #tpu.memory_space<vmem_shared>>
      %dma_wait3A_2965 = arith.constant 0 : i32
      %dma_wait3A_2966 = tpu.memref_slice %arg2[%dma_wait3A_2963, %dma_wait3A_2965] : memref<16384x4096xf32, #tpu.memory_space<hbm>> -> memref<1x4096xf32, #tpu.memory_space<hbm>>
      %dma_wait3A_2967 = tpu.memref_squeeze %dma_wait3A_2966 : memref<1x4096xf32, #tpu.memory_space<hbm>> -> memref<4096xf32, #tpu.memory_space<hbm>>
      tpu.wait_dma2 semaphore(%arg10 : memref<!tpu.dma_semaphore, #tpu.memory_space<semaphore_mem>>) src(%dma_wait3A_2967 : memref<4096xf32, #tpu.memory_space<hbm>>) dst(%dma_wait3A_2964 : memref<4096xf32, #tpu.memory_space<vmem_shared>>)
      %add3A_2968 = arith.constant 28672 : i32
      %add3A_2969 = arith.addi %mul3A_2918, %add3A_2968 : i32
      %dma_wait3A_2970 = arith.constant 0 : i32
      %dma_wait3A_2971 = tpu.memref_slice %arg15[%add3A_2969] : memref<1048576xf32, #tpu.memory_space<vmem_shared>> -> memref<4096xf32, #tpu.memory_space<vmem_shared>>
      %dma_wait3A_2972 = arith.constant 0 : i32
      %dma_wait3A_2973 = tpu.memref_slice %arg2[%dma_wait3A_2970, %dma_wait3A_2972] : memref<16384x4096xf32, #tpu.memory_space<hbm>> -> memref<1x4096xf32, #tpu.memory_space<hbm>>
      %dma_wait3A_2974 = tpu.memref_squeeze %dma_wait3A_2973 : memref<1x4096xf32, #tpu.memory_space<hbm>> -> memref<4096xf32, #tpu.memory_space<hbm>>
      tpu.wait_dma2 semaphore(%arg10 : memref<!tpu.dma_semaphore, #tpu.memory_space<semaphore_mem>>) src(%dma_wait3A_2974 : memref<4096xf32, #tpu.memory_space<hbm>>) dst(%dma_wait3A_2971 : memref<4096xf32, #tpu.memory_space<vmem_shared>>)
      %dma_wait3A_2975 = arith.constant 1 : i32
      %dma_wait3A_2976 = arith.constant 0 : i32
      %dma_wait3A_2977 = arith.constant 0 : i32
      %dma_wait3A_2978 = tpu.memref_slice %arg8[%dma_wait3A_2975, %dma_wait3A_2976, %dma_wait3A_2977] : memref<2x8x128xf32, #tpu.memory_space<vmem>> -> memref<1x8x128xf32, #tpu.memory_space<vmem>>
      %dma_wait3A_2979 = tpu.memref_squeeze %dma_wait3A_2978 : memref<1x8x128xf32, #tpu.memory_space<vmem>> -> memref<8x128xf32, #tpu.memory_space<vmem>>
      %dma_wait3A_2980 = arith.constant 0 : i32
      %dma_wait3A_2981 = arith.constant 0 : i32
      %dma_wait3A_2982 = tpu.memref_slice %arg4[%dma_wait3A_2980, %dma_wait3A_2981] : memref<6144x128xf32, #tpu.memory_space<hbm>> -> memref<8x128xf32, #tpu.memory_space<hbm>>
      %dma_wait3A_2983 = arith.constant 0 : i32
      %dma_wait3A_2984 = arith.constant 0 : i32
      %dma_wait3A_2985 = tpu.memref_slice %arg4[%dma_wait3A_2983, %dma_wait3A_2984] : memref<6144x128xf32, #tpu.memory_space<hbm>> -> memref<8x128xf32, #tpu.memory_space<hbm>>
      %dma_wait3A_2986 = arith.constant 0 : i32
      %dma_wait3A_2987 = arith.constant 0 : i32
      %dma_wait3A_2988 = tpu.memref_slice %arg8[%dma_wait3A_2975, %dma_wait3A_2986, %dma_wait3A_2987] : memref<2x8x128xf32, #tpu.memory_space<vmem>> -> memref<1x8x128xf32, #tpu.memory_space<vmem>>
      %dma_wait3A_2989 = tpu.memref_squeeze %dma_wait3A_2988 : memref<1x8x128xf32, #tpu.memory_space<vmem>> -> memref<8x128xf32, #tpu.memory_space<vmem>>
      tpu.wait_dma2 semaphore(%arg14 : memref<!tpu.dma_semaphore, #tpu.memory_space<semaphore_mem>>) src(%dma_wait3A_2989 : memref<8x128xf32, #tpu.memory_space<vmem>>) dst(%dma_wait3A_2985 : memref<8x128xf32, #tpu.memory_space<hbm>>)
      %dma_start3A_2990 = arith.constant 1 : i32
      %dma_start3A_2991 = arith.constant 0 : i32
      %dma_start3A_2992 = arith.constant 0 : i32
      %dma_start3A_2993 = arith.constant 0 : i32
      %dma_start3A_2994 = tpu.memref_slice %arg8[%dma_start3A_2990, %dma_start3A_2992, %dma_start3A_2993] : memref<2x8x128xf32, #tpu.memory_space<vmem>> -> memref<1x8x128xf32, #tpu.memory_space<vmem>>
      %dma_start3A_2995 = tpu.memref_squeeze %dma_start3A_2994 : memref<1x8x128xf32, #tpu.memory_space<vmem>> -> memref<8x128xf32, #tpu.memory_space<vmem>>
      %dma_start3A_2996 = arith.constant 0 : i32
      %dma_start3A_2997 = tpu.memref_slice %dma_start3A_2995[%dma_start3A_2991, %dma_start3A_2996] : memref<8x128xf32, #tpu.memory_space<vmem>> -> memref<1x128xf32, #tpu.memory_space<vmem>>
      %dma_start3A_2998 = tpu.memref_squeeze %dma_start3A_2997 : memref<1x128xf32, #tpu.memory_space<vmem>> -> memref<128xf32, #tpu.memory_space<vmem>>
      %dma_start3A_2999 = arith.constant 0 : i32
      %dma_start3A_3000 = tpu.memref_slice %arg7[%dma_start3A_2999] : memref<1024xi32, #tpu.memory_space<vmem>> -> memref<128xi32, #tpu.memory_space<vmem>>
      %dma_start3A_3001 = arith.constant 0 : i32
      %dma_start3A_3002 = tpu.memref_slice %arg15[%dma_start3A_3001] : memref<1048576xf32, #tpu.memory_space<vmem_shared>> -> memref<1048576xf32, #tpu.memory_space<vmem_shared>>
      tpu.enqueue_indirect_dma source(%dma_start3A_3002 : memref<1048576xf32, #tpu.memory_space<vmem_shared>>) target(%dma_start3A_2998 : memref<128xf32, #tpu.memory_space<vmem>>) offsets(%dma_start3A_3000 : memref<128xi32, #tpu.memory_space<vmem>>) semaphore(%arg12 : memref<!tpu.dma_semaphore, #tpu.memory_space<semaphore_mem>>)
      %dma_start3A_3003 = arith.constant 1 : i32
      %dma_start3A_3004 = arith.constant 1 : i32
      %dma_start3A_3005 = arith.constant 0 : i32
      %dma_start3A_3006 = arith.constant 0 : i32
      %dma_start3A_3007 = tpu.memref_slice %arg8[%dma_start3A_3003, %dma_start3A_3005, %dma_start3A_3006] : memref<2x8x128xf32, #tpu.memory_space<vmem>> -> memref<1x8x128xf32, #tpu.memory_space<vmem>>
      %dma_start3A_3008 = tpu.memref_squeeze %dma_start3A_3007 : memref<1x8x128xf32, #tpu.memory_space<vmem>> -> memref<8x128xf32, #tpu.memory_space<vmem>>
      %dma_start3A_3009 = arith.constant 0 : i32
      %dma_start3A_3010 = tpu.memref_slice %dma_start3A_3008[%dma_start3A_3004, %dma_start3A_3009] : memref<8x128xf32, #tpu.memory_space<vmem>> -> memref<1x128xf32, #tpu.memory_space<vmem>>
      %dma_start3A_3011 = tpu.memref_squeeze %dma_start3A_3010 : memref<1x128xf32, #tpu.memory_space<vmem>> -> memref<128xf32, #tpu.memory_space<vmem>>
      %dma_start3A_3012 = arith.constant 128 : i32
      %dma_start3A_3013 = tpu.memref_slice %arg7[%dma_start3A_3012] : memref<1024xi32, #tpu.memory_space<vmem>> -> memref<128xi32, #tpu.memory_space<vmem>>
      %dma_start3A_3014 = arith.constant 0 : i32
      %dma_start3A_3015 = tpu.memref_slice %arg15[%dma_start3A_3014] : memref<1048576xf32, #tpu.memory_space<vmem_shared>> -> memref<1048576xf32, #tpu.memory_space<vmem_shared>>
      tpu.enqueue_indirect_dma source(%dma_start3A_3015 : memref<1048576xf32, #tpu.memory_space<vmem_shared>>) target(%dma_start3A_3011 : memref<128xf32, #tpu.memory_space<vmem>>) offsets(%dma_start3A_3013 : memref<128xi32, #tpu.memory_space<vmem>>) semaphore(%arg12 : memref<!tpu.dma_semaphore, #tpu.memory_space<semaphore_mem>>)
      %dma_start3A_3016 = arith.constant 1 : i32
      %dma_start3A_3017 = arith.constant 2 : i32
      %dma_start3A_3018 = arith.constant 0 : i32
      %dma_start3A_3019 = arith.constant 0 : i32
      %dma_start3A_3020 = tpu.memref_slice %arg8[%dma_start3A_3016, %dma_start3A_3018, %dma_start3A_3019] : memref<2x8x128xf32, #tpu.memory_space<vmem>> -> memref<1x8x128xf32, #tpu.memory_space<vmem>>
      %dma_start3A_3021 = tpu.memref_squeeze %dma_start3A_3020 : memref<1x8x128xf32, #tpu.memory_space<vmem>> -> memref<8x128xf32, #tpu.memory_space<vmem>>
      %dma_start3A_3022 = arith.constant 0 : i32
      %dma_start3A_3023 = tpu.memref_slice %dma_start3A_3021[%dma_start3A_3017, %dma_start3A_3022] : memref<8x128xf32, #tpu.memory_space<vmem>> -> memref<1x128xf32, #tpu.memory_space<vmem>>
      %dma_start3A_3024 = tpu.memref_squeeze %dma_start3A_3023 : memref<1x128xf32, #tpu.memory_space<vmem>> -> memref<128xf32, #tpu.memory_space<vmem>>
      %dma_start3A_3025 = arith.constant 256 : i32
      %dma_start3A_3026 = tpu.memref_slice %arg7[%dma_start3A_3025] : memref<1024xi32, #tpu.memory_space<vmem>> -> memref<128xi32, #tpu.memory_space<vmem>>
      %dma_start3A_3027 = arith.constant 0 : i32
      %dma_start3A_3028 = tpu.memref_slice %arg15[%dma_start3A_3027] : memref<1048576xf32, #tpu.memory_space<vmem_shared>> -> memref<1048576xf32, #tpu.memory_space<vmem_shared>>
      tpu.enqueue_indirect_dma source(%dma_start3A_3028 : memref<1048576xf32, #tpu.memory_space<vmem_shared>>) target(%dma_start3A_3024 : memref<128xf32, #tpu.memory_space<vmem>>) offsets(%dma_start3A_3026 : memref<128xi32, #tpu.memory_space<vmem>>) semaphore(%arg12 : memref<!tpu.dma_semaphore, #tpu.memory_space<semaphore_mem>>)
      %dma_start3A_3029 = arith.constant 1 : i32
      %dma_start3A_3030 = arith.constant 3 : i32
      %dma_start3A_3031 = arith.constant 0 : i32
      %dma_start3A_3032 = arith.constant 0 : i32
      %dma_start3A_3033 = tpu.memref_slice %arg8[%dma_start3A_3029, %dma_start3A_3031, %dma_start3A_3032] : memref<2x8x128xf32, #tpu.memory_space<vmem>> -> memref<1x8x128xf32, #tpu.memory_space<vmem>>
      %dma_start3A_3034 = tpu.memref_squeeze %dma_start3A_3033 : memref<1x8x128xf32, #tpu.memory_space<vmem>> -> memref<8x128xf32, #tpu.memory_space<vmem>>
      %dma_start3A_3035 = arith.constant 0 : i32
      %dma_start3A_3036 = tpu.memref_slice %dma_start3A_3034[%dma_start3A_3030, %dma_start3A_3035] : memref<8x128xf32, #tpu.memory_space<vmem>> -> memref<1x128xf32, #tpu.memory_space<vmem>>
      %dma_start3A_3037 = tpu.memref_squeeze %dma_start3A_3036 : memref<1x128xf32, #tpu.memory_space<vmem>> -> memref<128xf32, #tpu.memory_space<vmem>>
      %dma_start3A_3038 = arith.constant 384 : i32
      %dma_start3A_3039 = tpu.memref_slice %arg7[%dma_start3A_3038] : memref<1024xi32, #tpu.memory_space<vmem>> -> memref<128xi32, #tpu.memory_space<vmem>>
      %dma_start3A_3040 = arith.constant 0 : i32
      %dma_start3A_3041 = tpu.memref_slice %arg15[%dma_start3A_3040] : memref<1048576xf32, #tpu.memory_space<vmem_shared>> -> memref<1048576xf32, #tpu.memory_space<vmem_shared>>
      tpu.enqueue_indirect_dma source(%dma_start3A_3041 : memref<1048576xf32, #tpu.memory_space<vmem_shared>>) target(%dma_start3A_3037 : memref<128xf32, #tpu.memory_space<vmem>>) offsets(%dma_start3A_3039 : memref<128xi32, #tpu.memory_space<vmem>>) semaphore(%arg12 : memref<!tpu.dma_semaphore, #tpu.memory_space<semaphore_mem>>)
      %dma_start3A_3042 = arith.constant 1 : i32
      %dma_start3A_3043 = arith.constant 4 : i32
      %dma_start3A_3044 = arith.constant 0 : i32
      %dma_start3A_3045 = arith.constant 0 : i32
      %dma_start3A_3046 = tpu.memref_slice %arg8[%dma_start3A_3042, %dma_start3A_3044, %dma_start3A_3045] : memref<2x8x128xf32, #tpu.memory_space<vmem>> -> memref<1x8x128xf32, #tpu.memory_space<vmem>>
      %dma_start3A_3047 = tpu.memref_squeeze %dma_start3A_3046 : memref<1x8x128xf32, #tpu.memory_space<vmem>> -> memref<8x128xf32, #tpu.memory_space<vmem>>
      %dma_start3A_3048 = arith.constant 0 : i32
      %dma_start3A_3049 = tpu.memref_slice %dma_start3A_3047[%dma_start3A_3043, %dma_start3A_3048] : memref<8x128xf32, #tpu.memory_space<vmem>> -> memref<1x128xf32, #tpu.memory_space<vmem>>
      %dma_start3A_3050 = tpu.memref_squeeze %dma_start3A_3049 : memref<1x128xf32, #tpu.memory_space<vmem>> -> memref<128xf32, #tpu.memory_space<vmem>>
      %dma_start3A_3051 = arith.constant 512 : i32
      %dma_start3A_3052 = tpu.memref_slice %arg7[%dma_start3A_3051] : memref<1024xi32, #tpu.memory_space<vmem>> -> memref<128xi32, #tpu.memory_space<vmem>>
      %dma_start3A_3053 = arith.constant 0 : i32
      %dma_start3A_3054 = tpu.memref_slice %arg15[%dma_start3A_3053] : memref<1048576xf32, #tpu.memory_space<vmem_shared>> -> memref<1048576xf32, #tpu.memory_space<vmem_shared>>
      tpu.enqueue_indirect_dma source(%dma_start3A_3054 : memref<1048576xf32, #tpu.memory_space<vmem_shared>>) target(%dma_start3A_3050 : memref<128xf32, #tpu.memory_space<vmem>>) offsets(%dma_start3A_3052 : memref<128xi32, #tpu.memory_space<vmem>>) semaphore(%arg12 : memref<!tpu.dma_semaphore, #tpu.memory_space<semaphore_mem>>)
      %dma_start3A_3055 = arith.constant 1 : i32
      %dma_start3A_3056 = arith.constant 5 : i32
      %dma_start3A_3057 = arith.constant 0 : i32
      %dma_start3A_3058 = arith.constant 0 : i32
      %dma_start3A_3059 = tpu.memref_slice %arg8[%dma_start3A_3055, %dma_start3A_3057, %dma_start3A_3058] : memref<2x8x128xf32, #tpu.memory_space<vmem>> -> memref<1x8x128xf32, #tpu.memory_space<vmem>>
      %dma_start3A_3060 = tpu.memref_squeeze %dma_start3A_3059 : memref<1x8x128xf32, #tpu.memory_space<vmem>> -> memref<8x128xf32, #tpu.memory_space<vmem>>
      %dma_start3A_3061 = arith.constant 0 : i32
      %dma_start3A_3062 = tpu.memref_slice %dma_start3A_3060[%dma_start3A_3056, %dma_start3A_3061] : memref<8x128xf32, #tpu.memory_space<vmem>> -> memref<1x128xf32, #tpu.memory_space<vmem>>
      %dma_start3A_3063 = tpu.memref_squeeze %dma_start3A_3062 : memref<1x128xf32, #tpu.memory_space<vmem>> -> memref<128xf32, #tpu.memory_space<vmem>>
      %dma_start3A_3064 = arith.constant 640 : i32
      %dma_start3A_3065 = tpu.memref_slice %arg7[%dma_start3A_3064] : memref<1024xi32, #tpu.memory_space<vmem>> -> memref<128xi32, #tpu.memory_space<vmem>>
      %dma_start3A_3066 = arith.constant 0 : i32
      %dma_start3A_3067 = tpu.memref_slice %arg15[%dma_start3A_3066] : memref<1048576xf32, #tpu.memory_space<vmem_shared>> -> memref<1048576xf32, #tpu.memory_space<vmem_shared>>
      tpu.enqueue_indirect_dma source(%dma_start3A_3067 : memref<1048576xf32, #tpu.memory_space<vmem_shared>>) target(%dma_start3A_3063 : memref<128xf32, #tpu.memory_space<vmem>>) offsets(%dma_start3A_3065 : memref<128xi32, #tpu.memory_space<vmem>>) semaphore(%arg12 : memref<!tpu.dma_semaphore, #tpu.memory_space<semaphore_mem>>)
      %dma_start3A_3068 = arith.constant 1 : i32
      %dma_start3A_3069 = arith.constant 6 : i32
      %dma_start3A_3070 = arith.constant 0 : i32
      %dma_start3A_3071 = arith.constant 0 : i32
      %dma_start3A_3072 = tpu.memref_slice %arg8[%dma_start3A_3068, %dma_start3A_3070, %dma_start3A_3071] : memref<2x8x128xf32, #tpu.memory_space<vmem>> -> memref<1x8x128xf32, #tpu.memory_space<vmem>>
      %dma_start3A_3073 = tpu.memref_squeeze %dma_start3A_3072 : memref<1x8x128xf32, #tpu.memory_space<vmem>> -> memref<8x128xf32, #tpu.memory_space<vmem>>
      %dma_start3A_3074 = arith.constant 0 : i32
      %dma_start3A_3075 = tpu.memref_slice %dma_start3A_3073[%dma_start3A_3069, %dma_start3A_3074] : memref<8x128xf32, #tpu.memory_space<vmem>> -> memref<1x128xf32, #tpu.memory_space<vmem>>
      %dma_start3A_3076 = tpu.memref_squeeze %dma_start3A_3075 : memref<1x128xf32, #tpu.memory_space<vmem>> -> memref<128xf32, #tpu.memory_space<vmem>>
      %dma_start3A_3077 = arith.constant 768 : i32
      %dma_start3A_3078 = tpu.memref_slice %arg7[%dma_start3A_3077] : memref<1024xi32, #tpu.memory_space<vmem>> -> memref<128xi32, #tpu.memory_space<vmem>>
      %dma_start3A_3079 = arith.constant 0 : i32
      %dma_start3A_3080 = tpu.memref_slice %arg15[%dma_start3A_3079] : memref<1048576xf32, #tpu.memory_space<vmem_shared>> -> memref<1048576xf32, #tpu.memory_space<vmem_shared>>
      tpu.enqueue_indirect_dma source(%dma_start3A_3080 : memref<1048576xf32, #tpu.memory_space<vmem_shared>>) target(%dma_start3A_3076 : memref<128xf32, #tpu.memory_space<vmem>>) offsets(%dma_start3A_3078 : memref<128xi32, #tpu.memory_space<vmem>>) semaphore(%arg12 : memref<!tpu.dma_semaphore, #tpu.memory_space<semaphore_mem>>)
      %dma_start3A_3081 = arith.constant 1 : i32
      %dma_start3A_3082 = arith.constant 7 : i32
      %dma_start3A_3083 = arith.constant 0 : i32
      %dma_start3A_3084 = arith.constant 0 : i32
      %dma_start3A_3085 = tpu.memref_slice %arg8[%dma_start3A_3081, %dma_start3A_3083, %dma_start3A_3084] : memref<2x8x128xf32, #tpu.memory_space<vmem>> -> memref<1x8x128xf32, #tpu.memory_space<vmem>>
      %dma_start3A_3086 = tpu.memref_squeeze %dma_start3A_3085 : memref<1x8x128xf32, #tpu.memory_space<vmem>> -> memref<8x128xf32, #tpu.memory_space<vmem>>
      %dma_start3A_3087 = arith.constant 0 : i32
      %dma_start3A_3088 = tpu.memref_slice %dma_start3A_3086[%dma_start3A_3082, %dma_start3A_3087] : memref<8x128xf32, #tpu.memory_space<vmem>> -> memref<1x128xf32, #tpu.memory_space<vmem>>
      %dma_start3A_3089 = tpu.memref_squeeze %dma_start3A_3088 : memref<1x128xf32, #tpu.memory_space<vmem>> -> memref<128xf32, #tpu.memory_space<vmem>>
      %dma_start3A_3090 = arith.constant 896 : i32
      %dma_start3A_3091 = tpu.memref_slice %arg7[%dma_start3A_3090] : memref<1024xi32, #tpu.memory_space<vmem>> -> memref<128xi32, #tpu.memory_space<vmem>>
      %dma_start3A_3092 = arith.constant 0 : i32
      %dma_start3A_3093 = tpu.memref_slice %arg15[%dma_start3A_3092] : memref<1048576xf32, #tpu.memory_space<vmem_shared>> -> memref<1048576xf32, #tpu.memory_space<vmem_shared>>
      tpu.enqueue_indirect_dma source(%dma_start3A_3093 : memref<1048576xf32, #tpu.memory_space<vmem_shared>>) target(%dma_start3A_3089 : memref<128xf32, #tpu.memory_space<vmem>>) offsets(%dma_start3A_3091 : memref<128xi32, #tpu.memory_space<vmem>>) semaphore(%arg12 : memref<!tpu.dma_semaphore, #tpu.memory_space<semaphore_mem>>)
      %dma_wait3A_3094 = arith.constant 1 : i32
      %dma_wait3A_3095 = arith.constant 0 : i32
      %dma_wait3A_3096 = arith.constant 0 : i32
      %dma_wait3A_3097 = arith.constant 0 : i32
      %dma_wait3A_3098 = tpu.memref_slice %arg8[%dma_wait3A_3094, %dma_wait3A_3096, %dma_wait3A_3097] : memref<2x8x128xf32, #tpu.memory_space<vmem>> -> memref<1x8x128xf32, #tpu.memory_space<vmem>>
      %dma_wait3A_3099 = tpu.memref_squeeze %dma_wait3A_3098 : memref<1x8x128xf32, #tpu.memory_space<vmem>> -> memref<8x128xf32, #tpu.memory_space<vmem>>
      %dma_wait3A_3100 = arith.constant 0 : i32
      %dma_wait3A_3101 = tpu.memref_slice %dma_wait3A_3099[%dma_wait3A_3095, %dma_wait3A_3100] : memref<8x128xf32, #tpu.memory_space<vmem>> -> memref<1x128xf32, #tpu.memory_space<vmem>>
      %dma_wait3A_3102 = tpu.memref_squeeze %dma_wait3A_3101 : memref<1x128xf32, #tpu.memory_space<vmem>> -> memref<128xf32, #tpu.memory_space<vmem>>
      %dma_wait3A_3103 = arith.constant 0 : i32
      %dma_wait3A_3104 = tpu.memref_slice %arg7[%dma_wait3A_3103] : memref<1024xi32, #tpu.memory_space<vmem>> -> memref<128xi32, #tpu.memory_space<vmem>>
      %dma_wait3A_3105 = arith.constant 0 : i32
      %dma_wait3A_3106 = tpu.memref_slice %arg15[%dma_wait3A_3105] : memref<1048576xf32, #tpu.memory_space<vmem_shared>> -> memref<1048576xf32, #tpu.memory_space<vmem_shared>>
      tpu.wait_indirect_dma semaphore(%arg12 : memref<!tpu.dma_semaphore, #tpu.memory_space<semaphore_mem>>) src(%dma_wait3A_3106 : memref<1048576xf32, #tpu.memory_space<vmem_shared>>) dst(%dma_wait3A_3102 : memref<128xf32, #tpu.memory_space<vmem>>)
      %dma_wait3A_3107 = arith.constant 1 : i32
      %dma_wait3A_3108 = arith.constant 1 : i32
      %dma_wait3A_3109 = arith.constant 0 : i32
      %dma_wait3A_3110 = arith.constant 0 : i32
      %dma_wait3A_3111 = tpu.memref_slice %arg8[%dma_wait3A_3107, %dma_wait3A_3109, %dma_wait3A_3110] : memref<2x8x128xf32, #tpu.memory_space<vmem>> -> memref<1x8x128xf32, #tpu.memory_space<vmem>>
      %dma_wait3A_3112 = tpu.memref_squeeze %dma_wait3A_3111 : memref<1x8x128xf32, #tpu.memory_space<vmem>> -> memref<8x128xf32, #tpu.memory_space<vmem>>
      %dma_wait3A_3113 = arith.constant 0 : i32
      %dma_wait3A_3114 = tpu.memref_slice %dma_wait3A_3112[%dma_wait3A_3108, %dma_wait3A_3113] : memref<8x128xf32, #tpu.memory_space<vmem>> -> memref<1x128xf32, #tpu.memory_space<vmem>>
      %dma_wait3A_3115 = tpu.memref_squeeze %dma_wait3A_3114 : memref<1x128xf32, #tpu.memory_space<vmem>> -> memref<128xf32, #tpu.memory_space<vmem>>
      %dma_wait3A_3116 = arith.constant 128 : i32
      %dma_wait3A_3117 = tpu.memref_slice %arg7[%dma_wait3A_3116] : memref<1024xi32, #tpu.memory_space<vmem>> -> memref<128xi32, #tpu.memory_space<vmem>>
      %dma_wait3A_3118 = arith.constant 0 : i32
      %dma_wait3A_3119 = tpu.memref_slice %arg15[%dma_wait3A_3118] : memref<1048576xf32, #tpu.memory_space<vmem_shared>> -> memref<1048576xf32, #tpu.memory_space<vmem_shared>>
      tpu.wait_indirect_dma semaphore(%arg12 : memref<!tpu.dma_semaphore, #tpu.memory_space<semaphore_mem>>) src(%dma_wait3A_3119 : memref<1048576xf32, #tpu.memory_space<vmem_shared>>) dst(%dma_wait3A_3115 : memref<128xf32, #tpu.memory_space<vmem>>)
      %dma_wait3A_3120 = arith.constant 1 : i32
      %dma_wait3A_3121 = arith.constant 2 : i32
      %dma_wait3A_3122 = arith.constant 0 : i32
      %dma_wait3A_3123 = arith.constant 0 : i32
      %dma_wait3A_3124 = tpu.memref_slice %arg8[%dma_wait3A_3120, %dma_wait3A_3122, %dma_wait3A_3123] : memref<2x8x128xf32, #tpu.memory_space<vmem>> -> memref<1x8x128xf32, #tpu.memory_space<vmem>>
      %dma_wait3A_3125 = tpu.memref_squeeze %dma_wait3A_3124 : memref<1x8x128xf32, #tpu.memory_space<vmem>> -> memref<8x128xf32, #tpu.memory_space<vmem>>
      %dma_wait3A_3126 = arith.constant 0 : i32
      %dma_wait3A_3127 = tpu.memref_slice %dma_wait3A_3125[%dma_wait3A_3121, %dma_wait3A_3126] : memref<8x128xf32, #tpu.memory_space<vmem>> -> memref<1x128xf32, #tpu.memory_space<vmem>>
      %dma_wait3A_3128 = tpu.memref_squeeze %dma_wait3A_3127 : memref<1x128xf32, #tpu.memory_space<vmem>> -> memref<128xf32, #tpu.memory_space<vmem>>
      %dma_wait3A_3129 = arith.constant 256 : i32
      %dma_wait3A_3130 = tpu.memref_slice %arg7[%dma_wait3A_3129] : memref<1024xi32, #tpu.memory_space<vmem>> -> memref<128xi32, #tpu.memory_space<vmem>>
      %dma_wait3A_3131 = arith.constant 0 : i32
      %dma_wait3A_3132 = tpu.memref_slice %arg15[%dma_wait3A_3131] : memref<1048576xf32, #tpu.memory_space<vmem_shared>> -> memref<1048576xf32, #tpu.memory_space<vmem_shared>>
      tpu.wait_indirect_dma semaphore(%arg12 : memref<!tpu.dma_semaphore, #tpu.memory_space<semaphore_mem>>) src(%dma_wait3A_3132 : memref<1048576xf32, #tpu.memory_space<vmem_shared>>) dst(%dma_wait3A_3128 : memref<128xf32, #tpu.memory_space<vmem>>)
      %dma_wait3A_3133 = arith.constant 1 : i32
      %dma_wait3A_3134 = arith.constant 3 : i32
      %dma_wait3A_3135 = arith.constant 0 : i32
      %dma_wait3A_3136 = arith.constant 0 : i32
      %dma_wait3A_3137 = tpu.memref_slice %arg8[%dma_wait3A_3133, %dma_wait3A_3135, %dma_wait3A_3136] : memref<2x8x128xf32, #tpu.memory_space<vmem>> -> memref<1x8x128xf32, #tpu.memory_space<vmem>>
      %dma_wait3A_3138 = tpu.memref_squeeze %dma_wait3A_3137 : memref<1x8x128xf32, #tpu.memory_space<vmem>> -> memref<8x128xf32, #tpu.memory_space<vmem>>
      %dma_wait3A_3139 = arith.constant 0 : i32
      %dma_wait3A_3140 = tpu.memref_slice %dma_wait3A_3138[%dma_wait3A_3134, %dma_wait3A_3139] : memref<8x128xf32, #tpu.memory_space<vmem>> -> memref<1x128xf32, #tpu.memory_space<vmem>>
      %dma_wait3A_3141 = tpu.memref_squeeze %dma_wait3A_3140 : memref<1x128xf32, #tpu.memory_space<vmem>> -> memref<128xf32, #tpu.memory_space<vmem>>
      %dma_wait3A_3142 = arith.constant 384 : i32
      %dma_wait3A_3143 = tpu.memref_slice %arg7[%dma_wait3A_3142] : memref<1024xi32, #tpu.memory_space<vmem>> -> memref<128xi32, #tpu.memory_space<vmem>>
      %dma_wait3A_3144 = arith.constant 0 : i32
      %dma_wait3A_3145 = tpu.memref_slice %arg15[%dma_wait3A_3144] : memref<1048576xf32, #tpu.memory_space<vmem_shared>> -> memref<1048576xf32, #tpu.memory_space<vmem_shared>>
      tpu.wait_indirect_dma semaphore(%arg12 : memref<!tpu.dma_semaphore, #tpu.memory_space<semaphore_mem>>) src(%dma_wait3A_3145 : memref<1048576xf32, #tpu.memory_space<vmem_shared>>) dst(%dma_wait3A_3141 : memref<128xf32, #tpu.memory_space<vmem>>)
      %dma_wait3A_3146 = arith.constant 1 : i32
      %dma_wait3A_3147 = arith.constant 4 : i32
      %dma_wait3A_3148 = arith.constant 0 : i32
      %dma_wait3A_3149 = arith.constant 0 : i32
      %dma_wait3A_3150 = tpu.memref_slice %arg8[%dma_wait3A_3146, %dma_wait3A_3148, %dma_wait3A_3149] : memref<2x8x128xf32, #tpu.memory_space<vmem>> -> memref<1x8x128xf32, #tpu.memory_space<vmem>>
      %dma_wait3A_3151 = tpu.memref_squeeze %dma_wait3A_3150 : memref<1x8x128xf32, #tpu.memory_space<vmem>> -> memref<8x128xf32, #tpu.memory_space<vmem>>
      %dma_wait3A_3152 = arith.constant 0 : i32
      %dma_wait3A_3153 = tpu.memref_slice %dma_wait3A_3151[%dma_wait3A_3147, %dma_wait3A_3152] : memref<8x128xf32, #tpu.memory_space<vmem>> -> memref<1x128xf32, #tpu.memory_space<vmem>>
      %dma_wait3A_3154 = tpu.memref_squeeze %dma_wait3A_3153 : memref<1x128xf32, #tpu.memory_space<vmem>> -> memref<128xf32, #tpu.memory_space<vmem>>
      %dma_wait3A_3155 = arith.constant 512 : i32
      %dma_wait3A_3156 = tpu.memref_slice %arg7[%dma_wait3A_3155] : memref<1024xi32, #tpu.memory_space<vmem>> -> memref<128xi32, #tpu.memory_space<vmem>>
      %dma_wait3A_3157 = arith.constant 0 : i32
      %dma_wait3A_3158 = tpu.memref_slice %arg15[%dma_wait3A_3157] : memref<1048576xf32, #tpu.memory_space<vmem_shared>> -> memref<1048576xf32, #tpu.memory_space<vmem_shared>>
      tpu.wait_indirect_dma semaphore(%arg12 : memref<!tpu.dma_semaphore, #tpu.memory_space<semaphore_mem>>) src(%dma_wait3A_3158 : memref<1048576xf32, #tpu.memory_space<vmem_shared>>) dst(%dma_wait3A_3154 : memref<128xf32, #tpu.memory_space<vmem>>)
      %dma_wait3A_3159 = arith.constant 1 : i32
      %dma_wait3A_3160 = arith.constant 5 : i32
      %dma_wait3A_3161 = arith.constant 0 : i32
      %dma_wait3A_3162 = arith.constant 0 : i32
      %dma_wait3A_3163 = tpu.memref_slice %arg8[%dma_wait3A_3159, %dma_wait3A_3161, %dma_wait3A_3162] : memref<2x8x128xf32, #tpu.memory_space<vmem>> -> memref<1x8x128xf32, #tpu.memory_space<vmem>>
      %dma_wait3A_3164 = tpu.memref_squeeze %dma_wait3A_3163 : memref<1x8x128xf32, #tpu.memory_space<vmem>> -> memref<8x128xf32, #tpu.memory_space<vmem>>
      %dma_wait3A_3165 = arith.constant 0 : i32
      %dma_wait3A_3166 = tpu.memref_slice %dma_wait3A_3164[%dma_wait3A_3160, %dma_wait3A_3165] : memref<8x128xf32, #tpu.memory_space<vmem>> -> memref<1x128xf32, #tpu.memory_space<vmem>>
      %dma_wait3A_3167 = tpu.memref_squeeze %dma_wait3A_3166 : memref<1x128xf32, #tpu.memory_space<vmem>> -> memref<128xf32, #tpu.memory_space<vmem>>
      %dma_wait3A_3168 = arith.constant 640 : i32
      %dma_wait3A_3169 = tpu.memref_slice %arg7[%dma_wait3A_3168] : memref<1024xi32, #tpu.memory_space<vmem>> -> memref<128xi32, #tpu.memory_space<vmem>>
      %dma_wait3A_3170 = arith.constant 0 : i32
      %dma_wait3A_3171 = tpu.memref_slice %arg15[%dma_wait3A_3170] : memref<1048576xf32, #tpu.memory_space<vmem_shared>> -> memref<1048576xf32, #tpu.memory_space<vmem_shared>>
      tpu.wait_indirect_dma semaphore(%arg12 : memref<!tpu.dma_semaphore, #tpu.memory_space<semaphore_mem>>) src(%dma_wait3A_3171 : memref<1048576xf32, #tpu.memory_space<vmem_shared>>) dst(%dma_wait3A_3167 : memref<128xf32, #tpu.memory_space<vmem>>)
      %dma_wait3A_3172 = arith.constant 1 : i32
      %dma_wait3A_3173 = arith.constant 6 : i32
      %dma_wait3A_3174 = arith.constant 0 : i32
      %dma_wait3A_3175 = arith.constant 0 : i32
      %dma_wait3A_3176 = tpu.memref_slice %arg8[%dma_wait3A_3172, %dma_wait3A_3174, %dma_wait3A_3175] : memref<2x8x128xf32, #tpu.memory_space<vmem>> -> memref<1x8x128xf32, #tpu.memory_space<vmem>>
      %dma_wait3A_3177 = tpu.memref_squeeze %dma_wait3A_3176 : memref<1x8x128xf32, #tpu.memory_space<vmem>> -> memref<8x128xf32, #tpu.memory_space<vmem>>
      %dma_wait3A_3178 = arith.constant 0 : i32
      %dma_wait3A_3179 = tpu.memref_slice %dma_wait3A_3177[%dma_wait3A_3173, %dma_wait3A_3178] : memref<8x128xf32, #tpu.memory_space<vmem>> -> memref<1x128xf32, #tpu.memory_space<vmem>>
      %dma_wait3A_3180 = tpu.memref_squeeze %dma_wait3A_3179 : memref<1x128xf32, #tpu.memory_space<vmem>> -> memref<128xf32, #tpu.memory_space<vmem>>
      %dma_wait3A_3181 = arith.constant 768 : i32
      %dma_wait3A_3182 = tpu.memref_slice %arg7[%dma_wait3A_3181] : memref<1024xi32, #tpu.memory_space<vmem>> -> memref<128xi32, #tpu.memory_space<vmem>>
      %dma_wait3A_3183 = arith.constant 0 : i32
      %dma_wait3A_3184 = tpu.memref_slice %arg15[%dma_wait3A_3183] : memref<1048576xf32, #tpu.memory_space<vmem_shared>> -> memref<1048576xf32, #tpu.memory_space<vmem_shared>>
      tpu.wait_indirect_dma semaphore(%arg12 : memref<!tpu.dma_semaphore, #tpu.memory_space<semaphore_mem>>) src(%dma_wait3A_3184 : memref<1048576xf32, #tpu.memory_space<vmem_shared>>) dst(%dma_wait3A_3180 : memref<128xf32, #tpu.memory_space<vmem>>)
      %dma_wait3A_3185 = arith.constant 1 : i32
      %dma_wait3A_3186 = arith.constant 7 : i32
      %dma_wait3A_3187 = arith.constant 0 : i32
      %dma_wait3A_3188 = arith.constant 0 : i32
      %dma_wait3A_3189 = tpu.memref_slice %arg8[%dma_wait3A_3185, %dma_wait3A_3187, %dma_wait3A_3188] : memref<2x8x128xf32, #tpu.memory_space<vmem>> -> memref<1x8x128xf32, #tpu.memory_space<vmem>>
      %dma_wait3A_3190 = tpu.memref_squeeze %dma_wait3A_3189 : memref<1x8x128xf32, #tpu.memory_space<vmem>> -> memref<8x128xf32, #tpu.memory_space<vmem>>
      %dma_wait3A_3191 = arith.constant 0 : i32
      %dma_wait3A_3192 = tpu.memref_slice %dma_wait3A_3190[%dma_wait3A_3186, %dma_wait3A_3191] : memref<8x128xf32, #tpu.memory_space<vmem>> -> memref<1x128xf32, #tpu.memory_space<vmem>>
      %dma_wait3A_3193 = tpu.memref_squeeze %dma_wait3A_3192 : memref<1x128xf32, #tpu.memory_space<vmem>> -> memref<128xf32, #tpu.memory_space<vmem>>
      %dma_wait3A_3194 = arith.constant 896 : i32
      %dma_wait3A_3195 = tpu.memref_slice %arg7[%dma_wait3A_3194] : memref<1024xi32, #tpu.memory_space<vmem>> -> memref<128xi32, #tpu.memory_space<vmem>>
      %dma_wait3A_3196 = arith.constant 0 : i32
      %dma_wait3A_3197 = tpu.memref_slice %arg15[%dma_wait3A_3196] : memref<1048576xf32, #tpu.memory_space<vmem_shared>> -> memref<1048576xf32, #tpu.memory_space<vmem_shared>>
      tpu.wait_indirect_dma semaphore(%arg12 : memref<!tpu.dma_semaphore, #tpu.memory_space<semaphore_mem>>) src(%dma_wait3A_3197 : memref<1048576xf32, #tpu.memory_space<vmem_shared>>) dst(%dma_wait3A_3193 : memref<128xf32, #tpu.memory_space<vmem>>)
      %add3A_3198 = arith.constant 2 : i32
      %add3A_3199 = arith.addi %add3A_2912, %add3A_3198 : i32
      %mul3A_3200 = arith.constant 2 : i32
      %mul3A_3201 = arith.muli %arg1, %mul3A_3200 : i32
      %add3A_3202 = arith.constant 1 : i32
      %add3A_3203 = arith.addi %mul3A_3201, %add3A_3202 : i32
      %mul3A_3204 = arith.constant 32768 : i32
      %mul3A_3205 = arith.muli %add3A_3203, %mul3A_3204 : i32
      %mul3A_3206 = arith.constant 8 : i32
      %mul3A_3207 = arith.muli %add3A_3199, %mul3A_3206 : i32
      %add3A_3208 = arith.addi %mul3A_2, %mul3A_3207 : i32
      %add3A_3209 = arith.constant 0 : i32
      %add3A_3210 = arith.addi %add3A_3208, %add3A_3209 : i32
      %add3A_3211 = arith.constant 0 : i32
      %add3A_3212 = arith.addi %mul3A_3205, %add3A_3211 : i32
      %dma_start3A_3213 = tpu.memref_slice %arg15[%add3A_3212] : memref<1048576xf32, #tpu.memory_space<vmem_shared>> -> memref<4096xf32, #tpu.memory_space<vmem_shared>>
      %dma_start3A_3214 = arith.constant 0 : i32
      %dma_start3A_3215 = tpu.memref_slice %arg2[%add3A_3210, %dma_start3A_3214] : memref<16384x4096xf32, #tpu.memory_space<hbm>> -> memref<1x4096xf32, #tpu.memory_space<hbm>>
      %dma_start3A_3216 = tpu.memref_squeeze %dma_start3A_3215 : memref<1x4096xf32, #tpu.memory_space<hbm>> -> memref<4096xf32, #tpu.memory_space<hbm>>
      tpu.enqueue_dma source(%dma_start3A_3216 : memref<4096xf32, #tpu.memory_space<hbm>>) target(%dma_start3A_3213 : memref<4096xf32, #tpu.memory_space<vmem_shared>>) target_semaphore(%arg10 : memref<!tpu.dma_semaphore, #tpu.memory_space<semaphore_mem>>)
      %add3A_3217 = arith.constant 1 : i32
      %add3A_3218 = arith.addi %add3A_3208, %add3A_3217 : i32
      %add3A_3219 = arith.constant 4096 : i32
      %add3A_3220 = arith.addi %mul3A_3205, %add3A_3219 : i32
      %dma_start3A_3221 = tpu.memref_slice %arg15[%add3A_3220] : memref<1048576xf32, #tpu.memory_space<vmem_shared>> -> memref<4096xf32, #tpu.memory_space<vmem_shared>>
      %dma_start3A_3222 = arith.constant 0 : i32
      %dma_start3A_3223 = tpu.memref_slice %arg2[%add3A_3218, %dma_start3A_3222] : memref<16384x4096xf32, #tpu.memory_space<hbm>> -> memref<1x4096xf32, #tpu.memory_space<hbm>>
      %dma_start3A_3224 = tpu.memref_squeeze %dma_start3A_3223 : memref<1x4096xf32, #tpu.memory_space<hbm>> -> memref<4096xf32, #tpu.memory_space<hbm>>
      tpu.enqueue_dma source(%dma_start3A_3224 : memref<4096xf32, #tpu.memory_space<hbm>>) target(%dma_start3A_3221 : memref<4096xf32, #tpu.memory_space<vmem_shared>>) target_semaphore(%arg10 : memref<!tpu.dma_semaphore, #tpu.memory_space<semaphore_mem>>)
      %add3A_3225 = arith.constant 2 : i32
      %add3A_3226 = arith.addi %add3A_3208, %add3A_3225 : i32
      %add3A_3227 = arith.constant 8192 : i32
      %add3A_3228 = arith.addi %mul3A_3205, %add3A_3227 : i32
      %dma_start3A_3229 = tpu.memref_slice %arg15[%add3A_3228] : memref<1048576xf32, #tpu.memory_space<vmem_shared>> -> memref<4096xf32, #tpu.memory_space<vmem_shared>>
      %dma_start3A_3230 = arith.constant 0 : i32
      %dma_start3A_3231 = tpu.memref_slice %arg2[%add3A_3226, %dma_start3A_3230] : memref<16384x4096xf32, #tpu.memory_space<hbm>> -> memref<1x4096xf32, #tpu.memory_space<hbm>>
      %dma_start3A_3232 = tpu.memref_squeeze %dma_start3A_3231 : memref<1x4096xf32, #tpu.memory_space<hbm>> -> memref<4096xf32, #tpu.memory_space<hbm>>
      tpu.enqueue_dma source(%dma_start3A_3232 : memref<4096xf32, #tpu.memory_space<hbm>>) target(%dma_start3A_3229 : memref<4096xf32, #tpu.memory_space<vmem_shared>>) target_semaphore(%arg10 : memref<!tpu.dma_semaphore, #tpu.memory_space<semaphore_mem>>)
      %add3A_3233 = arith.constant 3 : i32
      %add3A_3234 = arith.addi %add3A_3208, %add3A_3233 : i32
      %add3A_3235 = arith.constant 12288 : i32
      %add3A_3236 = arith.addi %mul3A_3205, %add3A_3235 : i32
      %dma_start3A_3237 = tpu.memref_slice %arg15[%add3A_3236] : memref<1048576xf32, #tpu.memory_space<vmem_shared>> -> memref<4096xf32, #tpu.memory_space<vmem_shared>>
      %dma_start3A_3238 = arith.constant 0 : i32
      %dma_start3A_3239 = tpu.memref_slice %arg2[%add3A_3234, %dma_start3A_3238] : memref<16384x4096xf32, #tpu.memory_space<hbm>> -> memref<1x4096xf32, #tpu.memory_space<hbm>>
      %dma_start3A_3240 = tpu.memref_squeeze %dma_start3A_3239 : memref<1x4096xf32, #tpu.memory_space<hbm>> -> memref<4096xf32, #tpu.memory_space<hbm>>
      tpu.enqueue_dma source(%dma_start3A_3240 : memref<4096xf32, #tpu.memory_space<hbm>>) target(%dma_start3A_3237 : memref<4096xf32, #tpu.memory_space<vmem_shared>>) target_semaphore(%arg10 : memref<!tpu.dma_semaphore, #tpu.memory_space<semaphore_mem>>)
      %add3A_3241 = arith.constant 4 : i32
      %add3A_3242 = arith.addi %add3A_3208, %add3A_3241 : i32
      %add3A_3243 = arith.constant 16384 : i32
      %add3A_3244 = arith.addi %mul3A_3205, %add3A_3243 : i32
      %dma_start3A_3245 = tpu.memref_slice %arg15[%add3A_3244] : memref<1048576xf32, #tpu.memory_space<vmem_shared>> -> memref<4096xf32, #tpu.memory_space<vmem_shared>>
      %dma_start3A_3246 = arith.constant 0 : i32
      %dma_start3A_3247 = tpu.memref_slice %arg2[%add3A_3242, %dma_start3A_3246] : memref<16384x4096xf32, #tpu.memory_space<hbm>> -> memref<1x4096xf32, #tpu.memory_space<hbm>>
      %dma_start3A_3248 = tpu.memref_squeeze %dma_start3A_3247 : memref<1x4096xf32, #tpu.memory_space<hbm>> -> memref<4096xf32, #tpu.memory_space<hbm>>
      tpu.enqueue_dma source(%dma_start3A_3248 : memref<4096xf32, #tpu.memory_space<hbm>>) target(%dma_start3A_3245 : memref<4096xf32, #tpu.memory_space<vmem_shared>>) target_semaphore(%arg10 : memref<!tpu.dma_semaphore, #tpu.memory_space<semaphore_mem>>)
      %add3A_3249 = arith.constant 5 : i32
      %add3A_3250 = arith.addi %add3A_3208, %add3A_3249 : i32
      %add3A_3251 = arith.constant 20480 : i32
      %add3A_3252 = arith.addi %mul3A_3205, %add3A_3251 : i32
      %dma_start3A_3253 = tpu.memref_slice %arg15[%add3A_3252] : memref<1048576xf32, #tpu.memory_space<vmem_shared>> -> memref<4096xf32, #tpu.memory_space<vmem_shared>>
      %dma_start3A_3254 = arith.constant 0 : i32
      %dma_start3A_3255 = tpu.memref_slice %arg2[%add3A_3250, %dma_start3A_3254] : memref<16384x4096xf32, #tpu.memory_space<hbm>> -> memref<1x4096xf32, #tpu.memory_space<hbm>>
      %dma_start3A_3256 = tpu.memref_squeeze %dma_start3A_3255 : memref<1x4096xf32, #tpu.memory_space<hbm>> -> memref<4096xf32, #tpu.memory_space<hbm>>
      tpu.enqueue_dma source(%dma_start3A_3256 : memref<4096xf32, #tpu.memory_space<hbm>>) target(%dma_start3A_3253 : memref<4096xf32, #tpu.memory_space<vmem_shared>>) target_semaphore(%arg10 : memref<!tpu.dma_semaphore, #tpu.memory_space<semaphore_mem>>)
      %add3A_3257 = arith.constant 6 : i32
      %add3A_3258 = arith.addi %add3A_3208, %add3A_3257 : i32
      %add3A_3259 = arith.constant 24576 : i32
      %add3A_3260 = arith.addi %mul3A_3205, %add3A_3259 : i32
      %dma_start3A_3261 = tpu.memref_slice %arg15[%add3A_3260] : memref<1048576xf32, #tpu.memory_space<vmem_shared>> -> memref<4096xf32, #tpu.memory_space<vmem_shared>>
      %dma_start3A_3262 = arith.constant 0 : i32
      %dma_start3A_3263 = tpu.memref_slice %arg2[%add3A_3258, %dma_start3A_3262] : memref<16384x4096xf32, #tpu.memory_space<hbm>> -> memref<1x4096xf32, #tpu.memory_space<hbm>>
      %dma_start3A_3264 = tpu.memref_squeeze %dma_start3A_3263 : memref<1x4096xf32, #tpu.memory_space<hbm>> -> memref<4096xf32, #tpu.memory_space<hbm>>
      tpu.enqueue_dma source(%dma_start3A_3264 : memref<4096xf32, #tpu.memory_space<hbm>>) target(%dma_start3A_3261 : memref<4096xf32, #tpu.memory_space<vmem_shared>>) target_semaphore(%arg10 : memref<!tpu.dma_semaphore, #tpu.memory_space<semaphore_mem>>)
      %add3A_3265 = arith.constant 7 : i32
      %add3A_3266 = arith.addi %add3A_3208, %add3A_3265 : i32
      %add3A_3267 = arith.constant 28672 : i32
      %add3A_3268 = arith.addi %mul3A_3205, %add3A_3267 : i32
      %dma_start3A_3269 = tpu.memref_slice %arg15[%add3A_3268] : memref<1048576xf32, #tpu.memory_space<vmem_shared>> -> memref<4096xf32, #tpu.memory_space<vmem_shared>>
      %dma_start3A_3270 = arith.constant 0 : i32
      %dma_start3A_3271 = tpu.memref_slice %arg2[%add3A_3266, %dma_start3A_3270] : memref<16384x4096xf32, #tpu.memory_space<hbm>> -> memref<1x4096xf32, #tpu.memory_space<hbm>>
      %dma_start3A_3272 = tpu.memref_squeeze %dma_start3A_3271 : memref<1x4096xf32, #tpu.memory_space<hbm>> -> memref<4096xf32, #tpu.memory_space<hbm>>
      tpu.enqueue_dma source(%dma_start3A_3272 : memref<4096xf32, #tpu.memory_space<hbm>>) target(%dma_start3A_3269 : memref<4096xf32, #tpu.memory_space<vmem_shared>>) target_semaphore(%arg10 : memref<!tpu.dma_semaphore, #tpu.memory_space<semaphore_mem>>)
      %mul3A_3273 = arith.constant 8 : i32
      %mul3A_3274 = arith.muli %add3A_2912, %mul3A_3273 : i32
      %add3A_3275 = arith.addi %mul3A_2, %mul3A_3274 : i32
      %dma_start3A_3276 = arith.constant 1 : i32
      %dma_start3A_3277 = arith.constant 0 : i32
      %dma_start3A_3278 = arith.constant 0 : i32
      %dma_start3A_3279 = tpu.memref_slice %arg8[%dma_start3A_3276, %dma_start3A_3277, %dma_start3A_3278] : memref<2x8x128xf32, #tpu.memory_space<vmem>> -> memref<1x8x128xf32, #tpu.memory_space<vmem>>
      %dma_start3A_3280 = tpu.memref_squeeze %dma_start3A_3279 : memref<1x8x128xf32, #tpu.memory_space<vmem>> -> memref<8x128xf32, #tpu.memory_space<vmem>>
      %dma_start3A_3281 = arith.constant 0 : i32
      %dma_start3A_3282 = tpu.memref_slice %arg4[%add3A_3275, %dma_start3A_3281] : memref<6144x128xf32, #tpu.memory_space<hbm>> -> memref<8x128xf32, #tpu.memory_space<hbm>>
      %dma_start3A_3283 = arith.constant 0 : i32
      %dma_start3A_3284 = tpu.memref_slice %arg4[%add3A_3275, %dma_start3A_3283] : memref<6144x128xf32, #tpu.memory_space<hbm>> -> memref<8x128xf32, #tpu.memory_space<hbm>>
      %dma_start3A_3285 = arith.constant 0 : i32
      %dma_start3A_3286 = arith.constant 0 : i32
      %dma_start3A_3287 = tpu.memref_slice %arg8[%dma_start3A_3276, %dma_start3A_3285, %dma_start3A_3286] : memref<2x8x128xf32, #tpu.memory_space<vmem>> -> memref<1x8x128xf32, #tpu.memory_space<vmem>>
      %dma_start3A_3288 = tpu.memref_squeeze %dma_start3A_3287 : memref<1x8x128xf32, #tpu.memory_space<vmem>> -> memref<8x128xf32, #tpu.memory_space<vmem>>
      tpu.enqueue_dma source(%dma_start3A_3288 : memref<8x128xf32, #tpu.memory_space<vmem>>) target(%dma_start3A_3284 : memref<8x128xf32, #tpu.memory_space<hbm>>) target_semaphore(%arg14 : memref<!tpu.dma_semaphore, #tpu.memory_space<semaphore_mem>>)
    }
    %scan3A_1897 = arith.constant 10 : i32
    %mul3A_1898 = arith.constant 2 : i32
    %mul3A_1899 = arith.muli %arg1, %mul3A_1898 : i32
    %add3A_1900 = arith.constant 0 : i32
    %add3A_1901 = arith.addi %mul3A_1899, %add3A_1900 : i32
    %mul3A_1902 = arith.constant 32768 : i32
    %mul3A_1903 = arith.muli %add3A_1901, %mul3A_1902 : i32
    %add3A_1904 = arith.constant 0 : i32
    %add3A_1905 = arith.addi %mul3A_1903, %add3A_1904 : i32
    %dma_wait3A_1906 = arith.constant 0 : i32
    %dma_wait3A_1907 = tpu.memref_slice %arg15[%add3A_1905] : memref<1048576xf32, #tpu.memory_space<vmem_shared>> -> memref<4096xf32, #tpu.memory_space<vmem_shared>>
    %dma_wait3A_1908 = arith.constant 0 : i32
    %dma_wait3A_1909 = tpu.memref_slice %arg2[%dma_wait3A_1906, %dma_wait3A_1908] : memref<16384x4096xf32, #tpu.memory_space<hbm>> -> memref<1x4096xf32, #tpu.memory_space<hbm>>
    %dma_wait3A_1910 = tpu.memref_squeeze %dma_wait3A_1909 : memref<1x4096xf32, #tpu.memory_space<hbm>> -> memref<4096xf32, #tpu.memory_space<hbm>>
    tpu.wait_dma2 semaphore(%arg9 : memref<!tpu.dma_semaphore, #tpu.memory_space<semaphore_mem>>) src(%dma_wait3A_1910 : memref<4096xf32, #tpu.memory_space<hbm>>) dst(%dma_wait3A_1907 : memref<4096xf32, #tpu.memory_space<vmem_shared>>)
    %add3A_1911 = arith.constant 4096 : i32
    %add3A_1912 = arith.addi %mul3A_1903, %add3A_1911 : i32
    %dma_wait3A_1913 = arith.constant 0 : i32
    %dma_wait3A_1914 = tpu.memref_slice %arg15[%add3A_1912] : memref<1048576xf32, #tpu.memory_space<vmem_shared>> -> memref<4096xf32, #tpu.memory_space<vmem_shared>>
    %dma_wait3A_1915 = arith.constant 0 : i32
    %dma_wait3A_1916 = tpu.memref_slice %arg2[%dma_wait3A_1913, %dma_wait3A_1915] : memref<16384x4096xf32, #tpu.memory_space<hbm>> -> memref<1x4096xf32, #tpu.memory_space<hbm>>
    %dma_wait3A_1917 = tpu.memref_squeeze %dma_wait3A_1916 : memref<1x4096xf32, #tpu.memory_space<hbm>> -> memref<4096xf32, #tpu.memory_space<hbm>>
    tpu.wait_dma2 semaphore(%arg9 : memref<!tpu.dma_semaphore, #tpu.memory_space<semaphore_mem>>) src(%dma_wait3A_1917 : memref<4096xf32, #tpu.memory_space<hbm>>) dst(%dma_wait3A_1914 : memref<4096xf32, #tpu.memory_space<vmem_shared>>)
    %add3A_1918 = arith.constant 8192 : i32
    %add3A_1919 = arith.addi %mul3A_1903, %add3A_1918 : i32
    %dma_wait3A_1920 = arith.constant 0 : i32
    %dma_wait3A_1921 = tpu.memref_slice %arg15[%add3A_1919] : memref<1048576xf32, #tpu.memory_space<vmem_shared>> -> memref<4096xf32, #tpu.memory_space<vmem_shared>>
    %dma_wait3A_1922 = arith.constant 0 : i32
    %dma_wait3A_1923 = tpu.memref_slice %arg2[%dma_wait3A_1920, %dma_wait3A_1922] : memref<16384x4096xf32, #tpu.memory_space<hbm>> -> memref<1x4096xf32, #tpu.memory_space<hbm>>
    %dma_wait3A_1924 = tpu.memref_squeeze %dma_wait3A_1923 : memref<1x4096xf32, #tpu.memory_space<hbm>> -> memref<4096xf32, #tpu.memory_space<hbm>>
    tpu.wait_dma2 semaphore(%arg9 : memref<!tpu.dma_semaphore, #tpu.memory_space<semaphore_mem>>) src(%dma_wait3A_1924 : memref<4096xf32, #tpu.memory_space<hbm>>) dst(%dma_wait3A_1921 : memref<4096xf32, #tpu.memory_space<vmem_shared>>)
    %add3A_1925 = arith.constant 12288 : i32
    %add3A_1926 = arith.addi %mul3A_1903, %add3A_1925 : i32
    %dma_wait3A_1927 = arith.constant 0 : i32
    %dma_wait3A_1928 = tpu.memref_slice %arg15[%add3A_1926] : memref<1048576xf32, #tpu.memory_space<vmem_shared>> -> memref<4096xf32, #tpu.memory_space<vmem_shared>>
    %dma_wait3A_1929 = arith.constant 0 : i32
    %dma_wait3A_1930 = tpu.memref_slice %arg2[%dma_wait3A_1927, %dma_wait3A_1929] : memref<16384x4096xf32, #tpu.memory_space<hbm>> -> memref<1x4096xf32, #tpu.memory_space<hbm>>
    %dma_wait3A_1931 = tpu.memref_squeeze %dma_wait3A_1930 : memref<1x4096xf32, #tpu.memory_space<hbm>> -> memref<4096xf32, #tpu.memory_space<hbm>>
    tpu.wait_dma2 semaphore(%arg9 : memref<!tpu.dma_semaphore, #tpu.memory_space<semaphore_mem>>) src(%dma_wait3A_1931 : memref<4096xf32, #tpu.memory_space<hbm>>) dst(%dma_wait3A_1928 : memref<4096xf32, #tpu.memory_space<vmem_shared>>)
    %add3A_1932 = arith.constant 16384 : i32
    %add3A_1933 = arith.addi %mul3A_1903, %add3A_1932 : i32
    %dma_wait3A_1934 = arith.constant 0 : i32
    %dma_wait3A_1935 = tpu.memref_slice %arg15[%add3A_1933] : memref<1048576xf32, #tpu.memory_space<vmem_shared>> -> memref<4096xf32, #tpu.memory_space<vmem_shared>>
    %dma_wait3A_1936 = arith.constant 0 : i32
    %dma_wait3A_1937 = tpu.memref_slice %arg2[%dma_wait3A_1934, %dma_wait3A_1936] : memref<16384x4096xf32, #tpu.memory_space<hbm>> -> memref<1x4096xf32, #tpu.memory_space<hbm>>
    %dma_wait3A_1938 = tpu.memref_squeeze %dma_wait3A_1937 : memref<1x4096xf32, #tpu.memory_space<hbm>> -> memref<4096xf32, #tpu.memory_space<hbm>>
    tpu.wait_dma2 semaphore(%arg9 : memref<!tpu.dma_semaphore, #tpu.memory_space<semaphore_mem>>) src(%dma_wait3A_1938 : memref<4096xf32, #tpu.memory_space<hbm>>) dst(%dma_wait3A_1935 : memref<4096xf32, #tpu.memory_space<vmem_shared>>)
    %add3A_1939 = arith.constant 20480 : i32
    %add3A_1940 = arith.addi %mul3A_1903, %add3A_1939 : i32
    %dma_wait3A_1941 = arith.constant 0 : i32
    %dma_wait3A_1942 = tpu.memref_slice %arg15[%add3A_1940] : memref<1048576xf32, #tpu.memory_space<vmem_shared>> -> memref<4096xf32, #tpu.memory_space<vmem_shared>>
    %dma_wait3A_1943 = arith.constant 0 : i32
    %dma_wait3A_1944 = tpu.memref_slice %arg2[%dma_wait3A_1941, %dma_wait3A_1943] : memref<16384x4096xf32, #tpu.memory_space<hbm>> -> memref<1x4096xf32, #tpu.memory_space<hbm>>
    %dma_wait3A_1945 = tpu.memref_squeeze %dma_wait3A_1944 : memref<1x4096xf32, #tpu.memory_space<hbm>> -> memref<4096xf32, #tpu.memory_space<hbm>>
    tpu.wait_dma2 semaphore(%arg9 : memref<!tpu.dma_semaphore, #tpu.memory_space<semaphore_mem>>) src(%dma_wait3A_1945 : memref<4096xf32, #tpu.memory_space<hbm>>) dst(%dma_wait3A_1942 : memref<4096xf32, #tpu.memory_space<vmem_shared>>)
    %add3A_1946 = arith.constant 24576 : i32
    %add3A_1947 = arith.addi %mul3A_1903, %add3A_1946 : i32
    %dma_wait3A_1948 = arith.constant 0 : i32
    %dma_wait3A_1949 = tpu.memref_slice %arg15[%add3A_1947] : memref<1048576xf32, #tpu.memory_space<vmem_shared>> -> memref<4096xf32, #tpu.memory_space<vmem_shared>>
    %dma_wait3A_1950 = arith.constant 0 : i32
    %dma_wait3A_1951 = tpu.memref_slice %arg2[%dma_wait3A_1948, %dma_wait3A_1950] : memref<16384x4096xf32, #tpu.memory_space<hbm>> -> memref<1x4096xf32, #tpu.memory_space<hbm>>
    %dma_wait3A_1952 = tpu.memref_squeeze %dma_wait3A_1951 : memref<1x4096xf32, #tpu.memory_space<hbm>> -> memref<4096xf32, #tpu.memory_space<hbm>>
    tpu.wait_dma2 semaphore(%arg9 : memref<!tpu.dma_semaphore, #tpu.memory_space<semaphore_mem>>) src(%dma_wait3A_1952 : memref<4096xf32, #tpu.memory_space<hbm>>) dst(%dma_wait3A_1949 : memref<4096xf32, #tpu.memory_space<vmem_shared>>)
    %add3A_1953 = arith.constant 28672 : i32
    %add3A_1954 = arith.addi %mul3A_1903, %add3A_1953 : i32
    %dma_wait3A_1955 = arith.constant 0 : i32
    %dma_wait3A_1956 = tpu.memref_slice %arg15[%add3A_1954] : memref<1048576xf32, #tpu.memory_space<vmem_shared>> -> memref<4096xf32, #tpu.memory_space<vmem_shared>>
    %dma_wait3A_1957 = arith.constant 0 : i32
    %dma_wait3A_1958 = tpu.memref_slice %arg2[%dma_wait3A_1955, %dma_wait3A_1957] : memref<16384x4096xf32, #tpu.memory_space<hbm>> -> memref<1x4096xf32, #tpu.memory_space<hbm>>
    %dma_wait3A_1959 = tpu.memref_squeeze %dma_wait3A_1958 : memref<1x4096xf32, #tpu.memory_space<hbm>> -> memref<4096xf32, #tpu.memory_space<hbm>>
    tpu.wait_dma2 semaphore(%arg9 : memref<!tpu.dma_semaphore, #tpu.memory_space<semaphore_mem>>) src(%dma_wait3A_1959 : memref<4096xf32, #tpu.memory_space<hbm>>) dst(%dma_wait3A_1956 : memref<4096xf32, #tpu.memory_space<vmem_shared>>)
    %dma_wait3A_1960 = arith.constant 0 : i32
    %dma_wait3A_1961 = arith.constant 0 : i32
    %dma_wait3A_1962 = arith.constant 0 : i32
    %dma_wait3A_1963 = tpu.memref_slice %arg8[%dma_wait3A_1960, %dma_wait3A_1961, %dma_wait3A_1962] : memref<2x8x128xf32, #tpu.memory_space<vmem>> -> memref<1x8x128xf32, #tpu.memory_space<vmem>>
    %dma_wait3A_1964 = tpu.memref_squeeze %dma_wait3A_1963 : memref<1x8x128xf32, #tpu.memory_space<vmem>> -> memref<8x128xf32, #tpu.memory_space<vmem>>
    %dma_wait3A_1965 = arith.constant 0 : i32
    %dma_wait3A_1966 = arith.constant 0 : i32
    %dma_wait3A_1967 = tpu.memref_slice %arg4[%dma_wait3A_1965, %dma_wait3A_1966] : memref<6144x128xf32, #tpu.memory_space<hbm>> -> memref<8x128xf32, #tpu.memory_space<hbm>>
    %dma_wait3A_1968 = arith.constant 0 : i32
    %dma_wait3A_1969 = arith.constant 0 : i32
    %dma_wait3A_1970 = tpu.memref_slice %arg4[%dma_wait3A_1968, %dma_wait3A_1969] : memref<6144x128xf32, #tpu.memory_space<hbm>> -> memref<8x128xf32, #tpu.memory_space<hbm>>
    %dma_wait3A_1971 = arith.constant 0 : i32
    %dma_wait3A_1972 = arith.constant 0 : i32
    %dma_wait3A_1973 = tpu.memref_slice %arg8[%dma_wait3A_1960, %dma_wait3A_1971, %dma_wait3A_1972] : memref<2x8x128xf32, #tpu.memory_space<vmem>> -> memref<1x8x128xf32, #tpu.memory_space<vmem>>
    %dma_wait3A_1974 = tpu.memref_squeeze %dma_wait3A_1973 : memref<1x8x128xf32, #tpu.memory_space<vmem>> -> memref<8x128xf32, #tpu.memory_space<vmem>>
    tpu.wait_dma2 semaphore(%arg13 : memref<!tpu.dma_semaphore, #tpu.memory_space<semaphore_mem>>) src(%dma_wait3A_1974 : memref<8x128xf32, #tpu.memory_space<vmem>>) dst(%dma_wait3A_1970 : memref<8x128xf32, #tpu.memory_space<hbm>>)
    %dma_start3A_1975 = arith.constant 0 : i32
    %dma_start3A_1976 = arith.constant 0 : i32
    %dma_start3A_1977 = arith.constant 0 : i32
    %dma_start3A_1978 = arith.constant 0 : i32
    %dma_start3A_1979 = tpu.memref_slice %arg8[%dma_start3A_1975, %dma_start3A_1977, %dma_start3A_1978] : memref<2x8x128xf32, #tpu.memory_space<vmem>> -> memref<1x8x128xf32, #tpu.memory_space<vmem>>
    %dma_start3A_1980 = tpu.memref_squeeze %dma_start3A_1979 : memref<1x8x128xf32, #tpu.memory_space<vmem>> -> memref<8x128xf32, #tpu.memory_space<vmem>>
    %dma_start3A_1981 = arith.constant 0 : i32
    %dma_start3A_1982 = tpu.memref_slice %dma_start3A_1980[%dma_start3A_1976, %dma_start3A_1981] : memref<8x128xf32, #tpu.memory_space<vmem>> -> memref<1x128xf32, #tpu.memory_space<vmem>>
    %dma_start3A_1983 = tpu.memref_squeeze %dma_start3A_1982 : memref<1x128xf32, #tpu.memory_space<vmem>> -> memref<128xf32, #tpu.memory_space<vmem>>
    %dma_start3A_1984 = arith.constant 0 : i32
    %dma_start3A_1985 = tpu.memref_slice %arg6[%dma_start3A_1984] : memref<1024xi32, #tpu.memory_space<vmem>> -> memref<128xi32, #tpu.memory_space<vmem>>
    %dma_start3A_1986 = arith.constant 0 : i32
    %dma_start3A_1987 = tpu.memref_slice %arg15[%dma_start3A_1986] : memref<1048576xf32, #tpu.memory_space<vmem_shared>> -> memref<1048576xf32, #tpu.memory_space<vmem_shared>>
    tpu.enqueue_indirect_dma source(%dma_start3A_1987 : memref<1048576xf32, #tpu.memory_space<vmem_shared>>) target(%dma_start3A_1983 : memref<128xf32, #tpu.memory_space<vmem>>) offsets(%dma_start3A_1985 : memref<128xi32, #tpu.memory_space<vmem>>) semaphore(%arg11 : memref<!tpu.dma_semaphore, #tpu.memory_space<semaphore_mem>>)
    %dma_start3A_1988 = arith.constant 0 : i32
    %dma_start3A_1989 = arith.constant 1 : i32
    %dma_start3A_1990 = arith.constant 0 : i32
    %dma_start3A_1991 = arith.constant 0 : i32
    %dma_start3A_1992 = tpu.memref_slice %arg8[%dma_start3A_1988, %dma_start3A_1990, %dma_start3A_1991] : memref<2x8x128xf32, #tpu.memory_space<vmem>> -> memref<1x8x128xf32, #tpu.memory_space<vmem>>
    %dma_start3A_1993 = tpu.memref_squeeze %dma_start3A_1992 : memref<1x8x128xf32, #tpu.memory_space<vmem>> -> memref<8x128xf32, #tpu.memory_space<vmem>>
    %dma_start3A_1994 = arith.constant 0 : i32
    %dma_start3A_1995 = tpu.memref_slice %dma_start3A_1993[%dma_start3A_1989, %dma_start3A_1994] : memref<8x128xf32, #tpu.memory_space<vmem>> -> memref<1x128xf32, #tpu.memory_space<vmem>>
    %dma_start3A_1996 = tpu.memref_squeeze %dma_start3A_1995 : memref<1x128xf32, #tpu.memory_space<vmem>> -> memref<128xf32, #tpu.memory_space<vmem>>
    %dma_start3A_1997 = arith.constant 128 : i32
    %dma_start3A_1998 = tpu.memref_slice %arg6[%dma_start3A_1997] : memref<1024xi32, #tpu.memory_space<vmem>> -> memref<128xi32, #tpu.memory_space<vmem>>
    %dma_start3A_1999 = arith.constant 0 : i32
    %dma_start3A_2000 = tpu.memref_slice %arg15[%dma_start3A_1999] : memref<1048576xf32, #tpu.memory_space<vmem_shared>> -> memref<1048576xf32, #tpu.memory_space<vmem_shared>>
    tpu.enqueue_indirect_dma source(%dma_start3A_2000 : memref<1048576xf32, #tpu.memory_space<vmem_shared>>) target(%dma_start3A_1996 : memref<128xf32, #tpu.memory_space<vmem>>) offsets(%dma_start3A_1998 : memref<128xi32, #tpu.memory_space<vmem>>) semaphore(%arg11 : memref<!tpu.dma_semaphore, #tpu.memory_space<semaphore_mem>>)
    %dma_start3A_2001 = arith.constant 0 : i32
    %dma_start3A_2002 = arith.constant 2 : i32
    %dma_start3A_2003 = arith.constant 0 : i32
    %dma_start3A_2004 = arith.constant 0 : i32
    %dma_start3A_2005 = tpu.memref_slice %arg8[%dma_start3A_2001, %dma_start3A_2003, %dma_start3A_2004] : memref<2x8x128xf32, #tpu.memory_space<vmem>> -> memref<1x8x128xf32, #tpu.memory_space<vmem>>
    %dma_start3A_2006 = tpu.memref_squeeze %dma_start3A_2005 : memref<1x8x128xf32, #tpu.memory_space<vmem>> -> memref<8x128xf32, #tpu.memory_space<vmem>>
    %dma_start3A_2007 = arith.constant 0 : i32
    %dma_start3A_2008 = tpu.memref_slice %dma_start3A_2006[%dma_start3A_2002, %dma_start3A_2007] : memref<8x128xf32, #tpu.memory_space<vmem>> -> memref<1x128xf32, #tpu.memory_space<vmem>>
    %dma_start3A_2009 = tpu.memref_squeeze %dma_start3A_2008 : memref<1x128xf32, #tpu.memory_space<vmem>> -> memref<128xf32, #tpu.memory_space<vmem>>
    %dma_start3A_2010 = arith.constant 256 : i32
    %dma_start3A_2011 = tpu.memref_slice %arg6[%dma_start3A_2010] : memref<1024xi32, #tpu.memory_space<vmem>> -> memref<128xi32, #tpu.memory_space<vmem>>
    %dma_start3A_2012 = arith.constant 0 : i32
    %dma_start3A_2013 = tpu.memref_slice %arg15[%dma_start3A_2012] : memref<1048576xf32, #tpu.memory_space<vmem_shared>> -> memref<1048576xf32, #tpu.memory_space<vmem_shared>>
    tpu.enqueue_indirect_dma source(%dma_start3A_2013 : memref<1048576xf32, #tpu.memory_space<vmem_shared>>) target(%dma_start3A_2009 : memref<128xf32, #tpu.memory_space<vmem>>) offsets(%dma_start3A_2011 : memref<128xi32, #tpu.memory_space<vmem>>) semaphore(%arg11 : memref<!tpu.dma_semaphore, #tpu.memory_space<semaphore_mem>>)
    %dma_start3A_2014 = arith.constant 0 : i32
    %dma_start3A_2015 = arith.constant 3 : i32
    %dma_start3A_2016 = arith.constant 0 : i32
    %dma_start3A_2017 = arith.constant 0 : i32
    %dma_start3A_2018 = tpu.memref_slice %arg8[%dma_start3A_2014, %dma_start3A_2016, %dma_start3A_2017] : memref<2x8x128xf32, #tpu.memory_space<vmem>> -> memref<1x8x128xf32, #tpu.memory_space<vmem>>
    %dma_start3A_2019 = tpu.memref_squeeze %dma_start3A_2018 : memref<1x8x128xf32, #tpu.memory_space<vmem>> -> memref<8x128xf32, #tpu.memory_space<vmem>>
    %dma_start3A_2020 = arith.constant 0 : i32
    %dma_start3A_2021 = tpu.memref_slice %dma_start3A_2019[%dma_start3A_2015, %dma_start3A_2020] : memref<8x128xf32, #tpu.memory_space<vmem>> -> memref<1x128xf32, #tpu.memory_space<vmem>>
    %dma_start3A_2022 = tpu.memref_squeeze %dma_start3A_2021 : memref<1x128xf32, #tpu.memory_space<vmem>> -> memref<128xf32, #tpu.memory_space<vmem>>
    %dma_start3A_2023 = arith.constant 384 : i32
    %dma_start3A_2024 = tpu.memref_slice %arg6[%dma_start3A_2023] : memref<1024xi32, #tpu.memory_space<vmem>> -> memref<128xi32, #tpu.memory_space<vmem>>
    %dma_start3A_2025 = arith.constant 0 : i32
    %dma_start3A_2026 = tpu.memref_slice %arg15[%dma_start3A_2025] : memref<1048576xf32, #tpu.memory_space<vmem_shared>> -> memref<1048576xf32, #tpu.memory_space<vmem_shared>>
    tpu.enqueue_indirect_dma source(%dma_start3A_2026 : memref<1048576xf32, #tpu.memory_space<vmem_shared>>) target(%dma_start3A_2022 : memref<128xf32, #tpu.memory_space<vmem>>) offsets(%dma_start3A_2024 : memref<128xi32, #tpu.memory_space<vmem>>) semaphore(%arg11 : memref<!tpu.dma_semaphore, #tpu.memory_space<semaphore_mem>>)
    %dma_start3A_2027 = arith.constant 0 : i32
    %dma_start3A_2028 = arith.constant 4 : i32
    %dma_start3A_2029 = arith.constant 0 : i32
    %dma_start3A_2030 = arith.constant 0 : i32
    %dma_start3A_2031 = tpu.memref_slice %arg8[%dma_start3A_2027, %dma_start3A_2029, %dma_start3A_2030] : memref<2x8x128xf32, #tpu.memory_space<vmem>> -> memref<1x8x128xf32, #tpu.memory_space<vmem>>
    %dma_start3A_2032 = tpu.memref_squeeze %dma_start3A_2031 : memref<1x8x128xf32, #tpu.memory_space<vmem>> -> memref<8x128xf32, #tpu.memory_space<vmem>>
    %dma_start3A_2033 = arith.constant 0 : i32
    %dma_start3A_2034 = tpu.memref_slice %dma_start3A_2032[%dma_start3A_2028, %dma_start3A_2033] : memref<8x128xf32, #tpu.memory_space<vmem>> -> memref<1x128xf32, #tpu.memory_space<vmem>>
    %dma_start3A_2035 = tpu.memref_squeeze %dma_start3A_2034 : memref<1x128xf32, #tpu.memory_space<vmem>> -> memref<128xf32, #tpu.memory_space<vmem>>
    %dma_start3A_2036 = arith.constant 512 : i32
    %dma_start3A_2037 = tpu.memref_slice %arg6[%dma_start3A_2036] : memref<1024xi32, #tpu.memory_space<vmem>> -> memref<128xi32, #tpu.memory_space<vmem>>
    %dma_start3A_2038 = arith.constant 0 : i32
    %dma_start3A_2039 = tpu.memref_slice %arg15[%dma_start3A_2038] : memref<1048576xf32, #tpu.memory_space<vmem_shared>> -> memref<1048576xf32, #tpu.memory_space<vmem_shared>>
    tpu.enqueue_indirect_dma source(%dma_start3A_2039 : memref<1048576xf32, #tpu.memory_space<vmem_shared>>) target(%dma_start3A_2035 : memref<128xf32, #tpu.memory_space<vmem>>) offsets(%dma_start3A_2037 : memref<128xi32, #tpu.memory_space<vmem>>) semaphore(%arg11 : memref<!tpu.dma_semaphore, #tpu.memory_space<semaphore_mem>>)
    %dma_start3A_2040 = arith.constant 0 : i32
    %dma_start3A_2041 = arith.constant 5 : i32
    %dma_start3A_2042 = arith.constant 0 : i32
    %dma_start3A_2043 = arith.constant 0 : i32
    %dma_start3A_2044 = tpu.memref_slice %arg8[%dma_start3A_2040, %dma_start3A_2042, %dma_start3A_2043] : memref<2x8x128xf32, #tpu.memory_space<vmem>> -> memref<1x8x128xf32, #tpu.memory_space<vmem>>
    %dma_start3A_2045 = tpu.memref_squeeze %dma_start3A_2044 : memref<1x8x128xf32, #tpu.memory_space<vmem>> -> memref<8x128xf32, #tpu.memory_space<vmem>>
    %dma_start3A_2046 = arith.constant 0 : i32
    %dma_start3A_2047 = tpu.memref_slice %dma_start3A_2045[%dma_start3A_2041, %dma_start3A_2046] : memref<8x128xf32, #tpu.memory_space<vmem>> -> memref<1x128xf32, #tpu.memory_space<vmem>>
    %dma_start3A_2048 = tpu.memref_squeeze %dma_start3A_2047 : memref<1x128xf32, #tpu.memory_space<vmem>> -> memref<128xf32, #tpu.memory_space<vmem>>
    %dma_start3A_2049 = arith.constant 640 : i32
    %dma_start3A_2050 = tpu.memref_slice %arg6[%dma_start3A_2049] : memref<1024xi32, #tpu.memory_space<vmem>> -> memref<128xi32, #tpu.memory_space<vmem>>
    %dma_start3A_2051 = arith.constant 0 : i32
    %dma_start3A_2052 = tpu.memref_slice %arg15[%dma_start3A_2051] : memref<1048576xf32, #tpu.memory_space<vmem_shared>> -> memref<1048576xf32, #tpu.memory_space<vmem_shared>>
    tpu.enqueue_indirect_dma source(%dma_start3A_2052 : memref<1048576xf32, #tpu.memory_space<vmem_shared>>) target(%dma_start3A_2048 : memref<128xf32, #tpu.memory_space<vmem>>) offsets(%dma_start3A_2050 : memref<128xi32, #tpu.memory_space<vmem>>) semaphore(%arg11 : memref<!tpu.dma_semaphore, #tpu.memory_space<semaphore_mem>>)
    %dma_start3A_2053 = arith.constant 0 : i32
    %dma_start3A_2054 = arith.constant 6 : i32
    %dma_start3A_2055 = arith.constant 0 : i32
    %dma_start3A_2056 = arith.constant 0 : i32
    %dma_start3A_2057 = tpu.memref_slice %arg8[%dma_start3A_2053, %dma_start3A_2055, %dma_start3A_2056] : memref<2x8x128xf32, #tpu.memory_space<vmem>> -> memref<1x8x128xf32, #tpu.memory_space<vmem>>
    %dma_start3A_2058 = tpu.memref_squeeze %dma_start3A_2057 : memref<1x8x128xf32, #tpu.memory_space<vmem>> -> memref<8x128xf32, #tpu.memory_space<vmem>>
    %dma_start3A_2059 = arith.constant 0 : i32
    %dma_start3A_2060 = tpu.memref_slice %dma_start3A_2058[%dma_start3A_2054, %dma_start3A_2059] : memref<8x128xf32, #tpu.memory_space<vmem>> -> memref<1x128xf32, #tpu.memory_space<vmem>>
    %dma_start3A_2061 = tpu.memref_squeeze %dma_start3A_2060 : memref<1x128xf32, #tpu.memory_space<vmem>> -> memref<128xf32, #tpu.memory_space<vmem>>
    %dma_start3A_2062 = arith.constant 768 : i32
    %dma_start3A_2063 = tpu.memref_slice %arg6[%dma_start3A_2062] : memref<1024xi32, #tpu.memory_space<vmem>> -> memref<128xi32, #tpu.memory_space<vmem>>
    %dma_start3A_2064 = arith.constant 0 : i32
    %dma_start3A_2065 = tpu.memref_slice %arg15[%dma_start3A_2064] : memref<1048576xf32, #tpu.memory_space<vmem_shared>> -> memref<1048576xf32, #tpu.memory_space<vmem_shared>>
    tpu.enqueue_indirect_dma source(%dma_start3A_2065 : memref<1048576xf32, #tpu.memory_space<vmem_shared>>) target(%dma_start3A_2061 : memref<128xf32, #tpu.memory_space<vmem>>) offsets(%dma_start3A_2063 : memref<128xi32, #tpu.memory_space<vmem>>) semaphore(%arg11 : memref<!tpu.dma_semaphore, #tpu.memory_space<semaphore_mem>>)
    %dma_start3A_2066 = arith.constant 0 : i32
    %dma_start3A_2067 = arith.constant 7 : i32
    %dma_start3A_2068 = arith.constant 0 : i32
    %dma_start3A_2069 = arith.constant 0 : i32
    %dma_start3A_2070 = tpu.memref_slice %arg8[%dma_start3A_2066, %dma_start3A_2068, %dma_start3A_2069] : memref<2x8x128xf32, #tpu.memory_space<vmem>> -> memref<1x8x128xf32, #tpu.memory_space<vmem>>
    %dma_start3A_2071 = tpu.memref_squeeze %dma_start3A_2070 : memref<1x8x128xf32, #tpu.memory_space<vmem>> -> memref<8x128xf32, #tpu.memory_space<vmem>>
    %dma_start3A_2072 = arith.constant 0 : i32
    %dma_start3A_2073 = tpu.memref_slice %dma_start3A_2071[%dma_start3A_2067, %dma_start3A_2072] : memref<8x128xf32, #tpu.memory_space<vmem>> -> memref<1x128xf32, #tpu.memory_space<vmem>>
    %dma_start3A_2074 = tpu.memref_squeeze %dma_start3A_2073 : memref<1x128xf32, #tpu.memory_space<vmem>> -> memref<128xf32, #tpu.memory_space<vmem>>
    %dma_start3A_2075 = arith.constant 896 : i32
    %dma_start3A_2076 = tpu.memref_slice %arg6[%dma_start3A_2075] : memref<1024xi32, #tpu.memory_space<vmem>> -> memref<128xi32, #tpu.memory_space<vmem>>
    %dma_start3A_2077 = arith.constant 0 : i32
    %dma_start3A_2078 = tpu.memref_slice %arg15[%dma_start3A_2077] : memref<1048576xf32, #tpu.memory_space<vmem_shared>> -> memref<1048576xf32, #tpu.memory_space<vmem_shared>>
    tpu.enqueue_indirect_dma source(%dma_start3A_2078 : memref<1048576xf32, #tpu.memory_space<vmem_shared>>) target(%dma_start3A_2074 : memref<128xf32, #tpu.memory_space<vmem>>) offsets(%dma_start3A_2076 : memref<128xi32, #tpu.memory_space<vmem>>) semaphore(%arg11 : memref<!tpu.dma_semaphore, #tpu.memory_space<semaphore_mem>>)
    %dma_wait3A_2079 = arith.constant 0 : i32
    %dma_wait3A_2080 = arith.constant 0 : i32
    %dma_wait3A_2081 = arith.constant 0 : i32
    %dma_wait3A_2082 = arith.constant 0 : i32
    %dma_wait3A_2083 = tpu.memref_slice %arg8[%dma_wait3A_2079, %dma_wait3A_2081, %dma_wait3A_2082] : memref<2x8x128xf32, #tpu.memory_space<vmem>> -> memref<1x8x128xf32, #tpu.memory_space<vmem>>
    %dma_wait3A_2084 = tpu.memref_squeeze %dma_wait3A_2083 : memref<1x8x128xf32, #tpu.memory_space<vmem>> -> memref<8x128xf32, #tpu.memory_space<vmem>>
    %dma_wait3A_2085 = arith.constant 0 : i32
    %dma_wait3A_2086 = tpu.memref_slice %dma_wait3A_2084[%dma_wait3A_2080, %dma_wait3A_2085] : memref<8x128xf32, #tpu.memory_space<vmem>> -> memref<1x128xf32, #tpu.memory_space<vmem>>
    %dma_wait3A_2087 = tpu.memref_squeeze %dma_wait3A_2086 : memref<1x128xf32, #tpu.memory_space<vmem>> -> memref<128xf32, #tpu.memory_space<vmem>>
    %dma_wait3A_2088 = arith.constant 0 : i32
    %dma_wait3A_2089 = tpu.memref_slice %arg6[%dma_wait3A_2088] : memref<1024xi32, #tpu.memory_space<vmem>> -> memref<128xi32, #tpu.memory_space<vmem>>
    %dma_wait3A_2090 = arith.constant 0 : i32
    %dma_wait3A_2091 = tpu.memref_slice %arg15[%dma_wait3A_2090] : memref<1048576xf32, #tpu.memory_space<vmem_shared>> -> memref<1048576xf32, #tpu.memory_space<vmem_shared>>
    tpu.wait_indirect_dma semaphore(%arg11 : memref<!tpu.dma_semaphore, #tpu.memory_space<semaphore_mem>>) src(%dma_wait3A_2091 : memref<1048576xf32, #tpu.memory_space<vmem_shared>>) dst(%dma_wait3A_2087 : memref<128xf32, #tpu.memory_space<vmem>>)
    %dma_wait3A_2092 = arith.constant 0 : i32
    %dma_wait3A_2093 = arith.constant 1 : i32
    %dma_wait3A_2094 = arith.constant 0 : i32
    %dma_wait3A_2095 = arith.constant 0 : i32
    %dma_wait3A_2096 = tpu.memref_slice %arg8[%dma_wait3A_2092, %dma_wait3A_2094, %dma_wait3A_2095] : memref<2x8x128xf32, #tpu.memory_space<vmem>> -> memref<1x8x128xf32, #tpu.memory_space<vmem>>
    %dma_wait3A_2097 = tpu.memref_squeeze %dma_wait3A_2096 : memref<1x8x128xf32, #tpu.memory_space<vmem>> -> memref<8x128xf32, #tpu.memory_space<vmem>>
    %dma_wait3A_2098 = arith.constant 0 : i32
    %dma_wait3A_2099 = tpu.memref_slice %dma_wait3A_2097[%dma_wait3A_2093, %dma_wait3A_2098] : memref<8x128xf32, #tpu.memory_space<vmem>> -> memref<1x128xf32, #tpu.memory_space<vmem>>
    %dma_wait3A_2100 = tpu.memref_squeeze %dma_wait3A_2099 : memref<1x128xf32, #tpu.memory_space<vmem>> -> memref<128xf32, #tpu.memory_space<vmem>>
    %dma_wait3A_2101 = arith.constant 128 : i32
    %dma_wait3A_2102 = tpu.memref_slice %arg6[%dma_wait3A_2101] : memref<1024xi32, #tpu.memory_space<vmem>> -> memref<128xi32, #tpu.memory_space<vmem>>
    %dma_wait3A_2103 = arith.constant 0 : i32
    %dma_wait3A_2104 = tpu.memref_slice %arg15[%dma_wait3A_2103] : memref<1048576xf32, #tpu.memory_space<vmem_shared>> -> memref<1048576xf32, #tpu.memory_space<vmem_shared>>
    tpu.wait_indirect_dma semaphore(%arg11 : memref<!tpu.dma_semaphore, #tpu.memory_space<semaphore_mem>>) src(%dma_wait3A_2104 : memref<1048576xf32, #tpu.memory_space<vmem_shared>>) dst(%dma_wait3A_2100 : memref<128xf32, #tpu.memory_space<vmem>>)
    %dma_wait3A_2105 = arith.constant 0 : i32
    %dma_wait3A_2106 = arith.constant 2 : i32
    %dma_wait3A_2107 = arith.constant 0 : i32
    %dma_wait3A_2108 = arith.constant 0 : i32
    %dma_wait3A_2109 = tpu.memref_slice %arg8[%dma_wait3A_2105, %dma_wait3A_2107, %dma_wait3A_2108] : memref<2x8x128xf32, #tpu.memory_space<vmem>> -> memref<1x8x128xf32, #tpu.memory_space<vmem>>
    %dma_wait3A_2110 = tpu.memref_squeeze %dma_wait3A_2109 : memref<1x8x128xf32, #tpu.memory_space<vmem>> -> memref<8x128xf32, #tpu.memory_space<vmem>>
    %dma_wait3A_2111 = arith.constant 0 : i32
    %dma_wait3A_2112 = tpu.memref_slice %dma_wait3A_2110[%dma_wait3A_2106, %dma_wait3A_2111] : memref<8x128xf32, #tpu.memory_space<vmem>> -> memref<1x128xf32, #tpu.memory_space<vmem>>
    %dma_wait3A_2113 = tpu.memref_squeeze %dma_wait3A_2112 : memref<1x128xf32, #tpu.memory_space<vmem>> -> memref<128xf32, #tpu.memory_space<vmem>>
    %dma_wait3A_2114 = arith.constant 256 : i32
    %dma_wait3A_2115 = tpu.memref_slice %arg6[%dma_wait3A_2114] : memref<1024xi32, #tpu.memory_space<vmem>> -> memref<128xi32, #tpu.memory_space<vmem>>
    %dma_wait3A_2116 = arith.constant 0 : i32
    %dma_wait3A_2117 = tpu.memref_slice %arg15[%dma_wait3A_2116] : memref<1048576xf32, #tpu.memory_space<vmem_shared>> -> memref<1048576xf32, #tpu.memory_space<vmem_shared>>
    tpu.wait_indirect_dma semaphore(%arg11 : memref<!tpu.dma_semaphore, #tpu.memory_space<semaphore_mem>>) src(%dma_wait3A_2117 : memref<1048576xf32, #tpu.memory_space<vmem_shared>>) dst(%dma_wait3A_2113 : memref<128xf32, #tpu.memory_space<vmem>>)
    %dma_wait3A_2118 = arith.constant 0 : i32
    %dma_wait3A_2119 = arith.constant 3 : i32
    %dma_wait3A_2120 = arith.constant 0 : i32
    %dma_wait3A_2121 = arith.constant 0 : i32
    %dma_wait3A_2122 = tpu.memref_slice %arg8[%dma_wait3A_2118, %dma_wait3A_2120, %dma_wait3A_2121] : memref<2x8x128xf32, #tpu.memory_space<vmem>> -> memref<1x8x128xf32, #tpu.memory_space<vmem>>
    %dma_wait3A_2123 = tpu.memref_squeeze %dma_wait3A_2122 : memref<1x8x128xf32, #tpu.memory_space<vmem>> -> memref<8x128xf32, #tpu.memory_space<vmem>>
    %dma_wait3A_2124 = arith.constant 0 : i32
    %dma_wait3A_2125 = tpu.memref_slice %dma_wait3A_2123[%dma_wait3A_2119, %dma_wait3A_2124] : memref<8x128xf32, #tpu.memory_space<vmem>> -> memref<1x128xf32, #tpu.memory_space<vmem>>
    %dma_wait3A_2126 = tpu.memref_squeeze %dma_wait3A_2125 : memref<1x128xf32, #tpu.memory_space<vmem>> -> memref<128xf32, #tpu.memory_space<vmem>>
    %dma_wait3A_2127 = arith.constant 384 : i32
    %dma_wait3A_2128 = tpu.memref_slice %arg6[%dma_wait3A_2127] : memref<1024xi32, #tpu.memory_space<vmem>> -> memref<128xi32, #tpu.memory_space<vmem>>
    %dma_wait3A_2129 = arith.constant 0 : i32
    %dma_wait3A_2130 = tpu.memref_slice %arg15[%dma_wait3A_2129] : memref<1048576xf32, #tpu.memory_space<vmem_shared>> -> memref<1048576xf32, #tpu.memory_space<vmem_shared>>
    tpu.wait_indirect_dma semaphore(%arg11 : memref<!tpu.dma_semaphore, #tpu.memory_space<semaphore_mem>>) src(%dma_wait3A_2130 : memref<1048576xf32, #tpu.memory_space<vmem_shared>>) dst(%dma_wait3A_2126 : memref<128xf32, #tpu.memory_space<vmem>>)
    %dma_wait3A_2131 = arith.constant 0 : i32
    %dma_wait3A_2132 = arith.constant 4 : i32
    %dma_wait3A_2133 = arith.constant 0 : i32
    %dma_wait3A_2134 = arith.constant 0 : i32
    %dma_wait3A_2135 = tpu.memref_slice %arg8[%dma_wait3A_2131, %dma_wait3A_2133, %dma_wait3A_2134] : memref<2x8x128xf32, #tpu.memory_space<vmem>> -> memref<1x8x128xf32, #tpu.memory_space<vmem>>
    %dma_wait3A_2136 = tpu.memref_squeeze %dma_wait3A_2135 : memref<1x8x128xf32, #tpu.memory_space<vmem>> -> memref<8x128xf32, #tpu.memory_space<vmem>>
    %dma_wait3A_2137 = arith.constant 0 : i32
    %dma_wait3A_2138 = tpu.memref_slice %dma_wait3A_2136[%dma_wait3A_2132, %dma_wait3A_2137] : memref<8x128xf32, #tpu.memory_space<vmem>> -> memref<1x128xf32, #tpu.memory_space<vmem>>
    %dma_wait3A_2139 = tpu.memref_squeeze %dma_wait3A_2138 : memref<1x128xf32, #tpu.memory_space<vmem>> -> memref<128xf32, #tpu.memory_space<vmem>>
    %dma_wait3A_2140 = arith.constant 512 : i32
    %dma_wait3A_2141 = tpu.memref_slice %arg6[%dma_wait3A_2140] : memref<1024xi32, #tpu.memory_space<vmem>> -> memref<128xi32, #tpu.memory_space<vmem>>
    %dma_wait3A_2142 = arith.constant 0 : i32
    %dma_wait3A_2143 = tpu.memref_slice %arg15[%dma_wait3A_2142] : memref<1048576xf32, #tpu.memory_space<vmem_shared>> -> memref<1048576xf32, #tpu.memory_space<vmem_shared>>
    tpu.wait_indirect_dma semaphore(%arg11 : memref<!tpu.dma_semaphore, #tpu.memory_space<semaphore_mem>>) src(%dma_wait3A_2143 : memref<1048576xf32, #tpu.memory_space<vmem_shared>>) dst(%dma_wait3A_2139 : memref<128xf32, #tpu.memory_space<vmem>>)
    %dma_wait3A_2144 = arith.constant 0 : i32
    %dma_wait3A_2145 = arith.constant 5 : i32
    %dma_wait3A_2146 = arith.constant 0 : i32
    %dma_wait3A_2147 = arith.constant 0 : i32
    %dma_wait3A_2148 = tpu.memref_slice %arg8[%dma_wait3A_2144, %dma_wait3A_2146, %dma_wait3A_2147] : memref<2x8x128xf32, #tpu.memory_space<vmem>> -> memref<1x8x128xf32, #tpu.memory_space<vmem>>
    %dma_wait3A_2149 = tpu.memref_squeeze %dma_wait3A_2148 : memref<1x8x128xf32, #tpu.memory_space<vmem>> -> memref<8x128xf32, #tpu.memory_space<vmem>>
    %dma_wait3A_2150 = arith.constant 0 : i32
    %dma_wait3A_2151 = tpu.memref_slice %dma_wait3A_2149[%dma_wait3A_2145, %dma_wait3A_2150] : memref<8x128xf32, #tpu.memory_space<vmem>> -> memref<1x128xf32, #tpu.memory_space<vmem>>
    %dma_wait3A_2152 = tpu.memref_squeeze %dma_wait3A_2151 : memref<1x128xf32, #tpu.memory_space<vmem>> -> memref<128xf32, #tpu.memory_space<vmem>>
    %dma_wait3A_2153 = arith.constant 640 : i32
    %dma_wait3A_2154 = tpu.memref_slice %arg6[%dma_wait3A_2153] : memref<1024xi32, #tpu.memory_space<vmem>> -> memref<128xi32, #tpu.memory_space<vmem>>
    %dma_wait3A_2155 = arith.constant 0 : i32
    %dma_wait3A_2156 = tpu.memref_slice %arg15[%dma_wait3A_2155] : memref<1048576xf32, #tpu.memory_space<vmem_shared>> -> memref<1048576xf32, #tpu.memory_space<vmem_shared>>
    tpu.wait_indirect_dma semaphore(%arg11 : memref<!tpu.dma_semaphore, #tpu.memory_space<semaphore_mem>>) src(%dma_wait3A_2156 : memref<1048576xf32, #tpu.memory_space<vmem_shared>>) dst(%dma_wait3A_2152 : memref<128xf32, #tpu.memory_space<vmem>>)
    %dma_wait3A_2157 = arith.constant 0 : i32
    %dma_wait3A_2158 = arith.constant 6 : i32
    %dma_wait3A_2159 = arith.constant 0 : i32
    %dma_wait3A_2160 = arith.constant 0 : i32
    %dma_wait3A_2161 = tpu.memref_slice %arg8[%dma_wait3A_2157, %dma_wait3A_2159, %dma_wait3A_2160] : memref<2x8x128xf32, #tpu.memory_space<vmem>> -> memref<1x8x128xf32, #tpu.memory_space<vmem>>
    %dma_wait3A_2162 = tpu.memref_squeeze %dma_wait3A_2161 : memref<1x8x128xf32, #tpu.memory_space<vmem>> -> memref<8x128xf32, #tpu.memory_space<vmem>>
    %dma_wait3A_2163 = arith.constant 0 : i32
    %dma_wait3A_2164 = tpu.memref_slice %dma_wait3A_2162[%dma_wait3A_2158, %dma_wait3A_2163] : memref<8x128xf32, #tpu.memory_space<vmem>> -> memref<1x128xf32, #tpu.memory_space<vmem>>
    %dma_wait3A_2165 = tpu.memref_squeeze %dma_wait3A_2164 : memref<1x128xf32, #tpu.memory_space<vmem>> -> memref<128xf32, #tpu.memory_space<vmem>>
    %dma_wait3A_2166 = arith.constant 768 : i32
    %dma_wait3A_2167 = tpu.memref_slice %arg6[%dma_wait3A_2166] : memref<1024xi32, #tpu.memory_space<vmem>> -> memref<128xi32, #tpu.memory_space<vmem>>
    %dma_wait3A_2168 = arith.constant 0 : i32
    %dma_wait3A_2169 = tpu.memref_slice %arg15[%dma_wait3A_2168] : memref<1048576xf32, #tpu.memory_space<vmem_shared>> -> memref<1048576xf32, #tpu.memory_space<vmem_shared>>
    tpu.wait_indirect_dma semaphore(%arg11 : memref<!tpu.dma_semaphore, #tpu.memory_space<semaphore_mem>>) src(%dma_wait3A_2169 : memref<1048576xf32, #tpu.memory_space<vmem_shared>>) dst(%dma_wait3A_2165 : memref<128xf32, #tpu.memory_space<vmem>>)
    %dma_wait3A_2170 = arith.constant 0 : i32
    %dma_wait3A_2171 = arith.constant 7 : i32
    %dma_wait3A_2172 = arith.constant 0 : i32
    %dma_wait3A_2173 = arith.constant 0 : i32
    %dma_wait3A_2174 = tpu.memref_slice %arg8[%dma_wait3A_2170, %dma_wait3A_2172, %dma_wait3A_2173] : memref<2x8x128xf32, #tpu.memory_space<vmem>> -> memref<1x8x128xf32, #tpu.memory_space<vmem>>
    %dma_wait3A_2175 = tpu.memref_squeeze %dma_wait3A_2174 : memref<1x8x128xf32, #tpu.memory_space<vmem>> -> memref<8x128xf32, #tpu.memory_space<vmem>>
    %dma_wait3A_2176 = arith.constant 0 : i32
    %dma_wait3A_2177 = tpu.memref_slice %dma_wait3A_2175[%dma_wait3A_2171, %dma_wait3A_2176] : memref<8x128xf32, #tpu.memory_space<vmem>> -> memref<1x128xf32, #tpu.memory_space<vmem>>
    %dma_wait3A_2178 = tpu.memref_squeeze %dma_wait3A_2177 : memref<1x128xf32, #tpu.memory_space<vmem>> -> memref<128xf32, #tpu.memory_space<vmem>>
    %dma_wait3A_2179 = arith.constant 896 : i32
    %dma_wait3A_2180 = tpu.memref_slice %arg6[%dma_wait3A_2179] : memref<1024xi32, #tpu.memory_space<vmem>> -> memref<128xi32, #tpu.memory_space<vmem>>
    %dma_wait3A_2181 = arith.constant 0 : i32
    %dma_wait3A_2182 = tpu.memref_slice %arg15[%dma_wait3A_2181] : memref<1048576xf32, #tpu.memory_space<vmem_shared>> -> memref<1048576xf32, #tpu.memory_space<vmem_shared>>
    tpu.wait_indirect_dma semaphore(%arg11 : memref<!tpu.dma_semaphore, #tpu.memory_space<semaphore_mem>>) src(%dma_wait3A_2182 : memref<1048576xf32, #tpu.memory_space<vmem_shared>>) dst(%dma_wait3A_2178 : memref<128xf32, #tpu.memory_space<vmem>>)
    %add3A_2183 = arith.constant 176 : i32
    %add3A_2184 = arith.addi %mul3A_2, %add3A_2183 : i32
    %dma_start3A_2185 = arith.constant 0 : i32
    %dma_start3A_2186 = arith.constant 0 : i32
    %dma_start3A_2187 = arith.constant 0 : i32
    %dma_start3A_2188 = tpu.memref_slice %arg8[%dma_start3A_2185, %dma_start3A_2186, %dma_start3A_2187] : memref<2x8x128xf32, #tpu.memory_space<vmem>> -> memref<1x8x128xf32, #tpu.memory_space<vmem>>
    %dma_start3A_2189 = tpu.memref_squeeze %dma_start3A_2188 : memref<1x8x128xf32, #tpu.memory_space<vmem>> -> memref<8x128xf32, #tpu.memory_space<vmem>>
    %dma_start3A_2190 = arith.constant 0 : i32
    %dma_start3A_2191 = tpu.memref_slice %arg4[%add3A_2184, %dma_start3A_2190] : memref<6144x128xf32, #tpu.memory_space<hbm>> -> memref<8x128xf32, #tpu.memory_space<hbm>>
    %dma_start3A_2192 = arith.constant 0 : i32
    %dma_start3A_2193 = tpu.memref_slice %arg4[%add3A_2184, %dma_start3A_2192] : memref<6144x128xf32, #tpu.memory_space<hbm>> -> memref<8x128xf32, #tpu.memory_space<hbm>>
    %dma_start3A_2194 = arith.constant 0 : i32
    %dma_start3A_2195 = arith.constant 0 : i32
    %dma_start3A_2196 = tpu.memref_slice %arg8[%dma_start3A_2185, %dma_start3A_2194, %dma_start3A_2195] : memref<2x8x128xf32, #tpu.memory_space<vmem>> -> memref<1x8x128xf32, #tpu.memory_space<vmem>>
    %dma_start3A_2197 = tpu.memref_squeeze %dma_start3A_2196 : memref<1x8x128xf32, #tpu.memory_space<vmem>> -> memref<8x128xf32, #tpu.memory_space<vmem>>
    tpu.enqueue_dma source(%dma_start3A_2197 : memref<8x128xf32, #tpu.memory_space<vmem>>) target(%dma_start3A_2193 : memref<8x128xf32, #tpu.memory_space<hbm>>) target_semaphore(%arg13 : memref<!tpu.dma_semaphore, #tpu.memory_space<semaphore_mem>>)
    %mul3A_2198 = arith.constant 2 : i32
    %mul3A_2199 = arith.muli %arg1, %mul3A_2198 : i32
    %add3A_2200 = arith.constant 1 : i32
    %add3A_2201 = arith.addi %mul3A_2199, %add3A_2200 : i32
    %mul3A_2202 = arith.constant 32768 : i32
    %mul3A_2203 = arith.muli %add3A_2201, %mul3A_2202 : i32
    %add3A_2204 = arith.constant 0 : i32
    %add3A_2205 = arith.addi %mul3A_2203, %add3A_2204 : i32
    %dma_wait3A_2206 = arith.constant 0 : i32
    %dma_wait3A_2207 = tpu.memref_slice %arg15[%add3A_2205] : memref<1048576xf32, #tpu.memory_space<vmem_shared>> -> memref<4096xf32, #tpu.memory_space<vmem_shared>>
    %dma_wait3A_2208 = arith.constant 0 : i32
    %dma_wait3A_2209 = tpu.memref_slice %arg2[%dma_wait3A_2206, %dma_wait3A_2208] : memref<16384x4096xf32, #tpu.memory_space<hbm>> -> memref<1x4096xf32, #tpu.memory_space<hbm>>
    %dma_wait3A_2210 = tpu.memref_squeeze %dma_wait3A_2209 : memref<1x4096xf32, #tpu.memory_space<hbm>> -> memref<4096xf32, #tpu.memory_space<hbm>>
    tpu.wait_dma2 semaphore(%arg10 : memref<!tpu.dma_semaphore, #tpu.memory_space<semaphore_mem>>) src(%dma_wait3A_2210 : memref<4096xf32, #tpu.memory_space<hbm>>) dst(%dma_wait3A_2207 : memref<4096xf32, #tpu.memory_space<vmem_shared>>)
    %add3A_2211 = arith.constant 4096 : i32
    %add3A_2212 = arith.addi %mul3A_2203, %add3A_2211 : i32
    %dma_wait3A_2213 = arith.constant 0 : i32
    %dma_wait3A_2214 = tpu.memref_slice %arg15[%add3A_2212] : memref<1048576xf32, #tpu.memory_space<vmem_shared>> -> memref<4096xf32, #tpu.memory_space<vmem_shared>>
    %dma_wait3A_2215 = arith.constant 0 : i32
    %dma_wait3A_2216 = tpu.memref_slice %arg2[%dma_wait3A_2213, %dma_wait3A_2215] : memref<16384x4096xf32, #tpu.memory_space<hbm>> -> memref<1x4096xf32, #tpu.memory_space<hbm>>
    %dma_wait3A_2217 = tpu.memref_squeeze %dma_wait3A_2216 : memref<1x4096xf32, #tpu.memory_space<hbm>> -> memref<4096xf32, #tpu.memory_space<hbm>>
    tpu.wait_dma2 semaphore(%arg10 : memref<!tpu.dma_semaphore, #tpu.memory_space<semaphore_mem>>) src(%dma_wait3A_2217 : memref<4096xf32, #tpu.memory_space<hbm>>) dst(%dma_wait3A_2214 : memref<4096xf32, #tpu.memory_space<vmem_shared>>)
    %add3A_2218 = arith.constant 8192 : i32
    %add3A_2219 = arith.addi %mul3A_2203, %add3A_2218 : i32
    %dma_wait3A_2220 = arith.constant 0 : i32
    %dma_wait3A_2221 = tpu.memref_slice %arg15[%add3A_2219] : memref<1048576xf32, #tpu.memory_space<vmem_shared>> -> memref<4096xf32, #tpu.memory_space<vmem_shared>>
    %dma_wait3A_2222 = arith.constant 0 : i32
    %dma_wait3A_2223 = tpu.memref_slice %arg2[%dma_wait3A_2220, %dma_wait3A_2222] : memref<16384x4096xf32, #tpu.memory_space<hbm>> -> memref<1x4096xf32, #tpu.memory_space<hbm>>
    %dma_wait3A_2224 = tpu.memref_squeeze %dma_wait3A_2223 : memref<1x4096xf32, #tpu.memory_space<hbm>> -> memref<4096xf32, #tpu.memory_space<hbm>>
    tpu.wait_dma2 semaphore(%arg10 : memref<!tpu.dma_semaphore, #tpu.memory_space<semaphore_mem>>) src(%dma_wait3A_2224 : memref<4096xf32, #tpu.memory_space<hbm>>) dst(%dma_wait3A_2221 : memref<4096xf32, #tpu.memory_space<vmem_shared>>)
    %add3A_2225 = arith.constant 12288 : i32
    %add3A_2226 = arith.addi %mul3A_2203, %add3A_2225 : i32
    %dma_wait3A_2227 = arith.constant 0 : i32
    %dma_wait3A_2228 = tpu.memref_slice %arg15[%add3A_2226] : memref<1048576xf32, #tpu.memory_space<vmem_shared>> -> memref<4096xf32, #tpu.memory_space<vmem_shared>>
    %dma_wait3A_2229 = arith.constant 0 : i32
    %dma_wait3A_2230 = tpu.memref_slice %arg2[%dma_wait3A_2227, %dma_wait3A_2229] : memref<16384x4096xf32, #tpu.memory_space<hbm>> -> memref<1x4096xf32, #tpu.memory_space<hbm>>
    %dma_wait3A_2231 = tpu.memref_squeeze %dma_wait3A_2230 : memref<1x4096xf32, #tpu.memory_space<hbm>> -> memref<4096xf32, #tpu.memory_space<hbm>>
    tpu.wait_dma2 semaphore(%arg10 : memref<!tpu.dma_semaphore, #tpu.memory_space<semaphore_mem>>) src(%dma_wait3A_2231 : memref<4096xf32, #tpu.memory_space<hbm>>) dst(%dma_wait3A_2228 : memref<4096xf32, #tpu.memory_space<vmem_shared>>)
    %add3A_2232 = arith.constant 16384 : i32
    %add3A_2233 = arith.addi %mul3A_2203, %add3A_2232 : i32
    %dma_wait3A_2234 = arith.constant 0 : i32
    %dma_wait3A_2235 = tpu.memref_slice %arg15[%add3A_2233] : memref<1048576xf32, #tpu.memory_space<vmem_shared>> -> memref<4096xf32, #tpu.memory_space<vmem_shared>>
    %dma_wait3A_2236 = arith.constant 0 : i32
    %dma_wait3A_2237 = tpu.memref_slice %arg2[%dma_wait3A_2234, %dma_wait3A_2236] : memref<16384x4096xf32, #tpu.memory_space<hbm>> -> memref<1x4096xf32, #tpu.memory_space<hbm>>
    %dma_wait3A_2238 = tpu.memref_squeeze %dma_wait3A_2237 : memref<1x4096xf32, #tpu.memory_space<hbm>> -> memref<4096xf32, #tpu.memory_space<hbm>>
    tpu.wait_dma2 semaphore(%arg10 : memref<!tpu.dma_semaphore, #tpu.memory_space<semaphore_mem>>) src(%dma_wait3A_2238 : memref<4096xf32, #tpu.memory_space<hbm>>) dst(%dma_wait3A_2235 : memref<4096xf32, #tpu.memory_space<vmem_shared>>)
    %add3A_2239 = arith.constant 20480 : i32
    %add3A_2240 = arith.addi %mul3A_2203, %add3A_2239 : i32
    %dma_wait3A_2241 = arith.constant 0 : i32
    %dma_wait3A_2242 = tpu.memref_slice %arg15[%add3A_2240] : memref<1048576xf32, #tpu.memory_space<vmem_shared>> -> memref<4096xf32, #tpu.memory_space<vmem_shared>>
    %dma_wait3A_2243 = arith.constant 0 : i32
    %dma_wait3A_2244 = tpu.memref_slice %arg2[%dma_wait3A_2241, %dma_wait3A_2243] : memref<16384x4096xf32, #tpu.memory_space<hbm>> -> memref<1x4096xf32, #tpu.memory_space<hbm>>
    %dma_wait3A_2245 = tpu.memref_squeeze %dma_wait3A_2244 : memref<1x4096xf32, #tpu.memory_space<hbm>> -> memref<4096xf32, #tpu.memory_space<hbm>>
    tpu.wait_dma2 semaphore(%arg10 : memref<!tpu.dma_semaphore, #tpu.memory_space<semaphore_mem>>) src(%dma_wait3A_2245 : memref<4096xf32, #tpu.memory_space<hbm>>) dst(%dma_wait3A_2242 : memref<4096xf32, #tpu.memory_space<vmem_shared>>)
    %add3A_2246 = arith.constant 24576 : i32
    %add3A_2247 = arith.addi %mul3A_2203, %add3A_2246 : i32
    %dma_wait3A_2248 = arith.constant 0 : i32
    %dma_wait3A_2249 = tpu.memref_slice %arg15[%add3A_2247] : memref<1048576xf32, #tpu.memory_space<vmem_shared>> -> memref<4096xf32, #tpu.memory_space<vmem_shared>>
    %dma_wait3A_2250 = arith.constant 0 : i32
    %dma_wait3A_2251 = tpu.memref_slice %arg2[%dma_wait3A_2248, %dma_wait3A_2250] : memref<16384x4096xf32, #tpu.memory_space<hbm>> -> memref<1x4096xf32, #tpu.memory_space<hbm>>
    %dma_wait3A_2252 = tpu.memref_squeeze %dma_wait3A_2251 : memref<1x4096xf32, #tpu.memory_space<hbm>> -> memref<4096xf32, #tpu.memory_space<hbm>>
    tpu.wait_dma2 semaphore(%arg10 : memref<!tpu.dma_semaphore, #tpu.memory_space<semaphore_mem>>) src(%dma_wait3A_2252 : memref<4096xf32, #tpu.memory_space<hbm>>) dst(%dma_wait3A_2249 : memref<4096xf32, #tpu.memory_space<vmem_shared>>)
    %add3A_2253 = arith.constant 28672 : i32
    %add3A_2254 = arith.addi %mul3A_2203, %add3A_2253 : i32
    %dma_wait3A_2255 = arith.constant 0 : i32
    %dma_wait3A_2256 = tpu.memref_slice %arg15[%add3A_2254] : memref<1048576xf32, #tpu.memory_space<vmem_shared>> -> memref<4096xf32, #tpu.memory_space<vmem_shared>>
    %dma_wait3A_2257 = arith.constant 0 : i32
    %dma_wait3A_2258 = tpu.memref_slice %arg2[%dma_wait3A_2255, %dma_wait3A_2257] : memref<16384x4096xf32, #tpu.memory_space<hbm>> -> memref<1x4096xf32, #tpu.memory_space<hbm>>
    %dma_wait3A_2259 = tpu.memref_squeeze %dma_wait3A_2258 : memref<1x4096xf32, #tpu.memory_space<hbm>> -> memref<4096xf32, #tpu.memory_space<hbm>>
    tpu.wait_dma2 semaphore(%arg10 : memref<!tpu.dma_semaphore, #tpu.memory_space<semaphore_mem>>) src(%dma_wait3A_2259 : memref<4096xf32, #tpu.memory_space<hbm>>) dst(%dma_wait3A_2256 : memref<4096xf32, #tpu.memory_space<vmem_shared>>)
    %dma_wait3A_2260 = arith.constant 1 : i32
    %dma_wait3A_2261 = arith.constant 0 : i32
    %dma_wait3A_2262 = arith.constant 0 : i32
    %dma_wait3A_2263 = tpu.memref_slice %arg8[%dma_wait3A_2260, %dma_wait3A_2261, %dma_wait3A_2262] : memref<2x8x128xf32, #tpu.memory_space<vmem>> -> memref<1x8x128xf32, #tpu.memory_space<vmem>>
    %dma_wait3A_2264 = tpu.memref_squeeze %dma_wait3A_2263 : memref<1x8x128xf32, #tpu.memory_space<vmem>> -> memref<8x128xf32, #tpu.memory_space<vmem>>
    %dma_wait3A_2265 = arith.constant 0 : i32
    %dma_wait3A_2266 = arith.constant 0 : i32
    %dma_wait3A_2267 = tpu.memref_slice %arg4[%dma_wait3A_2265, %dma_wait3A_2266] : memref<6144x128xf32, #tpu.memory_space<hbm>> -> memref<8x128xf32, #tpu.memory_space<hbm>>
    %dma_wait3A_2268 = arith.constant 0 : i32
    %dma_wait3A_2269 = arith.constant 0 : i32
    %dma_wait3A_2270 = tpu.memref_slice %arg4[%dma_wait3A_2268, %dma_wait3A_2269] : memref<6144x128xf32, #tpu.memory_space<hbm>> -> memref<8x128xf32, #tpu.memory_space<hbm>>
    %dma_wait3A_2271 = arith.constant 0 : i32
    %dma_wait3A_2272 = arith.constant 0 : i32
    %dma_wait3A_2273 = tpu.memref_slice %arg8[%dma_wait3A_2260, %dma_wait3A_2271, %dma_wait3A_2272] : memref<2x8x128xf32, #tpu.memory_space<vmem>> -> memref<1x8x128xf32, #tpu.memory_space<vmem>>
    %dma_wait3A_2274 = tpu.memref_squeeze %dma_wait3A_2273 : memref<1x8x128xf32, #tpu.memory_space<vmem>> -> memref<8x128xf32, #tpu.memory_space<vmem>>
    tpu.wait_dma2 semaphore(%arg14 : memref<!tpu.dma_semaphore, #tpu.memory_space<semaphore_mem>>) src(%dma_wait3A_2274 : memref<8x128xf32, #tpu.memory_space<vmem>>) dst(%dma_wait3A_2270 : memref<8x128xf32, #tpu.memory_space<hbm>>)
    %dma_start3A_2275 = arith.constant 1 : i32
    %dma_start3A_2276 = arith.constant 0 : i32
    %dma_start3A_2277 = arith.constant 0 : i32
    %dma_start3A_2278 = arith.constant 0 : i32
    %dma_start3A_2279 = tpu.memref_slice %arg8[%dma_start3A_2275, %dma_start3A_2277, %dma_start3A_2278] : memref<2x8x128xf32, #tpu.memory_space<vmem>> -> memref<1x8x128xf32, #tpu.memory_space<vmem>>
    %dma_start3A_2280 = tpu.memref_squeeze %dma_start3A_2279 : memref<1x8x128xf32, #tpu.memory_space<vmem>> -> memref<8x128xf32, #tpu.memory_space<vmem>>
    %dma_start3A_2281 = arith.constant 0 : i32
    %dma_start3A_2282 = tpu.memref_slice %dma_start3A_2280[%dma_start3A_2276, %dma_start3A_2281] : memref<8x128xf32, #tpu.memory_space<vmem>> -> memref<1x128xf32, #tpu.memory_space<vmem>>
    %dma_start3A_2283 = tpu.memref_squeeze %dma_start3A_2282 : memref<1x128xf32, #tpu.memory_space<vmem>> -> memref<128xf32, #tpu.memory_space<vmem>>
    %dma_start3A_2284 = arith.constant 0 : i32
    %dma_start3A_2285 = tpu.memref_slice %arg7[%dma_start3A_2284] : memref<1024xi32, #tpu.memory_space<vmem>> -> memref<128xi32, #tpu.memory_space<vmem>>
    %dma_start3A_2286 = arith.constant 0 : i32
    %dma_start3A_2287 = tpu.memref_slice %arg15[%dma_start3A_2286] : memref<1048576xf32, #tpu.memory_space<vmem_shared>> -> memref<1048576xf32, #tpu.memory_space<vmem_shared>>
    tpu.enqueue_indirect_dma source(%dma_start3A_2287 : memref<1048576xf32, #tpu.memory_space<vmem_shared>>) target(%dma_start3A_2283 : memref<128xf32, #tpu.memory_space<vmem>>) offsets(%dma_start3A_2285 : memref<128xi32, #tpu.memory_space<vmem>>) semaphore(%arg12 : memref<!tpu.dma_semaphore, #tpu.memory_space<semaphore_mem>>)
    %dma_start3A_2288 = arith.constant 1 : i32
    %dma_start3A_2289 = arith.constant 1 : i32
    %dma_start3A_2290 = arith.constant 0 : i32
    %dma_start3A_2291 = arith.constant 0 : i32
    %dma_start3A_2292 = tpu.memref_slice %arg8[%dma_start3A_2288, %dma_start3A_2290, %dma_start3A_2291] : memref<2x8x128xf32, #tpu.memory_space<vmem>> -> memref<1x8x128xf32, #tpu.memory_space<vmem>>
    %dma_start3A_2293 = tpu.memref_squeeze %dma_start3A_2292 : memref<1x8x128xf32, #tpu.memory_space<vmem>> -> memref<8x128xf32, #tpu.memory_space<vmem>>
    %dma_start3A_2294 = arith.constant 0 : i32
    %dma_start3A_2295 = tpu.memref_slice %dma_start3A_2293[%dma_start3A_2289, %dma_start3A_2294] : memref<8x128xf32, #tpu.memory_space<vmem>> -> memref<1x128xf32, #tpu.memory_space<vmem>>
    %dma_start3A_2296 = tpu.memref_squeeze %dma_start3A_2295 : memref<1x128xf32, #tpu.memory_space<vmem>> -> memref<128xf32, #tpu.memory_space<vmem>>
    %dma_start3A_2297 = arith.constant 128 : i32
    %dma_start3A_2298 = tpu.memref_slice %arg7[%dma_start3A_2297] : memref<1024xi32, #tpu.memory_space<vmem>> -> memref<128xi32, #tpu.memory_space<vmem>>
    %dma_start3A_2299 = arith.constant 0 : i32
    %dma_start3A_2300 = tpu.memref_slice %arg15[%dma_start3A_2299] : memref<1048576xf32, #tpu.memory_space<vmem_shared>> -> memref<1048576xf32, #tpu.memory_space<vmem_shared>>
    tpu.enqueue_indirect_dma source(%dma_start3A_2300 : memref<1048576xf32, #tpu.memory_space<vmem_shared>>) target(%dma_start3A_2296 : memref<128xf32, #tpu.memory_space<vmem>>) offsets(%dma_start3A_2298 : memref<128xi32, #tpu.memory_space<vmem>>) semaphore(%arg12 : memref<!tpu.dma_semaphore, #tpu.memory_space<semaphore_mem>>)
    %dma_start3A_2301 = arith.constant 1 : i32
    %dma_start3A_2302 = arith.constant 2 : i32
    %dma_start3A_2303 = arith.constant 0 : i32
    %dma_start3A_2304 = arith.constant 0 : i32
    %dma_start3A_2305 = tpu.memref_slice %arg8[%dma_start3A_2301, %dma_start3A_2303, %dma_start3A_2304] : memref<2x8x128xf32, #tpu.memory_space<vmem>> -> memref<1x8x128xf32, #tpu.memory_space<vmem>>
    %dma_start3A_2306 = tpu.memref_squeeze %dma_start3A_2305 : memref<1x8x128xf32, #tpu.memory_space<vmem>> -> memref<8x128xf32, #tpu.memory_space<vmem>>
    %dma_start3A_2307 = arith.constant 0 : i32
    %dma_start3A_2308 = tpu.memref_slice %dma_start3A_2306[%dma_start3A_2302, %dma_start3A_2307] : memref<8x128xf32, #tpu.memory_space<vmem>> -> memref<1x128xf32, #tpu.memory_space<vmem>>
    %dma_start3A_2309 = tpu.memref_squeeze %dma_start3A_2308 : memref<1x128xf32, #tpu.memory_space<vmem>> -> memref<128xf32, #tpu.memory_space<vmem>>
    %dma_start3A_2310 = arith.constant 256 : i32
    %dma_start3A_2311 = tpu.memref_slice %arg7[%dma_start3A_2310] : memref<1024xi32, #tpu.memory_space<vmem>> -> memref<128xi32, #tpu.memory_space<vmem>>
    %dma_start3A_2312 = arith.constant 0 : i32
    %dma_start3A_2313 = tpu.memref_slice %arg15[%dma_start3A_2312] : memref<1048576xf32, #tpu.memory_space<vmem_shared>> -> memref<1048576xf32, #tpu.memory_space<vmem_shared>>
    tpu.enqueue_indirect_dma source(%dma_start3A_2313 : memref<1048576xf32, #tpu.memory_space<vmem_shared>>) target(%dma_start3A_2309 : memref<128xf32, #tpu.memory_space<vmem>>) offsets(%dma_start3A_2311 : memref<128xi32, #tpu.memory_space<vmem>>) semaphore(%arg12 : memref<!tpu.dma_semaphore, #tpu.memory_space<semaphore_mem>>)
    %dma_start3A_2314 = arith.constant 1 : i32
    %dma_start3A_2315 = arith.constant 3 : i32
    %dma_start3A_2316 = arith.constant 0 : i32
    %dma_start3A_2317 = arith.constant 0 : i32
    %dma_start3A_2318 = tpu.memref_slice %arg8[%dma_start3A_2314, %dma_start3A_2316, %dma_start3A_2317] : memref<2x8x128xf32, #tpu.memory_space<vmem>> -> memref<1x8x128xf32, #tpu.memory_space<vmem>>
    %dma_start3A_2319 = tpu.memref_squeeze %dma_start3A_2318 : memref<1x8x128xf32, #tpu.memory_space<vmem>> -> memref<8x128xf32, #tpu.memory_space<vmem>>
    %dma_start3A_2320 = arith.constant 0 : i32
    %dma_start3A_2321 = tpu.memref_slice %dma_start3A_2319[%dma_start3A_2315, %dma_start3A_2320] : memref<8x128xf32, #tpu.memory_space<vmem>> -> memref<1x128xf32, #tpu.memory_space<vmem>>
    %dma_start3A_2322 = tpu.memref_squeeze %dma_start3A_2321 : memref<1x128xf32, #tpu.memory_space<vmem>> -> memref<128xf32, #tpu.memory_space<vmem>>
    %dma_start3A_2323 = arith.constant 384 : i32
    %dma_start3A_2324 = tpu.memref_slice %arg7[%dma_start3A_2323] : memref<1024xi32, #tpu.memory_space<vmem>> -> memref<128xi32, #tpu.memory_space<vmem>>
    %dma_start3A_2325 = arith.constant 0 : i32
    %dma_start3A_2326 = tpu.memref_slice %arg15[%dma_start3A_2325] : memref<1048576xf32, #tpu.memory_space<vmem_shared>> -> memref<1048576xf32, #tpu.memory_space<vmem_shared>>
    tpu.enqueue_indirect_dma source(%dma_start3A_2326 : memref<1048576xf32, #tpu.memory_space<vmem_shared>>) target(%dma_start3A_2322 : memref<128xf32, #tpu.memory_space<vmem>>) offsets(%dma_start3A_2324 : memref<128xi32, #tpu.memory_space<vmem>>) semaphore(%arg12 : memref<!tpu.dma_semaphore, #tpu.memory_space<semaphore_mem>>)
    %dma_start3A_2327 = arith.constant 1 : i32
    %dma_start3A_2328 = arith.constant 4 : i32
    %dma_start3A_2329 = arith.constant 0 : i32
    %dma_start3A_2330 = arith.constant 0 : i32
    %dma_start3A_2331 = tpu.memref_slice %arg8[%dma_start3A_2327, %dma_start3A_2329, %dma_start3A_2330] : memref<2x8x128xf32, #tpu.memory_space<vmem>> -> memref<1x8x128xf32, #tpu.memory_space<vmem>>
    %dma_start3A_2332 = tpu.memref_squeeze %dma_start3A_2331 : memref<1x8x128xf32, #tpu.memory_space<vmem>> -> memref<8x128xf32, #tpu.memory_space<vmem>>
    %dma_start3A_2333 = arith.constant 0 : i32
    %dma_start3A_2334 = tpu.memref_slice %dma_start3A_2332[%dma_start3A_2328, %dma_start3A_2333] : memref<8x128xf32, #tpu.memory_space<vmem>> -> memref<1x128xf32, #tpu.memory_space<vmem>>
    %dma_start3A_2335 = tpu.memref_squeeze %dma_start3A_2334 : memref<1x128xf32, #tpu.memory_space<vmem>> -> memref<128xf32, #tpu.memory_space<vmem>>
    %dma_start3A_2336 = arith.constant 512 : i32
    %dma_start3A_2337 = tpu.memref_slice %arg7[%dma_start3A_2336] : memref<1024xi32, #tpu.memory_space<vmem>> -> memref<128xi32, #tpu.memory_space<vmem>>
    %dma_start3A_2338 = arith.constant 0 : i32
    %dma_start3A_2339 = tpu.memref_slice %arg15[%dma_start3A_2338] : memref<1048576xf32, #tpu.memory_space<vmem_shared>> -> memref<1048576xf32, #tpu.memory_space<vmem_shared>>
    tpu.enqueue_indirect_dma source(%dma_start3A_2339 : memref<1048576xf32, #tpu.memory_space<vmem_shared>>) target(%dma_start3A_2335 : memref<128xf32, #tpu.memory_space<vmem>>) offsets(%dma_start3A_2337 : memref<128xi32, #tpu.memory_space<vmem>>) semaphore(%arg12 : memref<!tpu.dma_semaphore, #tpu.memory_space<semaphore_mem>>)
    %dma_start3A_2340 = arith.constant 1 : i32
    %dma_start3A_2341 = arith.constant 5 : i32
    %dma_start3A_2342 = arith.constant 0 : i32
    %dma_start3A_2343 = arith.constant 0 : i32
    %dma_start3A_2344 = tpu.memref_slice %arg8[%dma_start3A_2340, %dma_start3A_2342, %dma_start3A_2343] : memref<2x8x128xf32, #tpu.memory_space<vmem>> -> memref<1x8x128xf32, #tpu.memory_space<vmem>>
    %dma_start3A_2345 = tpu.memref_squeeze %dma_start3A_2344 : memref<1x8x128xf32, #tpu.memory_space<vmem>> -> memref<8x128xf32, #tpu.memory_space<vmem>>
    %dma_start3A_2346 = arith.constant 0 : i32
    %dma_start3A_2347 = tpu.memref_slice %dma_start3A_2345[%dma_start3A_2341, %dma_start3A_2346] : memref<8x128xf32, #tpu.memory_space<vmem>> -> memref<1x128xf32, #tpu.memory_space<vmem>>
    %dma_start3A_2348 = tpu.memref_squeeze %dma_start3A_2347 : memref<1x128xf32, #tpu.memory_space<vmem>> -> memref<128xf32, #tpu.memory_space<vmem>>
    %dma_start3A_2349 = arith.constant 640 : i32
    %dma_start3A_2350 = tpu.memref_slice %arg7[%dma_start3A_2349] : memref<1024xi32, #tpu.memory_space<vmem>> -> memref<128xi32, #tpu.memory_space<vmem>>
    %dma_start3A_2351 = arith.constant 0 : i32
    %dma_start3A_2352 = tpu.memref_slice %arg15[%dma_start3A_2351] : memref<1048576xf32, #tpu.memory_space<vmem_shared>> -> memref<1048576xf32, #tpu.memory_space<vmem_shared>>
    tpu.enqueue_indirect_dma source(%dma_start3A_2352 : memref<1048576xf32, #tpu.memory_space<vmem_shared>>) target(%dma_start3A_2348 : memref<128xf32, #tpu.memory_space<vmem>>) offsets(%dma_start3A_2350 : memref<128xi32, #tpu.memory_space<vmem>>) semaphore(%arg12 : memref<!tpu.dma_semaphore, #tpu.memory_space<semaphore_mem>>)
    %dma_start3A_2353 = arith.constant 1 : i32
    %dma_start3A_2354 = arith.constant 6 : i32
    %dma_start3A_2355 = arith.constant 0 : i32
    %dma_start3A_2356 = arith.constant 0 : i32
    %dma_start3A_2357 = tpu.memref_slice %arg8[%dma_start3A_2353, %dma_start3A_2355, %dma_start3A_2356] : memref<2x8x128xf32, #tpu.memory_space<vmem>> -> memref<1x8x128xf32, #tpu.memory_space<vmem>>
    %dma_start3A_2358 = tpu.memref_squeeze %dma_start3A_2357 : memref<1x8x128xf32, #tpu.memory_space<vmem>> -> memref<8x128xf32, #tpu.memory_space<vmem>>
    %dma_start3A_2359 = arith.constant 0 : i32
    %dma_start3A_2360 = tpu.memref_slice %dma_start3A_2358[%dma_start3A_2354, %dma_start3A_2359] : memref<8x128xf32, #tpu.memory_space<vmem>> -> memref<1x128xf32, #tpu.memory_space<vmem>>
    %dma_start3A_2361 = tpu.memref_squeeze %dma_start3A_2360 : memref<1x128xf32, #tpu.memory_space<vmem>> -> memref<128xf32, #tpu.memory_space<vmem>>
    %dma_start3A_2362 = arith.constant 768 : i32
    %dma_start3A_2363 = tpu.memref_slice %arg7[%dma_start3A_2362] : memref<1024xi32, #tpu.memory_space<vmem>> -> memref<128xi32, #tpu.memory_space<vmem>>
    %dma_start3A_2364 = arith.constant 0 : i32
    %dma_start3A_2365 = tpu.memref_slice %arg15[%dma_start3A_2364] : memref<1048576xf32, #tpu.memory_space<vmem_shared>> -> memref<1048576xf32, #tpu.memory_space<vmem_shared>>
    tpu.enqueue_indirect_dma source(%dma_start3A_2365 : memref<1048576xf32, #tpu.memory_space<vmem_shared>>) target(%dma_start3A_2361 : memref<128xf32, #tpu.memory_space<vmem>>) offsets(%dma_start3A_2363 : memref<128xi32, #tpu.memory_space<vmem>>) semaphore(%arg12 : memref<!tpu.dma_semaphore, #tpu.memory_space<semaphore_mem>>)
    %dma_start3A_2366 = arith.constant 1 : i32
    %dma_start3A_2367 = arith.constant 7 : i32
    %dma_start3A_2368 = arith.constant 0 : i32
    %dma_start3A_2369 = arith.constant 0 : i32
    %dma_start3A_2370 = tpu.memref_slice %arg8[%dma_start3A_2366, %dma_start3A_2368, %dma_start3A_2369] : memref<2x8x128xf32, #tpu.memory_space<vmem>> -> memref<1x8x128xf32, #tpu.memory_space<vmem>>
    %dma_start3A_2371 = tpu.memref_squeeze %dma_start3A_2370 : memref<1x8x128xf32, #tpu.memory_space<vmem>> -> memref<8x128xf32, #tpu.memory_space<vmem>>
    %dma_start3A_2372 = arith.constant 0 : i32
    %dma_start3A_2373 = tpu.memref_slice %dma_start3A_2371[%dma_start3A_2367, %dma_start3A_2372] : memref<8x128xf32, #tpu.memory_space<vmem>> -> memref<1x128xf32, #tpu.memory_space<vmem>>
    %dma_start3A_2374 = tpu.memref_squeeze %dma_start3A_2373 : memref<1x128xf32, #tpu.memory_space<vmem>> -> memref<128xf32, #tpu.memory_space<vmem>>
    %dma_start3A_2375 = arith.constant 896 : i32
    %dma_start3A_2376 = tpu.memref_slice %arg7[%dma_start3A_2375] : memref<1024xi32, #tpu.memory_space<vmem>> -> memref<128xi32, #tpu.memory_space<vmem>>
    %dma_start3A_2377 = arith.constant 0 : i32
    %dma_start3A_2378 = tpu.memref_slice %arg15[%dma_start3A_2377] : memref<1048576xf32, #tpu.memory_space<vmem_shared>> -> memref<1048576xf32, #tpu.memory_space<vmem_shared>>
    tpu.enqueue_indirect_dma source(%dma_start3A_2378 : memref<1048576xf32, #tpu.memory_space<vmem_shared>>) target(%dma_start3A_2374 : memref<128xf32, #tpu.memory_space<vmem>>) offsets(%dma_start3A_2376 : memref<128xi32, #tpu.memory_space<vmem>>) semaphore(%arg12 : memref<!tpu.dma_semaphore, #tpu.memory_space<semaphore_mem>>)
    %dma_wait3A_2379 = arith.constant 1 : i32
    %dma_wait3A_2380 = arith.constant 0 : i32
    %dma_wait3A_2381 = arith.constant 0 : i32
    %dma_wait3A_2382 = arith.constant 0 : i32
    %dma_wait3A_2383 = tpu.memref_slice %arg8[%dma_wait3A_2379, %dma_wait3A_2381, %dma_wait3A_2382] : memref<2x8x128xf32, #tpu.memory_space<vmem>> -> memref<1x8x128xf32, #tpu.memory_space<vmem>>
    %dma_wait3A_2384 = tpu.memref_squeeze %dma_wait3A_2383 : memref<1x8x128xf32, #tpu.memory_space<vmem>> -> memref<8x128xf32, #tpu.memory_space<vmem>>
    %dma_wait3A_2385 = arith.constant 0 : i32
    %dma_wait3A_2386 = tpu.memref_slice %dma_wait3A_2384[%dma_wait3A_2380, %dma_wait3A_2385] : memref<8x128xf32, #tpu.memory_space<vmem>> -> memref<1x128xf32, #tpu.memory_space<vmem>>
    %dma_wait3A_2387 = tpu.memref_squeeze %dma_wait3A_2386 : memref<1x128xf32, #tpu.memory_space<vmem>> -> memref<128xf32, #tpu.memory_space<vmem>>
    %dma_wait3A_2388 = arith.constant 0 : i32
    %dma_wait3A_2389 = tpu.memref_slice %arg7[%dma_wait3A_2388] : memref<1024xi32, #tpu.memory_space<vmem>> -> memref<128xi32, #tpu.memory_space<vmem>>
    %dma_wait3A_2390 = arith.constant 0 : i32
    %dma_wait3A_2391 = tpu.memref_slice %arg15[%dma_wait3A_2390] : memref<1048576xf32, #tpu.memory_space<vmem_shared>> -> memref<1048576xf32, #tpu.memory_space<vmem_shared>>
    tpu.wait_indirect_dma semaphore(%arg12 : memref<!tpu.dma_semaphore, #tpu.memory_space<semaphore_mem>>) src(%dma_wait3A_2391 : memref<1048576xf32, #tpu.memory_space<vmem_shared>>) dst(%dma_wait3A_2387 : memref<128xf32, #tpu.memory_space<vmem>>)
    %dma_wait3A_2392 = arith.constant 1 : i32
    %dma_wait3A_2393 = arith.constant 1 : i32
    %dma_wait3A_2394 = arith.constant 0 : i32
    %dma_wait3A_2395 = arith.constant 0 : i32
    %dma_wait3A_2396 = tpu.memref_slice %arg8[%dma_wait3A_2392, %dma_wait3A_2394, %dma_wait3A_2395] : memref<2x8x128xf32, #tpu.memory_space<vmem>> -> memref<1x8x128xf32, #tpu.memory_space<vmem>>
    %dma_wait3A_2397 = tpu.memref_squeeze %dma_wait3A_2396 : memref<1x8x128xf32, #tpu.memory_space<vmem>> -> memref<8x128xf32, #tpu.memory_space<vmem>>
    %dma_wait3A_2398 = arith.constant 0 : i32
    %dma_wait3A_2399 = tpu.memref_slice %dma_wait3A_2397[%dma_wait3A_2393, %dma_wait3A_2398] : memref<8x128xf32, #tpu.memory_space<vmem>> -> memref<1x128xf32, #tpu.memory_space<vmem>>
    %dma_wait3A_2400 = tpu.memref_squeeze %dma_wait3A_2399 : memref<1x128xf32, #tpu.memory_space<vmem>> -> memref<128xf32, #tpu.memory_space<vmem>>
    %dma_wait3A_2401 = arith.constant 128 : i32
    %dma_wait3A_2402 = tpu.memref_slice %arg7[%dma_wait3A_2401] : memref<1024xi32, #tpu.memory_space<vmem>> -> memref<128xi32, #tpu.memory_space<vmem>>
    %dma_wait3A_2403 = arith.constant 0 : i32
    %dma_wait3A_2404 = tpu.memref_slice %arg15[%dma_wait3A_2403] : memref<1048576xf32, #tpu.memory_space<vmem_shared>> -> memref<1048576xf32, #tpu.memory_space<vmem_shared>>
    tpu.wait_indirect_dma semaphore(%arg12 : memref<!tpu.dma_semaphore, #tpu.memory_space<semaphore_mem>>) src(%dma_wait3A_2404 : memref<1048576xf32, #tpu.memory_space<vmem_shared>>) dst(%dma_wait3A_2400 : memref<128xf32, #tpu.memory_space<vmem>>)
    %dma_wait3A_2405 = arith.constant 1 : i32
    %dma_wait3A_2406 = arith.constant 2 : i32
    %dma_wait3A_2407 = arith.constant 0 : i32
    %dma_wait3A_2408 = arith.constant 0 : i32
    %dma_wait3A_2409 = tpu.memref_slice %arg8[%dma_wait3A_2405, %dma_wait3A_2407, %dma_wait3A_2408] : memref<2x8x128xf32, #tpu.memory_space<vmem>> -> memref<1x8x128xf32, #tpu.memory_space<vmem>>
    %dma_wait3A_2410 = tpu.memref_squeeze %dma_wait3A_2409 : memref<1x8x128xf32, #tpu.memory_space<vmem>> -> memref<8x128xf32, #tpu.memory_space<vmem>>
    %dma_wait3A_2411 = arith.constant 0 : i32
    %dma_wait3A_2412 = tpu.memref_slice %dma_wait3A_2410[%dma_wait3A_2406, %dma_wait3A_2411] : memref<8x128xf32, #tpu.memory_space<vmem>> -> memref<1x128xf32, #tpu.memory_space<vmem>>
    %dma_wait3A_2413 = tpu.memref_squeeze %dma_wait3A_2412 : memref<1x128xf32, #tpu.memory_space<vmem>> -> memref<128xf32, #tpu.memory_space<vmem>>
    %dma_wait3A_2414 = arith.constant 256 : i32
    %dma_wait3A_2415 = tpu.memref_slice %arg7[%dma_wait3A_2414] : memref<1024xi32, #tpu.memory_space<vmem>> -> memref<128xi32, #tpu.memory_space<vmem>>
    %dma_wait3A_2416 = arith.constant 0 : i32
    %dma_wait3A_2417 = tpu.memref_slice %arg15[%dma_wait3A_2416] : memref<1048576xf32, #tpu.memory_space<vmem_shared>> -> memref<1048576xf32, #tpu.memory_space<vmem_shared>>
    tpu.wait_indirect_dma semaphore(%arg12 : memref<!tpu.dma_semaphore, #tpu.memory_space<semaphore_mem>>) src(%dma_wait3A_2417 : memref<1048576xf32, #tpu.memory_space<vmem_shared>>) dst(%dma_wait3A_2413 : memref<128xf32, #tpu.memory_space<vmem>>)
    %dma_wait3A_2418 = arith.constant 1 : i32
    %dma_wait3A_2419 = arith.constant 3 : i32
    %dma_wait3A_2420 = arith.constant 0 : i32
    %dma_wait3A_2421 = arith.constant 0 : i32
    %dma_wait3A_2422 = tpu.memref_slice %arg8[%dma_wait3A_2418, %dma_wait3A_2420, %dma_wait3A_2421] : memref<2x8x128xf32, #tpu.memory_space<vmem>> -> memref<1x8x128xf32, #tpu.memory_space<vmem>>
    %dma_wait3A_2423 = tpu.memref_squeeze %dma_wait3A_2422 : memref<1x8x128xf32, #tpu.memory_space<vmem>> -> memref<8x128xf32, #tpu.memory_space<vmem>>
    %dma_wait3A_2424 = arith.constant 0 : i32
    %dma_wait3A_2425 = tpu.memref_slice %dma_wait3A_2423[%dma_wait3A_2419, %dma_wait3A_2424] : memref<8x128xf32, #tpu.memory_space<vmem>> -> memref<1x128xf32, #tpu.memory_space<vmem>>
    %dma_wait3A_2426 = tpu.memref_squeeze %dma_wait3A_2425 : memref<1x128xf32, #tpu.memory_space<vmem>> -> memref<128xf32, #tpu.memory_space<vmem>>
    %dma_wait3A_2427 = arith.constant 384 : i32
    %dma_wait3A_2428 = tpu.memref_slice %arg7[%dma_wait3A_2427] : memref<1024xi32, #tpu.memory_space<vmem>> -> memref<128xi32, #tpu.memory_space<vmem>>
    %dma_wait3A_2429 = arith.constant 0 : i32
    %dma_wait3A_2430 = tpu.memref_slice %arg15[%dma_wait3A_2429] : memref<1048576xf32, #tpu.memory_space<vmem_shared>> -> memref<1048576xf32, #tpu.memory_space<vmem_shared>>
    tpu.wait_indirect_dma semaphore(%arg12 : memref<!tpu.dma_semaphore, #tpu.memory_space<semaphore_mem>>) src(%dma_wait3A_2430 : memref<1048576xf32, #tpu.memory_space<vmem_shared>>) dst(%dma_wait3A_2426 : memref<128xf32, #tpu.memory_space<vmem>>)
    %dma_wait3A_2431 = arith.constant 1 : i32
    %dma_wait3A_2432 = arith.constant 4 : i32
    %dma_wait3A_2433 = arith.constant 0 : i32
    %dma_wait3A_2434 = arith.constant 0 : i32
    %dma_wait3A_2435 = tpu.memref_slice %arg8[%dma_wait3A_2431, %dma_wait3A_2433, %dma_wait3A_2434] : memref<2x8x128xf32, #tpu.memory_space<vmem>> -> memref<1x8x128xf32, #tpu.memory_space<vmem>>
    %dma_wait3A_2436 = tpu.memref_squeeze %dma_wait3A_2435 : memref<1x8x128xf32, #tpu.memory_space<vmem>> -> memref<8x128xf32, #tpu.memory_space<vmem>>
    %dma_wait3A_2437 = arith.constant 0 : i32
    %dma_wait3A_2438 = tpu.memref_slice %dma_wait3A_2436[%dma_wait3A_2432, %dma_wait3A_2437] : memref<8x128xf32, #tpu.memory_space<vmem>> -> memref<1x128xf32, #tpu.memory_space<vmem>>
    %dma_wait3A_2439 = tpu.memref_squeeze %dma_wait3A_2438 : memref<1x128xf32, #tpu.memory_space<vmem>> -> memref<128xf32, #tpu.memory_space<vmem>>
    %dma_wait3A_2440 = arith.constant 512 : i32
    %dma_wait3A_2441 = tpu.memref_slice %arg7[%dma_wait3A_2440] : memref<1024xi32, #tpu.memory_space<vmem>> -> memref<128xi32, #tpu.memory_space<vmem>>
    %dma_wait3A_2442 = arith.constant 0 : i32
    %dma_wait3A_2443 = tpu.memref_slice %arg15[%dma_wait3A_2442] : memref<1048576xf32, #tpu.memory_space<vmem_shared>> -> memref<1048576xf32, #tpu.memory_space<vmem_shared>>
    tpu.wait_indirect_dma semaphore(%arg12 : memref<!tpu.dma_semaphore, #tpu.memory_space<semaphore_mem>>) src(%dma_wait3A_2443 : memref<1048576xf32, #tpu.memory_space<vmem_shared>>) dst(%dma_wait3A_2439 : memref<128xf32, #tpu.memory_space<vmem>>)
    %dma_wait3A_2444 = arith.constant 1 : i32
    %dma_wait3A_2445 = arith.constant 5 : i32
    %dma_wait3A_2446 = arith.constant 0 : i32
    %dma_wait3A_2447 = arith.constant 0 : i32
    %dma_wait3A_2448 = tpu.memref_slice %arg8[%dma_wait3A_2444, %dma_wait3A_2446, %dma_wait3A_2447] : memref<2x8x128xf32, #tpu.memory_space<vmem>> -> memref<1x8x128xf32, #tpu.memory_space<vmem>>
    %dma_wait3A_2449 = tpu.memref_squeeze %dma_wait3A_2448 : memref<1x8x128xf32, #tpu.memory_space<vmem>> -> memref<8x128xf32, #tpu.memory_space<vmem>>
    %dma_wait3A_2450 = arith.constant 0 : i32
    %dma_wait3A_2451 = tpu.memref_slice %dma_wait3A_2449[%dma_wait3A_2445, %dma_wait3A_2450] : memref<8x128xf32, #tpu.memory_space<vmem>> -> memref<1x128xf32, #tpu.memory_space<vmem>>
    %dma_wait3A_2452 = tpu.memref_squeeze %dma_wait3A_2451 : memref<1x128xf32, #tpu.memory_space<vmem>> -> memref<128xf32, #tpu.memory_space<vmem>>
    %dma_wait3A_2453 = arith.constant 640 : i32
    %dma_wait3A_2454 = tpu.memref_slice %arg7[%dma_wait3A_2453] : memref<1024xi32, #tpu.memory_space<vmem>> -> memref<128xi32, #tpu.memory_space<vmem>>
    %dma_wait3A_2455 = arith.constant 0 : i32
    %dma_wait3A_2456 = tpu.memref_slice %arg15[%dma_wait3A_2455] : memref<1048576xf32, #tpu.memory_space<vmem_shared>> -> memref<1048576xf32, #tpu.memory_space<vmem_shared>>
    tpu.wait_indirect_dma semaphore(%arg12 : memref<!tpu.dma_semaphore, #tpu.memory_space<semaphore_mem>>) src(%dma_wait3A_2456 : memref<1048576xf32, #tpu.memory_space<vmem_shared>>) dst(%dma_wait3A_2452 : memref<128xf32, #tpu.memory_space<vmem>>)
    %dma_wait3A_2457 = arith.constant 1 : i32
    %dma_wait3A_2458 = arith.constant 6 : i32
    %dma_wait3A_2459 = arith.constant 0 : i32
    %dma_wait3A_2460 = arith.constant 0 : i32
    %dma_wait3A_2461 = tpu.memref_slice %arg8[%dma_wait3A_2457, %dma_wait3A_2459, %dma_wait3A_2460] : memref<2x8x128xf32, #tpu.memory_space<vmem>> -> memref<1x8x128xf32, #tpu.memory_space<vmem>>
    %dma_wait3A_2462 = tpu.memref_squeeze %dma_wait3A_2461 : memref<1x8x128xf32, #tpu.memory_space<vmem>> -> memref<8x128xf32, #tpu.memory_space<vmem>>
    %dma_wait3A_2463 = arith.constant 0 : i32
    %dma_wait3A_2464 = tpu.memref_slice %dma_wait3A_2462[%dma_wait3A_2458, %dma_wait3A_2463] : memref<8x128xf32, #tpu.memory_space<vmem>> -> memref<1x128xf32, #tpu.memory_space<vmem>>
    %dma_wait3A_2465 = tpu.memref_squeeze %dma_wait3A_2464 : memref<1x128xf32, #tpu.memory_space<vmem>> -> memref<128xf32, #tpu.memory_space<vmem>>
    %dma_wait3A_2466 = arith.constant 768 : i32
    %dma_wait3A_2467 = tpu.memref_slice %arg7[%dma_wait3A_2466] : memref<1024xi32, #tpu.memory_space<vmem>> -> memref<128xi32, #tpu.memory_space<vmem>>
    %dma_wait3A_2468 = arith.constant 0 : i32
    %dma_wait3A_2469 = tpu.memref_slice %arg15[%dma_wait3A_2468] : memref<1048576xf32, #tpu.memory_space<vmem_shared>> -> memref<1048576xf32, #tpu.memory_space<vmem_shared>>
    tpu.wait_indirect_dma semaphore(%arg12 : memref<!tpu.dma_semaphore, #tpu.memory_space<semaphore_mem>>) src(%dma_wait3A_2469 : memref<1048576xf32, #tpu.memory_space<vmem_shared>>) dst(%dma_wait3A_2465 : memref<128xf32, #tpu.memory_space<vmem>>)
    %dma_wait3A_2470 = arith.constant 1 : i32
    %dma_wait3A_2471 = arith.constant 7 : i32
    %dma_wait3A_2472 = arith.constant 0 : i32
    %dma_wait3A_2473 = arith.constant 0 : i32
    %dma_wait3A_2474 = tpu.memref_slice %arg8[%dma_wait3A_2470, %dma_wait3A_2472, %dma_wait3A_2473] : memref<2x8x128xf32, #tpu.memory_space<vmem>> -> memref<1x8x128xf32, #tpu.memory_space<vmem>>
    %dma_wait3A_2475 = tpu.memref_squeeze %dma_wait3A_2474 : memref<1x8x128xf32, #tpu.memory_space<vmem>> -> memref<8x128xf32, #tpu.memory_space<vmem>>
    %dma_wait3A_2476 = arith.constant 0 : i32
    %dma_wait3A_2477 = tpu.memref_slice %dma_wait3A_2475[%dma_wait3A_2471, %dma_wait3A_2476] : memref<8x128xf32, #tpu.memory_space<vmem>> -> memref<1x128xf32, #tpu.memory_space<vmem>>
    %dma_wait3A_2478 = tpu.memref_squeeze %dma_wait3A_2477 : memref<1x128xf32, #tpu.memory_space<vmem>> -> memref<128xf32, #tpu.memory_space<vmem>>
    %dma_wait3A_2479 = arith.constant 896 : i32
    %dma_wait3A_2480 = tpu.memref_slice %arg7[%dma_wait3A_2479] : memref<1024xi32, #tpu.memory_space<vmem>> -> memref<128xi32, #tpu.memory_space<vmem>>
    %dma_wait3A_2481 = arith.constant 0 : i32
    %dma_wait3A_2482 = tpu.memref_slice %arg15[%dma_wait3A_2481] : memref<1048576xf32, #tpu.memory_space<vmem_shared>> -> memref<1048576xf32, #tpu.memory_space<vmem_shared>>
    tpu.wait_indirect_dma semaphore(%arg12 : memref<!tpu.dma_semaphore, #tpu.memory_space<semaphore_mem>>) src(%dma_wait3A_2482 : memref<1048576xf32, #tpu.memory_space<vmem_shared>>) dst(%dma_wait3A_2478 : memref<128xf32, #tpu.memory_space<vmem>>)
    %add3A_2483 = arith.constant 184 : i32
    %add3A_2484 = arith.addi %mul3A_2, %add3A_2483 : i32
    %dma_start3A_2485 = arith.constant 1 : i32
    %dma_start3A_2486 = arith.constant 0 : i32
    %dma_start3A_2487 = arith.constant 0 : i32
    %dma_start3A_2488 = tpu.memref_slice %arg8[%dma_start3A_2485, %dma_start3A_2486, %dma_start3A_2487] : memref<2x8x128xf32, #tpu.memory_space<vmem>> -> memref<1x8x128xf32, #tpu.memory_space<vmem>>
    %dma_start3A_2489 = tpu.memref_squeeze %dma_start3A_2488 : memref<1x8x128xf32, #tpu.memory_space<vmem>> -> memref<8x128xf32, #tpu.memory_space<vmem>>
    %dma_start3A_2490 = arith.constant 0 : i32
    %dma_start3A_2491 = tpu.memref_slice %arg4[%add3A_2484, %dma_start3A_2490] : memref<6144x128xf32, #tpu.memory_space<hbm>> -> memref<8x128xf32, #tpu.memory_space<hbm>>
    %dma_start3A_2492 = arith.constant 0 : i32
    %dma_start3A_2493 = tpu.memref_slice %arg4[%add3A_2484, %dma_start3A_2492] : memref<6144x128xf32, #tpu.memory_space<hbm>> -> memref<8x128xf32, #tpu.memory_space<hbm>>
    %dma_start3A_2494 = arith.constant 0 : i32
    %dma_start3A_2495 = arith.constant 0 : i32
    %dma_start3A_2496 = tpu.memref_slice %arg8[%dma_start3A_2485, %dma_start3A_2494, %dma_start3A_2495] : memref<2x8x128xf32, #tpu.memory_space<vmem>> -> memref<1x8x128xf32, #tpu.memory_space<vmem>>
    %dma_start3A_2497 = tpu.memref_squeeze %dma_start3A_2496 : memref<1x8x128xf32, #tpu.memory_space<vmem>> -> memref<8x128xf32, #tpu.memory_space<vmem>>
    tpu.enqueue_dma source(%dma_start3A_2497 : memref<8x128xf32, #tpu.memory_space<vmem>>) target(%dma_start3A_2493 : memref<8x128xf32, #tpu.memory_space<hbm>>) target_semaphore(%arg14 : memref<!tpu.dma_semaphore, #tpu.memory_space<semaphore_mem>>)
    %dma_wait3A_2498 = arith.constant 0 : i32
    %dma_wait3A_2499 = arith.constant 0 : i32
    %dma_wait3A_2500 = arith.constant 0 : i32
    %dma_wait3A_2501 = tpu.memref_slice %arg8[%dma_wait3A_2498, %dma_wait3A_2499, %dma_wait3A_2500] : memref<2x8x128xf32, #tpu.memory_space<vmem>> -> memref<1x8x128xf32, #tpu.memory_space<vmem>>
    %dma_wait3A_2502 = tpu.memref_squeeze %dma_wait3A_2501 : memref<1x8x128xf32, #tpu.memory_space<vmem>> -> memref<8x128xf32, #tpu.memory_space<vmem>>
    %dma_wait3A_2503 = arith.constant 0 : i32
    %dma_wait3A_2504 = arith.constant 0 : i32
    %dma_wait3A_2505 = tpu.memref_slice %arg4[%dma_wait3A_2503, %dma_wait3A_2504] : memref<6144x128xf32, #tpu.memory_space<hbm>> -> memref<8x128xf32, #tpu.memory_space<hbm>>
    %dma_wait3A_2506 = arith.constant 0 : i32
    %dma_wait3A_2507 = arith.constant 0 : i32
    %dma_wait3A_2508 = tpu.memref_slice %arg4[%dma_wait3A_2506, %dma_wait3A_2507] : memref<6144x128xf32, #tpu.memory_space<hbm>> -> memref<8x128xf32, #tpu.memory_space<hbm>>
    %dma_wait3A_2509 = arith.constant 0 : i32
    %dma_wait3A_2510 = arith.constant 0 : i32
    %dma_wait3A_2511 = tpu.memref_slice %arg8[%dma_wait3A_2498, %dma_wait3A_2509, %dma_wait3A_2510] : memref<2x8x128xf32, #tpu.memory_space<vmem>> -> memref<1x8x128xf32, #tpu.memory_space<vmem>>
    %dma_wait3A_2512 = tpu.memref_squeeze %dma_wait3A_2511 : memref<1x8x128xf32, #tpu.memory_space<vmem>> -> memref<8x128xf32, #tpu.memory_space<vmem>>
    tpu.wait_dma2 semaphore(%arg13 : memref<!tpu.dma_semaphore, #tpu.memory_space<semaphore_mem>>) src(%dma_wait3A_2512 : memref<8x128xf32, #tpu.memory_space<vmem>>) dst(%dma_wait3A_2508 : memref<8x128xf32, #tpu.memory_space<hbm>>)
    %dma_wait3A_2513 = arith.constant 1 : i32
    %dma_wait3A_2514 = arith.constant 0 : i32
    %dma_wait3A_2515 = arith.constant 0 : i32
    %dma_wait3A_2516 = tpu.memref_slice %arg8[%dma_wait3A_2513, %dma_wait3A_2514, %dma_wait3A_2515] : memref<2x8x128xf32, #tpu.memory_space<vmem>> -> memref<1x8x128xf32, #tpu.memory_space<vmem>>
    %dma_wait3A_2517 = tpu.memref_squeeze %dma_wait3A_2516 : memref<1x8x128xf32, #tpu.memory_space<vmem>> -> memref<8x128xf32, #tpu.memory_space<vmem>>
    %dma_wait3A_2518 = arith.constant 0 : i32
    %dma_wait3A_2519 = arith.constant 0 : i32
    %dma_wait3A_2520 = tpu.memref_slice %arg4[%dma_wait3A_2518, %dma_wait3A_2519] : memref<6144x128xf32, #tpu.memory_space<hbm>> -> memref<8x128xf32, #tpu.memory_space<hbm>>
    %dma_wait3A_2521 = arith.constant 0 : i32
    %dma_wait3A_2522 = arith.constant 0 : i32
    %dma_wait3A_2523 = tpu.memref_slice %arg4[%dma_wait3A_2521, %dma_wait3A_2522] : memref<6144x128xf32, #tpu.memory_space<hbm>> -> memref<8x128xf32, #tpu.memory_space<hbm>>
    %dma_wait3A_2524 = arith.constant 0 : i32
    %dma_wait3A_2525 = arith.constant 0 : i32
    %dma_wait3A_2526 = tpu.memref_slice %arg8[%dma_wait3A_2513, %dma_wait3A_2524, %dma_wait3A_2525] : memref<2x8x128xf32, #tpu.memory_space<vmem>> -> memref<1x8x128xf32, #tpu.memory_space<vmem>>
    %dma_wait3A_2527 = tpu.memref_squeeze %dma_wait3A_2526 : memref<1x8x128xf32, #tpu.memory_space<vmem>> -> memref<8x128xf32, #tpu.memory_space<vmem>>
    tpu.wait_dma2 semaphore(%arg14 : memref<!tpu.dma_semaphore, #tpu.memory_space<semaphore_mem>>) src(%dma_wait3A_2527 : memref<8x128xf32, #tpu.memory_space<vmem>>) dst(%dma_wait3A_2523 : memref<8x128xf32, #tpu.memory_space<hbm>>)
    return
  }
}

module attributes {stable_mosaic.version = 14 : i64} {
  func.func @_mm_body(%arg0: i32, %arg1: memref<1x128xi32, #tpu.memory_space<vmem>>, %arg2: memref<512x4096xf32, #tpu.memory_space<vmem>>, %arg3: memref<512x128xf32, #tpu.memory_space<vmem>>, %arg4: memref<4096x128xf32, #tpu.memory_space<vmem>>) attributes {dimension_semantics = [#tpu.dimension_semantics<arbitrary>], iteration_bounds = array<i64: 20>, scalar_prefetch = 0 : i64, scratch_operands = 1 : i64, tpu.core_type = #tpu.core_type<tc>, window_params = [{pipeline_mode = #tpu.pipeline_mode<synchronous>, transform_indices = @transform_0, window_bounds = array<i64: 1, 128>}, {transform_indices = @transform_1, window_bounds = array<i64: 512, 4096>}, {transform_indices = @transform_2, window_bounds = array<i64: 512, 128>}]} {
    %eq3A = arith.constant 0 : i32
    %eq3A_0 = arith.cmpi eq, %arg0, %eq3A : i32
    %convert_element_type3A = arith.extui %eq3A_0 : i1 to i32
    %cond3A = arith.constant 0 : i32
    %cond3A_1 = arith.cmpi ne, %convert_element_type3A, %cond3A : i32
    scf.if %cond3A_1 {
      %iota3A = tpu.iota {dimensions = array<i32: 0>} : vector<4096x128xi32>
      %get3A_10 = arith.constant 0 : index
      %get3A_11 = arith.constant 0 : index
      %get3A_12 = vector.load %arg1[%get3A_10, %get3A_11] : memref<1x128xi32, #tpu.memory_space<vmem>>, vector<1x128xi32>
      %get3A_13 = vector.shape_cast %get3A_12 : vector<1x128xi32> to vector<128xi32>
      %broadcast_in_dim3A = vector.shape_cast %get3A_13 : vector<128xi32> to vector<1x128xi32>
      %eq3A_14 = vector.broadcast %broadcast_in_dim3A : vector<1x128xi32> to vector<4096x128xi32>
      %eq3A_15 = arith.cmpi eq, %iota3A, %eq3A_14 : vector<4096x128xi32>
      %convert_element_type3A_16 = arith.extui %eq3A_15 : vector<4096x128xi1> to vector<4096x128xi32>
      %convert_element_type3A_17 = arith.sitofp %convert_element_type3A_16 : vector<4096x128xi32> to vector<4096x128xf32>
      %swap3A_18 = arith.constant 0 : index
      %swap3A_19 = arith.constant 0 : index
      %swap3A_20 = vector.load %arg4[%swap3A_18, %swap3A_19] : memref<4096x128xf32, #tpu.memory_space<vmem>>, vector<4096x128xf32>
      tpu.vector_store %arg4[%swap3A_18, %swap3A_19], %convert_element_type3A_17 {strides = array<i32>} : memref<4096x128xf32, #tpu.memory_space<vmem>>, vector<4096x128xf32>,
    } else {
    }
    %get3A = arith.constant 0 : index
    %get3A_2 = arith.constant 0 : index
    %get3A_3 = vector.load %arg2[%get3A, %get3A_2] : memref<512x4096xf32, #tpu.memory_space<vmem>>, vector<512x4096xf32>
    %get3A_4 = arith.constant 0 : index
    %get3A_5 = arith.constant 0 : index
    %get3A_6 = vector.load %arg4[%get3A_4, %get3A_5] : memref<4096x128xf32, #tpu.memory_space<vmem>>, vector<4096x128xf32>
    %dot_general3A = arith.constant dense<0.000000e+00> : vector<512x128xf32>
    %dot_general3A_7 = tpu.matmul %get3A_3, %get3A_6, %dot_general3A {dimension_numbers = #tpu.dot_dimension_numbers<[1], [0], [0], [1], [0, 0, 1, 1], [], []>, transpose_lhs_hint = false} : vector<512x4096xf32>, vector<4096x128xf32>, vector<512x128xf32> -> vector<512x128xf32>
    %swap3A = arith.constant 0 : index
    %swap3A_8 = arith.constant 0 : index
    %swap3A_9 = vector.load %arg3[%swap3A, %swap3A_8] : memref<512x128xf32, #tpu.memory_space<vmem>>, vector<512x128xf32>
    tpu.vector_store %arg3[%swap3A, %swap3A_8], %dot_general3A_7 {strides = array<i32>} : memref<512x128xf32, #tpu.memory_space<vmem>>, vector<512x128xf32>,
    return
  }
  func.func @transform_0(%arg0: i32) -> (i32, i32) {
    %c0_i32 = arith.constant 0 : i32
    %c0_i32_0 = arith.constant 0 : i32
    %c0_i32_1 = arith.constant 0 : i32
    return %c0_i32, %c0_i32_0 : i32, i32
  }
  func.func @transform_1(%arg0: i32) -> (i32, i32) {
    %add3A = arith.constant 12 : i32
    %add3A_0 = arith.addi %arg0, %add3A : i32
    %c0_i32 = arith.constant 0 : i32
    %c0_i32_1 = arith.constant 0 : i32
    return %add3A_0, %c0_i32 : i32, i32
  }
  func.func @transform_2(%arg0: i32) -> (i32, i32) {
    %c0_i32 = arith.constant 0 : i32
    %c0_i32_0 = arith.constant 0 : i32
    return %arg0, %c0_i32 : i32, i32
  }
}

</mosaic_0001>

<sc_bundles>
// kernel: kernel.4.cloned.1.call-start
scs
__scs_entry_jumppad:
0x0: {  	(pc) =	sbr.rel $0x88, $3  }
0x1: {  	(tag) =	ssettag $0x0;
	lr =	simm.s32 $0x1  }
0x2: {  	[smem:$0x3F9F] =	sst lr;
	_ =	strace $0xD0000000  }
0x3: {  	_ = 	snop  }
0x4: {  	_ = 	snop  }
0x5: {  	_ = 	snop  }
0x6: {  	_ = 	snop  }
0x7: {  	_ = 	snop  }
__scs_overlays_trampoline_lowered:
0x8: {  	[smem:$0x3FAE] =	sst s0  }
0x9: {  	[smem:$0x3FAF] =	sst s1  }
0xa: {  	[smem:$0x3FB0] =	sst s2  }
0xb: {  	[smem:$0x3FB1] =	sst s3  }
0xc: {  	[smem:$0x3FB2] =	sst s4  }
0xd: {  	[smem:$0x3FB3] =	sst s5  }
0xe: {  	[smem:$0x3FB4] =	sst s6  }
0xf: {  	[smem:$0x3FB5] =	sst s7  }
0x10: {  	[smem:$0x3FB6] =	sst s8  }
0x11: {  	[smem:$0x3FB7] =	sst s9;
	s0 =	simm.s32 @!p0 $0x0  }
0x12: {  	s1 =	sld [smem:$0x3F9D];
	s0 =	simm.s32 @p0 $0x1  }
0x13: {  	[smem:$0x3FB8] =	sst s0;
	s0 =	simm.s32 @!p1 $0x0  }
0x14: {  	s2 =	sld [smem:$0x3F9C];
	s0 =	simm.s32 @p1 $0x1  }
0x15: {  	[smem:$0x3FB9] =	sst s0;
	s0 =	simm.s32 @!p2 $0x0  }
0x16: {  	s3 =	sld [smem:$0x3FDB];
	s0 =	simm.s32 @p2 $0x1  }
0x17: {  	s4 =	simm.s32 $0x1BF5;
	[smem:$0x3FBB] =	sst s0  }
0x18: {  	s0 =	sld [smem:$0x3F9E];
	_ =	swait.ge [sflag:s4], $0x0  }
0x19: {  	s7 =	sld [smem:$0x3F9F]  }
0x1a: {  	s8 =	sadd.s32 $0xFFFFE003, lr  }
0x1b: {  	s9 =	sadd.s32 $0xFFFFFEF7, lr;
	s5 =	simm.s32 $0xFFFFFFFF;
	p2 =	slt.u32 s8, $0xFFFFF086  }
0x1c: {  	p1 =	slt.u32 s9, $0xF7A;
	s5 =	simm.s32 @!p2 $0x0  }
0x1d: {  	s5 =	simm.s32 @p1 $0x1;
	p0 =	seq.s32 s7, s2  }
0x1e: {  	s7 =	smul.u32 @!p0 $0xF7A, s2;
	p2 =	seq.s32 @!p0 s5, $0x0  }
0x1f: {  	s9 =	smul.u32 $0xF7A, s1;
	s8 =	simm.s32 @!p0 $0x1BF5;
	p2 =	por !p2, p0  }
0x20: {  	[sflag:s8] =	ssyncset.s32 @!p0 $0xFFFFF086;
	s6 =	sadd.s32 @!p0 s3, s7;
	s7 =	simm.s32 @!p0 $0x108  }
0x21: {  	s3 =	sadd.s32 s3, s9;
	s6 =	sadd.s32 @!p0 $0x88, s6;
	s7 =	simm.s32 @p2 $0x1082  }
0x22: {  	[simem:s7], [sflag:s8] =	dma.local @!p0 [hbm:s6], $0xF7A  }
0x23: {  	s9 =	sor.u32 $0xD0000000, s2;
	s6 =	simm.s32 $0x108;
	_ =	swait.ge @!p0 [sflag:s8], $0x0  }
0x24: {  	s3 =	sadd.s32 $0x88, s3;
	s6 =	simm.s32 @!p1 $0x1082;
	[sflag:s4] =	ssyncset.s32 $0xFFFFF086  }
0x25: {  	[simem:s6], [sflag:s4] =	dma.local [hbm:s3], $0xF7A  }
0x26: {  	[smem:$0x3F9F] =	sst s1;
	(tag) =	ssettag s2;
	_ =	strace s9  }
0x27: {  	s1 =	sld [smem:$0x3FAF]  }
0x28: {  	s2 =	sld [smem:$0x3FB0]  }
0x29: {  	s4 =	sld [smem:$0x3FB2]  }
0x2a: {  	p0 =	seq.s32 s5, $0x0;
	s5 =	sld [smem:$0x3FB3]  }
0x2b: {  	s6 =	sld [smem:$0x3FB4]  }
0x2c: {  	s7 =	sld [smem:$0x3FB5]  }
0x2d: {  	s3 =	simm.s32 $0x108;
	s8 =	sld [smem:$0x3FB6]  }
0x2e: {  	s3 =	simm.s32 @!p0 $0x1082;
	s9 =	sld [smem:$0x3FB7]  }
0x2f: {  	lr =	sadd.s32 s0, s3;
	s0 =	sld [smem:$0x3FAE]  }
0x30: {  	s3 =	sld [smem:$0x3FB1]  }
0x31: {  	[smem:$0x3FBA] =	sst s10  }
0x32: {  	s10 =	sld [smem:$0x3FB8];
	_ =	sdelay $0x3  }
0x33: {  	p0 =	seq.s32 s10, $0x1;
	s10 =	sld [smem:$0x3FBA];
	_ =	sdelay $0x3  }
0x34: {  	[smem:$0x3FBA] =	sst s10  }
0x35: {  	s10 =	sld [smem:$0x3FB9];
	_ =	sdelay $0x3  }
0x36: {  	p1 =	seq.s32 s10, $0x1;
	s10 =	sld [smem:$0x3FBA];
	_ =	sdelay $0x3  }
0x37: {  	[smem:$0x3FBA] =	sst s10  }
0x38: {  	s10 =	sld [smem:$0x3FBB]  }
0x39: {  	_ = 	snop;
	(pc) =	sbr.ind lr, $3  }
0x3a: {  	_ = 	snop  }
0x3b: {  	_ = 	snop  }
0x3c: {  	p2 =	seq.s32 s10, $0x1;
	s10 =	sld [smem:$0x3FBA]  }
0x3d: {  	_ =	shalt  }
0x3e: {  	_ =	shalt  }
0x3f: {  	_ =	shalt  }
0x40: {  	_ =	shalt  }
0x41: {  	_ =	shalt  }
0x42: {  	_ =	shalt  }
0x43: {  	_ =	shalt  }
0x44: {  	_ =	shalt  }
0x45: {  	_ =	shalt  }
0x46: {  	_ =	shalt  }
0x47: {  	_ =	shalt  }
0x48: {  	_ =	shalt  }
0x49: {  	_ =	shalt  }
0x4a: {  	_ =	shalt  }
0x4b: {  	_ =	shalt  }
0x4c: {  	_ =	shalt  }
0x4d: {  	_ =	shalt  }
0x4e: {  	_ =	shalt  }
0x4f: {  	_ =	shalt  }
0x50: {  	_ =	shalt  }
0x51: {  	_ =	shalt  }
0x52: {  	_ =	shalt  }
0x53: {  	_ =	shalt  }
0x54: {  	_ =	shalt  }
0x55: {  	_ =	shalt  }
0x56: {  	_ =	shalt  }
0x57: {  	_ =	shalt  }
0x58: {  	_ =	shalt  }
0x59: {  	_ =	shalt  }
0x5a: {  	_ =	shalt  }
0x5b: {  	_ =	shalt  }
0x5c: {  	_ =	shalt  }
0x5d: {  	_ =	shalt  }
0x5e: {  	_ =	shalt  }
0x5f: {  	_ =	shalt  }
0x60: {  	_ =	shalt  }
0x61: {  	_ =	shalt  }
0x62: {  	_ =	shalt  }
0x63: {  	_ =	shalt  }
0x64: {  	_ =	shalt  }
0x65: {  	_ =	shalt  }
0x66: {  	_ =	shalt  }
0x67: {  	_ =	shalt  }
0x68: {  	_ =	shalt  }
0x69: {  	_ =	shalt  }
0x6a: {  	_ =	shalt  }
0x6b: {  	_ =	shalt  }
0x6c: {  	_ =	shalt  }
0x6d: {  	_ =	shalt  }
0x6e: {  	_ =	shalt  }
0x6f: {  	_ =	shalt  }
0x70: {  	_ =	shalt  }
0x71: {  	_ =	shalt  }
0x72: {  	_ =	shalt  }
0x73: {  	_ =	shalt  }
0x74: {  	_ =	shalt  }
0x75: {  	_ =	shalt  }
0x76: {  	_ =	shalt  }
0x77: {  	_ =	shalt  }
0x78: {  	_ =	shalt  }
0x79: {  	_ =	shalt  }
0x7a: {  	_ =	shalt  }
0x7b: {  	_ =	shalt  }
0x7c: {  	_ =	shalt  }
0x7d: {  	_ =	shalt  }
0x7e: {  	_ =	shalt  }
0x7f: {  	_ =	shalt  }
0x80: {  	_ =	shalt  }
0x81: {  	_ =	shalt  }
0x82: {  	_ =	shalt  }
0x83: {  	_ =	shalt  }
0x84: {  	_ =	shalt  }
0x85: {  	_ =	shalt  }
0x86: {  	_ =	shalt  }
0x87: {  	_ =	shalt  }
.Lfunc_end0:
.L_simem_size_0:
called_computation_lowered:
.L_overlay_start_0:
0x88: {  	s2 =	sld [smem:$0x3FD9]  }
0x89: {  	s3 =	sld [smem:$0x3FFE];
	_ =	sdelay $0x1  }
0x8a: {  	s1 =	srdreg.scid  }
0x8b: {  	s0 =	sand.u32 $0x1, s1  }
0x8c: {  	s17 =	sshll.u32 s0, $0xA;
	s2 =	sadd.s32 s3, s2  }
0x8d: {  	s2 =	sadd.s32 s2, s17  }
0x8e: {  	[smem:$0x3FC6] =	sst s2  }
0x8f: {  	_ = 	snop  }
0x90: {  	s2 =	sld [smem:$0x3FC9]  }
0x91: {  	s18 =	sld [smem:$0x3FC8];
	(tm) =	ssettm $0x1  }
0x92: {  	s4 =	sld [smem:$0x3FFB];
	_ =	sdelay $0x3  }
0x93: {  	_ =	strace s4  }
0x94: {  	s4 =	sld [smem:$0x3FFC];
	_ =	sdelay $0x3  }
0x95: {  	_ =	strace s4  }
0x96: {  	s4 =	sld [smem:$0x3FFD];
	_ =	sdelay $0x3  }
0x97: {  	_ =	strace s4  }
0x98: {  	_ =	strace $0x8FFFFFFF  }
0x99: {  	s19 =	sld [smem:$0x3FDB];
	_ =	sdelay $0x1  }
0x9a: {  	s5 =	simm.s32 $_scs_section_size  }
0x9b: {  	s6 =	simm.s32 $_size__tile_overlayer_lowered;
	s7 =	simm.s32 $_tile_overlayer_lowered  }
0x9c: {  	s22 =	simm.s32 $0x1BFF;
	s21 =	sshll.u32 s7, $0x1;
	s4 =	sadd.s32 s5, s19  }
0x9d: {  	s8 =	simm.s32 $0x0;
	s20 =	sshll.u32 s6, $0x1;
	s6 =	sadd.s32 s21, s4  }
0x9e: {  	[timem:s8], [sflag:s22] =	dma.local [hbm:s6], s20  }
0x9f: {  	_ =	swait.ge [sflag:s22], s20  }
0xa0: {  	s5 =	ssub.s32 $0x0, s20;
	[sflag:s22] =	ssyncset.done $0x0  }
0xa1: {  	[sflag:s22] =	ssyncadd.s32 s5;
	_ =	sdelay $0x1  }
0xa2: {  	s23 =	simm.s32 $0x1B8B  }
0xa3: {  	_ =	swait.ge [sflag:s23], $0x1  }
0xa4: {  	[sflag:s23] =	ssyncset.done $0x0  }
0xa5: {  	s25 =	simm.s32 $0x1B8E;
	s24 =	sld [smem:$0x3FFE];
	[sflag:s23] =	ssyncadd.s32 $0xFFFFFFFF  }
0xa6: {  	s26 =	simm.s32 $execute0_lowered;
	[smem:$0x3FD2] =	sst s25  }
0xa7: {  	s6 =	sshll.u32 s26, $0x1;
	_ =	strace $0x80000046;
	[dreg:$0x1] =	wrdreg $0xFFFFFFFF  }
0xa8: {  	s28 =	simm.s32 $_size_execute0_lowered;
	s4 =	sadd.s32 s4, s6;
	[dreg:$0x0] =	wrdreg $0x0  }
0xa9: {  	s6 =	sshll.u32 s28, $0x1;
	[dreg:$0x2] =	wrdreg s4  }
0xaa: {  	[dreg:$0x3] =	wrdreg s6  }
0xab: {  	[dreg:$0x4] =	wrdreg $0xC0  }
0xac: {  	_ =	task [dreg:s8], $0x5FFFF  }
0xad: {  	[dreg:$0x1] =	wrdreg $0xFFFFFFFF  }
0xae: {  	[dreg:$0x0] =	wrdreg $0x60  }
0xaf: {  	[dreg:$0x2] =	wrdreg s2  }
0xb0: {  	[dreg:$0x3] =	wrdreg s18  }
0xb1: {  	[dreg:$0x4] =	wrdreg s24  }
0xb2: {  	[dreg:$0x5] =	wrdreg $0x10800  }
0xb3: {  	[dreg:$0x6] =	wrdreg $0x9  }
0xb4: {  	_ =	task.clear_ibuf [dreg:s8], $0x7FFFF;
	_ =	strace $0x90000046  }
0xb5: {  	s29 =	simm.s32 $0x9;
	_ =	strace $0x80000048  }
0xb6: {  	_ =	swait.ge [sflag:s29], $0x1  }
0xb7: {  	[sflag:s29] =	ssyncadd.s32 $0xFFFFFFFF  }
0xb8: {  	_ =	strace $0x90000048  }
0xb9: {  	_ =	sfence  }
0xba: {  	s30 =	sld [smem:$0x0];
	_ =	sdelay $0x2  }
0xbb: {  	s31 =	sshll.u32 s1, $0xD;
	s1 =	sshrl.u32 s1, $0x2  }
0xbc: {  	s3 =	sand.u32 $0x4000, s31;
	s1 =	sadd.s32 s1, s30  }
0xbd: {  	s0 =	sor.u32 s3, s0;
	s1 =	sshll.u32 s1, $0x11  }
0xbe: {  	s0 =	sor.u32 s1, s0  }
0xbf: {  	s0 =	sadd.s32 $0x8F2B, s0  }
0xc0: {  	[sflag:s0] =	ssyncadd.remote.s32 $0x1  }
0xc1: {  	_ =	sfence.sel $0xFFFF  }
0xc2: {  	[dreg:$0x0] =	wrdreg $0xFFFFFFFF;
	(pc) =	sbr.abs _section_cstart, $3  }
0xc3: {  	[dreg:$0x1] =	wrdreg $0xFFFFFFFF  }
0xc4: {  	_ =	task.clear_ibuf [dreg:s8], $0x2FFFF;
	_ =	strace $0x9FFFFFFF  }
0xc5: {  	(tm) =	ssettm $0x7FFFFFFF  }
tec
execute0_lowered:
.L_overlay_start_1:
0x0: {  	(tag) =	ssettag $0x1  }
0x1: {  	s19 =	stileid.u32  }
0x2: {  	s1 =	srdreg.scid;
	s15 =	smul.u32 $0xC000, s19  }
0x3: {  	s9 =	sand.u32 $0x1, s1;
	s24 =	smul.u32 $0x1800, s19  }
0x4: {  	s20 =	sshll.u32 s19, $0x1;
	s11 =	sshll.u32 s19, $0x10;
	s19 =	smul.u32 $0x180, s19  }
0x5: {  	s6 =	rddreg [dreg:$0x0];
	s17 =	smul.u32 $0x6000, s9  }
0x6: {  	s0 =	rddreg [dreg:$0x2];
	s14 =	sor.u32 s9, s20;
	s20 =	smul.u32 $0xC0, s9  }
0x7: {  	s2 =	rddreg [dreg:$0x3];
	s3 =	simm.s32 $0x0;
	s12 =	smul.u32 $0xC0, s14  }
0x8: {  	[smem:$0x7FF] =	sst s3;
	s10 =	sadd.s32 $0x600, s0;
	s13 =	smul.u32 $0xC00, s14  }
0x9: {  	_ =	strace $0x80000047;
	s1 =	ssub.s32 $0x2, s9;
	s22 =	smul.u32 $0x6000, s14  }
0xa: {  	s7 =	sor.u32 $0x2000, s11;
	s18 =	sshrl.u32 s1, $0x1;
	s14 =	smul.u32 $0x18000, s14  }
0xb: {  	s16 =	ssub.s32 s1, s18;
	s15 =	sadd.s32 s17, s15;
	s26 =	sadd.s32 s20, s19  }
0xc: {  	s12 =	sshrl.u32 s12, $0x3;
	s21 =	sadd.s32 s10, s13;
	s15 =	sor.u32 $0x800, s15  }
0xd: {  	s20 =	sadd.s32 s6, s14;
	s18 =	sor.u32 $0x1, s12;
	[dreg:$0x12] =	wrdreg s21  }
0xe: {  	s12 =	sshrl.u32 s22, $0x3;
	s15 =	sshrl.u32 s15, $0x3;
	[dreg:$0x15] =	wrdreg s20  }
0xf: {  	s23 =	sshll.u32 s18, $0x7;
	s21 =	sadd.s32 s10, s12;
	s25 =	sadd.s32 s15, s10  }
0x10: {  	s15 =	sshll.u32 s26, $0x9;
	s26 =	sadd.s32 s7, s2;
	[dreg:$0x14] =	wrdreg s25  }
0x11: {  	s30 =	sshll.u32 s18, $0xC;
	s18 =	sadd.s32 $0xB00, s21;
	[dreg:$0x1e] =	wrdreg s26  }
0x12: {  	s19 =	sadd.s32 $0xB80, s21;
	[dreg:$0x17] =	wrdreg s18  }
0x13: {  	s21 =	smax.u32 s16, $0x1;
	[dreg:$0x18] =	wrdreg s19  }
0x14: {  	s13 =	sand.u32 $0x1FFFFC80, s23;
	s23 =	sadd.s32 s11, s2;
	[dreg:$0x19] =	wrdreg s21  }
0x15: {  	s0 =	sor.u32 $0x7000, s11;
	s25 =	sadd.s32 $0x10, s20;
	[dreg:$0x1b] =	wrdreg s23  }
0x16: {  	s17 =	sand.u32 $0x1FFF9000, s30;
	s30 =	sadd.s32 $0x20, s20;
	[dreg:$0x1d] =	wrdreg s25  }
0x17: {  	s26 =	sadd.s32 s0, s2;
	[dreg:$0x1f] =	wrdreg s30  }
0x18: {  	s13 =	sadd.s32 s10, s13;
	[smem:$0x7DD] =	sst s26  }
0x19: {  	s5 =	sor.u32 $0x1000, s11;
	s31 =	sadd.s32 s6, s17;
	[dreg:$0x13] =	wrdreg s13  }
0x1a: {  	s10 =	sadd.s32 s24, s10;
	s24 =	sadd.s32 s5, s2;
	[dreg:$0x16] =	wrdreg s31  }
0x1b: {  	s21 =	sadd.s32 $0x40, s20;
	[dreg:$0x1c] =	wrdreg s24  }
0x1c: {  	s23 =	sadd.s32 $0x50, s20;
	[smem:$0x7D8] =	sst s21  }
0x1d: {  	s25 =	sadd.s32 $0x60, s20;
	[smem:$0x7DA] =	sst s23  }
0x1e: {  	s8 =	sor.u32 $0x3000, s11;
	s30 =	sadd.s32 $0x70, s20;
	[smem:$0x7DC] =	sst s25  }
0x1f: {  	s6 =	sadd.s32 s15, s6;
	s26 =	sadd.s32 $0x1040, s20;
	[smem:$0x7DE] =	sst s30  }
0x20: {  	s4 =	sor.u32 $0x6000, s11;
	s17 =	sadd.s32 $0x5000, s6;
	[smem:$0x7E7] =	sst s26  }
0x21: {  	s9 =	smul.u32 $0xC00, s9;
	s6 =	sadd.s32 $0x4000, s6;
	[dreg:$0x5] =	wrdreg s17  }
0x22: {  	s1 =	sor.u32 $0x4000, s11;
	s31 =	sadd.s32 s8, s2;
	[dreg:$0x6] =	wrdreg s6  }
0x23: {  	s9 =	sadd.s32 s9, s10;
	s10 =	sadd.s32 s1, s2;
	[smem:$0x7D5] =	sst s31  }
0x24: {  	s14 =	sor.u32 $0xA000, s11;
	s24 =	sadd.s32 s4, s2;
	[smem:$0x7D7] =	sst s10  }
0x25: {  	s15 =	sor.u32 $0xB000, s11;
	s21 =	sadd.s32 s14, s2;
	[smem:$0x7DB] =	sst s24  }
0x26: {  	s19 =	sor.u32 $0xC000, s11;
	s23 =	sadd.s32 s15, s2;
	[smem:$0x7E2] =	sst s21  }
0x27: {  	s16 =	sor.u32 $0xD000, s11;
	s25 =	sadd.s32 s19, s2;
	[smem:$0x7E4] =	sst s23  }
0x28: {  	s30 =	sadd.s32 s16, s2;
	[smem:$0x7E6] =	sst s25  }
0x29: {  	s26 =	sadd.s32 $0x2030, s20;
	[smem:$0x7E8] =	sst s30  }
0x2a: {  	s22 =	sadd.s32 $0x180, s9;
	[smem:$0x7F1] =	sst s26  }
0x2b: {  	s12 =	sor.u32 $0x8000, s11;
	s9 =	sadd.s32 $0x30, s20;
	[dreg:$0x1a] =	wrdreg s22  }
0x2c: {  	s31 =	sadd.s32 s12, s2;
	[smem:$0x7D6] =	sst s9  }
0x2d: {  	s10 =	sadd.s32 $0x1010, s20;
	[smem:$0x7DF] =	sst s31  }
0x2e: {  	s18 =	sor.u32 $0xF000, s11;
	s24 =	sadd.s32 $0x1030, s20;
	[smem:$0x7E1] =	sst s10  }
0x2f: {  	s21 =	sadd.s32 s18, s2;
	[smem:$0x7E5] =	sst s24  }
0x30: {  	s23 =	sadd.s32 $0x2000, s20;
	[smem:$0x7EC] =	sst s21  }
0x31: {  	s25 =	sadd.s32 $0x2020, s20;
	[smem:$0x7EE] =	sst s23  }
0x32: {  	s30 =	sadd.s32 $0x2040, s20;
	[smem:$0x7F0] =	sst s25  }
0x33: {  	s3 =	sor.u32 $0x5000, s11;
	s26 =	sadd.s32 $0x3050, s20;
	[smem:$0x7F2] =	sst s30  }
0x34: {  	s13 =	sor.u32 $0x9000, s11;
	s22 =	sadd.s32 s3, s2;
	[smem:$0x7FB] =	sst s26  }
0x35: {  	s9 =	sadd.s32 s13, s2;
	[smem:$0x7D9] =	sst s22  }
0x36: {  	s31 =	sadd.s32 $0x1050, s20;
	[smem:$0x7E0] =	sst s9  }
0x37: {  	s10 =	sadd.s32 $0x1060, s20;
	[smem:$0x7E9] =	sst s31  }
0x38: {  	s24 =	sadd.s32 $0x2010, s20;
	[smem:$0x7EB] =	sst s10  }
0x39: {  	s21 =	sadd.s32 $0x3000, s20;
	[smem:$0x7EF] =	sst s24  }
0x3a: {  	s23 =	sadd.s32 $0x3020, s20;
	[smem:$0x7F6] =	sst s21  }
0x3b: {  	s25 =	sadd.s32 $0x3040, s20;
	[smem:$0x7F8] =	sst s23  }
0x3c: {  	s30 =	sadd.s32 $0x3060, s20;
	[smem:$0x7FA] =	sst s25  }
0x3d: {  	s17 =	sor.u32 $0xE000, s11;
	s22 =	sadd.s32 $0x1020, s20;
	[smem:$0x7FC] =	sst s30  }
0x3e: {  	s9 =	sadd.s32 s17, s2;
	[smem:$0x7E3] =	sst s22  }
0x3f: {  	s31 =	sadd.s32 $0x2050, s20;
	[smem:$0x7EA] =	sst s9  }
0x40: {  	s10 =	sadd.s32 $0x2070, s20;
	[smem:$0x7F3] =	sst s31  }
0x41: {  	s28 =	simm.s32 $0x3;
	v0 =	vmov s11;
	s24 =	sadd.s32 $0x3030, s20;
	[smem:$0x7F5] =	sst s10  }
0x42: {  	s29 =	simm.s32 $0x2;
	v1 =	vmov s5;
	v2 =	vmov s7;
	v3 =	vmov s8;
	s22 =	sadd.s32 $0x1070, s20;
	[smem:$0x7F9] =	sst s24  }
0x43: {  	v5 =	vmov s3;
	v6 =	vmov s4;
	v4 =	vmov s1;
	s1 =	simm.s32 $0x0;
	s9 =	sadd.s32 $0x2060, s20;
	[smem:$0x7ED] =	sst s22  }
0x44: {  	v7 =	vmov s0;
	v10 =	vmov s14;
	v8 =	vmov s12;
	s6 =	simm.s32 $0x1;
	s31 =	sadd.s32 $0x3070, s20;
	[smem:$0x7F4] =	sst s9  }
0x45: {  	v13 =	vmov s16;
	v11 =	vmov s15;
	v12 =	vmov s19;
	s10 =	simm.s32 $0x80;
	s22 =	sadd.s32 $0x3010, s20;
	[smem:$0x7FD] =	sst s31  }
0x46: {  	v15 =	vmov s18;
	v9 =	vmov s13;
	v14 =	vmov s17;
	s9 =	simm.s32 $0x10;
	s20 =	simm.s32 $0x4;
	[smem:$0x7F7] =	sst s22  }
.LBB2_1:
0x47: {  	[smem:$0x7D3] =	sst s1  }
0x48: {  	s0 =	rddreg [dreg:$0x1];
	s17 =	simm.s32 $0x0;
	s18 =	simm.s32 $0x7  }
0x49: {  	[tilespmem:s17], [sflag:$0x7] =	stream.linear.gather [hbm4b:s0+s17], $0x80, $0x38;
	[tilespmem:$0x11080] =	vst v63  }
0x4a: {  	_ =	swait.ge [sflag:s18], $0x80  }
0x4b: {  	[sflag:s18] =	ssyncset.done $0x0  }
0x4c: {  	[sflag:s18] =	ssyncadd.s32 $0xFFFFFF80  }
0x4d: {  	v16 =	vld [tilespmem:$0x0]  }
0x4e: {  	v17 =	vld [tilespmem:$0x10]  }
0x4f: {  	v18 =	vld [tilespmem:$0x20]  }
0x50: {  	v19 =	vld [tilespmem:$0x30]  }
0x51: {  	v20 =	vld [tilespmem:$0x40]  }
0x52: {  	v21 =	vld [tilespmem:$0x50];
	v16 =	vadd.s32 v0, v16  }
0x53: {  	[tilespmem:$0x80] =	vst v16;
	v16 =	vadd.s32 v0, v17;
	v17 =	vld [tilespmem:$0x60]  }
0x54: {  	v47 =	vld [tilespmem:$0x70];
	[tilespmem:$0x90] =	vst v16;
	v16 =	vadd.s32 v0, v18  }
0x55: {  	v48 =	vld [tilespmem:$0x0];
	[tilespmem:$0xA0] =	vst v16;
	v16 =	vadd.s32 v0, v19  }
0x56: {  	v49 =	vld [tilespmem:$0x10];
	[tilespmem:$0xB0] =	vst v16;
	v16 =	vadd.s32 v0, v20  }
0x57: {  	v50 =	vld [tilespmem:$0x20];
	[tilespmem:$0xC0] =	vst v16;
	v16 =	vadd.s32 v0, v21  }
0x58: {  	[tilespmem:$0xD0] =	vst v16;
	v16 =	vadd.s32 v0, v17;
	v17 =	vld [tilespmem:$0x30]  }
0x59: {  	v51 =	vld [tilespmem:$0x40];
	[tilespmem:$0xE0] =	vst v16;
	v16 =	vadd.s32 v0, v47  }
0x5a: {  	v52 =	vld [tilespmem:$0x50];
	[tilespmem:$0xF0] =	vst v16;
	v16 =	vadd.s32 v1, v48  }
0x5b: {  	v53 =	vld [tilespmem:$0x60];
	[tilespmem:$0x100] =	vst v16;
	v16 =	vadd.s32 v1, v49  }
0x5c: {  	v54 =	vld [tilespmem:$0x70];
	[tilespmem:$0x110] =	vst v16;
	v16 =	vadd.s32 v1, v50  }
0x5d: {  	[tilespmem:$0x120] =	vst v16;
	v16 =	vadd.s32 v1, v17;
	v17 =	vld [tilespmem:$0x0]  }
0x5e: {  	v55 =	vld [tilespmem:$0x10];
	[tilespmem:$0x130] =	vst v16;
	v16 =	vadd.s32 v1, v51  }
0x5f: {  	v56 =	vld [tilespmem:$0x20];
	[tilespmem:$0x140] =	vst v16;
	v16 =	vadd.s32 v1, v52  }
0x60: {  	v57 =	vld [tilespmem:$0x30];
	[tilespmem:$0x150] =	vst v16;
	v16 =	vadd.s32 v1, v53  }
0x61: {  	v58 =	vld [tilespmem:$0x40];
	[tilespmem:$0x160] =	vst v16;
	v16 =	vadd.s32 v1, v54  }
0x62: {  	[tilespmem:$0x170] =	vst v16;
	v16 =	vadd.s32 v2, v17;
	v17 =	vld [tilespmem:$0x50]  }
0x63: {  	v59 =	vld [tilespmem:$0x60];
	[tilespmem:$0x180] =	vst v16;
	v16 =	vadd.s32 v2, v55  }
0x64: {  	v60 =	vld [tilespmem:$0x70];
	[tilespmem:$0x190] =	vst v16;
	v16 =	vadd.s32 v2, v56  }
0x65: {  	v61 =	vld [tilespmem:$0x0];
	[tilespmem:$0x1A0] =	vst v16;
	v16 =	vadd.s32 v2, v57  }
0x66: {  	v62 =	vld [tilespmem:$0x10];
	[tilespmem:$0x1B0] =	vst v16;
	v16 =	vadd.s32 v2, v58  }
0x67: {  	[tilespmem:$0x1C0] =	vst v16;
	v16 =	vadd.s32 v2, v17;
	v17 =	vld [tilespmem:$0x20]  }
0x68: {  	v63 =	vld [tilespmem:$0x30];
	[tilespmem:$0x1D0] =	vst v16;
	v16 =	vadd.s32 v2, v59  }
0x69: {  	v24 =	vld [tilespmem:$0x40];
	[tilespmem:$0x1E0] =	vst v16;
	v16 =	vadd.s32 v2, v60  }
0x6a: {  	v25 =	vld [tilespmem:$0x50];
	[tilespmem:$0x1F0] =	vst v16;
	v16 =	vadd.s32 v3, v61  }
0x6b: {  	v26 =	vld [tilespmem:$0x60];
	[tilespmem:$0x200] =	vst v16;
	v16 =	vadd.s32 v3, v62  }
0x6c: {  	[tilespmem:$0x210] =	vst v16;
	v16 =	vadd.s32 v3, v17;
	v17 =	vld [tilespmem:$0x70]  }
0x6d: {  	v27 =	vld [tilespmem:$0x0];
	[tilespmem:$0x220] =	vst v16;
	v16 =	vadd.s32 v3, v63  }
0x6e: {  	v28 =	vld [tilespmem:$0x10];
	[tilespmem:$0x230] =	vst v16;
	v16 =	vadd.s32 v3, v24  }
0x6f: {  	v29 =	vld [tilespmem:$0x20];
	[tilespmem:$0x240] =	vst v16;
	v16 =	vadd.s32 v3, v25  }
0x70: {  	v30 =	vld [tilespmem:$0x30];
	[tilespmem:$0x250] =	vst v16;
	v16 =	vadd.s32 v3, v26  }
0x71: {  	[tilespmem:$0x260] =	vst v16;
	v16 =	vadd.s32 v3, v17;
	v17 =	vld [tilespmem:$0x40]  }
0x72: {  	v31 =	vld [tilespmem:$0x50];
	[tilespmem:$0x270] =	vst v16;
	v16 =	vadd.s32 v4, v27  }
0x73: {  	v32 =	vld [tilespmem:$0x60];
	[tilespmem:$0x280] =	vst v16;
	v16 =	vadd.s32 v4, v28  }
0x74: {  	v33 =	vld [tilespmem:$0x70];
	[tilespmem:$0x290] =	vst v16;
	v16 =	vadd.s32 v4, v29  }
0x75: {  	v34 =	vld [tilespmem:$0x0];
	[tilespmem:$0x2A0] =	vst v16;
	v16 =	vadd.s32 v4, v30  }
0x76: {  	[tilespmem:$0x2B0] =	vst v16;
	v16 =	vadd.s32 v4, v17;
	v17 =	vld [tilespmem:$0x10]  }
0x77: {  	v35 =	vld [tilespmem:$0x20];
	[tilespmem:$0x2C0] =	vst v16;
	v16 =	vadd.s32 v4, v31  }
0x78: {  	v36 =	vld [tilespmem:$0x30];
	[tilespmem:$0x2D0] =	vst v16;
	v16 =	vadd.s32 v4, v32  }
0x79: {  	v37 =	vld [tilespmem:$0x40];
	[tilespmem:$0x2E0] =	vst v16;
	v16 =	vadd.s32 v4, v33  }
0x7a: {  	v38 =	vld [tilespmem:$0x50];
	[tilespmem:$0x2F0] =	vst v16;
	v16 =	vadd.s32 v5, v34  }
0x7b: {  	[tilespmem:$0x300] =	vst v16;
	v16 =	vadd.s32 v5, v17;
	v17 =	vld [tilespmem:$0x60]  }
0x7c: {  	v39 =	vld [tilespmem:$0x70];
	[tilespmem:$0x310] =	vst v16;
	v16 =	vadd.s32 v5, v35  }
0x7d: {  	v40 =	vld [tilespmem:$0x0];
	[tilespmem:$0x320] =	vst v16;
	v16 =	vadd.s32 v5, v36  }
0x7e: {  	v41 =	vld [tilespmem:$0x10];
	[tilespmem:$0x330] =	vst v16;
	v16 =	vadd.s32 v5, v37  }
0x7f: {  	v42 =	vld [tilespmem:$0x20];
	[tilespmem:$0x340] =	vst v16;
	v16 =	vadd.s32 v5, v38  }
0x80: {  	[tilespmem:$0x350] =	vst v16;
	v16 =	vadd.s32 v5, v17;
	v17 =	vld [tilespmem:$0x30]  }
0x81: {  	v43 =	vld [tilespmem:$0x40];
	[tilespmem:$0x360] =	vst v16;
	v16 =	vadd.s32 v5, v39  }
0x82: {  	v44 =	vld [tilespmem:$0x50];
	[tilespmem:$0x370] =	vst v16;
	v16 =	vadd.s32 v6, v40  }
0x83: {  	v45 =	vld [tilespmem:$0x60];
	[tilespmem:$0x380] =	vst v16;
	v16 =	vadd.s32 v6, v41  }
0x84: {  	v46 =	vld [tilespmem:$0x70];
	[tilespmem:$0x390] =	vst v16;
	v16 =	vadd.s32 v6, v42  }
0x85: {  	[tilespmem:$0x3A0] =	vst v16;
	v16 =	vadd.s32 v6, v17;
	v17 =	vld [tilespmem:$0x0]  }
0x86: {  	v47 =	vld [tilespmem:$0x10];
	[tilespmem:$0x3B0] =	vst v16;
	v16 =	vadd.s32 v6, v43  }
0x87: {  	v48 =	vld [tilespmem:$0x20];
	[tilespmem:$0x3C0] =	vst v16;
	v16 =	vadd.s32 v6, v44  }
0x88: {  	v49 =	vld [tilespmem:$0x30];
	[tilespmem:$0x3D0] =	vst v16;
	v16 =	vadd.s32 v6, v45  }
0x89: {  	v50 =	vld [tilespmem:$0x40];
	[tilespmem:$0x3E0] =	vst v16;
	v16 =	vadd.s32 v6, v46  }
0x8a: {  	[tilespmem:$0x3F0] =	vst v16;
	v16 =	vadd.s32 v7, v17;
	v17 =	vld [tilespmem:$0x50]  }
0x8b: {  	v51 =	vld [tilespmem:$0x60];
	[tilespmem:$0x400] =	vst v16;
	v16 =	vadd.s32 v7, v47  }
0x8c: {  	v52 =	vld [tilespmem:$0x70];
	[tilespmem:$0x410] =	vst v16;
	v16 =	vadd.s32 v7, v48  }
0x8d: {  	v53 =	vld [tilespmem:$0x0];
	[tilespmem:$0x420] =	vst v16;
	v16 =	vadd.s32 v7, v49  }
0x8e: {  	v54 =	vld [tilespmem:$0x10];
	[tilespmem:$0x430] =	vst v16;
	v16 =	vadd.s32 v7, v50  }
0x8f: {  	[tilespmem:$0x440] =	vst v16;
	v16 =	vadd.s32 v7, v17;
	v17 =	vld [tilespmem:$0x20]  }
0x90: {  	v55 =	vld [tilespmem:$0x30];
	[tilespmem:$0x450] =	vst v16;
	v16 =	vadd.s32 v7, v51  }
0x91: {  	v56 =	vld [tilespmem:$0x40];
	[tilespmem:$0x460] =	vst v16;
	v16 =	vadd.s32 v7, v52  }
0x92: {  	v57 =	vld [tilespmem:$0x50];
	[tilespmem:$0x470] =	vst v16;
	v16 =	vadd.s32 v8, v53  }
0x93: {  	v58 =	vld [tilespmem:$0x60];
	[tilespmem:$0x480] =	vst v16;
	v16 =	vadd.s32 v8, v54  }
0x94: {  	[tilespmem:$0x490] =	vst v16;
	v16 =	vadd.s32 v8, v17;
	v17 =	vld [tilespmem:$0x70]  }
0x95: {  	v59 =	vld [tilespmem:$0x0];
	[tilespmem:$0x4A0] =	vst v16;
	v16 =	vadd.s32 v8, v55  }
0x96: {  	v60 =	vld [tilespmem:$0x10];
	[tilespmem:$0x4B0] =	vst v16;
	v16 =	vadd.s32 v8, v56  }
0x97: {  	v61 =	vld [tilespmem:$0x20];
	[tilespmem:$0x4C0] =	vst v16;
	v16 =	vadd.s32 v8, v57  }
0x98: {  	v62 =	vld [tilespmem:$0x30];
	[tilespmem:$0x4D0] =	vst v16;
	v16 =	vadd.s32 v8, v58  }
0x99: {  	[tilespmem:$0x4E0] =	vst v16;
	v16 =	vadd.s32 v8, v17;
	v17 =	vld [tilespmem:$0x40]  }
0x9a: {  	v63 =	vld [tilespmem:$0x50];
	[tilespmem:$0x4F0] =	vst v16;
	v16 =	vadd.s32 v9, v59  }
0x9b: {  	v24 =	vld [tilespmem:$0x60];
	[tilespmem:$0x500] =	vst v16;
	v16 =	vadd.s32 v9, v60  }
0x9c: {  	v25 =	vld [tilespmem:$0x70];
	[tilespmem:$0x510] =	vst v16;
	v16 =	vadd.s32 v9, v61  }
0x9d: {  	v26 =	vld [tilespmem:$0x0];
	[tilespmem:$0x520] =	vst v16;
	v16 =	vadd.s32 v9, v62  }
0x9e: {  	[tilespmem:$0x530] =	vst v16;
	v16 =	vadd.s32 v9, v17;
	v17 =	vld [tilespmem:$0x10]  }
0x9f: {  	v27 =	vld [tilespmem:$0x20];
	[tilespmem:$0x540] =	vst v16;
	v16 =	vadd.s32 v9, v63  }
0xa0: {  	v28 =	vld [tilespmem:$0x30];
	[tilespmem:$0x550] =	vst v16;
	v16 =	vadd.s32 v9, v24  }
0xa1: {  	v29 =	vld [tilespmem:$0x40];
	[tilespmem:$0x560] =	vst v16;
	v16 =	vadd.s32 v9, v25  }
0xa2: {  	v30 =	vld [tilespmem:$0x50];
	[tilespmem:$0x570] =	vst v16;
	v16 =	vadd.s32 v10, v26  }
0xa3: {  	[tilespmem:$0x580] =	vst v16;
	v16 =	vadd.s32 v10, v17;
	v17 =	vld [tilespmem:$0x60]  }
0xa4: {  	v31 =	vld [tilespmem:$0x70];
	[tilespmem:$0x590] =	vst v16;
	v16 =	vadd.s32 v10, v27  }
0xa5: {  	v32 =	vld [tilespmem:$0x0];
	[tilespmem:$0x5A0] =	vst v16;
	v16 =	vadd.s32 v10, v28  }
0xa6: {  	v33 =	vld [tilespmem:$0x10];
	[tilespmem:$0x5B0] =	vst v16;
	v16 =	vadd.s32 v10, v29  }
0xa7: {  	v34 =	vld [tilespmem:$0x20];
	[tilespmem:$0x5C0] =	vst v16;
	v16 =	vadd.s32 v10, v30  }
0xa8: {  	[tilespmem:$0x5D0] =	vst v16;
	v16 =	vadd.s32 v10, v17;
	v17 =	vld [tilespmem:$0x30]  }
0xa9: {  	v35 =	vld [tilespmem:$0x40];
	[tilespmem:$0x5E0] =	vst v16;
	v16 =	vadd.s32 v10, v31  }
0xaa: {  	v36 =	vld [tilespmem:$0x50];
	[tilespmem:$0x5F0] =	vst v16;
	v16 =	vadd.s32 v11, v32  }
0xab: {  	v37 =	vld [tilespmem:$0x60];
	[tilespmem:$0x600] =	vst v16;
	v16 =	vadd.s32 v11, v33  }
0xac: {  	v38 =	vld [tilespmem:$0x70];
	[tilespmem:$0x610] =	vst v16;
	v16 =	vadd.s32 v11, v34  }
0xad: {  	[tilespmem:$0x620] =	vst v16;
	v16 =	vadd.s32 v11, v17;
	v17 =	vld [tilespmem:$0x0]  }
0xae: {  	v39 =	vld [tilespmem:$0x10];
	[tilespmem:$0x630] =	vst v16;
	v16 =	vadd.s32 v11, v35  }
0xaf: {  	v40 =	vld [tilespmem:$0x20];
	[tilespmem:$0x640] =	vst v16;
	v16 =	vadd.s32 v11, v36  }
0xb0: {  	v41 =	vld [tilespmem:$0x30];
	[tilespmem:$0x650] =	vst v16;
	v16 =	vadd.s32 v11, v37  }
0xb1: {  	v42 =	vld [tilespmem:$0x40];
	[tilespmem:$0x660] =	vst v16;
	v16 =	vadd.s32 v11, v38  }
0xb2: {  	[tilespmem:$0x670] =	vst v16;
	v16 =	vadd.s32 v12, v17;
	v17 =	vld [tilespmem:$0x50]  }
0xb3: {  	v43 =	vld [tilespmem:$0x60];
	[tilespmem:$0x680] =	vst v16;
	v16 =	vadd.s32 v12, v39  }
0xb4: {  	v44 =	vld [tilespmem:$0x70];
	[tilespmem:$0x690] =	vst v16;
	v16 =	vadd.s32 v12, v40  }
0xb5: {  	v45 =	vld [tilespmem:$0x0];
	[tilespmem:$0x6A0] =	vst v16;
	v16 =	vadd.s32 v12, v41  }
0xb6: {  	v46 =	vld [tilespmem:$0x10];
	[tilespmem:$0x6B0] =	vst v16;
	v16 =	vadd.s32 v12, v42  }
0xb7: {  	[tilespmem:$0x6C0] =	vst v16;
	v16 =	vadd.s32 v12, v17;
	v17 =	vld [tilespmem:$0x20]  }
0xb8: {  	v47 =	vld [tilespmem:$0x30];
	[tilespmem:$0x6D0] =	vst v16;
	v16 =	vadd.s32 v12, v43  }
0xb9: {  	v48 =	vld [tilespmem:$0x40];
	[tilespmem:$0x6E0] =	vst v16;
	v16 =	vadd.s32 v12, v44  }
0xba: {  	v49 =	vld [tilespmem:$0x50];
	[tilespmem:$0x6F0] =	vst v16;
	v16 =	vadd.s32 v13, v45  }
0xbb: {  	v50 =	vld [tilespmem:$0x60];
	[tilespmem:$0x700] =	vst v16;
	v16 =	vadd.s32 v13, v46  }
0xbc: {  	[tilespmem:$0x710] =	vst v16;
	v16 =	vadd.s32 v13, v17;
	v17 =	vld [tilespmem:$0x70]  }
0xbd: {  	v51 =	vld [tilespmem:$0x0];
	[tilespmem:$0x720] =	vst v16;
	v16 =	vadd.s32 v13, v47  }
0xbe: {  	v52 =	vld [tilespmem:$0x10];
	[tilespmem:$0x730] =	vst v16;
	v16 =	vadd.s32 v13, v48  }
0xbf: {  	v53 =	vld [tilespmem:$0x20];
	[tilespmem:$0x740] =	vst v16;
	v16 =	vadd.s32 v13, v49  }
0xc0: {  	v54 =	vld [tilespmem:$0x30];
	[tilespmem:$0x750] =	vst v16;
	v16 =	vadd.s32 v13, v50  }
0xc1: {  	[tilespmem:$0x760] =	vst v16;
	v16 =	vadd.s32 v13, v17;
	v17 =	vld [tilespmem:$0x40]  }
0xc2: {  	v55 =	vld [tilespmem:$0x50];
	[tilespmem:$0x770] =	vst v16;
	v16 =	vadd.s32 v14, v51  }
0xc3: {  	v56 =	vld [tilespmem:$0x60];
	[tilespmem:$0x780] =	vst v16;
	v16 =	vadd.s32 v14, v52  }
0xc4: {  	v57 =	vld [tilespmem:$0x70];
	[tilespmem:$0x790] =	vst v16;
	v16 =	vadd.s32 v14, v53  }
0xc5: {  	v58 =	vld [tilespmem:$0x0];
	[tilespmem:$0x7A0] =	vst v16;
	v16 =	vadd.s32 v14, v54  }
0xc6: {  	[tilespmem:$0x7B0] =	vst v16;
	v16 =	vadd.s32 v14, v17;
	v17 =	vld [tilespmem:$0x10]  }
0xc7: {  	v59 =	vld [tilespmem:$0x20];
	[tilespmem:$0x7C0] =	vst v16;
	v16 =	vadd.s32 v14, v55  }
0xc8: {  	v60 =	vld [tilespmem:$0x30];
	[tilespmem:$0x7D0] =	vst v16;
	v16 =	vadd.s32 v14, v56  }
0xc9: {  	v61 =	vld [tilespmem:$0x40];
	[tilespmem:$0x7E0] =	vst v16;
	v16 =	vadd.s32 v14, v57  }
0xca: {  	v62 =	vld [tilespmem:$0x50];
	[tilespmem:$0x7F0] =	vst v16;
	v16 =	vadd.s32 v15, v58  }
0xcb: {  	[tilespmem:$0x800] =	vst v16;
	v16 =	vadd.s32 v15, v17;
	v17 =	vld [tilespmem:$0x60]  }
0xcc: {  	v63 =	vld [tilespmem:$0x70];
	[tilespmem:$0x810] =	vst v16;
	v16 =	vadd.s32 v15, v59  }
0xcd: {  	[tilespmem:$0x820] =	vst v16;
	v16 =	vadd.s32 v15, v60  }
0xce: {  	[tilespmem:$0x830] =	vst v16;
	v16 =	vadd.s32 v15, v61  }
0xcf: {  	[tilespmem:$0x840] =	vst v16;
	v16 =	vadd.s32 v15, v62  }
0xd0: {  	s19 =	stileid.u32;
	[tilespmem:$0x850] =	vst v16;
	v16 =	vadd.s32 v15, v17  }
0xd1: {  	s21 =	sshll.u32 s19, $0x6;
	s22 =	rddreg [dreg:$0x1b];
	[tilespmem:$0x860] =	vst v16;
	v16 =	vadd.s32 v15, v63  }
0xd2: {  	s23 =	sor.u32 $0x1C01, s21;
	s24 =	rddreg [dreg:$0x15];
	s18 =	sshrl.u32 s22, $0x3;
	[tilespmem:$0x870] =	vst v16  }
0xd3: {  	[spmem:s18@s9], [sflag:s23] =	dma.strided [hbm:s24@s10], $0x200, s6, $0x10   }
0xd4: {  	s0 =	rddreg [dreg:$0x1c]  }
0xd5: {  	s25 =	rddreg [dreg:$0x1d];
	s16 =	sshrl.u32 s0, $0x3  }
0xd6: {  	[spmem:s16@s9], [sflag:s23] =	dma.strided [hbm:s25@s10], $0x200, s6, $0x10   }
0xd7: {  	s0 =	rddreg [dreg:$0x1e]  }
0xd8: {  	s26 =	rddreg [dreg:$0x1f];
	s30 =	sshrl.u32 s0, $0x3  }
0xd9: {  	[spmem:s30@s9], [sflag:s23] =	dma.strided [hbm:s26@s10], $0x200, s6, $0x10   }
0xda: {  	s0 =	sld [smem:$0x7D5]  }
0xdb: {  	s3 =	sld [smem:$0x7D6];
	_ =	sdelay $0x1  }
0xdc: {  	s15 =	sshrl.u32 s0, $0x3  }
0xdd: {  	[spmem:s15@s9], [sflag:s23] =	dma.strided [hbm:s3@s10], $0x200, s6, $0x10   }
0xde: {  	s0 =	sld [smem:$0x7D7]  }
0xdf: {  	s4 =	sld [smem:$0x7D8];
	_ =	sdelay $0x1  }
0xe0: {  	s31 =	sshrl.u32 s0, $0x3  }
0xe1: {  	[spmem:s31@s9], [sflag:s23] =	dma.strided [hbm:s4@s10], $0x200, s6, $0x10   }
0xe2: {  	s0 =	sld [smem:$0x7D9]  }
0xe3: {  	s5 =	sld [smem:$0x7DA];
	_ =	sdelay $0x1  }
0xe4: {  	s12 =	sshrl.u32 s0, $0x3  }
0xe5: {  	[spmem:s12@s9], [sflag:s23] =	dma.strided [hbm:s5@s10], $0x200, s6, $0x10   }
0xe6: {  	s0 =	sld [smem:$0x7DB]  }
0xe7: {  	s7 =	sld [smem:$0x7DC];
	_ =	sdelay $0x1  }
0xe8: {  	s14 =	sshrl.u32 s0, $0x3  }
0xe9: {  	[spmem:s14@s9], [sflag:s23] =	dma.strided [hbm:s7@s10], $0x200, s6, $0x10   }
0xea: {  	s0 =	sld [smem:$0x7DD]  }
0xeb: {  	s8 =	sld [smem:$0x7DE];
	_ =	sdelay $0x1  }
0xec: {  	s13 =	sshrl.u32 s0, $0x3  }
0xed: {  	[spmem:s13@s9], [sflag:s23] =	dma.strided [hbm:s8@s10], $0x200, s6, $0x10   }
0xee: {  	s0 =	sld [smem:$0x7DF];
	_ =	sdelay $0x2  }
0xef: {  	s1 =	sor.u32 $0x1C02, s21;
	s11 =	rddreg [dreg:$0x16];
	s17 =	sshrl.u32 s0, $0x3  }
0xf0: {  	[spmem:s17@s9], [sflag:s1] =	dma.strided [hbm:s11@s10], $0x200, s6, $0x10   }
0xf1: {  	s0 =	sld [smem:$0x7E0]  }
0xf2: {  	s19 =	sld [smem:$0x7E1];
	_ =	sdelay $0x1  }
0xf3: {  	[smem:$0x7D4] =	sst s17;
	s24 =	sshrl.u32 s0, $0x3  }
0xf4: {  	[spmem:s24@s9], [sflag:s1] =	dma.strided [hbm:s19@s10], $0x200, s6, $0x10   }
0xf5: {  	s0 =	sld [smem:$0x7E2]  }
0xf6: {  	s21 =	sld [smem:$0x7E3];
	_ =	sdelay $0x1  }
0xf7: {  	s11 =	sshrl.u32 s0, $0x3  }
0xf8: {  	[spmem:s11@s9], [sflag:s1] =	dma.strided [hbm:s21@s10], $0x200, s6, $0x10   }
0xf9: {  	s0 =	sld [smem:$0x7E4]  }
0xfa: {  	s22 =	sld [smem:$0x7E5];
	_ =	sdelay $0x1  }
0xfb: {  	s8 =	sshrl.u32 s0, $0x3  }
0xfc: {  	[spmem:s8@s9], [sflag:s1] =	dma.strided [hbm:s22@s10], $0x200, s6, $0x10   }
0xfd: {  	s0 =	sld [smem:$0x7E6]  }
0xfe: {  	s25 =	sld [smem:$0x7E7];
	_ =	sdelay $0x1  }
0xff: {  	s7 =	sshrl.u32 s0, $0x3  }
0x100: {  	[spmem:s7@s9], [sflag:s1] =	dma.strided [hbm:s25@s10], $0x200, s6, $0x10   }
0x101: {  	s0 =	sld [smem:$0x7E8]  }
0x102: {  	s26 =	sld [smem:$0x7E9];
	_ =	sdelay $0x1  }
0x103: {  	s5 =	sshrl.u32 s0, $0x3  }
0x104: {  	[spmem:s5@s9], [sflag:s1] =	dma.strided [hbm:s26@s10], $0x200, s6, $0x10   }
0x105: {  	s0 =	sld [smem:$0x7EA]  }
0x106: {  	s3 =	sld [smem:$0x7EB];
	_ =	sdelay $0x1  }
0x107: {  	s4 =	sshrl.u32 s0, $0x3  }
0x108: {  	[spmem:s4@s9], [sflag:s1] =	dma.strided [hbm:s3@s10], $0x200, s6, $0x10   }
0x109: {  	s0 =	sld [smem:$0x7EC]  }
0x10a: {  	s19 =	sld [smem:$0x7ED];
	_ =	sdelay $0x1  }
0x10b: {  	s3 =	sshrl.u32 s0, $0x3  }
0x10c: {  	[spmem:s3@s9], [sflag:s1] =	dma.strided [hbm:s19@s10], $0x200, s6, $0x10   }
0x10d: {  	_ =	swait.ge [sflag:s6], $0x200  }
0x10e: {  	[sflag:s6] =	ssyncset.done $0x0  }
0x10f: {  	[sflag:s6] =	ssyncadd.s32 $0xFFFFFE00  }
0x110: {  	_ =	swait.ge [sflag:s6], $0x200  }
0x111: {  	[sflag:s6] =	ssyncset.done $0x0  }
0x112: {  	[sflag:s6] =	ssyncadd.s32 $0xFFFFFE00  }
0x113: {  	_ =	swait.ge [sflag:s6], $0x200  }
0x114: {  	[sflag:s6] =	ssyncset.done $0x0  }
0x115: {  	[sflag:s6] =	ssyncadd.s32 $0xFFFFFE00  }
0x116: {  	_ =	swait.ge [sflag:s6], $0x200  }
0x117: {  	[sflag:s6] =	ssyncset.done $0x0  }
0x118: {  	[sflag:s6] =	ssyncadd.s32 $0xFFFFFE00  }
0x119: {  	_ =	swait.ge [sflag:s6], $0x200  }
0x11a: {  	[sflag:s6] =	ssyncset.done $0x0  }
0x11b: {  	[sflag:s6] =	ssyncadd.s32 $0xFFFFFE00  }
0x11c: {  	_ =	swait.ge [sflag:s6], $0x200  }
0x11d: {  	[sflag:s6] =	ssyncset.done $0x0  }
0x11e: {  	[sflag:s6] =	ssyncadd.s32 $0xFFFFFE00  }
0x11f: {  	_ =	swait.ge [sflag:s6], $0x200  }
0x120: {  	[sflag:s6] =	ssyncset.done $0x0  }
0x121: {  	[sflag:s6] =	ssyncadd.s32 $0xFFFFFE00  }
0x122: {  	_ =	swait.ge [sflag:s6], $0x200  }
0x123: {  	[sflag:s6] =	ssyncset.done $0x0  }
0x124: {  	s21 =	simm.s32 $0x880;
	[sflag:s6] =	ssyncadd.s32 $0xFFFFFE00  }
0x125: {  	[tilespmem:s21], [sflag:$0x3] =	stream.indirect.gather [spmem:s2], $0x1, s10, s10, $0xb8;
	[tilespmem:$0x11080] =	vst v63  }
0x126: {  	s22 =	simm.s32 $0x100;
	s19 =	simm.s32 $0x900  }
0x127: {  	[tilespmem:s19], [sflag:$0x3] =	stream.indirect.gather [spmem:s2], $0x1, s22, s10, $0xb8;
	[tilespmem:$0x11080] =	vst v63  }
0x128: {  	s25 =	simm.s32 $0x180;
	s26 =	simm.s32 $0x980  }
0x129: {  	[tilespmem:s26], [sflag:$0x3] =	stream.indirect.gather [spmem:s2], $0x1, s25, s10, $0xb8;
	[tilespmem:$0x11080] =	vst v63  }
0x12a: {  	s19 =	simm.s32 $0x200;
	s22 =	simm.s32 $0xA00  }
0x12b: {  	[tilespmem:s22], [sflag:$0x3] =	stream.indirect.gather [spmem:s2], $0x1, s19, s10, $0xb8;
	[tilespmem:$0x11080] =	vst v63  }
0x12c: {  	s25 =	simm.s32 $0x280;
	s26 =	simm.s32 $0xA80  }
0x12d: {  	[tilespmem:s26], [sflag:$0x3] =	stream.indirect.gather [spmem:s2], $0x1, s25, s10, $0xb8;
	[tilespmem:$0x11080] =	vst v63  }
0x12e: {  	s19 =	simm.s32 $0x300;
	s26 =	simm.s32 $0xB00  }
0x12f: {  	[tilespmem:s26], [sflag:$0x3] =	stream.indirect.gather [spmem:s2], $0x1, s19, s10, $0xb8;
	[tilespmem:$0x11080] =	vst v63  }
0x130: {  	s22 =	simm.s32 $0x380;
	s25 =	simm.s32 $0xB80  }
0x131: {  	[tilespmem:s25], [sflag:$0x3] =	stream.indirect.gather [spmem:s2], $0x1, s22, s10, $0xb8;
	[tilespmem:$0x11080] =	vst v63  }
0x132: {  	s19 =	simm.s32 $0x400;
	s22 =	simm.s32 $0xC00  }
0x133: {  	[tilespmem:s22], [sflag:$0x3] =	stream.indirect.gather [spmem:s2], $0x1, s19, s10, $0xb8;
	[tilespmem:$0x11080] =	vst v63  }
0x134: {  	_ =	swait.ge [sflag:s28], $0x80  }
0x135: {  	[sflag:s28] =	ssyncset.done $0x0  }
0x136: {  	[sflag:s28] =	ssyncadd.s32 $0xFFFFFF80  }
0x137: {  	_ =	swait.ge [sflag:s28], $0x80  }
0x138: {  	[sflag:s28] =	ssyncset.done $0x0  }
0x139: {  	[sflag:s28] =	ssyncadd.s32 $0xFFFFFF80  }
0x13a: {  	_ =	swait.ge [sflag:s28], $0x80  }
0x13b: {  	[sflag:s28] =	ssyncset.done $0x0  }
0x13c: {  	[sflag:s28] =	ssyncadd.s32 $0xFFFFFF80  }
0x13d: {  	_ =	swait.ge [sflag:s28], $0x80  }
0x13e: {  	[sflag:s28] =	ssyncset.done $0x0  }
0x13f: {  	[sflag:s28] =	ssyncadd.s32 $0xFFFFFF80  }
0x140: {  	_ =	swait.ge [sflag:s28], $0x80  }
0x141: {  	[sflag:s28] =	ssyncset.done $0x0  }
0x142: {  	[sflag:s28] =	ssyncadd.s32 $0xFFFFFF80  }
0x143: {  	_ =	swait.ge [sflag:s28], $0x80  }
0x144: {  	[sflag:s28] =	ssyncset.done $0x0  }
0x145: {  	[sflag:s28] =	ssyncadd.s32 $0xFFFFFF80  }
0x146: {  	_ =	swait.ge [sflag:s28], $0x80  }
0x147: {  	[sflag:s28] =	ssyncset.done $0x0  }
0x148: {  	[sflag:s28] =	ssyncadd.s32 $0xFFFFFF80  }
0x149: {  	_ =	swait.ge [sflag:s28], $0x80  }
0x14a: {  	s19 =	sld [smem:$0x7EE]  }
0x14b: {  	[sflag:s28] =	ssyncset.done $0x0  }
0x14c: {  	[sflag:s28] =	ssyncadd.s32 $0xFFFFFF80  }
0x14d: {  	[spmem:s18@s9], [sflag:s23] =	dma.strided [hbm:s19@s10], $0x200, s6, $0x10   }
0x14e: {  	s0 =	sld [smem:$0x7EF];
	_ =	sdelay $0x2  }
0x14f: {  	[spmem:s16@s9], [sflag:s23] =	dma.strided [hbm:s0@s10], $0x200, s6, $0x10   }
0x150: {  	s0 =	sld [smem:$0x7F0];
	_ =	sdelay $0x2  }
0x151: {  	[spmem:s30@s9], [sflag:s23] =	dma.strided [hbm:s0@s10], $0x200, s6, $0x10   }
0x152: {  	s0 =	sld [smem:$0x7F1];
	_ =	sdelay $0x2  }
0x153: {  	[spmem:s15@s9], [sflag:s23] =	dma.strided [hbm:s0@s10], $0x200, s6, $0x10   }
0x154: {  	s0 =	sld [smem:$0x7F2];
	_ =	sdelay $0x2  }
0x155: {  	[spmem:s31@s9], [sflag:s23] =	dma.strided [hbm:s0@s10], $0x200, s6, $0x10   }
0x156: {  	s0 =	sld [smem:$0x7F3];
	_ =	sdelay $0x2  }
0x157: {  	[spmem:s12@s9], [sflag:s23] =	dma.strided [hbm:s0@s10], $0x200, s6, $0x10   }
0x158: {  	s0 =	sld [smem:$0x7F4];
	_ =	sdelay $0x2  }
0x159: {  	[spmem:s14@s9], [sflag:s23] =	dma.strided [hbm:s0@s10], $0x200, s6, $0x10   }
0x15a: {  	s0 =	sld [smem:$0x7F5];
	_ =	sdelay $0x2  }
0x15b: {  	[spmem:s13@s9], [sflag:s23] =	dma.strided [hbm:s0@s10], $0x200, s6, $0x10   }
0x15c: {  	s21 =	simm.s32 $0x880;
	s19 =	simm.s32 $0x0;
	s0 =	rddreg [dreg:$0x12]  }
0x15d: {  	[hbm4b:s0+s19] =	stream.linear.scatter [tilespmem:s21], [sflag:$0x5], $0x400, $0x38;
	[tilespmem:$0x11080] =	vst v63  }
0x15e: {  	_ =	swait.ge [sflag:s29], $0x200  }
0x15f: {  	[sflag:s29] =	ssyncset.done $0x0  }
0x160: {  	[sflag:s29] =	ssyncadd.s32 $0xFFFFFE00  }
0x161: {  	_ =	swait.ge [sflag:s29], $0x200  }
0x162: {  	[sflag:s29] =	ssyncset.done $0x0  }
0x163: {  	[sflag:s29] =	ssyncadd.s32 $0xFFFFFE00  }
0x164: {  	_ =	swait.ge [sflag:s29], $0x200  }
0x165: {  	[sflag:s29] =	ssyncset.done $0x0  }
0x166: {  	[sflag:s29] =	ssyncadd.s32 $0xFFFFFE00  }
0x167: {  	_ =	swait.ge [sflag:s29], $0x200  }
0x168: {  	[sflag:s29] =	ssyncset.done $0x0  }
0x169: {  	[sflag:s29] =	ssyncadd.s32 $0xFFFFFE00  }
0x16a: {  	_ =	swait.ge [sflag:s29], $0x200  }
0x16b: {  	[sflag:s29] =	ssyncset.done $0x0  }
0x16c: {  	[sflag:s29] =	ssyncadd.s32 $0xFFFFFE00  }
0x16d: {  	_ =	swait.ge [sflag:s29], $0x200  }
0x16e: {  	[sflag:s29] =	ssyncset.done $0x0  }
0x16f: {  	[sflag:s29] =	ssyncadd.s32 $0xFFFFFE00  }
0x170: {  	_ =	swait.ge [sflag:s29], $0x200  }
0x171: {  	[sflag:s29] =	ssyncset.done $0x0  }
0x172: {  	[sflag:s29] =	ssyncadd.s32 $0xFFFFFE00  }
0x173: {  	_ =	swait.ge [sflag:s29], $0x200  }
0x174: {  	[sflag:s29] =	ssyncset.done $0x0  }
0x175: {  	s22 =	simm.s32 $0xC80;
	s21 =	simm.s32 $0x480;
	[sflag:s29] =	ssyncadd.s32 $0xFFFFFE00  }
0x176: {  	[tilespmem:s22], [sflag:$0x4] =	stream.indirect.gather [spmem:s2], $0x1, s21, s10, $0xb8;
	[tilespmem:$0x11080] =	vst v63  }
0x177: {  	s0 =	simm.s32 $0x500;
	s21 =	simm.s32 $0xD00  }
0x178: {  	[tilespmem:s21], [sflag:$0x4] =	stream.indirect.gather [spmem:s2], $0x1, s0, s10, $0xb8;
	[tilespmem:$0x11080] =	vst v63  }
0x179: {  	s0 =	simm.s32 $0x580;
	s21 =	simm.s32 $0xD80  }
0x17a: {  	[tilespmem:s21], [sflag:$0x4] =	stream.indirect.gather [spmem:s2], $0x1, s0, s10, $0xb8;
	[tilespmem:$0x11080] =	vst v63  }
0x17b: {  	s0 =	simm.s32 $0x600;
	s21 =	simm.s32 $0xE00  }
0x17c: {  	[tilespmem:s21], [sflag:$0x4] =	stream.indirect.gather [spmem:s2], $0x1, s0, s10, $0xb8;
	[tilespmem:$0x11080] =	vst v63  }
0x17d: {  	s0 =	simm.s32 $0x680;
	s21 =	simm.s32 $0xE80  }
0x17e: {  	[tilespmem:s21], [sflag:$0x4] =	stream.indirect.gather [spmem:s2], $0x1, s0, s10, $0xb8;
	[tilespmem:$0x11080] =	vst v63  }
0x17f: {  	s0 =	simm.s32 $0x700;
	s21 =	simm.s32 $0xF00  }
0x180: {  	[tilespmem:s21], [sflag:$0x4] =	stream.indirect.gather [spmem:s2], $0x1, s0, s10, $0xb8;
	[tilespmem:$0x11080] =	vst v63  }
0x181: {  	s0 =	simm.s32 $0x780;
	s21 =	simm.s32 $0xF80  }
0x182: {  	[tilespmem:s21], [sflag:$0x4] =	stream.indirect.gather [spmem:s2], $0x1, s0, s10, $0xb8;
	[tilespmem:$0x11080] =	vst v63  }
0x183: {  	s0 =	simm.s32 $0x800;
	s21 =	simm.s32 $0x1000  }
0x184: {  	[tilespmem:s21], [sflag:$0x4] =	stream.indirect.gather [spmem:s2], $0x1, s0, s10, $0xb8;
	[tilespmem:$0x11080] =	vst v63  }
0x185: {  	_ =	swait.ge [sflag:s20], $0x80  }
0x186: {  	[sflag:s20] =	ssyncset.done $0x0  }
0x187: {  	[sflag:s20] =	ssyncadd.s32 $0xFFFFFF80  }
0x188: {  	_ =	swait.ge [sflag:s20], $0x80  }
0x189: {  	[sflag:s20] =	ssyncset.done $0x0  }
0x18a: {  	[sflag:s20] =	ssyncadd.s32 $0xFFFFFF80  }
0x18b: {  	_ =	swait.ge [sflag:s20], $0x80  }
0x18c: {  	[sflag:s20] =	ssyncset.done $0x0  }
0x18d: {  	[sflag:s20] =	ssyncadd.s32 $0xFFFFFF80  }
0x18e: {  	_ =	swait.ge [sflag:s20], $0x80  }
0x18f: {  	[sflag:s20] =	ssyncset.done $0x0  }
0x190: {  	[sflag:s20] =	ssyncadd.s32 $0xFFFFFF80  }
0x191: {  	_ =	swait.ge [sflag:s20], $0x80  }
0x192: {  	[sflag:s20] =	ssyncset.done $0x0  }
0x193: {  	[sflag:s20] =	ssyncadd.s32 $0xFFFFFF80  }
0x194: {  	_ =	swait.ge [sflag:s20], $0x80  }
0x195: {  	[sflag:s20] =	ssyncset.done $0x0  }
0x196: {  	[sflag:s20] =	ssyncadd.s32 $0xFFFFFF80  }
0x197: {  	_ =	swait.ge [sflag:s20], $0x80  }
0x198: {  	[sflag:s20] =	ssyncset.done $0x0  }
0x199: {  	[sflag:s20] =	ssyncadd.s32 $0xFFFFFF80  }
0x19a: {  	_ =	swait.ge [sflag:s20], $0x80  }
0x19b: {  	s21 =	sld [smem:$0x7F6]  }
0x19c: {  	[sflag:s20] =	ssyncset.done $0x0  }
0x19d: {  	[sflag:s20] =	ssyncadd.s32 $0xFFFFFF80  }
0x19e: {  	[spmem:s17@s9], [sflag:s1] =	dma.strided [hbm:s21@s10], $0x200, s6, $0x10   }
0x19f: {  	s0 =	sld [smem:$0x7F7];
	_ =	sdelay $0x2  }
0x1a0: {  	[spmem:s24@s9], [sflag:s1] =	dma.strided [hbm:s0@s10], $0x200, s6, $0x10   }
0x1a1: {  	s0 =	sld [smem:$0x7F8];
	_ =	sdelay $0x1  }
0x1a2: {  	[dreg:$0xc] =	wrdreg s11  }
0x1a3: {  	[spmem:s11@s9], [sflag:s1] =	dma.strided [hbm:s0@s10], $0x200, s6, $0x10   }
0x1a4: {  	s0 =	sld [smem:$0x7F9];
	_ =	sdelay $0x1  }
0x1a5: {  	[dreg:$0xd] =	wrdreg s8  }
0x1a6: {  	[spmem:s8@s9], [sflag:s1] =	dma.strided [hbm:s0@s10], $0x200, s6, $0x10   }
0x1a7: {  	s0 =	sld [smem:$0x7FA];
	_ =	sdelay $0x1  }
0x1a8: {  	[dreg:$0xe] =	wrdreg s7  }
0x1a9: {  	[spmem:s7@s9], [sflag:s1] =	dma.strided [hbm:s0@s10], $0x200, s6, $0x10   }
0x1aa: {  	s0 =	sld [smem:$0x7FB];
	_ =	sdelay $0x1  }
0x1ab: {  	[dreg:$0xf] =	wrdreg s5  }
0x1ac: {  	[spmem:s5@s9], [sflag:s1] =	dma.strided [hbm:s0@s10], $0x200, s6, $0x10   }
0x1ad: {  	s0 =	sld [smem:$0x7FC];
	_ =	sdelay $0x1  }
0x1ae: {  	[dreg:$0x10] =	wrdreg s4  }
0x1af: {  	[spmem:s4@s9], [sflag:s1] =	dma.strided [hbm:s0@s10], $0x200, s6, $0x10   }
0x1b0: {  	s0 =	sld [smem:$0x7FD];
	_ =	sdelay $0x1  }
0x1b1: {  	[dreg:$0x11] =	wrdreg s3  }
0x1b2: {  	[spmem:s3@s9], [sflag:s1] =	dma.strided [hbm:s0@s10], $0x200, s6, $0x10   }
0x1b3: {  	s22 =	simm.s32 $0xC80;
	s0 =	rddreg [dreg:$0x13]  }
0x1b4: {  	[hbm4b:s0+s19] =	stream.linear.scatter [tilespmem:s22], [sflag:$0x6], $0x400, $0x38;
	[tilespmem:$0x11080] =	vst v63  }
0x1b5: {  	_ =	swait.ge [sflag:s6], $0x200  }
0x1b6: {  	[sflag:s6] =	ssyncset.done $0x0  }
0x1b7: {  	[sflag:s6] =	ssyncadd.s32 $0xFFFFFE00  }
0x1b8: {  	_ =	swait.ge [sflag:s6], $0x200  }
0x1b9: {  	[sflag:s6] =	ssyncset.done $0x0  }
0x1ba: {  	[sflag:s6] =	ssyncadd.s32 $0xFFFFFE00  }
0x1bb: {  	_ =	swait.ge [sflag:s6], $0x200  }
0x1bc: {  	[sflag:s6] =	ssyncset.done $0x0  }
0x1bd: {  	[sflag:s6] =	ssyncadd.s32 $0xFFFFFE00  }
0x1be: {  	_ =	swait.ge [sflag:s6], $0x200  }
0x1bf: {  	[sflag:s6] =	ssyncset.done $0x0  }
0x1c0: {  	[sflag:s6] =	ssyncadd.s32 $0xFFFFFE00  }
0x1c1: {  	_ =	swait.ge [sflag:s6], $0x200  }
0x1c2: {  	[sflag:s6] =	ssyncset.done $0x0  }
0x1c3: {  	[sflag:s6] =	ssyncadd.s32 $0xFFFFFE00  }
0x1c4: {  	_ =	swait.ge [sflag:s6], $0x200  }
0x1c5: {  	[sflag:s6] =	ssyncset.done $0x0  }
0x1c6: {  	[sflag:s6] =	ssyncadd.s32 $0xFFFFFE00  }
0x1c7: {  	_ =	swait.ge [sflag:s6], $0x200  }
0x1c8: {  	[sflag:s6] =	ssyncset.done $0x0  }
0x1c9: {  	[sflag:s6] =	ssyncadd.s32 $0xFFFFFE00  }
0x1ca: {  	_ =	swait.ge [sflag:s6], $0x200  }
0x1cb: {  	[sflag:s6] =	ssyncset.done $0x0  }
0x1cc: {  	s21 =	simm.s32 $0x5;
	[sflag:s6] =	ssyncadd.s32 $0xFFFFFE00  }
0x1cd: {  	_ =	swait.ge [sflag:s21], $0x400  }
0x1ce: {  	[sflag:s21] =	ssyncset.done $0x0  }
0x1cf: {  	s4 =	simm.s32 $0x880;
	[sflag:s21] =	ssyncadd.s32 $0xFFFFFC00  }
0x1d0: {  	[tilespmem:s4], [sflag:$0x3] =	stream.indirect.gather [spmem:s2], $0x1, s10, s10, $0xb8;
	[tilespmem:$0x11080] =	vst v63  }
0x1d1: {  	s17 =	smov.u32 s24;
	s24 =	simm.s32 $0x900;
	s22 =	simm.s32 $0x100  }
0x1d2: {  	[tilespmem:s24], [sflag:$0x3] =	stream.indirect.gather [spmem:s2], $0x1, s22, s10, $0xb8;
	[tilespmem:$0x11080] =	vst v63  }
0x1d3: {  	s11 =	simm.s32 $0x980;
	s8 =	simm.s32 $0x180  }
0x1d4: {  	[tilespmem:s11], [sflag:$0x3] =	stream.indirect.gather [spmem:s2], $0x1, s8, s10, $0xb8;
	[tilespmem:$0x11080] =	vst v63  }
0x1d5: {  	s19 =	simm.s32 $0x200;
	s21 =	simm.s32 $0xA00  }
0x1d6: {  	[tilespmem:s21], [sflag:$0x3] =	stream.indirect.gather [spmem:s2], $0x1, s19, s10, $0xb8;
	[tilespmem:$0x11080] =	vst v63  }
0x1d7: {  	s22 =	simm.s32 $0x280;
	s24 =	simm.s32 $0xA80  }
0x1d8: {  	[tilespmem:s24], [sflag:$0x3] =	stream.indirect.gather [spmem:s2], $0x1, s22, s10, $0xb8;
	[tilespmem:$0x11080] =	vst v63  }
0x1d9: {  	s3 =	simm.s32 $0x300  }
0x1da: {  	[tilespmem:s26], [sflag:$0x3] =	stream.indirect.gather [spmem:s2], $0x1, s3, s10, $0xb8;
	[tilespmem:$0x11080] =	vst v63  }
0x1db: {  	s8 =	simm.s32 $0x380  }
0x1dc: {  	[tilespmem:s25], [sflag:$0x3] =	stream.indirect.gather [spmem:s2], $0x1, s8, s10, $0xb8;
	[tilespmem:$0x11080] =	vst v63  }
0x1dd: {  	s11 =	simm.s32 $0x400;
	s19 =	simm.s32 $0xC00  }
0x1de: {  	[tilespmem:s19], [sflag:$0x3] =	stream.indirect.gather [spmem:s2], $0x1, s11, s10, $0xb8;
	[tilespmem:$0x11080] =	vst v63  }
0x1df: {  	_ =	swait.ge [sflag:s28], $0x80  }
0x1e0: {  	[sflag:s28] =	ssyncset.done $0x0  }
0x1e1: {  	[sflag:s28] =	ssyncadd.s32 $0xFFFFFF80  }
0x1e2: {  	_ =	swait.ge [sflag:s28], $0x80  }
0x1e3: {  	[sflag:s28] =	ssyncset.done $0x0  }
0x1e4: {  	[sflag:s28] =	ssyncadd.s32 $0xFFFFFF80  }
0x1e5: {  	_ =	swait.ge [sflag:s28], $0x80  }
0x1e6: {  	[sflag:s28] =	ssyncset.done $0x0  }
0x1e7: {  	[sflag:s28] =	ssyncadd.s32 $0xFFFFFF80  }
0x1e8: {  	_ =	swait.ge [sflag:s28], $0x80  }
0x1e9: {  	[sflag:s28] =	ssyncset.done $0x0  }
0x1ea: {  	[sflag:s28] =	ssyncadd.s32 $0xFFFFFF80  }
0x1eb: {  	_ =	swait.ge [sflag:s28], $0x80  }
0x1ec: {  	[sflag:s28] =	ssyncset.done $0x0  }
0x1ed: {  	[sflag:s28] =	ssyncadd.s32 $0xFFFFFF80  }
0x1ee: {  	_ =	swait.ge [sflag:s28], $0x80  }
0x1ef: {  	[sflag:s28] =	ssyncset.done $0x0  }
0x1f0: {  	[sflag:s28] =	ssyncadd.s32 $0xFFFFFF80  }
0x1f1: {  	_ =	swait.ge [sflag:s28], $0x80  }
0x1f2: {  	[sflag:s28] =	ssyncset.done $0x0  }
0x1f3: {  	[sflag:s28] =	ssyncadd.s32 $0xFFFFFF80  }
0x1f4: {  	_ =	swait.ge [sflag:s28], $0x80  }
0x1f5: {  	s21 =	rddreg [dreg:$0x6];
	[sflag:s28] =	ssyncset.done $0x0  }
0x1f6: {  	[dreg:$0x7] =	wrdreg s18;
	s3 =	sadd.s32 $0x0, s21;
	[sflag:s28] =	ssyncadd.s32 $0xFFFFFF80  }
0x1f7: {  	[spmem:s18@s9], [sflag:s23] =	dma.strided [hbm:s3@s10], $0x200, s6, $0x10   }
0x1f8: {  	s22 =	sadd.s32 $0x10, s3;
	[dreg:$0x8] =	wrdreg s16  }
0x1f9: {  	[spmem:s16@s9], [sflag:s23] =	dma.strided [hbm:s22@s10], $0x200, s6, $0x10   }
0x1fa: {  	s19 =	sadd.s32 $0x40, s3;
	s8 =	sadd.s32 $0x20, s3;
	[dreg:$0x9] =	wrdreg s30  }
0x1fb: {  	[spmem:s30@s9], [sflag:s23] =	dma.strided [hbm:s8@s10], $0x200, s6, $0x10   }
0x1fc: {  	s21 =	sadd.s32 $0x60, s3;
	s24 =	sadd.s32 $0x30, s3;
	[dreg:$0xa] =	wrdreg s15  }
0x1fd: {  	[spmem:s15@s9], [sflag:s23] =	dma.strided [hbm:s24@s10], $0x200, s6, $0x10   }
0x1fe: {  	s25 =	sadd.s32 $0x50, s3;
	s0 =	sadd.s32 $0x70, s3;
	[dreg:$0xb] =	wrdreg s31  }
0x1ff: {  	[spmem:s31@s9], [sflag:s23] =	dma.strided [hbm:s19@s10], $0x200, s6, $0x10   }
0x200: {  	[spmem:s12@s9], [sflag:s23] =	dma.strided [hbm:s25@s10], $0x200, s6, $0x10   }
0x201: {  	[spmem:s14@s9], [sflag:s23] =	dma.strided [hbm:s21@s10], $0x200, s6, $0x10   }
0x202: {  	[spmem:s13@s9], [sflag:s23] =	dma.strided [hbm:s0@s10], $0x200, s6, $0x10   }
0x203: {  	s7 =	simm.s32 $0x0;
	s0 =	rddreg [dreg:$0x14]  }
0x204: {  	[hbm4b:s0+s7] =	stream.linear.scatter [tilespmem:s4], [sflag:$0x5], $0x400, $0x38;
	[tilespmem:$0x11080] =	vst v63  }
0x205: {  	_ =	swait.ge [sflag:s29], $0x200  }
0x206: {  	[sflag:s29] =	ssyncset.done $0x0  }
0x207: {  	[sflag:s29] =	ssyncadd.s32 $0xFFFFFE00  }
0x208: {  	_ =	swait.ge [sflag:s29], $0x200  }
0x209: {  	[sflag:s29] =	ssyncset.done $0x0  }
0x20a: {  	[sflag:s29] =	ssyncadd.s32 $0xFFFFFE00  }
0x20b: {  	_ =	swait.ge [sflag:s29], $0x200  }
0x20c: {  	[sflag:s29] =	ssyncset.done $0x0  }
0x20d: {  	[sflag:s29] =	ssyncadd.s32 $0xFFFFFE00  }
0x20e: {  	_ =	swait.ge [sflag:s29], $0x200  }
0x20f: {  	[sflag:s29] =	ssyncset.done $0x0  }
0x210: {  	[sflag:s29] =	ssyncadd.s32 $0xFFFFFE00  }
0x211: {  	_ =	swait.ge [sflag:s29], $0x200  }
0x212: {  	[sflag:s29] =	ssyncset.done $0x0  }
0x213: {  	[sflag:s29] =	ssyncadd.s32 $0xFFFFFE00  }
0x214: {  	_ =	swait.ge [sflag:s29], $0x200  }
0x215: {  	[sflag:s29] =	ssyncset.done $0x0  }
0x216: {  	[sflag:s29] =	ssyncadd.s32 $0xFFFFFE00  }
0x217: {  	_ =	swait.ge [sflag:s29], $0x200  }
0x218: {  	[sflag:s29] =	ssyncset.done $0x0  }
0x219: {  	[sflag:s29] =	ssyncadd.s32 $0xFFFFFE00  }
0x21a: {  	_ =	swait.ge [sflag:s29], $0x200  }
0x21b: {  	[sflag:s29] =	ssyncset.done $0x0  }
0x21c: {  	s19 =	simm.s32 $0x6;
	[sflag:s29] =	ssyncadd.s32 $0xFFFFFE00  }
0x21d: {  	_ =	swait.ge [sflag:s19], $0x400  }
0x21e: {  	[sflag:s19] =	ssyncset.done $0x0  }
0x21f: {  	s5 =	simm.s32 $0xC80;
	s21 =	simm.s32 $0x480;
	[sflag:s19] =	ssyncadd.s32 $0xFFFFFC00  }
0x220: {  	[tilespmem:s5], [sflag:$0x4] =	stream.indirect.gather [spmem:s2], $0x1, s21, s10, $0xb8;
	[tilespmem:$0x11080] =	vst v63  }
0x221: {  	s22 =	simm.s32 $0x500;
	s24 =	simm.s32 $0xD00  }
0x222: {  	[tilespmem:s24], [sflag:$0x4] =	stream.indirect.gather [spmem:s2], $0x1, s22, s10, $0xb8;
	[tilespmem:$0x11080] =	vst v63  }
0x223: {  	s26 =	simm.s32 $0xD80;
	s25 =	simm.s32 $0x580  }
0x224: {  	[tilespmem:s26], [sflag:$0x4] =	stream.indirect.gather [spmem:s2], $0x1, s25, s10, $0xb8;
	[tilespmem:$0x11080] =	vst v63  }
0x225: {  	s11 =	simm.s32 $0xE80;
	s7 =	simm.s32 $0xE00;
	s5 =	simm.s32 $0x600  }
0x226: {  	[tilespmem:s7], [sflag:$0x4] =	stream.indirect.gather [spmem:s2], $0x1, s5, s10, $0xb8;
	[tilespmem:$0x11080] =	vst v63  }
0x227: {  	s18 =	smov.u32 s12;
	s8 =	simm.s32 $0x680;
	s15 =	smov.u32 s13  }
0x228: {  	[tilespmem:s11], [sflag:$0x4] =	stream.indirect.gather [spmem:s2], $0x1, s8, s10, $0xb8;
	[tilespmem:$0x11080] =	vst v63  }
0x229: {  	s12 =	smov.u32 s14;
	s14 =	simm.s32 $0xF00;
	s13 =	simm.s32 $0x700  }
0x22a: {  	[tilespmem:s14], [sflag:$0x4] =	stream.indirect.gather [spmem:s2], $0x1, s13, s10, $0xb8;
	[tilespmem:$0x11080] =	vst v63  }
0x22b: {  	s16 =	simm.s32 $0x780;
	s19 =	simm.s32 $0xF80  }
0x22c: {  	[tilespmem:s19], [sflag:$0x4] =	stream.indirect.gather [spmem:s2], $0x1, s16, s10, $0xb8;
	[tilespmem:$0x11080] =	vst v63  }
0x22d: {  	s21 =	simm.s32 $0x800;
	s22 =	simm.s32 $0x1000  }
0x22e: {  	[tilespmem:s22], [sflag:$0x4] =	stream.indirect.gather [spmem:s2], $0x1, s21, s10, $0xb8;
	[tilespmem:$0x11080] =	vst v63  }
0x22f: {  	_ =	swait.ge [sflag:s20], $0x80  }
0x230: {  	[sflag:s20] =	ssyncset.done $0x0  }
0x231: {  	[sflag:s20] =	ssyncadd.s32 $0xFFFFFF80  }
0x232: {  	_ =	swait.ge [sflag:s20], $0x80  }
0x233: {  	[sflag:s20] =	ssyncset.done $0x0  }
0x234: {  	[sflag:s20] =	ssyncadd.s32 $0xFFFFFF80  }
0x235: {  	_ =	swait.ge [sflag:s20], $0x80  }
0x236: {  	[sflag:s20] =	ssyncset.done $0x0  }
0x237: {  	[sflag:s20] =	ssyncadd.s32 $0xFFFFFF80  }
0x238: {  	_ =	swait.ge [sflag:s20], $0x80  }
0x239: {  	[sflag:s20] =	ssyncset.done $0x0  }
0x23a: {  	[sflag:s20] =	ssyncadd.s32 $0xFFFFFF80  }
0x23b: {  	_ =	swait.ge [sflag:s20], $0x80  }
0x23c: {  	[sflag:s20] =	ssyncset.done $0x0  }
0x23d: {  	[sflag:s20] =	ssyncadd.s32 $0xFFFFFF80  }
0x23e: {  	_ =	swait.ge [sflag:s20], $0x80  }
0x23f: {  	[sflag:s20] =	ssyncset.done $0x0  }
0x240: {  	[sflag:s20] =	ssyncadd.s32 $0xFFFFFF80  }
0x241: {  	_ =	swait.ge [sflag:s20], $0x80  }
0x242: {  	[sflag:s20] =	ssyncset.done $0x0  }
0x243: {  	[sflag:s20] =	ssyncadd.s32 $0xFFFFFF80  }
0x244: {  	_ =	swait.ge [sflag:s20], $0x80  }
0x245: {  	s19 =	simm.s32 $0x2000;
	s24 =	rddreg [dreg:$0x5]  }
0x246: {  	[sflag:s20] =	ssyncset.done $0x0;
	s26 =	sld [smem:$0x7D4];
	s3 =	sadd.s32 $0x0, s24  }
0x247: {  	[sflag:s20] =	ssyncadd.s32 $0xFFFFFF80;
	s24 =	sadd.s32 $0x40, s3;
	s22 =	sadd.s32 $0x50, s3  }
0x248: {  	s25 =	sadd.s32 $0x10, s3;
	s21 =	sadd.s32 $0x20, s3;
	s30 =	sadd.s32 $0x30, s3  }
0x249: {  	[spmem:s26@s9], [sflag:s1] =	dma.strided [hbm:s3@s10], $0x200, s6, $0x10   }
0x24a: {  	[spmem:s17@s9], [sflag:s1] =	dma.strided [hbm:s25@s10], $0x200, s6, $0x10   }
0x24b: {  	s16 =	smov.u32 s26;
	s26 =	sadd.s32 $0x70, s3;
	s31 =	rddreg [dreg:$0x1a]  }
0x24c: {  	s25 =	sadd.s32 $0x60, s3;
	s3 =	sadd.s32 $0x100, s0;
	s11 =	sadd.s32 $0x100, s31  }
.LBB2_2:
0x24d: {  	s0 =	rddreg [dreg:$0xc]  }
0x24e: {  	[spmem:s0@s9], [sflag:s1] =	dma.strided [hbm:s21@s10], $0x200, s6, $0x10   }
0x24f: {  	s0 =	rddreg [dreg:$0xd]  }
0x250: {  	[spmem:s0@s9], [sflag:s1] =	dma.strided [hbm:s30@s10], $0x200, s6, $0x10   }
0x251: {  	s0 =	rddreg [dreg:$0xe]  }
0x252: {  	[spmem:s0@s9], [sflag:s1] =	dma.strided [hbm:s24@s10], $0x200, s6, $0x10   }
0x253: {  	s0 =	rddreg [dreg:$0xf]  }
0x254: {  	[spmem:s0@s9], [sflag:s1] =	dma.strided [hbm:s22@s10], $0x200, s6, $0x10   }
0x255: {  	s0 =	rddreg [dreg:$0x10]  }
0x256: {  	[spmem:s0@s9], [sflag:s1] =	dma.strided [hbm:s25@s10], $0x200, s6, $0x10   }
0x257: {  	s8 =	simm.s32 $0x0;
	s13 =	simm.s32 $0xC80;
	s0 =	rddreg [dreg:$0x11]  }
0x258: {  	[spmem:s0@s9], [sflag:s1] =	dma.strided [hbm:s26@s10], $0x200, s6, $0x10   }
0x259: {  	[hbm4b:s31+s8] =	stream.linear.scatter [tilespmem:s13], [sflag:$0x6], $0x400, $0x38;
	[tilespmem:$0x11080] =	vst v63  }
0x25a: {  	_ =	swait.ge [sflag:s6], $0x200  }
0x25b: {  	[sflag:s6] =	ssyncset.done $0x0  }
0x25c: {  	[sflag:s6] =	ssyncadd.s32 $0xFFFFFE00  }
0x25d: {  	_ =	swait.ge [sflag:s6], $0x200  }
0x25e: {  	[sflag:s6] =	ssyncset.done $0x0  }
0x25f: {  	[sflag:s6] =	ssyncadd.s32 $0xFFFFFE00  }
0x260: {  	_ =	swait.ge [sflag:s6], $0x200  }
0x261: {  	[sflag:s6] =	ssyncset.done $0x0  }
0x262: {  	[sflag:s6] =	ssyncadd.s32 $0xFFFFFE00  }
0x263: {  	_ =	swait.ge [sflag:s6], $0x200  }
0x264: {  	[sflag:s6] =	ssyncset.done $0x0  }
0x265: {  	[sflag:s6] =	ssyncadd.s32 $0xFFFFFE00  }
0x266: {  	_ =	swait.ge [sflag:s6], $0x200  }
0x267: {  	[sflag:s6] =	ssyncset.done $0x0  }
0x268: {  	[sflag:s6] =	ssyncadd.s32 $0xFFFFFE00  }
0x269: {  	_ =	swait.ge [sflag:s6], $0x200  }
0x26a: {  	[sflag:s6] =	ssyncset.done $0x0  }
0x26b: {  	[sflag:s6] =	ssyncadd.s32 $0xFFFFFE00  }
0x26c: {  	_ =	swait.ge [sflag:s6], $0x200  }
0x26d: {  	[sflag:s6] =	ssyncset.done $0x0  }
0x26e: {  	[sflag:s6] =	ssyncadd.s32 $0xFFFFFE00  }
0x26f: {  	_ =	swait.ge [sflag:s6], $0x200  }
0x270: {  	[sflag:s6] =	ssyncset.done $0x0  }
0x271: {  	s22 =	simm.s32 $0x5;
	[sflag:s6] =	ssyncadd.s32 $0xFFFFFE00  }
0x272: {  	_ =	swait.ge [sflag:s22], $0x400  }
0x273: {  	[sflag:s22] =	ssyncset.done $0x0  }
0x274: {  	s7 =	simm.s32 $0x880;
	[sflag:s22] =	ssyncadd.s32 $0xFFFFFC00  }
0x275: {  	[tilespmem:s7], [sflag:$0x3] =	stream.indirect.gather [spmem:s2], $0x1, s10, s10, $0xb8;
	[tilespmem:$0x11080] =	vst v63  }
0x276: {  	s4 =	simm.s32 $0x900;
	s24 =	simm.s32 $0x100  }
0x277: {  	[tilespmem:s4], [sflag:$0x3] =	stream.indirect.gather [spmem:s2], $0x1, s24, s10, $0xb8;
	[tilespmem:$0x11080] =	vst v63  }
0x278: {  	s25 =	simm.s32 $0x180;
	s26 =	simm.s32 $0x980  }
0x279: {  	[tilespmem:s26], [sflag:$0x3] =	stream.indirect.gather [spmem:s2], $0x1, s25, s10, $0xb8;
	[tilespmem:$0x11080] =	vst v63  }
0x27a: {  	s5 =	simm.s32 $0x200;
	s14 =	simm.s32 $0xA00  }
0x27b: {  	[tilespmem:s14], [sflag:$0x3] =	stream.indirect.gather [spmem:s2], $0x1, s5, s10, $0xb8;
	[tilespmem:$0x11080] =	vst v63  }
0x27c: {  	s22 =	simm.s32 $0x280;
	s24 =	simm.s32 $0xA80  }
0x27d: {  	[tilespmem:s24], [sflag:$0x3] =	stream.indirect.gather [spmem:s2], $0x1, s22, s10, $0xb8;
	[tilespmem:$0x11080] =	vst v63  }
0x27e: {  	s25 =	simm.s32 $0x300;
	s26 =	simm.s32 $0xB00  }
0x27f: {  	[tilespmem:s26], [sflag:$0x3] =	stream.indirect.gather [spmem:s2], $0x1, s25, s10, $0xb8;
	[tilespmem:$0x11080] =	vst v63  }
0x280: {  	s4 =	simm.s32 $0x380;
	s5 =	simm.s32 $0xB80  }
0x281: {  	[tilespmem:s5], [sflag:$0x3] =	stream.indirect.gather [spmem:s2], $0x1, s4, s10, $0xb8;
	[tilespmem:$0x11080] =	vst v63  }
0x282: {  	s14 =	simm.s32 $0x400;
	s22 =	simm.s32 $0xC00  }
0x283: {  	[tilespmem:s22], [sflag:$0x3] =	stream.indirect.gather [spmem:s2], $0x1, s14, s10, $0xb8;
	[tilespmem:$0x11080] =	vst v63  }
0x284: {  	_ =	swait.ge [sflag:s28], $0x80  }
0x285: {  	[sflag:s28] =	ssyncset.done $0x0  }
0x286: {  	[sflag:s28] =	ssyncadd.s32 $0xFFFFFF80  }
0x287: {  	_ =	swait.ge [sflag:s28], $0x80  }
0x288: {  	[sflag:s28] =	ssyncset.done $0x0  }
0x289: {  	[sflag:s28] =	ssyncadd.s32 $0xFFFFFF80  }
0x28a: {  	_ =	swait.ge [sflag:s28], $0x80  }
0x28b: {  	[sflag:s28] =	ssyncset.done $0x0  }
0x28c: {  	[sflag:s28] =	ssyncadd.s32 $0xFFFFFF80  }
0x28d: {  	_ =	swait.ge [sflag:s28], $0x80  }
0x28e: {  	[sflag:s28] =	ssyncset.done $0x0  }
0x28f: {  	[sflag:s28] =	ssyncadd.s32 $0xFFFFFF80  }
0x290: {  	_ =	swait.ge [sflag:s28], $0x80  }
0x291: {  	[sflag:s28] =	ssyncset.done $0x0  }
0x292: {  	[sflag:s28] =	ssyncadd.s32 $0xFFFFFF80  }
0x293: {  	_ =	swait.ge [sflag:s28], $0x80  }
0x294: {  	[sflag:s28] =	ssyncset.done $0x0  }
0x295: {  	[sflag:s28] =	ssyncadd.s32 $0xFFFFFF80  }
0x296: {  	_ =	swait.ge [sflag:s28], $0x80  }
0x297: {  	[sflag:s28] =	ssyncset.done $0x0  }
0x298: {  	[sflag:s28] =	ssyncadd.s32 $0xFFFFFF80  }
0x299: {  	_ =	swait.ge [sflag:s28], $0x80  }
0x29a: {  	s21 =	smov.u32 s19;
	[sflag:s28] =	ssyncset.done $0x0;
	s24 =	rddreg [dreg:$0x6]  }
0x29b: {  	s14 =	rddreg [dreg:$0x7];
	[sflag:s28] =	ssyncadd.s32 $0xFFFFFF80;
	s22 =	sadd.s32 s21, s24  }
0x29c: {  	[spmem:s14@s9], [sflag:s23] =	dma.strided [hbm:s22@s10], $0x200, s6, $0x10   }
0x29d: {  	s24 =	sadd.s32 $0x10, s22;
	s14 =	rddreg [dreg:$0x8]  }
0x29e: {  	[spmem:s14@s9], [sflag:s23] =	dma.strided [hbm:s24@s10], $0x200, s6, $0x10   }
0x29f: {  	s25 =	sadd.s32 $0x40, s22;
	s5 =	sadd.s32 $0x20, s22;
	s14 =	rddreg [dreg:$0x9]  }
0x2a0: {  	[spmem:s14@s9], [sflag:s23] =	dma.strided [hbm:s5@s10], $0x200, s6, $0x10   }
0x2a1: {  	s26 =	sadd.s32 $0x60, s22;
	s30 =	sadd.s32 $0x30, s22;
	s5 =	rddreg [dreg:$0xa]  }
0x2a2: {  	[spmem:s5@s9], [sflag:s23] =	dma.strided [hbm:s30@s10], $0x200, s6, $0x10   }
0x2a3: {  	s0 =	sadd.s32 $0x50, s22;
	s4 =	sadd.s32 $0x70, s22;
	s5 =	rddreg [dreg:$0xb]  }
0x2a4: {  	[spmem:s5@s9], [sflag:s23] =	dma.strided [hbm:s25@s10], $0x200, s6, $0x10   }
0x2a5: {  	[spmem:s18@s9], [sflag:s23] =	dma.strided [hbm:s0@s10], $0x200, s6, $0x10   }
0x2a6: {  	[spmem:s12@s9], [sflag:s23] =	dma.strided [hbm:s26@s10], $0x200, s6, $0x10   }
0x2a7: {  	[spmem:s15@s9], [sflag:s23] =	dma.strided [hbm:s4@s10], $0x200, s6, $0x10   }
0x2a8: {  	[hbm4b:s3+s8] =	stream.linear.scatter [tilespmem:s7], [sflag:$0x5], $0x400, $0x38;
	[tilespmem:$0x11080] =	vst v63  }
0x2a9: {  	_ =	swait.ge [sflag:s29], $0x200  }
0x2aa: {  	[sflag:s29] =	ssyncset.done $0x0  }
0x2ab: {  	[sflag:s29] =	ssyncadd.s32 $0xFFFFFE00  }
0x2ac: {  	_ =	swait.ge [sflag:s29], $0x200  }
0x2ad: {  	[sflag:s29] =	ssyncset.done $0x0  }
0x2ae: {  	[sflag:s29] =	ssyncadd.s32 $0xFFFFFE00  }
0x2af: {  	_ =	swait.ge [sflag:s29], $0x200  }
0x2b0: {  	[sflag:s29] =	ssyncset.done $0x0  }
0x2b1: {  	[sflag:s29] =	ssyncadd.s32 $0xFFFFFE00  }
0x2b2: {  	_ =	swait.ge [sflag:s29], $0x200  }
0x2b3: {  	[sflag:s29] =	ssyncset.done $0x0  }
0x2b4: {  	[sflag:s29] =	ssyncadd.s32 $0xFFFFFE00  }
0x2b5: {  	_ =	swait.ge [sflag:s29], $0x200  }
0x2b6: {  	[sflag:s29] =	ssyncset.done $0x0  }
0x2b7: {  	[sflag:s29] =	ssyncadd.s32 $0xFFFFFE00  }
0x2b8: {  	_ =	swait.ge [sflag:s29], $0x200  }
0x2b9: {  	[sflag:s29] =	ssyncset.done $0x0  }
0x2ba: {  	[sflag:s29] =	ssyncadd.s32 $0xFFFFFE00  }
0x2bb: {  	_ =	swait.ge [sflag:s29], $0x200  }
0x2bc: {  	[sflag:s29] =	ssyncset.done $0x0  }
0x2bd: {  	[sflag:s29] =	ssyncadd.s32 $0xFFFFFE00  }
0x2be: {  	_ =	swait.ge [sflag:s29], $0x200  }
0x2bf: {  	[sflag:s29] =	ssyncset.done $0x0  }
0x2c0: {  	s25 =	simm.s32 $0x6;
	[sflag:s29] =	ssyncadd.s32 $0xFFFFFE00  }
0x2c1: {  	_ =	swait.ge [sflag:s25], $0x400  }
0x2c2: {  	[sflag:s25] =	ssyncset.done $0x0  }
0x2c3: {  	s26 =	simm.s32 $0x480;
	[sflag:s25] =	ssyncadd.s32 $0xFFFFFC00  }
0x2c4: {  	[tilespmem:s13], [sflag:$0x4] =	stream.indirect.gather [spmem:s2], $0x1, s26, s10, $0xb8;
	[tilespmem:$0x11080] =	vst v63  }
0x2c5: {  	s5 =	simm.s32 $0xD00;
	s4 =	simm.s32 $0x500  }
0x2c6: {  	[tilespmem:s5], [sflag:$0x4] =	stream.indirect.gather [spmem:s2], $0x1, s4, s10, $0xb8;
	[tilespmem:$0x11080] =	vst v63  }
0x2c7: {  	s7 =	simm.s32 $0x580;
	s8 =	simm.s32 $0xD80  }
0x2c8: {  	[tilespmem:s8], [sflag:$0x4] =	stream.indirect.gather [spmem:s2], $0x1, s7, s10, $0xb8;
	[tilespmem:$0x11080] =	vst v63  }
0x2c9: {  	s14 =	simm.s32 $0xE00;
	s13 =	simm.s32 $0x600  }
0x2ca: {  	[tilespmem:s14], [sflag:$0x4] =	stream.indirect.gather [spmem:s2], $0x1, s13, s10, $0xb8;
	[tilespmem:$0x11080] =	vst v63  }
0x2cb: {  	s22 =	simm.s32 $0x680;
	s24 =	simm.s32 $0xE80  }
0x2cc: {  	[tilespmem:s24], [sflag:$0x4] =	stream.indirect.gather [spmem:s2], $0x1, s22, s10, $0xb8;
	[tilespmem:$0x11080] =	vst v63  }
0x2cd: {  	s25 =	simm.s32 $0x700;
	s26 =	simm.s32 $0xF00  }
0x2ce: {  	[tilespmem:s26], [sflag:$0x4] =	stream.indirect.gather [spmem:s2], $0x1, s25, s10, $0xb8;
	[tilespmem:$0x11080] =	vst v63  }
0x2cf: {  	s4 =	simm.s32 $0x780;
	s5 =	simm.s32 $0xF80  }
0x2d0: {  	[tilespmem:s5], [sflag:$0x4] =	stream.indirect.gather [spmem:s2], $0x1, s4, s10, $0xb8;
	[tilespmem:$0x11080] =	vst v63  }
0x2d1: {  	s7 =	simm.s32 $0x800;
	s8 =	simm.s32 $0x1000  }
0x2d2: {  	[tilespmem:s8], [sflag:$0x4] =	stream.indirect.gather [spmem:s2], $0x1, s7, s10, $0xb8;
	[tilespmem:$0x11080] =	vst v63  }
0x2d3: {  	_ =	swait.ge [sflag:s20], $0x80  }
0x2d4: {  	[sflag:s20] =	ssyncset.done $0x0  }
0x2d5: {  	[sflag:s20] =	ssyncadd.s32 $0xFFFFFF80  }
0x2d6: {  	_ =	swait.ge [sflag:s20], $0x80  }
0x2d7: {  	[sflag:s20] =	ssyncset.done $0x0  }
0x2d8: {  	[sflag:s20] =	ssyncadd.s32 $0xFFFFFF80  }
0x2d9: {  	_ =	swait.ge [sflag:s20], $0x80  }
0x2da: {  	[sflag:s20] =	ssyncset.done $0x0  }
0x2db: {  	[sflag:s20] =	ssyncadd.s32 $0xFFFFFF80  }
0x2dc: {  	_ =	swait.ge [sflag:s20], $0x80  }
0x2dd: {  	[sflag:s20] =	ssyncset.done $0x0  }
0x2de: {  	[sflag:s20] =	ssyncadd.s32 $0xFFFFFF80  }
0x2df: {  	_ =	swait.ge [sflag:s20], $0x80  }
0x2e0: {  	[sflag:s20] =	ssyncset.done $0x0  }
0x2e1: {  	[sflag:s20] =	ssyncadd.s32 $0xFFFFFF80  }
0x2e2: {  	_ =	swait.ge [sflag:s20], $0x80  }
0x2e3: {  	[sflag:s20] =	ssyncset.done $0x0  }
0x2e4: {  	[sflag:s20] =	ssyncadd.s32 $0xFFFFFF80  }
0x2e5: {  	_ =	swait.ge [sflag:s20], $0x80  }
0x2e6: {  	[sflag:s20] =	ssyncset.done $0x0  }
0x2e7: {  	[sflag:s20] =	ssyncadd.s32 $0xFFFFFF80  }
0x2e8: {  	p0 =	sne.s32 s19, $0x12000;
	s19 =	sadd.s32 $0x2000, s19;
	_ =	swait.ge [sflag:s20], $0x80  }
0x2e9: {  	s31 =	smov.u32 s11;
	s11 =	sadd.s32 $0x100, s11;
	s13 =	rddreg [dreg:$0x5]  }
0x2ea: {  	s3 =	sadd.s32 $0x100, s3;
	[sflag:s20] =	ssyncset.done $0x0;
	s0 =	sadd.s32 s21, s13  }
.Ltmp0:
0x2eb: {  	[sflag:s20] =	ssyncadd.s32 $0xFFFFFF80;
	s24 =	sadd.s32 $0x40, s0;
	(pc) =	sbr.rel @p0 .LBB2_2-.Ltmp0, $4  }
0x2ec: {  	s22 =	sadd.s32 $0x50, s0;
	s25 =	sadd.s32 $0x60, s0;
	s14 =	sadd.s32 $0x10, s0  }
0x2ed: {  	s21 =	sadd.s32 $0x20, s0;
	s30 =	sadd.s32 $0x30, s0;
	s26 =	sadd.s32 $0x70, s0  }
0x2ee: {  	[spmem:s16@s9], [sflag:s1] =	dma.strided [hbm:s0@s10], $0x200, s6, $0x10   }
0x2ef: {  	[spmem:s17@s9], [sflag:s1] =	dma.strided [hbm:s14@s10], $0x200, s6, $0x10   }
0x2f0: {  	s0 =	rddreg [dreg:$0xc]  }
0x2f1: {  	[spmem:s0@s9], [sflag:s1] =	dma.strided [hbm:s21@s10], $0x200, s6, $0x10   }
0x2f2: {  	s0 =	rddreg [dreg:$0xd]  }
0x2f3: {  	[spmem:s0@s9], [sflag:s1] =	dma.strided [hbm:s30@s10], $0x200, s6, $0x10   }
0x2f4: {  	s0 =	rddreg [dreg:$0xe]  }
0x2f5: {  	[spmem:s0@s9], [sflag:s1] =	dma.strided [hbm:s24@s10], $0x200, s6, $0x10   }
0x2f6: {  	s0 =	rddreg [dreg:$0xf]  }
0x2f7: {  	[spmem:s0@s9], [sflag:s1] =	dma.strided [hbm:s22@s10], $0x200, s6, $0x10   }
0x2f8: {  	s0 =	rddreg [dreg:$0x10]  }
0x2f9: {  	[spmem:s0@s9], [sflag:s1] =	dma.strided [hbm:s25@s10], $0x200, s6, $0x10   }
0x2fa: {  	s0 =	rddreg [dreg:$0x11]  }
0x2fb: {  	[spmem:s0@s9], [sflag:s1] =	dma.strided [hbm:s26@s10], $0x200, s6, $0x10   }
0x2fc: {  	s5 =	simm.s32 $0xC80;
	s0 =	simm.s32 $0x0  }
0x2fd: {  	[hbm4b:s31+s0] =	stream.linear.scatter [tilespmem:s5], [sflag:$0x6], $0x400, $0x38;
	[tilespmem:$0x11080] =	vst v63  }
0x2fe: {  	_ =	swait.ge [sflag:s6], $0x200  }
0x2ff: {  	[sflag:s6] =	ssyncset.done $0x0  }
0x300: {  	[sflag:s6] =	ssyncadd.s32 $0xFFFFFE00  }
0x301: {  	_ =	swait.ge [sflag:s6], $0x200  }
0x302: {  	[sflag:s6] =	ssyncset.done $0x0  }
0x303: {  	[sflag:s6] =	ssyncadd.s32 $0xFFFFFE00  }
0x304: {  	_ =	swait.ge [sflag:s6], $0x200  }
0x305: {  	[sflag:s6] =	ssyncset.done $0x0  }
0x306: {  	[sflag:s6] =	ssyncadd.s32 $0xFFFFFE00  }
0x307: {  	_ =	swait.ge [sflag:s6], $0x200  }
0x308: {  	[sflag:s6] =	ssyncset.done $0x0  }
0x309: {  	[sflag:s6] =	ssyncadd.s32 $0xFFFFFE00  }
0x30a: {  	_ =	swait.ge [sflag:s6], $0x200  }
0x30b: {  	[sflag:s6] =	ssyncset.done $0x0  }
0x30c: {  	[sflag:s6] =	ssyncadd.s32 $0xFFFFFE00  }
0x30d: {  	_ =	swait.ge [sflag:s6], $0x200  }
0x30e: {  	[sflag:s6] =	ssyncset.done $0x0  }
0x30f: {  	[sflag:s6] =	ssyncadd.s32 $0xFFFFFE00  }
0x310: {  	_ =	swait.ge [sflag:s6], $0x200  }
0x311: {  	[sflag:s6] =	ssyncset.done $0x0  }
0x312: {  	[sflag:s6] =	ssyncadd.s32 $0xFFFFFE00  }
0x313: {  	_ =	swait.ge [sflag:s6], $0x200  }
0x314: {  	[sflag:s6] =	ssyncset.done $0x0  }
0x315: {  	s7 =	simm.s32 $0x5;
	[sflag:s6] =	ssyncadd.s32 $0xFFFFFE00  }
0x316: {  	_ =	swait.ge [sflag:s7], $0x400  }
0x317: {  	[sflag:s7] =	ssyncset.done $0x0  }
0x318: {  	s3 =	simm.s32 $0x880;
	[sflag:s7] =	ssyncadd.s32 $0xFFFFFC00  }
0x319: {  	[tilespmem:s3], [sflag:$0x3] =	stream.indirect.gather [spmem:s2], $0x1, s10, s10, $0xb8;
	[tilespmem:$0x11080] =	vst v63  }
0x31a: {  	s15 =	simm.s32 $0x100;
	s4 =	simm.s32 $0x900  }
0x31b: {  	[tilespmem:s4], [sflag:$0x3] =	stream.indirect.gather [spmem:s2], $0x1, s15, s10, $0xb8;
	[tilespmem:$0x11080] =	vst v63  }
0x31c: {  	s16 =	simm.s32 $0x180;
	s17 =	simm.s32 $0x980  }
0x31d: {  	[tilespmem:s17], [sflag:$0x3] =	stream.indirect.gather [spmem:s2], $0x1, s16, s10, $0xb8;
	[tilespmem:$0x11080] =	vst v63  }
0x31e: {  	s18 =	simm.s32 $0x200;
	s19 =	simm.s32 $0xA00  }
0x31f: {  	[tilespmem:s19], [sflag:$0x3] =	stream.indirect.gather [spmem:s2], $0x1, s18, s10, $0xb8;
	[tilespmem:$0x11080] =	vst v63  }
0x320: {  	s21 =	simm.s32 $0x280;
	s22 =	simm.s32 $0xA80  }
0x321: {  	[tilespmem:s22], [sflag:$0x3] =	stream.indirect.gather [spmem:s2], $0x1, s21, s10, $0xb8;
	[tilespmem:$0x11080] =	vst v63  }
0x322: {  	s23 =	simm.s32 $0x300;
	s24 =	simm.s32 $0xB00  }
0x323: {  	[tilespmem:s24], [sflag:$0x3] =	stream.indirect.gather [spmem:s2], $0x1, s23, s10, $0xb8;
	[tilespmem:$0x11080] =	vst v63  }
0x324: {  	s25 =	simm.s32 $0x380;
	s26 =	simm.s32 $0xB80  }
0x325: {  	[tilespmem:s26], [sflag:$0x3] =	stream.indirect.gather [spmem:s2], $0x1, s25, s10, $0xb8;
	[tilespmem:$0x11080] =	vst v63  }
0x326: {  	s30 =	simm.s32 $0x400;
	s31 =	simm.s32 $0xC00  }
0x327: {  	[tilespmem:s31], [sflag:$0x3] =	stream.indirect.gather [spmem:s2], $0x1, s30, s10, $0xb8;
	[tilespmem:$0x11080] =	vst v63  }
0x328: {  	_ =	swait.ge [sflag:s28], $0x80  }
0x329: {  	[sflag:s28] =	ssyncset.done $0x0  }
0x32a: {  	[sflag:s28] =	ssyncadd.s32 $0xFFFFFF80  }
0x32b: {  	_ =	swait.ge [sflag:s28], $0x80  }
0x32c: {  	[sflag:s28] =	ssyncset.done $0x0  }
0x32d: {  	[sflag:s28] =	ssyncadd.s32 $0xFFFFFF80  }
0x32e: {  	_ =	swait.ge [sflag:s28], $0x80  }
0x32f: {  	[sflag:s28] =	ssyncset.done $0x0  }
0x330: {  	[sflag:s28] =	ssyncadd.s32 $0xFFFFFF80  }
0x331: {  	_ =	swait.ge [sflag:s28], $0x80  }
0x332: {  	[sflag:s28] =	ssyncset.done $0x0  }
0x333: {  	[sflag:s28] =	ssyncadd.s32 $0xFFFFFF80  }
0x334: {  	_ =	swait.ge [sflag:s28], $0x80  }
0x335: {  	[sflag:s28] =	ssyncset.done $0x0  }
0x336: {  	[sflag:s28] =	ssyncadd.s32 $0xFFFFFF80  }
0x337: {  	_ =	swait.ge [sflag:s28], $0x80  }
0x338: {  	[sflag:s28] =	ssyncset.done $0x0  }
0x339: {  	[sflag:s28] =	ssyncadd.s32 $0xFFFFFF80  }
0x33a: {  	_ =	swait.ge [sflag:s28], $0x80  }
0x33b: {  	[sflag:s28] =	ssyncset.done $0x0  }
0x33c: {  	[sflag:s28] =	ssyncadd.s32 $0xFFFFFF80  }
0x33d: {  	_ =	swait.ge [sflag:s28], $0x80  }
0x33e: {  	[sflag:s28] =	ssyncset.done $0x0  }
0x33f: {  	s4 =	rddreg [dreg:$0x17];
	[sflag:s28] =	ssyncadd.s32 $0xFFFFFF80  }
0x340: {  	[hbm4b:s4+s0] =	stream.linear.scatter [tilespmem:s3], [sflag:$0x5], $0x400, $0x38;
	[tilespmem:$0x11080] =	vst v63  }
0x341: {  	_ =	swait.ge [sflag:s29], $0x200  }
0x342: {  	[sflag:s29] =	ssyncset.done $0x0  }
0x343: {  	[sflag:s29] =	ssyncadd.s32 $0xFFFFFE00  }
0x344: {  	_ =	swait.ge [sflag:s29], $0x200  }
0x345: {  	[sflag:s29] =	ssyncset.done $0x0  }
0x346: {  	[sflag:s29] =	ssyncadd.s32 $0xFFFFFE00  }
0x347: {  	_ =	swait.ge [sflag:s29], $0x200  }
0x348: {  	[sflag:s29] =	ssyncset.done $0x0  }
0x349: {  	[sflag:s29] =	ssyncadd.s32 $0xFFFFFE00  }
0x34a: {  	_ =	swait.ge [sflag:s29], $0x200  }
0x34b: {  	[sflag:s29] =	ssyncset.done $0x0  }
0x34c: {  	[sflag:s29] =	ssyncadd.s32 $0xFFFFFE00  }
0x34d: {  	_ =	swait.ge [sflag:s29], $0x200  }
0x34e: {  	[sflag:s29] =	ssyncset.done $0x0  }
0x34f: {  	[sflag:s29] =	ssyncadd.s32 $0xFFFFFE00  }
0x350: {  	_ =	swait.ge [sflag:s29], $0x200  }
0x351: {  	[sflag:s29] =	ssyncset.done $0x0  }
0x352: {  	[sflag:s29] =	ssyncadd.s32 $0xFFFFFE00  }
0x353: {  	_ =	swait.ge [sflag:s29], $0x200  }
0x354: {  	[sflag:s29] =	ssyncset.done $0x0  }
0x355: {  	[sflag:s29] =	ssyncadd.s32 $0xFFFFFE00  }
0x356: {  	_ =	swait.ge [sflag:s29], $0x200  }
0x357: {  	[sflag:s29] =	ssyncset.done $0x0  }
0x358: {  	s4 =	simm.s32 $0x6;
	[sflag:s29] =	ssyncadd.s32 $0xFFFFFE00  }
0x359: {  	_ =	swait.ge [sflag:s4], $0x400  }
0x35a: {  	[sflag:s4] =	ssyncset.done $0x0  }
0x35b: {  	s8 =	simm.s32 $0x480;
	[sflag:s4] =	ssyncadd.s32 $0xFFFFFC00  }
0x35c: {  	[tilespmem:s5], [sflag:$0x4] =	stream.indirect.gather [spmem:s2], $0x1, s8, s10, $0xb8;
	[tilespmem:$0x11080] =	vst v63  }
0x35d: {  	s11 =	simm.s32 $0x500;
	s12 =	simm.s32 $0xD00  }
0x35e: {  	[tilespmem:s12], [sflag:$0x4] =	stream.indirect.gather [spmem:s2], $0x1, s11, s10, $0xb8;
	[tilespmem:$0x11080] =	vst v63  }
0x35f: {  	s13 =	simm.s32 $0x580;
	s14 =	simm.s32 $0xD80  }
0x360: {  	[tilespmem:s14], [sflag:$0x4] =	stream.indirect.gather [spmem:s2], $0x1, s13, s10, $0xb8;
	[tilespmem:$0x11080] =	vst v63  }
0x361: {  	s15 =	simm.s32 $0x600;
	s16 =	simm.s32 $0xE00  }
0x362: {  	[tilespmem:s16], [sflag:$0x4] =	stream.indirect.gather [spmem:s2], $0x1, s15, s10, $0xb8;
	[tilespmem:$0x11080] =	vst v63  }
0x363: {  	s17 =	simm.s32 $0x680;
	s18 =	simm.s32 $0xE80  }
0x364: {  	[tilespmem:s18], [sflag:$0x4] =	stream.indirect.gather [spmem:s2], $0x1, s17, s10, $0xb8;
	[tilespmem:$0x11080] =	vst v63  }
0x365: {  	s19 =	simm.s32 $0x700;
	s21 =	simm.s32 $0xF00  }
0x366: {  	[tilespmem:s21], [sflag:$0x4] =	stream.indirect.gather [spmem:s2], $0x1, s19, s10, $0xb8;
	[tilespmem:$0x11080] =	vst v63  }
0x367: {  	s22 =	simm.s32 $0x780;
	s23 =	simm.s32 $0xF80  }
0x368: {  	[tilespmem:s23], [sflag:$0x4] =	stream.indirect.gather [spmem:s2], $0x1, s22, s10, $0xb8;
	[tilespmem:$0x11080] =	vst v63  }
0x369: {  	s24 =	simm.s32 $0x800;
	s25 =	simm.s32 $0x1000  }
0x36a: {  	[tilespmem:s25], [sflag:$0x4] =	stream.indirect.gather [spmem:s2], $0x1, s24, s10, $0xb8;
	[tilespmem:$0x11080] =	vst v63  }
0x36b: {  	_ =	swait.ge [sflag:s20], $0x80  }
0x36c: {  	[sflag:s20] =	ssyncset.done $0x0  }
0x36d: {  	[sflag:s20] =	ssyncadd.s32 $0xFFFFFF80  }
0x36e: {  	_ =	swait.ge [sflag:s20], $0x80  }
0x36f: {  	[sflag:s20] =	ssyncset.done $0x0  }
0x370: {  	[sflag:s20] =	ssyncadd.s32 $0xFFFFFF80  }
0x371: {  	_ =	swait.ge [sflag:s20], $0x80  }
0x372: {  	[sflag:s20] =	ssyncset.done $0x0  }
0x373: {  	[sflag:s20] =	ssyncadd.s32 $0xFFFFFF80  }
0x374: {  	_ =	swait.ge [sflag:s20], $0x80  }
0x375: {  	[sflag:s20] =	ssyncset.done $0x0  }
0x376: {  	[sflag:s20] =	ssyncadd.s32 $0xFFFFFF80  }
0x377: {  	_ =	swait.ge [sflag:s20], $0x80  }
0x378: {  	[sflag:s20] =	ssyncset.done $0x0  }
0x379: {  	[sflag:s20] =	ssyncadd.s32 $0xFFFFFF80  }
0x37a: {  	_ =	swait.ge [sflag:s20], $0x80  }
0x37b: {  	[sflag:s20] =	ssyncset.done $0x0  }
0x37c: {  	[sflag:s20] =	ssyncadd.s32 $0xFFFFFF80  }
0x37d: {  	_ =	swait.ge [sflag:s20], $0x80  }
0x37e: {  	[sflag:s20] =	ssyncset.done $0x0  }
0x37f: {  	[sflag:s20] =	ssyncadd.s32 $0xFFFFFF80  }
0x380: {  	_ =	swait.ge [sflag:s20], $0x80  }
0x381: {  	[sflag:s20] =	ssyncset.done $0x0  }
0x382: {  	s26 =	rddreg [dreg:$0x18];
	[sflag:s20] =	ssyncadd.s32 $0xFFFFFF80  }
0x383: {  	[hbm4b:s26+s0] =	stream.linear.scatter [tilespmem:s5], [sflag:$0x6], $0x400, $0x38;
	[tilespmem:$0x11080] =	vst v63  }
0x384: {  	_ =	swait.ge [sflag:s7], $0x400  }
0x385: {  	[sflag:s7] =	ssyncset.done $0x0  }
0x386: {  	[sflag:s7] =	ssyncadd.s32 $0xFFFFFC00  }
0x387: {  	_ =	swait.ge [sflag:s4], $0x400  }
0x388: {  	s30 =	sld [smem:$0x7D3];
	_ =	sdelay $0x2  }
0x389: {  	s31 =	rddreg [dreg:$0x19];
	s1 =	sadd.s32 $0x1, s30  }
0x38a: {  	p0 =	sne.s32 s1, s31  }
.Ltmp1:
0x38b: {  	_ = 	snop;
	(pc) =	sbr.rel @p0 .LBB2_1-.Ltmp1, $3  }
0x38c: {  	_ =	sdelay $0x1  }
0x38d: {  	[sflag:s4] =	ssyncset.done $0x0  }
0x38e: {  	[sflag:s4] =	ssyncadd.s32 $0xFFFFFC00  }
0x38f: {  	_ =	sfence.sel $0x180000  }
0x390: {  	[bflag:$0x0] =	sbarrier.arrive $0xFFFF  }
0x391: {  	_ =	strace $0x90000047  }
0x392: {  	s0 =	stileid.u32;
	[bflag:$0x2] =	sbarrier.arrive $0xFFFF  }
0x393: {  	p0 =	sne.s32 s0, $0x0;
	s0 =	rddreg [dreg:$0x4]  }
0x394: {  	s0 =	sadd.s32 @!p0 $0x100000, s0  }
0x395: {  	[sflag:s0] =	ssyncadd.tile.s32 @!p0 $0x1;
	_ =	shalt  }
.Lfunc_end2:
_tile_overlayer_lowered:
.L_overlay_start_2:
0x396: {  	(tag) =	ssettag $0x2  }
0x397: {  	s0 =	rddreg [dreg:$0x0];
	s2 =	stileid.u32  }
0x398: {  	s1 =	rddreg [dreg:$0x1];
	p0 =	sne.s32 s2, $0x0  }
0x399: {  	s3 =	rddreg [dreg:$0x2];
	[bflag:$0x3] =	sbarrier.arrive $0xFFFF;
	s2 =	simm.s32 @!p0 $0x1C07  }
0x39a: {  	[timem:s3], [sflag:s2] =	dma.local @!p0 [hbm:s0], s1  }
0x39b: {  	s0 =	simm.s32 @!p0 $0x7  }
0x39c: {  	_ =	swait.ge @!p0 [sflag:s0], s1  }
0x39d: {  	s1 =	ssub.s32 @!p0 $0x0, s1;
	[sflag:s0] =	ssyncset.done @!p0 $0x0  }
0x39e: {  	[sflag:s0] =	ssyncadd.s32 @!p0 s1  }
0x39f: {  	[bflag:$0x3] =	sbarrier.arrive $0xFFFF  }
0x3a0: {  	_ =	shalt  }

</sc_bundles>
